<compile_context>
chip_gen: v7x
topology: tpu7x:2x2x1
jax: 0.10.2.dev20260603
libtpu: 0.0.44.dev20260713+nightly
codegen_flags: <defaults>
</compile_context>

<pallas_src>
import jax
import jax.numpy as jnp
from jax import lax
from jax.experimental import pallas as pl
from jax.experimental.pallas import tpu as pltpu
from jax.experimental.pallas import tpu_sc as plsc

N_NODES = 10000
N_EDGES = 320000
D = 128

NC = 2
NS = 16
NW = NC * NS
K = 128
NCHUNK = 80
CH0 = 120
CH1 = 40
NCHUNKS_TOT = NS * (CH0 + CH1)
E_PAD = NCHUNKS_TOT * K
N_PAD = 10240
RPT = N_PAD // NS
TRASH = N_NODES
NBUF = 2

BLK = 1024
GRID = N_PAD // BLK



def _sc_mesh():
    return plsc.VectorSubcoreMesh(core_axis_name="c", subcore_axis_name="s",
                                  num_cores=NC, num_subcores=NS)


def _deg_body(dst_hbm, ones_hbm, zeros_hbm, deg_out, dst_idx, ones_v, acc):
    c = lax.axis_index("c")
    s = lax.axis_index("s")
    wid = s * NC + c
    base = s * RPT
    pltpu.sync_copy(ones_hbm, ones_v)
    pltpu.sync_copy(zeros_hbm, acc.at[pl.ds(base, RPT)])
    pltpu.sync_copy(dst_hbm.at[pl.ds(wid * NCHUNK, NCHUNK)], dst_idx)
    plsc.subcore_barrier()

    @pl.loop(0, NCHUNK)
    def _(j):
        pltpu.sync_copy(ones_v, acc.at[dst_idx.at[j]], add=True)

    plsc.subcore_barrier()
    pltpu.sync_copy(acc.at[pl.ds(base, RPT)], deg_out.at[c, pl.ds(base, RPT)])


def _deg_call(dst_r, ones, zeros128):
    f = pl.kernel(
        _deg_body,
        out_type=jax.ShapeDtypeStruct((NC, N_PAD, D), jnp.float32),
        mesh=_sc_mesh(),
        scratch_types=[
            pltpu.VMEM((NCHUNK, K), jnp.int32),
            pltpu.VMEM((K, D), jnp.float32),
            pltpu.VMEM_SHARED((N_PAD, D), jnp.float32),
        ],
    )
    return f(dst_r, ones, zeros128)


def _msg_body(y_hbm, src_hbm, dst_hbm, zeros_hbm, out_hbm,
              sidx, didx, rows, acc, gsems, isems):
    c = lax.axis_index("c")
    s = lax.axis_index("s")
    base = s * RPT
    pltpu.sync_copy(zeros_hbm, acc.at[pl.ds(base, RPT)])

    start = jnp.where(c == 0, s * CH0, NS * CH0 + s * CH1)
    ngrp = jnp.where(c == 0, CH0 // NBUF, CH1 // NBUF)

    def load_idx(g, p, sync):
        off = start + g * NBUF
        if sync:
            pltpu.sync_copy(src_hbm.at[pl.ds(off, NBUF)], sidx.at[p])
            pltpu.sync_copy(dst_hbm.at[pl.ds(off, NBUF)], didx.at[p])
        else:
            pltpu.async_copy(src_hbm.at[pl.ds(off, NBUF)], sidx.at[p],
                             isems.at[p])
            pltpu.async_copy(dst_hbm.at[pl.ds(off, NBUF)], didx.at[p],
                             isems.at[p])

    def wait_idx(p):
        pltpu.make_async_copy(src_hbm.at[pl.ds(0, NBUF)], sidx.at[p],
                              isems.at[p]).wait()
        pltpu.make_async_copy(dst_hbm.at[pl.ds(0, NBUF)], didx.at[p],
                              isems.at[p]).wait()

    def gather(p, b):
        pltpu.async_copy(y_hbm.at[sidx.at[p, b]], rows.at[b], gsems.at[b])

    def wait_gather(p, b):
        pltpu.make_async_copy(y_hbm.at[sidx.at[p, b]], rows.at[b],
                              gsems.at[b]).wait()

    load_idx(0, 0, True)
    for b in range(NBUF):
        gather(0, b)
    load_idx(1, 1, False)
    plsc.subcore_barrier()

    def group(g, p):
        pnext = 1 - p
        @pl.when(g + 1 < ngrp)
        def _():
            wait_idx(pnext)

        for b in range(NBUF):
            wait_gather(p, b)
            pltpu.sync_copy(rows.at[b], acc.at[didx.at[p, b]], add=True)

            @pl.when(g + 1 < ngrp)
            def _():
                gather(pnext, b)

        @pl.when(g + 2 < ngrp)
        def _():
            load_idx(g + 2, p, False)

    @pl.loop(0, ngrp // 2)
    def _(u):
        for parity in range(2):
            group(u * 2 + parity, parity)

    plsc.subcore_barrier()
    pltpu.sync_copy(acc.at[pl.ds(base, RPT)], out_hbm.at[c, pl.ds(base, RPT)])


def _msg_call(y, src_r, dst_r, zeros128):
    f = pl.kernel(
        _msg_body,
        out_type=jax.ShapeDtypeStruct((NC, N_PAD, D), jnp.float32),
        mesh=_sc_mesh(),
        scratch_types=[
            pltpu.VMEM((2, NBUF, K), jnp.int32),
            pltpu.VMEM((2, NBUF, K), jnp.int32),
            pltpu.VMEM((NBUF, K, D), jnp.float32),
            pltpu.VMEM_SHARED((N_PAD, D), jnp.float32),
            pltpu.SemaphoreType.DMA((NBUF,)),
            pltpu.SemaphoreType.DMA((2,)),
        ],
    )
    return f(y, src_r, dst_r, zeros128)



def _dinv_blk(deg_ref):
    return lax.rsqrt(deg_ref[0, :, 0:1] + deg_ref[1, :, 0:1] + 1.0)


def _prep_body(x_ref, w_ref, deg_ref, y_ref):
    dinv = _dinv_blk(deg_ref)
    xw = jnp.dot(x_ref[...], w_ref[...], preferred_element_type=jnp.float32)
    y_ref[...] = xw * dinv


def _mid_body(deg_ref, acc_ref, y_ref, b_ref, w_ref, o_ref):
    dinv = _dinv_blk(deg_ref)
    a = acc_ref[0] + acc_ref[1] + y_ref[...]
    h = jnp.maximum(a * dinv + b_ref[...], 0.0)
    o_ref[...] = jnp.dot(h, w_ref[...], preferred_element_type=jnp.float32) * dinv


def _final_body(deg_ref, acc_ref, y_ref, b_ref, w_ref, bl_ref, o_ref):
    dinv = _dinv_blk(deg_ref)
    a = acc_ref[0] + acc_ref[1] + y_ref[...]
    h = jnp.maximum(a * dinv + b_ref[...], 0.0)
    o_ref[...] = (jnp.dot(h, w_ref[...], preferred_element_type=jnp.float32)
                  + bl_ref[...])


_ROWS = pl.BlockSpec((BLK, D), lambda i: (i, 0))
_PARTS_D = pl.BlockSpec((NC, BLK, D), lambda i: (0, i, 0))
_WMAT = pl.BlockSpec((D, D), lambda i: (0, 0))
_BROW = pl.BlockSpec((1, D), lambda i: (0, 0))
_OUT = jax.ShapeDtypeStruct((N_PAD, D), jnp.float32)


def _tc_prep(x, W1, deg_parts):
    return pl.pallas_call(
        _prep_body,
        grid=(GRID,),
        in_specs=[_ROWS, _WMAT, _PARTS_D],
        out_specs=_ROWS,
        out_shape=_OUT,
    )(x, W1, deg_parts)


def _tc_mid(deg_parts, acc_parts, y, b, W):
    return pl.pallas_call(
        _mid_body,
        grid=(GRID,),
        in_specs=[_PARTS_D, _PARTS_D, _ROWS, _BROW, _WMAT],
        out_specs=_ROWS,
        out_shape=_OUT,
    )(deg_parts, acc_parts, y, b, W)


def _tc_final(deg_parts, acc_parts, y, b, W, bl):
    return pl.pallas_call(
        _final_body,
        grid=(GRID,),
        in_specs=[_PARTS_D, _PARTS_D, _ROWS, _BROW, _WMAT, _BROW],
        out_specs=_ROWS,
        out_shape=_OUT,
    )(deg_parts, acc_parts, y, b, W, bl)



@jax.jit
def kernel(x, edge_index, W1, b1, W2, b2, Wl, bl):
    x_pad = jnp.zeros((N_PAD, D), jnp.float32).at[:N_NODES].set(x)
    ei = edge_index.astype(jnp.int32)
    pad = jnp.full((E_PAD - N_EDGES,), TRASH, jnp.int32)
    src_r = jnp.concatenate([ei[0], pad]).reshape(NCHUNKS_TOT, K)
    dst_r = jnp.concatenate([ei[1], pad]).reshape(NCHUNKS_TOT, K)

    ones = jnp.ones((K, D), jnp.float32)
    zeros128 = jnp.zeros((RPT, D), jnp.float32)
    b1r = b1.reshape(1, D)
    b2r = b2.reshape(1, D)
    blr = bl.reshape(1, D)

    deg_parts = _deg_call(dst_r, ones, zeros128)
    y1 = _tc_prep(x_pad, W1, deg_parts)
    acc1 = _msg_call(y1, src_r, dst_r, zeros128)
    y2 = _tc_mid(deg_parts, acc1, y1, b1r, W2)
    acc2 = _msg_call(y2, src_r, dst_r, zeros128)
    out = _tc_final(deg_parts, acc2, y2, b2r, Wl, blr)
    return out[:N_NODES]

# --- scband reference (transcript-rebuilt; emitter-appended) ---
"""Pipeline reference for scband-gnn-13855564497403 (READ-ONLY COPY).

The authoritative reference and input builder live on the scoring server;
editing this copy changes nothing except your own understanding.
"""

import jax, jax.numpy as jnp
import numpy as np

N_NODES = 10000
N_EDGES = 320000
D_IN = 128
D_HID = 128
D_OUT = 128


def gcn_conv(x, edge_index, W, b, num_nodes):
    # GCNConv: x' = D^{-1/2} (A + I) D^{-1/2} (X W) + b
    src = edge_index[0]
    dst = edge_index[1]
    loop = jnp.arange(num_nodes, dtype=edge_index.dtype)
    src = jnp.concatenate([src, loop])
    dst = jnp.concatenate([dst, loop])
    deg = jnp.zeros((num_nodes,), dtype=x.dtype).at[dst].add(1.0)
    dinv = jnp.where(deg > 0, deg ** -0.5, 0.0)
    norm = dinv[src] * dinv[dst]
    xw = x @ W
    msg = jnp.take(xw, src, axis=0) * norm[:, None]
    out = jnp.zeros((num_nodes, W.shape[1]), dtype=x.dtype).at[dst].add(msg)
    return out + b


def setup_inputs(seed: int = 0) -> dict:
    key = jax.random.key(seed)
    ks = jax.random.split(key, 8)
    x = jax.random.normal(ks[0], (N_NODES, D_IN), dtype=jnp.float32)
    edge_index = jax.random.randint(ks[1], (2, N_EDGES), 0, N_NODES, dtype=jnp.int64 if jax.config.read('jax_enable_x64') else jnp.int32)
    s = 1.0 / np.sqrt(D_IN)
    W1 = jax.random.uniform(ks[2], (D_IN, D_HID), minval=-s, maxval=s, dtype=jnp.float32)
    b1 = jnp.zeros((D_HID,), dtype=jnp.float32)
    W2 = jax.random.uniform(ks[3], (D_HID, D_HID), minval=-s, maxval=s, dtype=jnp.float32)
    b2 = jnp.zeros((D_HID,), dtype=jnp.float32)
    Wl = jax.random.uniform(ks[4], (D_HID, D_OUT), minval=-s, maxval=s, dtype=jnp.float32)
    bl = jax.random.uniform(ks[5], (D_OUT,), minval=-s, maxval=s, dtype=jnp.float32)
    return {"x": x, "edge_index": edge_index, "W1": W1, "b1": b1, "W2": W2, "b2": b2, "Wl": Wl, "bl": bl}


def reference(x, edge_index, W1, b1, W2, b2, Wl, bl):
    # conv1
    h = gcn_conv(x, edge_index, W1, b1, N_NODES)
    # convs[0]: GCNConv(hidden, hidden), preceded by relu + dropout(eval -> identity)
    h = jax.nn.relu(h)
    h = gcn_conv(h, edge_index, W2, b2, N_NODES)
    # convs[1]: final Linear(hidden, output)
    h = jax.nn.relu(h)
    h = h @ Wl + bl
    return h

if __name__ == "__main__":
    import jax
    _d = setup_inputs()
    print(jax.jit(kernel)(*tuple(_d.values())))

</pallas_src>

<mosaic_0001>
#map = affine_map<(d0, d1) -> (0, 0)>
#map1 = affine_map<(d0, d1) -> (0, 0, 0)>
module attributes {stable_mosaic.version = 14 : i64} {
  func.func @_msg_body(%arg0: i32, %arg1: i32, %arg2: memref<10240x128xf32, #tpu.memory_space<hbm>>, %arg3: memref<2560x128xi32, #tpu.memory_space<hbm>>, %arg4: memref<2560x128xi32, #tpu.memory_space<hbm>>, %arg5: memref<640x128xf32, #tpu.memory_space<hbm>>, %arg6: memref<2x10240x128xf32, #tpu.memory_space<hbm>>, %arg7: memref<2x2x128xi32, #tpu.memory_space<vmem>>, %arg8: memref<2x2x128xi32, #tpu.memory_space<vmem>>, %arg9: memref<2x128x128xf32, #tpu.memory_space<vmem>>, %arg10: memref<10240x128xf32, #tpu.memory_space<vmem_shared>>, %arg11: memref<2x!tpu.dma_semaphore, #tpu.memory_space<semaphore_mem>>, %arg12: memref<2x!tpu.dma_semaphore, #tpu.memory_space<semaphore_mem>>) attributes {dimension_semantics = [#tpu.dimension_semantics<core_parallel>, #tpu.dimension_semantics<subcore_parallel>], iteration_bounds = array<i64: 2, 16>, scalar_prefetch = 0 : i64, scratch_operands = 6 : i64, tpu.core_type = #tpu.core_type<sc_vector_subcore>, window_params = [{transform_indices = #map}, {transform_indices = #map}, {transform_indices = #map}, {transform_indices = #map}, {transform_indices = #map1}]} {
    %mul3A = arith.constant 640 : i32
    %mul3A_0 = arith.muli %arg1, %mul3A : i32
    "tpu.region"() ({
      %run_scoped3A_116 = tpu.sem_alloc : memref<!tpu.dma_semaphore, #tpu.memory_space<semaphore_mem>>
      %dma_start3A_117 = arith.constant 0 : i32
      %dma_start3A_118 = tpu.memref_slice %arg10[%mul3A_0, %dma_start3A_117] : memref<10240x128xf32, #tpu.memory_space<vmem_shared>> -> memref<640x128xf32, #tpu.memory_space<vmem_shared>>
      tpu.enqueue_dma source(%arg5 : memref<640x128xf32, #tpu.memory_space<hbm>>) target(%dma_start3A_118 : memref<640x128xf32, #tpu.memory_space<vmem_shared>>) target_semaphore(%run_scoped3A_116 : memref<!tpu.dma_semaphore, #tpu.memory_space<semaphore_mem>>)
      %dma_wait3A = arith.constant 0 : i32
      %dma_wait3A_119 = tpu.memref_slice %arg10[%mul3A_0, %dma_wait3A] : memref<10240x128xf32, #tpu.memory_space<vmem_shared>> -> memref<640x128xf32, #tpu.memory_space<vmem_shared>>
      tpu.wait_dma2 semaphore(%run_scoped3A_116 : memref<!tpu.dma_semaphore, #tpu.memory_space<semaphore_mem>>) src(%arg5 : memref<640x128xf32, #tpu.memory_space<hbm>>) dst(%dma_wait3A_119 : memref<640x128xf32, #tpu.memory_space<vmem_shared>>)
      tpu.yield
    }) : () -> ()
    %eq3A = arith.constant 0 : i32
    %eq3A_1 = arith.cmpi eq, %arg0, %eq3A : i32
    %mul3A_2 = arith.constant 120 : i32
    %mul3A_3 = arith.muli %arg1, %mul3A_2 : i32
    %mul3A_4 = arith.constant 40 : i32
    %mul3A_5 = arith.muli %arg1, %mul3A_4 : i32
    %add3A = arith.constant 1920 : i32
    %add3A_6 = arith.addi %add3A, %mul3A_5 : i32
    %select_n3A = arith.select %eq3A_1, %mul3A_3, %add3A_6 : i32
    %eq3A_7 = arith.constant 0 : i32
    %eq3A_8 = arith.cmpi eq, %arg0, %eq3A_7 : i32
    %jit3A = arith.constant 60 : i32
    %jit3A_9 = arith.constant 20 : i32
    %select_n3A_10 = arith.select %eq3A_8, %jit3A, %jit3A_9 : i32
    %add3A_11 = arith.constant 0 : i32
    %add3A_12 = arith.addi %select_n3A, %add3A_11 : i32
    %run_scoped3A = arith.constant 0 : i32
    "tpu.region"() ({
      %run_scoped3A_116 = tpu.sem_alloc : memref<!tpu.dma_semaphore, #tpu.memory_space<semaphore_mem>>
      %dma_start3A_117 = arith.constant 0 : i32
      %dma_start3A_118 = arith.constant 0 : i32
      %dma_start3A_119 = tpu.memref_slice %arg7[%run_scoped3A, %dma_start3A_117, %dma_start3A_118] : memref<2x2x128xi32, #tpu.memory_space<vmem>> -> memref<1x2x128xi32, #tpu.memory_space<vmem>>
      %dma_start3A_120 = tpu.memref_squeeze %dma_start3A_119 : memref<1x2x128xi32, #tpu.memory_space<vmem>> -> memref<2x128xi32, #tpu.memory_space<vmem>>
      %dma_start3A_121 = arith.constant 0 : i32
      %dma_start3A_122 = tpu.memref_slice %arg3[%add3A_12, %dma_start3A_121] : memref<2560x128xi32, #tpu.memory_space<hbm>> -> memref<2x128xi32, #tpu.memory_space<hbm>>
      %dma_start3A_123 = arith.constant 0 : i32
      %dma_start3A_124 = arith.constant 0 : i32
      %dma_start3A_125 = tpu.memref_slice %arg7[%run_scoped3A, %dma_start3A_123, %dma_start3A_124] : memref<2x2x128xi32, #tpu.memory_space<vmem>> -> memref<1x2x128xi32, #tpu.memory_space<vmem>>
      %dma_start3A_126 = tpu.memref_squeeze %dma_start3A_125 : memref<1x2x128xi32, #tpu.memory_space<vmem>> -> memref<2x128xi32, #tpu.memory_space<vmem>>
      %dma_start3A_127 = arith.constant 0 : i32
      %dma_start3A_128 = tpu.memref_slice %arg3[%add3A_12, %dma_start3A_127] : memref<2560x128xi32, #tpu.memory_space<hbm>> -> memref<2x128xi32, #tpu.memory_space<hbm>>
      tpu.enqueue_dma source(%dma_start3A_128 : memref<2x128xi32, #tpu.memory_space<hbm>>) target(%dma_start3A_126 : memref<2x128xi32, #tpu.memory_space<vmem>>) target_semaphore(%run_scoped3A_116 : memref<!tpu.dma_semaphore, #tpu.memory_space<semaphore_mem>>)
      %dma_wait3A = arith.constant 0 : i32
      %dma_wait3A_129 = arith.constant 0 : i32
      %dma_wait3A_130 = tpu.memref_slice %arg7[%run_scoped3A, %dma_wait3A, %dma_wait3A_129] : memref<2x2x128xi32, #tpu.memory_space<vmem>> -> memref<1x2x128xi32, #tpu.memory_space<vmem>>
      %dma_wait3A_131 = tpu.memref_squeeze %dma_wait3A_130 : memref<1x2x128xi32, #tpu.memory_space<vmem>> -> memref<2x128xi32, #tpu.memory_space<vmem>>
      %dma_wait3A_132 = arith.constant 0 : i32
      %dma_wait3A_133 = tpu.memref_slice %arg3[%add3A_12, %dma_wait3A_132] : memref<2560x128xi32, #tpu.memory_space<hbm>> -> memref<2x128xi32, #tpu.memory_space<hbm>>
      %dma_wait3A_134 = arith.constant 0 : i32
      %dma_wait3A_135 = arith.constant 0 : i32
      %dma_wait3A_136 = tpu.memref_slice %arg7[%run_scoped3A, %dma_wait3A_134, %dma_wait3A_135] : memref<2x2x128xi32, #tpu.memory_space<vmem>> -> memref<1x2x128xi32, #tpu.memory_space<vmem>>
      %dma_wait3A_137 = tpu.memref_squeeze %dma_wait3A_136 : memref<1x2x128xi32, #tpu.memory_space<vmem>> -> memref<2x128xi32, #tpu.memory_space<vmem>>
      %dma_wait3A_138 = arith.constant 0 : i32
      %dma_wait3A_139 = tpu.memref_slice %arg3[%add3A_12, %dma_wait3A_138] : memref<2560x128xi32, #tpu.memory_space<hbm>> -> memref<2x128xi32, #tpu.memory_space<hbm>>
      tpu.wait_dma2 semaphore(%run_scoped3A_116 : memref<!tpu.dma_semaphore, #tpu.memory_space<semaphore_mem>>) src(%dma_wait3A_139 : memref<2x128xi32, #tpu.memory_space<hbm>>) dst(%dma_wait3A_137 : memref<2x128xi32, #tpu.memory_space<vmem>>)
      tpu.yield
    }) : () -> ()
    %run_scoped3A_13 = arith.constant 0 : i32
    "tpu.region"() ({
      %run_scoped3A_116 = tpu.sem_alloc : memref<!tpu.dma_semaphore, #tpu.memory_space<semaphore_mem>>
      %dma_start3A_117 = arith.constant 0 : i32
      %dma_start3A_118 = arith.constant 0 : i32
      %dma_start3A_119 = tpu.memref_slice %arg8[%run_scoped3A_13, %dma_start3A_117, %dma_start3A_118] : memref<2x2x128xi32, #tpu.memory_space<vmem>> -> memref<1x2x128xi32, #tpu.memory_space<vmem>>
      %dma_start3A_120 = tpu.memref_squeeze %dma_start3A_119 : memref<1x2x128xi32, #tpu.memory_space<vmem>> -> memref<2x128xi32, #tpu.memory_space<vmem>>
      %dma_start3A_121 = arith.constant 0 : i32
      %dma_start3A_122 = tpu.memref_slice %arg4[%add3A_12, %dma_start3A_121] : memref<2560x128xi32, #tpu.memory_space<hbm>> -> memref<2x128xi32, #tpu.memory_space<hbm>>
      %dma_start3A_123 = arith.constant 0 : i32
      %dma_start3A_124 = arith.constant 0 : i32
      %dma_start3A_125 = tpu.memref_slice %arg8[%run_scoped3A_13, %dma_start3A_123, %dma_start3A_124] : memref<2x2x128xi32, #tpu.memory_space<vmem>> -> memref<1x2x128xi32, #tpu.memory_space<vmem>>
      %dma_start3A_126 = tpu.memref_squeeze %dma_start3A_125 : memref<1x2x128xi32, #tpu.memory_space<vmem>> -> memref<2x128xi32, #tpu.memory_space<vmem>>
      %dma_start3A_127 = arith.constant 0 : i32
      %dma_start3A_128 = tpu.memref_slice %arg4[%add3A_12, %dma_start3A_127] : memref<2560x128xi32, #tpu.memory_space<hbm>> -> memref<2x128xi32, #tpu.memory_space<hbm>>
      tpu.enqueue_dma source(%dma_start3A_128 : memref<2x128xi32, #tpu.memory_space<hbm>>) target(%dma_start3A_126 : memref<2x128xi32, #tpu.memory_space<vmem>>) target_semaphore(%run_scoped3A_116 : memref<!tpu.dma_semaphore, #tpu.memory_space<semaphore_mem>>)
      %dma_wait3A = arith.constant 0 : i32
      %dma_wait3A_129 = arith.constant 0 : i32
      %dma_wait3A_130 = tpu.memref_slice %arg8[%run_scoped3A_13, %dma_wait3A, %dma_wait3A_129] : memref<2x2x128xi32, #tpu.memory_space<vmem>> -> memref<1x2x128xi32, #tpu.memory_space<vmem>>
      %dma_wait3A_131 = tpu.memref_squeeze %dma_wait3A_130 : memref<1x2x128xi32, #tpu.memory_space<vmem>> -> memref<2x128xi32, #tpu.memory_space<vmem>>
      %dma_wait3A_132 = arith.constant 0 : i32
      %dma_wait3A_133 = tpu.memref_slice %arg4[%add3A_12, %dma_wait3A_132] : memref<2560x128xi32, #tpu.memory_space<hbm>> -> memref<2x128xi32, #tpu.memory_space<hbm>>
      %dma_wait3A_134 = arith.constant 0 : i32
      %dma_wait3A_135 = arith.constant 0 : i32
      %dma_wait3A_136 = tpu.memref_slice %arg8[%run_scoped3A_13, %dma_wait3A_134, %dma_wait3A_135] : memref<2x2x128xi32, #tpu.memory_space<vmem>> -> memref<1x2x128xi32, #tpu.memory_space<vmem>>
      %dma_wait3A_137 = tpu.memref_squeeze %dma_wait3A_136 : memref<1x2x128xi32, #tpu.memory_space<vmem>> -> memref<2x128xi32, #tpu.memory_space<vmem>>
      %dma_wait3A_138 = arith.constant 0 : i32
      %dma_wait3A_139 = tpu.memref_slice %arg4[%add3A_12, %dma_wait3A_138] : memref<2560x128xi32, #tpu.memory_space<hbm>> -> memref<2x128xi32, #tpu.memory_space<hbm>>
      tpu.wait_dma2 semaphore(%run_scoped3A_116 : memref<!tpu.dma_semaphore, #tpu.memory_space<semaphore_mem>>) src(%dma_wait3A_139 : memref<2x128xi32, #tpu.memory_space<hbm>>) dst(%dma_wait3A_137 : memref<2x128xi32, #tpu.memory_space<vmem>>)
      tpu.yield
    }) : () -> ()
    %dma_start3A = arith.constant 0 : i32
    %dma_start3A_14 = arith.constant 0 : i32
    %dma_start3A_15 = arith.constant 0 : i32
    %dma_start3A_16 = arith.constant 0 : i32
    %dma_start3A_17 = arith.constant 0 : i32
    %dma_start3A_18 = arith.constant 0 : i32
    %dma_start3A_19 = tpu.memref_slice %arg9[%dma_start3A_15, %dma_start3A_17, %dma_start3A_18] : memref<2x128x128xf32, #tpu.memory_space<vmem>> -> memref<1x128x128xf32, #tpu.memory_space<vmem>>
    %dma_start3A_20 = tpu.memref_squeeze %dma_start3A_19 : memref<1x128x128xf32, #tpu.memory_space<vmem>> -> memref<128x128xf32, #tpu.memory_space<vmem>>
    %dma_start3A_21 = arith.constant 0 : i32
    %dma_start3A_22 = tpu.memref_slice %arg7[%dma_start3A, %dma_start3A_14, %dma_start3A_21] : memref<2x2x128xi32, #tpu.memory_space<vmem>> -> memref<1x1x128xi32, #tpu.memory_space<vmem>>
    %dma_start3A_23 = tpu.memref_squeeze %dma_start3A_22 : memref<1x1x128xi32, #tpu.memory_space<vmem>> -> memref<128xi32, #tpu.memory_space<vmem>>
    %dma_start3A_24 = arith.constant 0 : i32
    %dma_start3A_25 = arith.constant 0 : i32
    %dma_start3A_26 = tpu.memref_slice %arg2[%dma_start3A_24, %dma_start3A_25] : memref<10240x128xf32, #tpu.memory_space<hbm>> -> memref<10240x128xf32, #tpu.memory_space<hbm>>
    %dma_start3A_27 = tpu.memref_slice %arg11[%dma_start3A_16] : memref<2x!tpu.dma_semaphore, #tpu.memory_space<semaphore_mem>> -> memref<1x!tpu.dma_semaphore, #tpu.memory_space<semaphore_mem>>
    %dma_start3A_28 = tpu.memref_squeeze %dma_start3A_27 : memref<1x!tpu.dma_semaphore, #tpu.memory_space<semaphore_mem>> -> memref<!tpu.dma_semaphore, #tpu.memory_space<semaphore_mem>>
    tpu.enqueue_indirect_dma source(%dma_start3A_26 : memref<10240x128xf32, #tpu.memory_space<hbm>>) target(%dma_start3A_20 : memref<128x128xf32, #tpu.memory_space<vmem>>) offsets(%dma_start3A_23 : memref<128xi32, #tpu.memory_space<vmem>>) semaphore(%dma_start3A_28 : memref<!tpu.dma_semaphore, #tpu.memory_space<semaphore_mem>>)
    %dma_start3A_29 = arith.constant 0 : i32
    %dma_start3A_30 = arith.constant 1 : i32
    %dma_start3A_31 = arith.constant 1 : i32
    %dma_start3A_32 = arith.constant 1 : i32
    %dma_start3A_33 = arith.constant 0 : i32
    %dma_start3A_34 = arith.constant 0 : i32
    %dma_start3A_35 = tpu.memref_slice %arg9[%dma_start3A_31, %dma_start3A_33, %dma_start3A_34] : memref<2x128x128xf32, #tpu.memory_space<vmem>> -> memref<1x128x128xf32, #tpu.memory_space<vmem>>
    %dma_start3A_36 = tpu.memref_squeeze %dma_start3A_35 : memref<1x128x128xf32, #tpu.memory_space<vmem>> -> memref<128x128xf32, #tpu.memory_space<vmem>>
    %dma_start3A_37 = arith.constant 0 : i32
    %dma_start3A_38 = tpu.memref_slice %arg7[%dma_start3A_29, %dma_start3A_30, %dma_start3A_37] : memref<2x2x128xi32, #tpu.memory_space<vmem>> -> memref<1x1x128xi32, #tpu.memory_space<vmem>>
    %dma_start3A_39 = tpu.memref_squeeze %dma_start3A_38 : memref<1x1x128xi32, #tpu.memory_space<vmem>> -> memref<128xi32, #tpu.memory_space<vmem>>
    %dma_start3A_40 = arith.constant 0 : i32
    %dma_start3A_41 = arith.constant 0 : i32
    %dma_start3A_42 = tpu.memref_slice %arg2[%dma_start3A_40, %dma_start3A_41] : memref<10240x128xf32, #tpu.memory_space<hbm>> -> memref<10240x128xf32, #tpu.memory_space<hbm>>
    %dma_start3A_43 = tpu.memref_slice %arg11[%dma_start3A_32] : memref<2x!tpu.dma_semaphore, #tpu.memory_space<semaphore_mem>> -> memref<1x!tpu.dma_semaphore, #tpu.memory_space<semaphore_mem>>
    %dma_start3A_44 = tpu.memref_squeeze %dma_start3A_43 : memref<1x!tpu.dma_semaphore, #tpu.memory_space<semaphore_mem>> -> memref<!tpu.dma_semaphore, #tpu.memory_space<semaphore_mem>>
    tpu.enqueue_indirect_dma source(%dma_start3A_42 : memref<10240x128xf32, #tpu.memory_space<hbm>>) target(%dma_start3A_36 : memref<128x128xf32, #tpu.memory_space<vmem>>) offsets(%dma_start3A_39 : memref<128xi32, #tpu.memory_space<vmem>>) semaphore(%dma_start3A_44 : memref<!tpu.dma_semaphore, #tpu.memory_space<semaphore_mem>>)
    %add3A_45 = arith.constant 2 : i32
    %add3A_46 = arith.addi %select_n3A, %add3A_45 : i32
    %dma_start3A_47 = arith.constant 1 : i32
    %dma_start3A_48 = arith.constant 1 : i32
    %dma_start3A_49 = arith.constant 0 : i32
    %dma_start3A_50 = arith.constant 0 : i32
    %dma_start3A_51 = tpu.memref_slice %arg7[%dma_start3A_47, %dma_start3A_49, %dma_start3A_50] : memref<2x2x128xi32, #tpu.memory_space<vmem>> -> memref<1x2x128xi32, #tpu.memory_space<vmem>>
    %dma_start3A_52 = tpu.memref_squeeze %dma_start3A_51 : memref<1x2x128xi32, #tpu.memory_space<vmem>> -> memref<2x128xi32, #tpu.memory_space<vmem>>
    %dma_start3A_53 = arith.constant 0 : i32
    %dma_start3A_54 = tpu.memref_slice %arg3[%add3A_46, %dma_start3A_53] : memref<2560x128xi32, #tpu.memory_space<hbm>> -> memref<2x128xi32, #tpu.memory_space<hbm>>
    %dma_start3A_55 = tpu.memref_slice %arg12[%dma_start3A_48] : memref<2x!tpu.dma_semaphore, #tpu.memory_space<semaphore_mem>> -> memref<1x!tpu.dma_semaphore, #tpu.memory_space<semaphore_mem>>
    %dma_start3A_56 = tpu.memref_squeeze %dma_start3A_55 : memref<1x!tpu.dma_semaphore, #tpu.memory_space<semaphore_mem>> -> memref<!tpu.dma_semaphore, #tpu.memory_space<semaphore_mem>>
    %dma_start3A_57 = arith.constant 0 : i32
    %dma_start3A_58 = arith.constant 0 : i32
    %dma_start3A_59 = tpu.memref_slice %arg7[%dma_start3A_47, %dma_start3A_57, %dma_start3A_58] : memref<2x2x128xi32, #tpu.memory_space<vmem>> -> memref<1x2x128xi32, #tpu.memory_space<vmem>>
    %dma_start3A_60 = tpu.memref_squeeze %dma_start3A_59 : memref<1x2x128xi32, #tpu.memory_space<vmem>> -> memref<2x128xi32, #tpu.memory_space<vmem>>
    %dma_start3A_61 = arith.constant 0 : i32
    %dma_start3A_62 = tpu.memref_slice %arg3[%add3A_46, %dma_start3A_61] : memref<2560x128xi32, #tpu.memory_space<hbm>> -> memref<2x128xi32, #tpu.memory_space<hbm>>
    tpu.enqueue_dma source(%dma_start3A_62 : memref<2x128xi32, #tpu.memory_space<hbm>>) target(%dma_start3A_60 : memref<2x128xi32, #tpu.memory_space<vmem>>) target_semaphore(%dma_start3A_56 : memref<!tpu.dma_semaphore, #tpu.memory_space<semaphore_mem>>)
    %dma_start3A_63 = arith.constant 1 : i32
    %dma_start3A_64 = arith.constant 1 : i32
    %dma_start3A_65 = arith.constant 0 : i32
    %dma_start3A_66 = arith.constant 0 : i32
    %dma_start3A_67 = tpu.memref_slice %arg8[%dma_start3A_63, %dma_start3A_65, %dma_start3A_66] : memref<2x2x128xi32, #tpu.memory_space<vmem>> -> memref<1x2x128xi32, #tpu.memory_space<vmem>>
    %dma_start3A_68 = tpu.memref_squeeze %dma_start3A_67 : memref<1x2x128xi32, #tpu.memory_space<vmem>> -> memref<2x128xi32, #tpu.memory_space<vmem>>
    %dma_start3A_69 = arith.constant 0 : i32
    %dma_start3A_70 = tpu.memref_slice %arg4[%add3A_46, %dma_start3A_69] : memref<2560x128xi32, #tpu.memory_space<hbm>> -> memref<2x128xi32, #tpu.memory_space<hbm>>
    %dma_start3A_71 = tpu.memref_slice %arg12[%dma_start3A_64] : memref<2x!tpu.dma_semaphore, #tpu.memory_space<semaphore_mem>> -> memref<1x!tpu.dma_semaphore, #tpu.memory_space<semaphore_mem>>
    %dma_start3A_72 = tpu.memref_squeeze %dma_start3A_71 : memref<1x!tpu.dma_semaphore, #tpu.memory_space<semaphore_mem>> -> memref<!tpu.dma_semaphore, #tpu.memory_space<semaphore_mem>>
    %dma_start3A_73 = arith.constant 0 : i32
    %dma_start3A_74 = arith.constant 0 : i32
    %dma_start3A_75 = tpu.memref_slice %arg8[%dma_start3A_63, %dma_start3A_73, %dma_start3A_74] : memref<2x2x128xi32, #tpu.memory_space<vmem>> -> memref<1x2x128xi32, #tpu.memory_space<vmem>>
    %dma_start3A_76 = tpu.memref_squeeze %dma_start3A_75 : memref<1x2x128xi32, #tpu.memory_space<vmem>> -> memref<2x128xi32, #tpu.memory_space<vmem>>
    %dma_start3A_77 = arith.constant 0 : i32
    %dma_start3A_78 = tpu.memref_slice %arg4[%add3A_46, %dma_start3A_77] : memref<2560x128xi32, #tpu.memory_space<hbm>> -> memref<2x128xi32, #tpu.memory_space<hbm>>
    tpu.enqueue_dma source(%dma_start3A_78 : memref<2x128xi32, #tpu.memory_space<hbm>>) target(%dma_start3A_76 : memref<2x128xi32, #tpu.memory_space<vmem>>) target_semaphore(%dma_start3A_72 : memref<!tpu.dma_semaphore, #tpu.memory_space<semaphore_mem>>)
    %barrier3A = arith.constant 0 : index
    tpu.barrier barrier_id(%barrier3A)
    %jit3A_79 = arith.constant 2 : i32
    %div3A = arith.divsi %select_n3A_10, %jit3A_79 : i32
    %sign3A = arith.constant 0 : i32
    %sign3A_80 = arith.cmpi sgt, %select_n3A_10, %sign3A : i32
    %sign3A_81 = arith.extui %sign3A_80 : i1 to i32
    %sign3A_82 = arith.constant 0 : i32
    %sign3A_83 = arith.cmpi slt, %select_n3A_10, %sign3A_82 : i32
    %sign3A_84 = arith.extui %sign3A_83 : i1 to i32
    %sign3A_85 = arith.subi %sign3A_81, %sign3A_84 : i32
    %sign3A_86 = arith.constant 0 : i32
    %sign3A_87 = arith.cmpi sgt, %jit3A_79, %sign3A_86 : i32
    %sign3A_88 = arith.extui %sign3A_87 : i1 to i32
    %sign3A_89 = arith.constant 0 : i32
    %sign3A_90 = arith.cmpi slt, %jit3A_79, %sign3A_89 : i32
    %sign3A_91 = arith.extui %sign3A_90 : i1 to i32
    %sign3A_92 = arith.subi %sign3A_88, %sign3A_91 : i32
    %ne3A = arith.cmpi ne, %sign3A_85, %sign3A_92 : i32
    %rem3A = arith.remsi %select_n3A_10, %jit3A_79 : i32
    %ne3A_93 = arith.constant 0 : i32
    %ne3A_94 = arith.cmpi ne, %rem3A, %ne3A_93 : i32
    %and3A = arith.andi %ne3A, %ne3A_94 : i1
    %sub3A = arith.constant 1 : i32
    %sub3A_95 = arith.subi %div3A, %sub3A : i32
    %select_n3A_96 = arith.select %and3A, %sub3A_95, %div3A : i32
    %sub3A_97 = arith.constant 0 : i32
    %sub3A_98 = arith.subi %select_n3A_96, %sub3A_97 : i32
    %sub3A_99 = arith.constant 1 : i32
    %sub3A_100 = arith.constant 1 : i32
    %sub3A_101 = arith.subi %sub3A_99, %sub3A_100 : i32
    %add3A_102 = arith.addi %sub3A_98, %sub3A_101 : i32
    %div3A_103 = arith.constant 1 : i32
    %div3A_104 = arith.divsi %add3A_102, %div3A_103 : i32
    %while3A = arith.constant 1 : i32
    %while3A_105 = arith.constant 0 : i32
    %while3A_106 = arith.constant 0 : i32
    %while3A_107 = arith.subi %div3A_104, %while3A_106 : i32
    %while3A_108 = arith.addi %while3A_106, %while3A_107 : i32
    %while3A_109 = arith.constant 1 : i32
    %while3A_110 = arith.divsi %while3A_107, %while3A_109 : i32
    %while3A_111 = arith.muli %while3A_110, %while3A_109 : i32
    %while3A_112 = arith.addi %while3A_106, %while3A_111 : i32
    %while3A_113 = arith.constant 1 : i32
    scf.for %while3A_116 = %while3A_106 to %while3A_112 step %while3A_113  : i32 {
      %mul3A_117 = arith.muli %while3A_116, %while3A : i32
      %add3A_118 = arith.addi %while3A_105, %mul3A_117 : i32
      %mul3A_119 = arith.constant 2 : i32
      %mul3A_120 = arith.muli %add3A_118, %mul3A_119 : i32
      %add3A_121 = arith.constant 0 : i32
      %add3A_122 = arith.addi %mul3A_120, %add3A_121 : i32
      %add3A_123 = arith.constant 1 : i32
      %add3A_124 = arith.addi %add3A_122, %add3A_123 : i32
      %lt3A = arith.cmpi slt, %add3A_124, %select_n3A_10 : i32
      %convert_element_type3A = arith.extui %lt3A : i1 to i32
      %cond3A = arith.constant 0 : i32
      %cond3A_125 = arith.cmpi ne, %convert_element_type3A, %cond3A : i32
      scf.if %cond3A_125 {
        %dma_wait3A_247 = arith.constant 1 : i32
        %dma_wait3A_248 = arith.constant 1 : i32
        %dma_wait3A_249 = arith.constant 0 : i32
        %dma_wait3A_250 = arith.constant 0 : i32
        %dma_wait3A_251 = tpu.memref_slice %arg7[%dma_wait3A_247, %dma_wait3A_249, %dma_wait3A_250] : memref<2x2x128xi32, #tpu.memory_space<vmem>> -> memref<1x2x128xi32, #tpu.memory_space<vmem>>
        %dma_wait3A_252 = tpu.memref_squeeze %dma_wait3A_251 : memref<1x2x128xi32, #tpu.memory_space<vmem>> -> memref<2x128xi32, #tpu.memory_space<vmem>>
        %dma_wait3A_253 = arith.constant 0 : i32
        %dma_wait3A_254 = arith.constant 0 : i32
        %dma_wait3A_255 = tpu.memref_slice %arg3[%dma_wait3A_253, %dma_wait3A_254] : memref<2560x128xi32, #tpu.memory_space<hbm>> -> memref<2x128xi32, #tpu.memory_space<hbm>>
        %dma_wait3A_256 = tpu.memref_slice %arg12[%dma_wait3A_248] : memref<2x!tpu.dma_semaphore, #tpu.memory_space<semaphore_mem>> -> memref<1x!tpu.dma_semaphore, #tpu.memory_space<semaphore_mem>>
        %dma_wait3A_257 = tpu.memref_squeeze %dma_wait3A_256 : memref<1x!tpu.dma_semaphore, #tpu.memory_space<semaphore_mem>> -> memref<!tpu.dma_semaphore, #tpu.memory_space<semaphore_mem>>
        %dma_wait3A_258 = arith.constant 0 : i32
        %dma_wait3A_259 = arith.constant 0 : i32
        %dma_wait3A_260 = tpu.memref_slice %arg7[%dma_wait3A_247, %dma_wait3A_258, %dma_wait3A_259] : memref<2x2x128xi32, #tpu.memory_space<vmem>> -> memref<1x2x128xi32, #tpu.memory_space<vmem>>
        %dma_wait3A_261 = tpu.memref_squeeze %dma_wait3A_260 : memref<1x2x128xi32, #tpu.memory_space<vmem>> -> memref<2x128xi32, #tpu.memory_space<vmem>>
        %dma_wait3A_262 = arith.constant 0 : i32
        %dma_wait3A_263 = arith.constant 0 : i32
        %dma_wait3A_264 = tpu.memref_slice %arg3[%dma_wait3A_262, %dma_wait3A_263] : memref<2560x128xi32, #tpu.memory_space<hbm>> -> memref<2x128xi32, #tpu.memory_space<hbm>>
        tpu.wait_dma2 semaphore(%dma_wait3A_257 : memref<!tpu.dma_semaphore, #tpu.memory_space<semaphore_mem>>) src(%dma_wait3A_264 : memref<2x128xi32, #tpu.memory_space<hbm>>) dst(%dma_wait3A_261 : memref<2x128xi32, #tpu.memory_space<vmem>>)
        %dma_wait3A_265 = arith.constant 1 : i32
        %dma_wait3A_266 = arith.constant 1 : i32
        %dma_wait3A_267 = arith.constant 0 : i32
        %dma_wait3A_268 = arith.constant 0 : i32
        %dma_wait3A_269 = tpu.memref_slice %arg8[%dma_wait3A_265, %dma_wait3A_267, %dma_wait3A_268] : memref<2x2x128xi32, #tpu.memory_space<vmem>> -> memref<1x2x128xi32, #tpu.memory_space<vmem>>
        %dma_wait3A_270 = tpu.memref_squeeze %dma_wait3A_269 : memref<1x2x128xi32, #tpu.memory_space<vmem>> -> memref<2x128xi32, #tpu.memory_space<vmem>>
        %dma_wait3A_271 = arith.constant 0 : i32
        %dma_wait3A_272 = arith.constant 0 : i32
        %dma_wait3A_273 = tpu.memref_slice %arg4[%dma_wait3A_271, %dma_wait3A_272] : memref<2560x128xi32, #tpu.memory_space<hbm>> -> memref<2x128xi32, #tpu.memory_space<hbm>>
        %dma_wait3A_274 = tpu.memref_slice %arg12[%dma_wait3A_266] : memref<2x!tpu.dma_semaphore, #tpu.memory_space<semaphore_mem>> -> memref<1x!tpu.dma_semaphore, #tpu.memory_space<semaphore_mem>>
        %dma_wait3A_275 = tpu.memref_squeeze %dma_wait3A_274 : memref<1x!tpu.dma_semaphore, #tpu.memory_space<semaphore_mem>> -> memref<!tpu.dma_semaphore, #tpu.memory_space<semaphore_mem>>
        %dma_wait3A_276 = arith.constant 0 : i32
        %dma_wait3A_277 = arith.constant 0 : i32
        %dma_wait3A_278 = tpu.memref_slice %arg8[%dma_wait3A_265, %dma_wait3A_276, %dma_wait3A_277] : memref<2x2x128xi32, #tpu.memory_space<vmem>> -> memref<1x2x128xi32, #tpu.memory_space<vmem>>
        %dma_wait3A_279 = tpu.memref_squeeze %dma_wait3A_278 : memref<1x2x128xi32, #tpu.memory_space<vmem>> -> memref<2x128xi32, #tpu.memory_space<vmem>>
        %dma_wait3A_280 = arith.constant 0 : i32
        %dma_wait3A_281 = arith.constant 0 : i32
        %dma_wait3A_282 = tpu.memref_slice %arg4[%dma_wait3A_280, %dma_wait3A_281] : memref<2560x128xi32, #tpu.memory_space<hbm>> -> memref<2x128xi32, #tpu.memory_space<hbm>>
        tpu.wait_dma2 semaphore(%dma_wait3A_275 : memref<!tpu.dma_semaphore, #tpu.memory_space<semaphore_mem>>) src(%dma_wait3A_282 : memref<2x128xi32, #tpu.memory_space<hbm>>) dst(%dma_wait3A_279 : memref<2x128xi32, #tpu.memory_space<vmem>>)
      } else {
      }
      %dma_wait3A = arith.constant 0 : i32
      %dma_wait3A_126 = arith.constant 0 : i32
      %dma_wait3A_127 = arith.constant 0 : i32
      %dma_wait3A_128 = arith.constant 0 : i32
      %dma_wait3A_129 = arith.constant 0 : i32
      %dma_wait3A_130 = arith.constant 0 : i32
      %dma_wait3A_131 = tpu.memref_slice %arg9[%dma_wait3A_127, %dma_wait3A_129, %dma_wait3A_130] : memref<2x128x128xf32, #tpu.memory_space<vmem>> -> memref<1x128x128xf32, #tpu.memory_space<vmem>>
      %dma_wait3A_132 = tpu.memref_squeeze %dma_wait3A_131 : memref<1x128x128xf32, #tpu.memory_space<vmem>> -> memref<128x128xf32, #tpu.memory_space<vmem>>
      %dma_wait3A_133 = arith.constant 0 : i32
      %dma_wait3A_134 = tpu.memref_slice %arg7[%dma_wait3A, %dma_wait3A_126, %dma_wait3A_133] : memref<2x2x128xi32, #tpu.memory_space<vmem>> -> memref<1x1x128xi32, #tpu.memory_space<vmem>>
      %dma_wait3A_135 = tpu.memref_squeeze %dma_wait3A_134 : memref<1x1x128xi32, #tpu.memory_space<vmem>> -> memref<128xi32, #tpu.memory_space<vmem>>
      %dma_wait3A_136 = arith.constant 0 : i32
      %dma_wait3A_137 = arith.constant 0 : i32
      %dma_wait3A_138 = tpu.memref_slice %arg2[%dma_wait3A_136, %dma_wait3A_137] : memref<10240x128xf32, #tpu.memory_space<hbm>> -> memref<10240x128xf32, #tpu.memory_space<hbm>>
      %dma_wait3A_139 = tpu.memref_slice %arg11[%dma_wait3A_128] : memref<2x!tpu.dma_semaphore, #tpu.memory_space<semaphore_mem>> -> memref<1x!tpu.dma_semaphore, #tpu.memory_space<semaphore_mem>>
      %dma_wait3A_140 = tpu.memref_squeeze %dma_wait3A_139 : memref<1x!tpu.dma_semaphore, #tpu.memory_space<semaphore_mem>> -> memref<!tpu.dma_semaphore, #tpu.memory_space<semaphore_mem>>
      tpu.wait_indirect_dma semaphore(%dma_wait3A_140 : memref<!tpu.dma_semaphore, #tpu.memory_space<semaphore_mem>>) src(%dma_wait3A_138 : memref<10240x128xf32, #tpu.memory_space<hbm>>) dst(%dma_wait3A_132 : memref<128x128xf32, #tpu.memory_space<vmem>>)
      %run_scoped3A_141 = arith.constant 0 : i32
      %run_scoped3A_142 = arith.constant 0 : i32
      %run_scoped3A_143 = arith.constant 0 : i32
      "tpu.region"() ({
        %run_scoped3A_247 = tpu.sem_alloc : memref<!tpu.dma_semaphore, #tpu.memory_space<semaphore_mem>>
        %dma_start3A_248 = arith.constant 0 : i32
        %dma_start3A_249 = arith.constant 0 : i32
        %dma_start3A_250 = tpu.memref_slice %arg9[%run_scoped3A_141, %dma_start3A_248, %dma_start3A_249] : memref<2x128x128xf32, #tpu.memory_space<vmem>> -> memref<1x128x128xf32, #tpu.memory_space<vmem>>
        %dma_start3A_251 = tpu.memref_squeeze %dma_start3A_250 : memref<1x128x128xf32, #tpu.memory_space<vmem>> -> memref<128x128xf32, #tpu.memory_space<vmem>>
        %dma_start3A_252 = arith.constant 0 : i32
        %dma_start3A_253 = tpu.memref_slice %arg8[%run_scoped3A_142, %run_scoped3A_143, %dma_start3A_252] : memref<2x2x128xi32, #tpu.memory_space<vmem>> -> memref<1x1x128xi32, #tpu.memory_space<vmem>>
        %dma_start3A_254 = tpu.memref_squeeze %dma_start3A_253 : memref<1x1x128xi32, #tpu.memory_space<vmem>> -> memref<128xi32, #tpu.memory_space<vmem>>
        %dma_start3A_255 = arith.constant 0 : i32
        %dma_start3A_256 = arith.constant 0 : i32
        %dma_start3A_257 = tpu.memref_slice %arg10[%dma_start3A_255, %dma_start3A_256] : memref<10240x128xf32, #tpu.memory_space<vmem_shared>> -> memref<10240x128xf32, #tpu.memory_space<vmem_shared>>
        tpu.enqueue_indirect_dma source(%dma_start3A_251 : memref<128x128xf32, #tpu.memory_space<vmem>>) target(%dma_start3A_257 : memref<10240x128xf32, #tpu.memory_space<vmem_shared>>) offsets(%dma_start3A_254 : memref<128xi32, #tpu.memory_space<vmem>>) semaphore(%run_scoped3A_247 : memref<!tpu.dma_semaphore, #tpu.memory_space<semaphore_mem>>) {add = true}
        %dma_wait3A_258 = arith.constant 0 : i32
        %dma_wait3A_259 = arith.constant 0 : i32
        %dma_wait3A_260 = tpu.memref_slice %arg9[%run_scoped3A_141, %dma_wait3A_258, %dma_wait3A_259] : memref<2x128x128xf32, #tpu.memory_space<vmem>> -> memref<1x128x128xf32, #tpu.memory_space<vmem>>
        %dma_wait3A_261 = tpu.memref_squeeze %dma_wait3A_260 : memref<1x128x128xf32, #tpu.memory_space<vmem>> -> memref<128x128xf32, #tpu.memory_space<vmem>>
        %dma_wait3A_262 = arith.constant 0 : i32
        %dma_wait3A_263 = tpu.memref_slice %arg8[%run_scoped3A_142, %run_scoped3A_143, %dma_wait3A_262] : memref<2x2x128xi32, #tpu.memory_space<vmem>> -> memref<1x1x128xi32, #tpu.memory_space<vmem>>
        %dma_wait3A_264 = tpu.memref_squeeze %dma_wait3A_263 : memref<1x1x128xi32, #tpu.memory_space<vmem>> -> memref<128xi32, #tpu.memory_space<vmem>>
        %dma_wait3A_265 = arith.constant 0 : i32
        %dma_wait3A_266 = arith.constant 0 : i32
        %dma_wait3A_267 = tpu.memref_slice %arg10[%dma_wait3A_265, %dma_wait3A_266] : memref<10240x128xf32, #tpu.memory_space<vmem_shared>> -> memref<10240x128xf32, #tpu.memory_space<vmem_shared>>
        tpu.wait_indirect_dma semaphore(%run_scoped3A_247 : memref<!tpu.dma_semaphore, #tpu.memory_space<semaphore_mem>>) src(%dma_wait3A_261 : memref<128x128xf32, #tpu.memory_space<vmem>>) dst(%dma_wait3A_267 : memref<10240x128xf32, #tpu.memory_space<vmem_shared>>)
        tpu.yield
      }) : () -> ()
      %add3A_144 = arith.constant 1 : i32
      %add3A_145 = arith.addi %add3A_122, %add3A_144 : i32
      %lt3A_146 = arith.cmpi slt, %add3A_145, %select_n3A_10 : i32
      %convert_element_type3A_147 = arith.extui %lt3A_146 : i1 to i32
      %cond3A_148 = arith.constant 0 : i32
      %cond3A_149 = arith.cmpi ne, %convert_element_type3A_147, %cond3A_148 : i32
      scf.if %cond3A_149 {
        %dma_start3A_247 = arith.constant 1 : i32
        %dma_start3A_248 = arith.constant 0 : i32
        %dma_start3A_249 = arith.constant 0 : i32
        %dma_start3A_250 = arith.constant 0 : i32
        %dma_start3A_251 = arith.constant 0 : i32
        %dma_start3A_252 = arith.constant 0 : i32
        %dma_start3A_253 = tpu.memref_slice %arg9[%dma_start3A_249, %dma_start3A_251, %dma_start3A_252] : memref<2x128x128xf32, #tpu.memory_space<vmem>> -> memref<1x128x128xf32, #tpu.memory_space<vmem>>
        %dma_start3A_254 = tpu.memref_squeeze %dma_start3A_253 : memref<1x128x128xf32, #tpu.memory_space<vmem>> -> memref<128x128xf32, #tpu.memory_space<vmem>>
        %dma_start3A_255 = arith.constant 0 : i32
        %dma_start3A_256 = tpu.memref_slice %arg7[%dma_start3A_247, %dma_start3A_248, %dma_start3A_255] : memref<2x2x128xi32, #tpu.memory_space<vmem>> -> memref<1x1x128xi32, #tpu.memory_space<vmem>>
        %dma_start3A_257 = tpu.memref_squeeze %dma_start3A_256 : memref<1x1x128xi32, #tpu.memory_space<vmem>> -> memref<128xi32, #tpu.memory_space<vmem>>
        %dma_start3A_258 = arith.constant 0 : i32
        %dma_start3A_259 = arith.constant 0 : i32
        %dma_start3A_260 = tpu.memref_slice %arg2[%dma_start3A_258, %dma_start3A_259] : memref<10240x128xf32, #tpu.memory_space<hbm>> -> memref<10240x128xf32, #tpu.memory_space<hbm>>
        %dma_start3A_261 = tpu.memref_slice %arg11[%dma_start3A_250] : memref<2x!tpu.dma_semaphore, #tpu.memory_space<semaphore_mem>> -> memref<1x!tpu.dma_semaphore, #tpu.memory_space<semaphore_mem>>
        %dma_start3A_262 = tpu.memref_squeeze %dma_start3A_261 : memref<1x!tpu.dma_semaphore, #tpu.memory_space<semaphore_mem>> -> memref<!tpu.dma_semaphore, #tpu.memory_space<semaphore_mem>>
        tpu.enqueue_indirect_dma source(%dma_start3A_260 : memref<10240x128xf32, #tpu.memory_space<hbm>>) target(%dma_start3A_254 : memref<128x128xf32, #tpu.memory_space<vmem>>) offsets(%dma_start3A_257 : memref<128xi32, #tpu.memory_space<vmem>>) semaphore(%dma_start3A_262 : memref<!tpu.dma_semaphore, #tpu.memory_space<semaphore_mem>>)
      } else {
      }
      %dma_wait3A_150 = arith.constant 0 : i32
      %dma_wait3A_151 = arith.constant 1 : i32
      %dma_wait3A_152 = arith.constant 1 : i32
      %dma_wait3A_153 = arith.constant 1 : i32
      %dma_wait3A_154 = arith.constant 0 : i32
      %dma_wait3A_155 = arith.constant 0 : i32
      %dma_wait3A_156 = tpu.memref_slice %arg9[%dma_wait3A_152, %dma_wait3A_154, %dma_wait3A_155] : memref<2x128x128xf32, #tpu.memory_space<vmem>> -> memref<1x128x128xf32, #tpu.memory_space<vmem>>
      %dma_wait3A_157 = tpu.memref_squeeze %dma_wait3A_156 : memref<1x128x128xf32, #tpu.memory_space<vmem>> -> memref<128x128xf32, #tpu.memory_space<vmem>>
      %dma_wait3A_158 = arith.constant 0 : i32
      %dma_wait3A_159 = tpu.memref_slice %arg7[%dma_wait3A_150, %dma_wait3A_151, %dma_wait3A_158] : memref<2x2x128xi32, #tpu.memory_space<vmem>> -> memref<1x1x128xi32, #tpu.memory_space<vmem>>
      %dma_wait3A_160 = tpu.memref_squeeze %dma_wait3A_159 : memref<1x1x128xi32, #tpu.memory_space<vmem>> -> memref<128xi32, #tpu.memory_space<vmem>>
      %dma_wait3A_161 = arith.constant 0 : i32
      %dma_wait3A_162 = arith.constant 0 : i32
      %dma_wait3A_163 = tpu.memref_slice %arg2[%dma_wait3A_161, %dma_wait3A_162] : memref<10240x128xf32, #tpu.memory_space<hbm>> -> memref<10240x128xf32, #tpu.memory_space<hbm>>
      %dma_wait3A_164 = tpu.memref_slice %arg11[%dma_wait3A_153] : memref<2x!tpu.dma_semaphore, #tpu.memory_space<semaphore_mem>> -> memref<1x!tpu.dma_semaphore, #tpu.memory_space<semaphore_mem>>
      %dma_wait3A_165 = tpu.memref_squeeze %dma_wait3A_164 : memref<1x!tpu.dma_semaphore, #tpu.memory_space<semaphore_mem>> -> memref<!tpu.dma_semaphore, #tpu.memory_space<semaphore_mem>>
      tpu.wait_indirect_dma semaphore(%dma_wait3A_165 : memref<!tpu.dma_semaphore, #tpu.memory_space<semaphore_mem>>) src(%dma_wait3A_163 : memref<10240x128xf32, #tpu.memory_space<hbm>>) dst(%dma_wait3A_157 : memref<128x128xf32, #tpu.memory_space<vmem>>)
      %run_scoped3A_166 = arith.constant 1 : i32
      %run_scoped3A_167 = arith.constant 0 : i32
      %run_scoped3A_168 = arith.constant 1 : i32
      "tpu.region"() ({
        %run_scoped3A_247 = tpu.sem_alloc : memref<!tpu.dma_semaphore, #tpu.memory_space<semaphore_mem>>
        %dma_start3A_248 = arith.constant 0 : i32
        %dma_start3A_249 = arith.constant 0 : i32
        %dma_start3A_250 = tpu.memref_slice %arg9[%run_scoped3A_166, %dma_start3A_248, %dma_start3A_249] : memref<2x128x128xf32, #tpu.memory_space<vmem>> -> memref<1x128x128xf32, #tpu.memory_space<vmem>>
        %dma_start3A_251 = tpu.memref_squeeze %dma_start3A_250 : memref<1x128x128xf32, #tpu.memory_space<vmem>> -> memref<128x128xf32, #tpu.memory_space<vmem>>
        %dma_start3A_252 = arith.constant 0 : i32
        %dma_start3A_253 = tpu.memref_slice %arg8[%run_scoped3A_167, %run_scoped3A_168, %dma_start3A_252] : memref<2x2x128xi32, #tpu.memory_space<vmem>> -> memref<1x1x128xi32, #tpu.memory_space<vmem>>
        %dma_start3A_254 = tpu.memref_squeeze %dma_start3A_253 : memref<1x1x128xi32, #tpu.memory_space<vmem>> -> memref<128xi32, #tpu.memory_space<vmem>>
        %dma_start3A_255 = arith.constant 0 : i32
        %dma_start3A_256 = arith.constant 0 : i32
        %dma_start3A_257 = tpu.memref_slice %arg10[%dma_start3A_255, %dma_start3A_256] : memref<10240x128xf32, #tpu.memory_space<vmem_shared>> -> memref<10240x128xf32, #tpu.memory_space<vmem_shared>>
        tpu.enqueue_indirect_dma source(%dma_start3A_251 : memref<128x128xf32, #tpu.memory_space<vmem>>) target(%dma_start3A_257 : memref<10240x128xf32, #tpu.memory_space<vmem_shared>>) offsets(%dma_start3A_254 : memref<128xi32, #tpu.memory_space<vmem>>) semaphore(%run_scoped3A_247 : memref<!tpu.dma_semaphore, #tpu.memory_space<semaphore_mem>>) {add = true}
        %dma_wait3A_258 = arith.constant 0 : i32
        %dma_wait3A_259 = arith.constant 0 : i32
        %dma_wait3A_260 = tpu.memref_slice %arg9[%run_scoped3A_166, %dma_wait3A_258, %dma_wait3A_259] : memref<2x128x128xf32, #tpu.memory_space<vmem>> -> memref<1x128x128xf32, #tpu.memory_space<vmem>>
        %dma_wait3A_261 = tpu.memref_squeeze %dma_wait3A_260 : memref<1x128x128xf32, #tpu.memory_space<vmem>> -> memref<128x128xf32, #tpu.memory_space<vmem>>
        %dma_wait3A_262 = arith.constant 0 : i32
        %dma_wait3A_263 = tpu.memref_slice %arg8[%run_scoped3A_167, %run_scoped3A_168, %dma_wait3A_262] : memref<2x2x128xi32, #tpu.memory_space<vmem>> -> memref<1x1x128xi32, #tpu.memory_space<vmem>>
        %dma_wait3A_264 = tpu.memref_squeeze %dma_wait3A_263 : memref<1x1x128xi32, #tpu.memory_space<vmem>> -> memref<128xi32, #tpu.memory_space<vmem>>
        %dma_wait3A_265 = arith.constant 0 : i32
        %dma_wait3A_266 = arith.constant 0 : i32
        %dma_wait3A_267 = tpu.memref_slice %arg10[%dma_wait3A_265, %dma_wait3A_266] : memref<10240x128xf32, #tpu.memory_space<vmem_shared>> -> memref<10240x128xf32, #tpu.memory_space<vmem_shared>>
        tpu.wait_indirect_dma semaphore(%run_scoped3A_247 : memref<!tpu.dma_semaphore, #tpu.memory_space<semaphore_mem>>) src(%dma_wait3A_261 : memref<128x128xf32, #tpu.memory_space<vmem>>) dst(%dma_wait3A_267 : memref<10240x128xf32, #tpu.memory_space<vmem_shared>>)
        tpu.yield
      }) : () -> ()
      %add3A_169 = arith.constant 1 : i32
      %add3A_170 = arith.addi %add3A_122, %add3A_169 : i32
      %lt3A_171 = arith.cmpi slt, %add3A_170, %select_n3A_10 : i32
      %convert_element_type3A_172 = arith.extui %lt3A_171 : i1 to i32
      %cond3A_173 = arith.constant 0 : i32
      %cond3A_174 = arith.cmpi ne, %convert_element_type3A_172, %cond3A_173 : i32
      scf.if %cond3A_174 {
        %dma_start3A_247 = arith.constant 1 : i32
        %dma_start3A_248 = arith.constant 1 : i32
        %dma_start3A_249 = arith.constant 1 : i32
        %dma_start3A_250 = arith.constant 1 : i32
        %dma_start3A_251 = arith.constant 0 : i32
        %dma_start3A_252 = arith.constant 0 : i32
        %dma_start3A_253 = tpu.memref_slice %arg9[%dma_start3A_249, %dma_start3A_251, %dma_start3A_252] : memref<2x128x128xf32, #tpu.memory_space<vmem>> -> memref<1x128x128xf32, #tpu.memory_space<vmem>>
        %dma_start3A_254 = tpu.memref_squeeze %dma_start3A_253 : memref<1x128x128xf32, #tpu.memory_space<vmem>> -> memref<128x128xf32, #tpu.memory_space<vmem>>
        %dma_start3A_255 = arith.constant 0 : i32
        %dma_start3A_256 = tpu.memref_slice %arg7[%dma_start3A_247, %dma_start3A_248, %dma_start3A_255] : memref<2x2x128xi32, #tpu.memory_space<vmem>> -> memref<1x1x128xi32, #tpu.memory_space<vmem>>
        %dma_start3A_257 = tpu.memref_squeeze %dma_start3A_256 : memref<1x1x128xi32, #tpu.memory_space<vmem>> -> memref<128xi32, #tpu.memory_space<vmem>>
        %dma_start3A_258 = arith.constant 0 : i32
        %dma_start3A_259 = arith.constant 0 : i32
        %dma_start3A_260 = tpu.memref_slice %arg2[%dma_start3A_258, %dma_start3A_259] : memref<10240x128xf32, #tpu.memory_space<hbm>> -> memref<10240x128xf32, #tpu.memory_space<hbm>>
        %dma_start3A_261 = tpu.memref_slice %arg11[%dma_start3A_250] : memref<2x!tpu.dma_semaphore, #tpu.memory_space<semaphore_mem>> -> memref<1x!tpu.dma_semaphore, #tpu.memory_space<semaphore_mem>>
        %dma_start3A_262 = tpu.memref_squeeze %dma_start3A_261 : memref<1x!tpu.dma_semaphore, #tpu.memory_space<semaphore_mem>> -> memref<!tpu.dma_semaphore, #tpu.memory_space<semaphore_mem>>
        tpu.enqueue_indirect_dma source(%dma_start3A_260 : memref<10240x128xf32, #tpu.memory_space<hbm>>) target(%dma_start3A_254 : memref<128x128xf32, #tpu.memory_space<vmem>>) offsets(%dma_start3A_257 : memref<128xi32, #tpu.memory_space<vmem>>) semaphore(%dma_start3A_262 : memref<!tpu.dma_semaphore, #tpu.memory_space<semaphore_mem>>)
      } else {
      }
      %add3A_175 = arith.constant 2 : i32
      %add3A_176 = arith.addi %add3A_122, %add3A_175 : i32
      %lt3A_177 = arith.cmpi slt, %add3A_176, %select_n3A_10 : i32
      %convert_element_type3A_178 = arith.extui %lt3A_177 : i1 to i32
      %cond3A_179 = arith.constant 0 : i32
      %cond3A_180 = arith.cmpi ne, %convert_element_type3A_178, %cond3A_179 : i32
      scf.if %cond3A_180 {
        %add3A_247 = arith.constant 2 : i32
        %add3A_248 = arith.addi %add3A_122, %add3A_247 : i32
        %mul3A_249 = arith.constant 2 : i32
        %mul3A_250 = arith.muli %add3A_248, %mul3A_249 : i32
        %add3A_251 = arith.addi %select_n3A, %mul3A_250 : i32
        %dma_start3A_252 = arith.constant 0 : i32
        %dma_start3A_253 = arith.constant 0 : i32
        %dma_start3A_254 = arith.constant 0 : i32
        %dma_start3A_255 = arith.constant 0 : i32
        %dma_start3A_256 = tpu.memref_slice %arg7[%dma_start3A_252, %dma_start3A_254, %dma_start3A_255] : memref<2x2x128xi32, #tpu.memory_space<vmem>> -> memref<1x2x128xi32, #tpu.memory_space<vmem>>
        %dma_start3A_257 = tpu.memref_squeeze %dma_start3A_256 : memref<1x2x128xi32, #tpu.memory_space<vmem>> -> memref<2x128xi32, #tpu.memory_space<vmem>>
        %dma_start3A_258 = arith.constant 0 : i32
        %dma_start3A_259 = tpu.memref_slice %arg3[%add3A_251, %dma_start3A_258] : memref<2560x128xi32, #tpu.memory_space<hbm>> -> memref<2x128xi32, #tpu.memory_space<hbm>>
        %dma_start3A_260 = tpu.memref_slice %arg12[%dma_start3A_253] : memref<2x!tpu.dma_semaphore, #tpu.memory_space<semaphore_mem>> -> memref<1x!tpu.dma_semaphore, #tpu.memory_space<semaphore_mem>>
        %dma_start3A_261 = tpu.memref_squeeze %dma_start3A_260 : memref<1x!tpu.dma_semaphore, #tpu.memory_space<semaphore_mem>> -> memref<!tpu.dma_semaphore, #tpu.memory_space<semaphore_mem>>
        %dma_start3A_262 = arith.constant 0 : i32
        %dma_start3A_263 = arith.constant 0 : i32
        %dma_start3A_264 = tpu.memref_slice %arg7[%dma_start3A_252, %dma_start3A_262, %dma_start3A_263] : memref<2x2x128xi32, #tpu.memory_space<vmem>> -> memref<1x2x128xi32, #tpu.memory_space<vmem>>
        %dma_start3A_265 = tpu.memref_squeeze %dma_start3A_264 : memref<1x2x128xi32, #tpu.memory_space<vmem>> -> memref<2x128xi32, #tpu.memory_space<vmem>>
        %dma_start3A_266 = arith.constant 0 : i32
        %dma_start3A_267 = tpu.memref_slice %arg3[%add3A_251, %dma_start3A_266] : memref<2560x128xi32, #tpu.memory_space<hbm>> -> memref<2x128xi32, #tpu.memory_space<hbm>>
        tpu.enqueue_dma source(%dma_start3A_267 : memref<2x128xi32, #tpu.memory_space<hbm>>) target(%dma_start3A_265 : memref<2x128xi32, #tpu.memory_space<vmem>>) target_semaphore(%dma_start3A_261 : memref<!tpu.dma_semaphore, #tpu.memory_space<semaphore_mem>>)
        %dma_start3A_268 = arith.constant 0 : i32
        %dma_start3A_269 = arith.constant 0 : i32
        %dma_start3A_270 = arith.constant 0 : i32
        %dma_start3A_271 = arith.constant 0 : i32
        %dma_start3A_272 = tpu.memref_slice %arg8[%dma_start3A_268, %dma_start3A_270, %dma_start3A_271] : memref<2x2x128xi32, #tpu.memory_space<vmem>> -> memref<1x2x128xi32, #tpu.memory_space<vmem>>
        %dma_start3A_273 = tpu.memref_squeeze %dma_start3A_272 : memref<1x2x128xi32, #tpu.memory_space<vmem>> -> memref<2x128xi32, #tpu.memory_space<vmem>>
        %dma_start3A_274 = arith.constant 0 : i32
        %dma_start3A_275 = tpu.memref_slice %arg4[%add3A_251, %dma_start3A_274] : memref<2560x128xi32, #tpu.memory_space<hbm>> -> memref<2x128xi32, #tpu.memory_space<hbm>>
        %dma_start3A_276 = tpu.memref_slice %arg12[%dma_start3A_269] : memref<2x!tpu.dma_semaphore, #tpu.memory_space<semaphore_mem>> -> memref<1x!tpu.dma_semaphore, #tpu.memory_space<semaphore_mem>>
        %dma_start3A_277 = tpu.memref_squeeze %dma_start3A_276 : memref<1x!tpu.dma_semaphore, #tpu.memory_space<semaphore_mem>> -> memref<!tpu.dma_semaphore, #tpu.memory_space<semaphore_mem>>
        %dma_start3A_278 = arith.constant 0 : i32
        %dma_start3A_279 = arith.constant 0 : i32
        %dma_start3A_280 = tpu.memref_slice %arg8[%dma_start3A_268, %dma_start3A_278, %dma_start3A_279] : memref<2x2x128xi32, #tpu.memory_space<vmem>> -> memref<1x2x128xi32, #tpu.memory_space<vmem>>
        %dma_start3A_281 = tpu.memref_squeeze %dma_start3A_280 : memref<1x2x128xi32, #tpu.memory_space<vmem>> -> memref<2x128xi32, #tpu.memory_space<vmem>>
        %dma_start3A_282 = arith.constant 0 : i32
        %dma_start3A_283 = tpu.memref_slice %arg4[%add3A_251, %dma_start3A_282] : memref<2560x128xi32, #tpu.memory_space<hbm>> -> memref<2x128xi32, #tpu.memory_space<hbm>>
        tpu.enqueue_dma source(%dma_start3A_283 : memref<2x128xi32, #tpu.memory_space<hbm>>) target(%dma_start3A_281 : memref<2x128xi32, #tpu.memory_space<vmem>>) target_semaphore(%dma_start3A_277 : memref<!tpu.dma_semaphore, #tpu.memory_space<semaphore_mem>>)
      } else {
      }
      %mul3A_181 = arith.constant 2 : i32
      %mul3A_182 = arith.muli %add3A_118, %mul3A_181 : i32
      %add3A_183 = arith.constant 1 : i32
      %add3A_184 = arith.addi %mul3A_182, %add3A_183 : i32
      %add3A_185 = arith.constant 1 : i32
      %add3A_186 = arith.addi %add3A_184, %add3A_185 : i32
      %lt3A_187 = arith.cmpi slt, %add3A_186, %select_n3A_10 : i32
      %convert_element_type3A_188 = arith.extui %lt3A_187 : i1 to i32
      %cond3A_189 = arith.constant 0 : i32
      %cond3A_190 = arith.cmpi ne, %convert_element_type3A_188, %cond3A_189 : i32
      scf.if %cond3A_190 {
        %dma_wait3A_247 = arith.constant 0 : i32
        %dma_wait3A_248 = arith.constant 0 : i32
        %dma_wait3A_249 = arith.constant 0 : i32
        %dma_wait3A_250 = arith.constant 0 : i32
        %dma_wait3A_251 = tpu.memref_slice %arg7[%dma_wait3A_247, %dma_wait3A_249, %dma_wait3A_250] : memref<2x2x128xi32, #tpu.memory_space<vmem>> -> memref<1x2x128xi32, #tpu.memory_space<vmem>>
        %dma_wait3A_252 = tpu.memref_squeeze %dma_wait3A_251 : memref<1x2x128xi32, #tpu.memory_space<vmem>> -> memref<2x128xi32, #tpu.memory_space<vmem>>
        %dma_wait3A_253 = arith.constant 0 : i32
        %dma_wait3A_254 = arith.constant 0 : i32
        %dma_wait3A_255 = tpu.memref_slice %arg3[%dma_wait3A_253, %dma_wait3A_254] : memref<2560x128xi32, #tpu.memory_space<hbm>> -> memref<2x128xi32, #tpu.memory_space<hbm>>
        %dma_wait3A_256 = tpu.memref_slice %arg12[%dma_wait3A_248] : memref<2x!tpu.dma_semaphore, #tpu.memory_space<semaphore_mem>> -> memref<1x!tpu.dma_semaphore, #tpu.memory_space<semaphore_mem>>
        %dma_wait3A_257 = tpu.memref_squeeze %dma_wait3A_256 : memref<1x!tpu.dma_semaphore, #tpu.memory_space<semaphore_mem>> -> memref<!tpu.dma_semaphore, #tpu.memory_space<semaphore_mem>>
        %dma_wait3A_258 = arith.constant 0 : i32
        %dma_wait3A_259 = arith.constant 0 : i32
        %dma_wait3A_260 = tpu.memref_slice %arg7[%dma_wait3A_247, %dma_wait3A_258, %dma_wait3A_259] : memref<2x2x128xi32, #tpu.memory_space<vmem>> -> memref<1x2x128xi32, #tpu.memory_space<vmem>>
        %dma_wait3A_261 = tpu.memref_squeeze %dma_wait3A_260 : memref<1x2x128xi32, #tpu.memory_space<vmem>> -> memref<2x128xi32, #tpu.memory_space<vmem>>
        %dma_wait3A_262 = arith.constant 0 : i32
        %dma_wait3A_263 = arith.constant 0 : i32
        %dma_wait3A_264 = tpu.memref_slice %arg3[%dma_wait3A_262, %dma_wait3A_263] : memref<2560x128xi32, #tpu.memory_space<hbm>> -> memref<2x128xi32, #tpu.memory_space<hbm>>
        tpu.wait_dma2 semaphore(%dma_wait3A_257 : memref<!tpu.dma_semaphore, #tpu.memory_space<semaphore_mem>>) src(%dma_wait3A_264 : memref<2x128xi32, #tpu.memory_space<hbm>>) dst(%dma_wait3A_261 : memref<2x128xi32, #tpu.memory_space<vmem>>)
        %dma_wait3A_265 = arith.constant 0 : i32
        %dma_wait3A_266 = arith.constant 0 : i32
        %dma_wait3A_267 = arith.constant 0 : i32
        %dma_wait3A_268 = arith.constant 0 : i32
        %dma_wait3A_269 = tpu.memref_slice %arg8[%dma_wait3A_265, %dma_wait3A_267, %dma_wait3A_268] : memref<2x2x128xi32, #tpu.memory_space<vmem>> -> memref<1x2x128xi32, #tpu.memory_space<vmem>>
        %dma_wait3A_270 = tpu.memref_squeeze %dma_wait3A_269 : memref<1x2x128xi32, #tpu.memory_space<vmem>> -> memref<2x128xi32, #tpu.memory_space<vmem>>
        %dma_wait3A_271 = arith.constant 0 : i32
        %dma_wait3A_272 = arith.constant 0 : i32
        %dma_wait3A_273 = tpu.memref_slice %arg4[%dma_wait3A_271, %dma_wait3A_272] : memref<2560x128xi32, #tpu.memory_space<hbm>> -> memref<2x128xi32, #tpu.memory_space<hbm>>
        %dma_wait3A_274 = tpu.memref_slice %arg12[%dma_wait3A_266] : memref<2x!tpu.dma_semaphore, #tpu.memory_space<semaphore_mem>> -> memref<1x!tpu.dma_semaphore, #tpu.memory_space<semaphore_mem>>
        %dma_wait3A_275 = tpu.memref_squeeze %dma_wait3A_274 : memref<1x!tpu.dma_semaphore, #tpu.memory_space<semaphore_mem>> -> memref<!tpu.dma_semaphore, #tpu.memory_space<semaphore_mem>>
        %dma_wait3A_276 = arith.constant 0 : i32
        %dma_wait3A_277 = arith.constant 0 : i32
        %dma_wait3A_278 = tpu.memref_slice %arg8[%dma_wait3A_265, %dma_wait3A_276, %dma_wait3A_277] : memref<2x2x128xi32, #tpu.memory_space<vmem>> -> memref<1x2x128xi32, #tpu.memory_space<vmem>>
        %dma_wait3A_279 = tpu.memref_squeeze %dma_wait3A_278 : memref<1x2x128xi32, #tpu.memory_space<vmem>> -> memref<2x128xi32, #tpu.memory_space<vmem>>
        %dma_wait3A_280 = arith.constant 0 : i32
        %dma_wait3A_281 = arith.constant 0 : i32
        %dma_wait3A_282 = tpu.memref_slice %arg4[%dma_wait3A_280, %dma_wait3A_281] : memref<2560x128xi32, #tpu.memory_space<hbm>> -> memref<2x128xi32, #tpu.memory_space<hbm>>
        tpu.wait_dma2 semaphore(%dma_wait3A_275 : memref<!tpu.dma_semaphore, #tpu.memory_space<semaphore_mem>>) src(%dma_wait3A_282 : memref<2x128xi32, #tpu.memory_space<hbm>>) dst(%dma_wait3A_279 : memref<2x128xi32, #tpu.memory_space<vmem>>)
      } else {
      }
      %dma_wait3A_191 = arith.constant 1 : i32
      %dma_wait3A_192 = arith.constant 0 : i32
      %dma_wait3A_193 = arith.constant 0 : i32
      %dma_wait3A_194 = arith.constant 0 : i32
      %dma_wait3A_195 = arith.constant 0 : i32
      %dma_wait3A_196 = arith.constant 0 : i32
      %dma_wait3A_197 = tpu.memref_slice %arg9[%dma_wait3A_193, %dma_wait3A_195, %dma_wait3A_196] : memref<2x128x128xf32, #tpu.memory_space<vmem>> -> memref<1x128x128xf32, #tpu.memory_space<vmem>>
      %dma_wait3A_198 = tpu.memref_squeeze %dma_wait3A_197 : memref<1x128x128xf32, #tpu.memory_space<vmem>> -> memref<128x128xf32, #tpu.memory_space<vmem>>
      %dma_wait3A_199 = arith.constant 0 : i32
      %dma_wait3A_200 = tpu.memref_slice %arg7[%dma_wait3A_191, %dma_wait3A_192, %dma_wait3A_199] : memref<2x2x128xi32, #tpu.memory_space<vmem>> -> memref<1x1x128xi32, #tpu.memory_space<vmem>>
      %dma_wait3A_201 = tpu.memref_squeeze %dma_wait3A_200 : memref<1x1x128xi32, #tpu.memory_space<vmem>> -> memref<128xi32, #tpu.memory_space<vmem>>
      %dma_wait3A_202 = arith.constant 0 : i32
      %dma_wait3A_203 = arith.constant 0 : i32
      %dma_wait3A_204 = tpu.memref_slice %arg2[%dma_wait3A_202, %dma_wait3A_203] : memref<10240x128xf32, #tpu.memory_space<hbm>> -> memref<10240x128xf32, #tpu.memory_space<hbm>>
      %dma_wait3A_205 = tpu.memref_slice %arg11[%dma_wait3A_194] : memref<2x!tpu.dma_semaphore, #tpu.memory_space<semaphore_mem>> -> memref<1x!tpu.dma_semaphore, #tpu.memory_space<semaphore_mem>>
      %dma_wait3A_206 = tpu.memref_squeeze %dma_wait3A_205 : memref<1x!tpu.dma_semaphore, #tpu.memory_space<semaphore_mem>> -> memref<!tpu.dma_semaphore, #tpu.memory_space<semaphore_mem>>
      tpu.wait_indirect_dma semaphore(%dma_wait3A_206 : memref<!tpu.dma_semaphore, #tpu.memory_space<semaphore_mem>>) src(%dma_wait3A_204 : memref<10240x128xf32, #tpu.memory_space<hbm>>) dst(%dma_wait3A_198 : memref<128x128xf32, #tpu.memory_space<vmem>>)
      %run_scoped3A_207 = arith.constant 0 : i32
      %run_scoped3A_208 = arith.constant 1 : i32
      %run_scoped3A_209 = arith.constant 0 : i32
      "tpu.region"() ({
        %run_scoped3A_247 = tpu.sem_alloc : memref<!tpu.dma_semaphore, #tpu.memory_space<semaphore_mem>>
        %dma_start3A_248 = arith.constant 0 : i32
        %dma_start3A_249 = arith.constant 0 : i32
        %dma_start3A_250 = tpu.memref_slice %arg9[%run_scoped3A_207, %dma_start3A_248, %dma_start3A_249] : memref<2x128x128xf32, #tpu.memory_space<vmem>> -> memref<1x128x128xf32, #tpu.memory_space<vmem>>
        %dma_start3A_251 = tpu.memref_squeeze %dma_start3A_250 : memref<1x128x128xf32, #tpu.memory_space<vmem>> -> memref<128x128xf32, #tpu.memory_space<vmem>>
        %dma_start3A_252 = arith.constant 0 : i32
        %dma_start3A_253 = tpu.memref_slice %arg8[%run_scoped3A_208, %run_scoped3A_209, %dma_start3A_252] : memref<2x2x128xi32, #tpu.memory_space<vmem>> -> memref<1x1x128xi32, #tpu.memory_space<vmem>>
        %dma_start3A_254 = tpu.memref_squeeze %dma_start3A_253 : memref<1x1x128xi32, #tpu.memory_space<vmem>> -> memref<128xi32, #tpu.memory_space<vmem>>
        %dma_start3A_255 = arith.constant 0 : i32
        %dma_start3A_256 = arith.constant 0 : i32
        %dma_start3A_257 = tpu.memref_slice %arg10[%dma_start3A_255, %dma_start3A_256] : memref<10240x128xf32, #tpu.memory_space<vmem_shared>> -> memref<10240x128xf32, #tpu.memory_space<vmem_shared>>
        tpu.enqueue_indirect_dma source(%dma_start3A_251 : memref<128x128xf32, #tpu.memory_space<vmem>>) target(%dma_start3A_257 : memref<10240x128xf32, #tpu.memory_space<vmem_shared>>) offsets(%dma_start3A_254 : memref<128xi32, #tpu.memory_space<vmem>>) semaphore(%run_scoped3A_247 : memref<!tpu.dma_semaphore, #tpu.memory_space<semaphore_mem>>) {add = true}
        %dma_wait3A_258 = arith.constant 0 : i32
        %dma_wait3A_259 = arith.constant 0 : i32
        %dma_wait3A_260 = tpu.memref_slice %arg9[%run_scoped3A_207, %dma_wait3A_258, %dma_wait3A_259] : memref<2x128x128xf32, #tpu.memory_space<vmem>> -> memref<1x128x128xf32, #tpu.memory_space<vmem>>
        %dma_wait3A_261 = tpu.memref_squeeze %dma_wait3A_260 : memref<1x128x128xf32, #tpu.memory_space<vmem>> -> memref<128x128xf32, #tpu.memory_space<vmem>>
        %dma_wait3A_262 = arith.constant 0 : i32
        %dma_wait3A_263 = tpu.memref_slice %arg8[%run_scoped3A_208, %run_scoped3A_209, %dma_wait3A_262] : memref<2x2x128xi32, #tpu.memory_space<vmem>> -> memref<1x1x128xi32, #tpu.memory_space<vmem>>
        %dma_wait3A_264 = tpu.memref_squeeze %dma_wait3A_263 : memref<1x1x128xi32, #tpu.memory_space<vmem>> -> memref<128xi32, #tpu.memory_space<vmem>>
        %dma_wait3A_265 = arith.constant 0 : i32
        %dma_wait3A_266 = arith.constant 0 : i32
        %dma_wait3A_267 = tpu.memref_slice %arg10[%dma_wait3A_265, %dma_wait3A_266] : memref<10240x128xf32, #tpu.memory_space<vmem_shared>> -> memref<10240x128xf32, #tpu.memory_space<vmem_shared>>
        tpu.wait_indirect_dma semaphore(%run_scoped3A_247 : memref<!tpu.dma_semaphore, #tpu.memory_space<semaphore_mem>>) src(%dma_wait3A_261 : memref<128x128xf32, #tpu.memory_space<vmem>>) dst(%dma_wait3A_267 : memref<10240x128xf32, #tpu.memory_space<vmem_shared>>)
        tpu.yield
      }) : () -> ()
      %add3A_210 = arith.constant 1 : i32
      %add3A_211 = arith.addi %add3A_184, %add3A_210 : i32
      %lt3A_212 = arith.cmpi slt, %add3A_211, %select_n3A_10 : i32
      %convert_element_type3A_213 = arith.extui %lt3A_212 : i1 to i32
      %cond3A_214 = arith.constant 0 : i32
      %cond3A_215 = arith.cmpi ne, %convert_element_type3A_213, %cond3A_214 : i32
      scf.if %cond3A_215 {
        %dma_start3A_247 = arith.constant 0 : i32
        %dma_start3A_248 = arith.constant 0 : i32
        %dma_start3A_249 = arith.constant 0 : i32
        %dma_start3A_250 = arith.constant 0 : i32
        %dma_start3A_251 = arith.constant 0 : i32
        %dma_start3A_252 = arith.constant 0 : i32
        %dma_start3A_253 = tpu.memref_slice %arg9[%dma_start3A_249, %dma_start3A_251, %dma_start3A_252] : memref<2x128x128xf32, #tpu.memory_space<vmem>> -> memref<1x128x128xf32, #tpu.memory_space<vmem>>
        %dma_start3A_254 = tpu.memref_squeeze %dma_start3A_253 : memref<1x128x128xf32, #tpu.memory_space<vmem>> -> memref<128x128xf32, #tpu.memory_space<vmem>>
        %dma_start3A_255 = arith.constant 0 : i32
        %dma_start3A_256 = tpu.memref_slice %arg7[%dma_start3A_247, %dma_start3A_248, %dma_start3A_255] : memref<2x2x128xi32, #tpu.memory_space<vmem>> -> memref<1x1x128xi32, #tpu.memory_space<vmem>>
        %dma_start3A_257 = tpu.memref_squeeze %dma_start3A_256 : memref<1x1x128xi32, #tpu.memory_space<vmem>> -> memref<128xi32, #tpu.memory_space<vmem>>
        %dma_start3A_258 = arith.constant 0 : i32
        %dma_start3A_259 = arith.constant 0 : i32
        %dma_start3A_260 = tpu.memref_slice %arg2[%dma_start3A_258, %dma_start3A_259] : memref<10240x128xf32, #tpu.memory_space<hbm>> -> memref<10240x128xf32, #tpu.memory_space<hbm>>
        %dma_start3A_261 = tpu.memref_slice %arg11[%dma_start3A_250] : memref<2x!tpu.dma_semaphore, #tpu.memory_space<semaphore_mem>> -> memref<1x!tpu.dma_semaphore, #tpu.memory_space<semaphore_mem>>
        %dma_start3A_262 = tpu.memref_squeeze %dma_start3A_261 : memref<1x!tpu.dma_semaphore, #tpu.memory_space<semaphore_mem>> -> memref<!tpu.dma_semaphore, #tpu.memory_space<semaphore_mem>>
        tpu.enqueue_indirect_dma source(%dma_start3A_260 : memref<10240x128xf32, #tpu.memory_space<hbm>>) target(%dma_start3A_254 : memref<128x128xf32, #tpu.memory_space<vmem>>) offsets(%dma_start3A_257 : memref<128xi32, #tpu.memory_space<vmem>>) semaphore(%dma_start3A_262 : memref<!tpu.dma_semaphore, #tpu.memory_space<semaphore_mem>>)
      } else {
      }
      %dma_wait3A_216 = arith.constant 1 : i32
      %dma_wait3A_217 = arith.constant 1 : i32
      %dma_wait3A_218 = arith.constant 1 : i32
      %dma_wait3A_219 = arith.constant 1 : i32
      %dma_wait3A_220 = arith.constant 0 : i32
      %dma_wait3A_221 = arith.constant 0 : i32
      %dma_wait3A_222 = tpu.memref_slice %arg9[%dma_wait3A_218, %dma_wait3A_220, %dma_wait3A_221] : memref<2x128x128xf32, #tpu.memory_space<vmem>> -> memref<1x128x128xf32, #tpu.memory_space<vmem>>
      %dma_wait3A_223 = tpu.memref_squeeze %dma_wait3A_222 : memref<1x128x128xf32, #tpu.memory_space<vmem>> -> memref<128x128xf32, #tpu.memory_space<vmem>>
      %dma_wait3A_224 = arith.constant 0 : i32
      %dma_wait3A_225 = tpu.memref_slice %arg7[%dma_wait3A_216, %dma_wait3A_217, %dma_wait3A_224] : memref<2x2x128xi32, #tpu.memory_space<vmem>> -> memref<1x1x128xi32, #tpu.memory_space<vmem>>
      %dma_wait3A_226 = tpu.memref_squeeze %dma_wait3A_225 : memref<1x1x128xi32, #tpu.memory_space<vmem>> -> memref<128xi32, #tpu.memory_space<vmem>>
      %dma_wait3A_227 = arith.constant 0 : i32
      %dma_wait3A_228 = arith.constant 0 : i32
      %dma_wait3A_229 = tpu.memref_slice %arg2[%dma_wait3A_227, %dma_wait3A_228] : memref<10240x128xf32, #tpu.memory_space<hbm>> -> memref<10240x128xf32, #tpu.memory_space<hbm>>
      %dma_wait3A_230 = tpu.memref_slice %arg11[%dma_wait3A_219] : memref<2x!tpu.dma_semaphore, #tpu.memory_space<semaphore_mem>> -> memref<1x!tpu.dma_semaphore, #tpu.memory_space<semaphore_mem>>
      %dma_wait3A_231 = tpu.memref_squeeze %dma_wait3A_230 : memref<1x!tpu.dma_semaphore, #tpu.memory_space<semaphore_mem>> -> memref<!tpu.dma_semaphore, #tpu.memory_space<semaphore_mem>>
      tpu.wait_indirect_dma semaphore(%dma_wait3A_231 : memref<!tpu.dma_semaphore, #tpu.memory_space<semaphore_mem>>) src(%dma_wait3A_229 : memref<10240x128xf32, #tpu.memory_space<hbm>>) dst(%dma_wait3A_223 : memref<128x128xf32, #tpu.memory_space<vmem>>)
      %run_scoped3A_232 = arith.constant 1 : i32
      %run_scoped3A_233 = arith.constant 1 : i32
      %run_scoped3A_234 = arith.constant 1 : i32
      "tpu.region"() ({
        %run_scoped3A_247 = tpu.sem_alloc : memref<!tpu.dma_semaphore, #tpu.memory_space<semaphore_mem>>
        %dma_start3A_248 = arith.constant 0 : i32
        %dma_start3A_249 = arith.constant 0 : i32
        %dma_start3A_250 = tpu.memref_slice %arg9[%run_scoped3A_232, %dma_start3A_248, %dma_start3A_249] : memref<2x128x128xf32, #tpu.memory_space<vmem>> -> memref<1x128x128xf32, #tpu.memory_space<vmem>>
        %dma_start3A_251 = tpu.memref_squeeze %dma_start3A_250 : memref<1x128x128xf32, #tpu.memory_space<vmem>> -> memref<128x128xf32, #tpu.memory_space<vmem>>
        %dma_start3A_252 = arith.constant 0 : i32
        %dma_start3A_253 = tpu.memref_slice %arg8[%run_scoped3A_233, %run_scoped3A_234, %dma_start3A_252] : memref<2x2x128xi32, #tpu.memory_space<vmem>> -> memref<1x1x128xi32, #tpu.memory_space<vmem>>
        %dma_start3A_254 = tpu.memref_squeeze %dma_start3A_253 : memref<1x1x128xi32, #tpu.memory_space<vmem>> -> memref<128xi32, #tpu.memory_space<vmem>>
        %dma_start3A_255 = arith.constant 0 : i32
        %dma_start3A_256 = arith.constant 0 : i32
        %dma_start3A_257 = tpu.memref_slice %arg10[%dma_start3A_255, %dma_start3A_256] : memref<10240x128xf32, #tpu.memory_space<vmem_shared>> -> memref<10240x128xf32, #tpu.memory_space<vmem_shared>>
        tpu.enqueue_indirect_dma source(%dma_start3A_251 : memref<128x128xf32, #tpu.memory_space<vmem>>) target(%dma_start3A_257 : memref<10240x128xf32, #tpu.memory_space<vmem_shared>>) offsets(%dma_start3A_254 : memref<128xi32, #tpu.memory_space<vmem>>) semaphore(%run_scoped3A_247 : memref<!tpu.dma_semaphore, #tpu.memory_space<semaphore_mem>>) {add = true}
        %dma_wait3A_258 = arith.constant 0 : i32
        %dma_wait3A_259 = arith.constant 0 : i32
        %dma_wait3A_260 = tpu.memref_slice %arg9[%run_scoped3A_232, %dma_wait3A_258, %dma_wait3A_259] : memref<2x128x128xf32, #tpu.memory_space<vmem>> -> memref<1x128x128xf32, #tpu.memory_space<vmem>>
        %dma_wait3A_261 = tpu.memref_squeeze %dma_wait3A_260 : memref<1x128x128xf32, #tpu.memory_space<vmem>> -> memref<128x128xf32, #tpu.memory_space<vmem>>
        %dma_wait3A_262 = arith.constant 0 : i32
        %dma_wait3A_263 = tpu.memref_slice %arg8[%run_scoped3A_233, %run_scoped3A_234, %dma_wait3A_262] : memref<2x2x128xi32, #tpu.memory_space<vmem>> -> memref<1x1x128xi32, #tpu.memory_space<vmem>>
        %dma_wait3A_264 = tpu.memref_squeeze %dma_wait3A_263 : memref<1x1x128xi32, #tpu.memory_space<vmem>> -> memref<128xi32, #tpu.memory_space<vmem>>
        %dma_wait3A_265 = arith.constant 0 : i32
        %dma_wait3A_266 = arith.constant 0 : i32
        %dma_wait3A_267 = tpu.memref_slice %arg10[%dma_wait3A_265, %dma_wait3A_266] : memref<10240x128xf32, #tpu.memory_space<vmem_shared>> -> memref<10240x128xf32, #tpu.memory_space<vmem_shared>>
        tpu.wait_indirect_dma semaphore(%run_scoped3A_247 : memref<!tpu.dma_semaphore, #tpu.memory_space<semaphore_mem>>) src(%dma_wait3A_261 : memref<128x128xf32, #tpu.memory_space<vmem>>) dst(%dma_wait3A_267 : memref<10240x128xf32, #tpu.memory_space<vmem_shared>>)
        tpu.yield
      }) : () -> ()
      %add3A_235 = arith.constant 1 : i32
      %add3A_236 = arith.addi %add3A_184, %add3A_235 : i32
      %lt3A_237 = arith.cmpi slt, %add3A_236, %select_n3A_10 : i32
      %convert_element_type3A_238 = arith.extui %lt3A_237 : i1 to i32
      %cond3A_239 = arith.constant 0 : i32
      %cond3A_240 = arith.cmpi ne, %convert_element_type3A_238, %cond3A_239 : i32
      scf.if %cond3A_240 {
        %dma_start3A_247 = arith.constant 0 : i32
        %dma_start3A_248 = arith.constant 1 : i32
        %dma_start3A_249 = arith.constant 1 : i32
        %dma_start3A_250 = arith.constant 1 : i32
        %dma_start3A_251 = arith.constant 0 : i32
        %dma_start3A_252 = arith.constant 0 : i32
        %dma_start3A_253 = tpu.memref_slice %arg9[%dma_start3A_249, %dma_start3A_251, %dma_start3A_252] : memref<2x128x128xf32, #tpu.memory_space<vmem>> -> memref<1x128x128xf32, #tpu.memory_space<vmem>>
        %dma_start3A_254 = tpu.memref_squeeze %dma_start3A_253 : memref<1x128x128xf32, #tpu.memory_space<vmem>> -> memref<128x128xf32, #tpu.memory_space<vmem>>
        %dma_start3A_255 = arith.constant 0 : i32
        %dma_start3A_256 = tpu.memref_slice %arg7[%dma_start3A_247, %dma_start3A_248, %dma_start3A_255] : memref<2x2x128xi32, #tpu.memory_space<vmem>> -> memref<1x1x128xi32, #tpu.memory_space<vmem>>
        %dma_start3A_257 = tpu.memref_squeeze %dma_start3A_256 : memref<1x1x128xi32, #tpu.memory_space<vmem>> -> memref<128xi32, #tpu.memory_space<vmem>>
        %dma_start3A_258 = arith.constant 0 : i32
        %dma_start3A_259 = arith.constant 0 : i32
        %dma_start3A_260 = tpu.memref_slice %arg2[%dma_start3A_258, %dma_start3A_259] : memref<10240x128xf32, #tpu.memory_space<hbm>> -> memref<10240x128xf32, #tpu.memory_space<hbm>>
        %dma_start3A_261 = tpu.memref_slice %arg11[%dma_start3A_250] : memref<2x!tpu.dma_semaphore, #tpu.memory_space<semaphore_mem>> -> memref<1x!tpu.dma_semaphore, #tpu.memory_space<semaphore_mem>>
        %dma_start3A_262 = tpu.memref_squeeze %dma_start3A_261 : memref<1x!tpu.dma_semaphore, #tpu.memory_space<semaphore_mem>> -> memref<!tpu.dma_semaphore, #tpu.memory_space<semaphore_mem>>
        tpu.enqueue_indirect_dma source(%dma_start3A_260 : memref<10240x128xf32, #tpu.memory_space<hbm>>) target(%dma_start3A_254 : memref<128x128xf32, #tpu.memory_space<vmem>>) offsets(%dma_start3A_257 : memref<128xi32, #tpu.memory_space<vmem>>) semaphore(%dma_start3A_262 : memref<!tpu.dma_semaphore, #tpu.memory_space<semaphore_mem>>)
      } else {
      }
      %add3A_241 = arith.constant 2 : i32
      %add3A_242 = arith.addi %add3A_184, %add3A_241 : i32
      %lt3A_243 = arith.cmpi slt, %add3A_242, %select_n3A_10 : i32
      %convert_element_type3A_244 = arith.extui %lt3A_243 : i1 to i32
      %cond3A_245 = arith.constant 0 : i32
      %cond3A_246 = arith.cmpi ne, %convert_element_type3A_244, %cond3A_245 : i32
      scf.if %cond3A_246 {
        %add3A_247 = arith.constant 2 : i32
        %add3A_248 = arith.addi %add3A_184, %add3A_247 : i32
        %mul3A_249 = arith.constant 2 : i32
        %mul3A_250 = arith.muli %add3A_248, %mul3A_249 : i32
        %add3A_251 = arith.addi %select_n3A, %mul3A_250 : i32
        %dma_start3A_252 = arith.constant 1 : i32
        %dma_start3A_253 = arith.constant 1 : i32
        %dma_start3A_254 = arith.constant 0 : i32
        %dma_start3A_255 = arith.constant 0 : i32
        %dma_start3A_256 = tpu.memref_slice %arg7[%dma_start3A_252, %dma_start3A_254, %dma_start3A_255] : memref<2x2x128xi32, #tpu.memory_space<vmem>> -> memref<1x2x128xi32, #tpu.memory_space<vmem>>
        %dma_start3A_257 = tpu.memref_squeeze %dma_start3A_256 : memref<1x2x128xi32, #tpu.memory_space<vmem>> -> memref<2x128xi32, #tpu.memory_space<vmem>>
        %dma_start3A_258 = arith.constant 0 : i32
        %dma_start3A_259 = tpu.memref_slice %arg3[%add3A_251, %dma_start3A_258] : memref<2560x128xi32, #tpu.memory_space<hbm>> -> memref<2x128xi32, #tpu.memory_space<hbm>>
        %dma_start3A_260 = tpu.memref_slice %arg12[%dma_start3A_253] : memref<2x!tpu.dma_semaphore, #tpu.memory_space<semaphore_mem>> -> memref<1x!tpu.dma_semaphore, #tpu.memory_space<semaphore_mem>>
        %dma_start3A_261 = tpu.memref_squeeze %dma_start3A_260 : memref<1x!tpu.dma_semaphore, #tpu.memory_space<semaphore_mem>> -> memref<!tpu.dma_semaphore, #tpu.memory_space<semaphore_mem>>
        %dma_start3A_262 = arith.constant 0 : i32
        %dma_start3A_263 = arith.constant 0 : i32
        %dma_start3A_264 = tpu.memref_slice %arg7[%dma_start3A_252, %dma_start3A_262, %dma_start3A_263] : memref<2x2x128xi32, #tpu.memory_space<vmem>> -> memref<1x2x128xi32, #tpu.memory_space<vmem>>
        %dma_start3A_265 = tpu.memref_squeeze %dma_start3A_264 : memref<1x2x128xi32, #tpu.memory_space<vmem>> -> memref<2x128xi32, #tpu.memory_space<vmem>>
        %dma_start3A_266 = arith.constant 0 : i32
        %dma_start3A_267 = tpu.memref_slice %arg3[%add3A_251, %dma_start3A_266] : memref<2560x128xi32, #tpu.memory_space<hbm>> -> memref<2x128xi32, #tpu.memory_space<hbm>>
        tpu.enqueue_dma source(%dma_start3A_267 : memref<2x128xi32, #tpu.memory_space<hbm>>) target(%dma_start3A_265 : memref<2x128xi32, #tpu.memory_space<vmem>>) target_semaphore(%dma_start3A_261 : memref<!tpu.dma_semaphore, #tpu.memory_space<semaphore_mem>>)
        %dma_start3A_268 = arith.constant 1 : i32
        %dma_start3A_269 = arith.constant 1 : i32
        %dma_start3A_270 = arith.constant 0 : i32
        %dma_start3A_271 = arith.constant 0 : i32
        %dma_start3A_272 = tpu.memref_slice %arg8[%dma_start3A_268, %dma_start3A_270, %dma_start3A_271] : memref<2x2x128xi32, #tpu.memory_space<vmem>> -> memref<1x2x128xi32, #tpu.memory_space<vmem>>
        %dma_start3A_273 = tpu.memref_squeeze %dma_start3A_272 : memref<1x2x128xi32, #tpu.memory_space<vmem>> -> memref<2x128xi32, #tpu.memory_space<vmem>>
        %dma_start3A_274 = arith.constant 0 : i32
        %dma_start3A_275 = tpu.memref_slice %arg4[%add3A_251, %dma_start3A_274] : memref<2560x128xi32, #tpu.memory_space<hbm>> -> memref<2x128xi32, #tpu.memory_space<hbm>>
        %dma_start3A_276 = tpu.memref_slice %arg12[%dma_start3A_269] : memref<2x!tpu.dma_semaphore, #tpu.memory_space<semaphore_mem>> -> memref<1x!tpu.dma_semaphore, #tpu.memory_space<semaphore_mem>>
        %dma_start3A_277 = tpu.memref_squeeze %dma_start3A_276 : memref<1x!tpu.dma_semaphore, #tpu.memory_space<semaphore_mem>> -> memref<!tpu.dma_semaphore, #tpu.memory_space<semaphore_mem>>
        %dma_start3A_278 = arith.constant 0 : i32
        %dma_start3A_279 = arith.constant 0 : i32
        %dma_start3A_280 = tpu.memref_slice %arg8[%dma_start3A_268, %dma_start3A_278, %dma_start3A_279] : memref<2x2x128xi32, #tpu.memory_space<vmem>> -> memref<1x2x128xi32, #tpu.memory_space<vmem>>
        %dma_start3A_281 = tpu.memref_squeeze %dma_start3A_280 : memref<1x2x128xi32, #tpu.memory_space<vmem>> -> memref<2x128xi32, #tpu.memory_space<vmem>>
        %dma_start3A_282 = arith.constant 0 : i32
        %dma_start3A_283 = tpu.memref_slice %arg4[%add3A_251, %dma_start3A_282] : memref<2560x128xi32, #tpu.memory_space<hbm>> -> memref<2x128xi32, #tpu.memory_space<hbm>>
        tpu.enqueue_dma source(%dma_start3A_283 : memref<2x128xi32, #tpu.memory_space<hbm>>) target(%dma_start3A_281 : memref<2x128xi32, #tpu.memory_space<vmem>>) target_semaphore(%dma_start3A_277 : memref<!tpu.dma_semaphore, #tpu.memory_space<semaphore_mem>>)
      } else {
      }
    }
    %while3A_114 = arith.constant 1 : i32
    scf.for %while3A_116 = %while3A_112 to %while3A_108 step %while3A_114  : i32 {
      %mul3A_117 = arith.muli %while3A_116, %while3A : i32
      %add3A_118 = arith.addi %while3A_105, %mul3A_117 : i32
      %mul3A_119 = arith.constant 2 : i32
      %mul3A_120 = arith.muli %add3A_118, %mul3A_119 : i32
      %add3A_121 = arith.constant 0 : i32
      %add3A_122 = arith.addi %mul3A_120, %add3A_121 : i32
      %add3A_123 = arith.constant 1 : i32
      %add3A_124 = arith.addi %add3A_122, %add3A_123 : i32
      %lt3A = arith.cmpi slt, %add3A_124, %select_n3A_10 : i32
      %convert_element_type3A = arith.extui %lt3A : i1 to i32
      %cond3A = arith.constant 0 : i32
      %cond3A_125 = arith.cmpi ne, %convert_element_type3A, %cond3A : i32
      scf.if %cond3A_125 {
        %dma_wait3A_247 = arith.constant 1 : i32
        %dma_wait3A_248 = arith.constant 1 : i32
        %dma_wait3A_249 = arith.constant 0 : i32
        %dma_wait3A_250 = arith.constant 0 : i32
        %dma_wait3A_251 = tpu.memref_slice %arg7[%dma_wait3A_247, %dma_wait3A_249, %dma_wait3A_250] : memref<2x2x128xi32, #tpu.memory_space<vmem>> -> memref<1x2x128xi32, #tpu.memory_space<vmem>>
        %dma_wait3A_252 = tpu.memref_squeeze %dma_wait3A_251 : memref<1x2x128xi32, #tpu.memory_space<vmem>> -> memref<2x128xi32, #tpu.memory_space<vmem>>
        %dma_wait3A_253 = arith.constant 0 : i32
        %dma_wait3A_254 = arith.constant 0 : i32
        %dma_wait3A_255 = tpu.memref_slice %arg3[%dma_wait3A_253, %dma_wait3A_254] : memref<2560x128xi32, #tpu.memory_space<hbm>> -> memref<2x128xi32, #tpu.memory_space<hbm>>
        %dma_wait3A_256 = tpu.memref_slice %arg12[%dma_wait3A_248] : memref<2x!tpu.dma_semaphore, #tpu.memory_space<semaphore_mem>> -> memref<1x!tpu.dma_semaphore, #tpu.memory_space<semaphore_mem>>
        %dma_wait3A_257 = tpu.memref_squeeze %dma_wait3A_256 : memref<1x!tpu.dma_semaphore, #tpu.memory_space<semaphore_mem>> -> memref<!tpu.dma_semaphore, #tpu.memory_space<semaphore_mem>>
        %dma_wait3A_258 = arith.constant 0 : i32
        %dma_wait3A_259 = arith.constant 0 : i32
        %dma_wait3A_260 = tpu.memref_slice %arg7[%dma_wait3A_247, %dma_wait3A_258, %dma_wait3A_259] : memref<2x2x128xi32, #tpu.memory_space<vmem>> -> memref<1x2x128xi32, #tpu.memory_space<vmem>>
        %dma_wait3A_261 = tpu.memref_squeeze %dma_wait3A_260 : memref<1x2x128xi32, #tpu.memory_space<vmem>> -> memref<2x128xi32, #tpu.memory_space<vmem>>
        %dma_wait3A_262 = arith.constant 0 : i32
        %dma_wait3A_263 = arith.constant 0 : i32
        %dma_wait3A_264 = tpu.memref_slice %arg3[%dma_wait3A_262, %dma_wait3A_263] : memref<2560x128xi32, #tpu.memory_space<hbm>> -> memref<2x128xi32, #tpu.memory_space<hbm>>
        tpu.wait_dma2 semaphore(%dma_wait3A_257 : memref<!tpu.dma_semaphore, #tpu.memory_space<semaphore_mem>>) src(%dma_wait3A_264 : memref<2x128xi32, #tpu.memory_space<hbm>>) dst(%dma_wait3A_261 : memref<2x128xi32, #tpu.memory_space<vmem>>)
        %dma_wait3A_265 = arith.constant 1 : i32
        %dma_wait3A_266 = arith.constant 1 : i32
        %dma_wait3A_267 = arith.constant 0 : i32
        %dma_wait3A_268 = arith.constant 0 : i32
        %dma_wait3A_269 = tpu.memref_slice %arg8[%dma_wait3A_265, %dma_wait3A_267, %dma_wait3A_268] : memref<2x2x128xi32, #tpu.memory_space<vmem>> -> memref<1x2x128xi32, #tpu.memory_space<vmem>>
        %dma_wait3A_270 = tpu.memref_squeeze %dma_wait3A_269 : memref<1x2x128xi32, #tpu.memory_space<vmem>> -> memref<2x128xi32, #tpu.memory_space<vmem>>
        %dma_wait3A_271 = arith.constant 0 : i32
        %dma_wait3A_272 = arith.constant 0 : i32
        %dma_wait3A_273 = tpu.memref_slice %arg4[%dma_wait3A_271, %dma_wait3A_272] : memref<2560x128xi32, #tpu.memory_space<hbm>> -> memref<2x128xi32, #tpu.memory_space<hbm>>
        %dma_wait3A_274 = tpu.memref_slice %arg12[%dma_wait3A_266] : memref<2x!tpu.dma_semaphore, #tpu.memory_space<semaphore_mem>> -> memref<1x!tpu.dma_semaphore, #tpu.memory_space<semaphore_mem>>
        %dma_wait3A_275 = tpu.memref_squeeze %dma_wait3A_274 : memref<1x!tpu.dma_semaphore, #tpu.memory_space<semaphore_mem>> -> memref<!tpu.dma_semaphore, #tpu.memory_space<semaphore_mem>>
        %dma_wait3A_276 = arith.constant 0 : i32
        %dma_wait3A_277 = arith.constant 0 : i32
        %dma_wait3A_278 = tpu.memref_slice %arg8[%dma_wait3A_265, %dma_wait3A_276, %dma_wait3A_277] : memref<2x2x128xi32, #tpu.memory_space<vmem>> -> memref<1x2x128xi32, #tpu.memory_space<vmem>>
        %dma_wait3A_279 = tpu.memref_squeeze %dma_wait3A_278 : memref<1x2x128xi32, #tpu.memory_space<vmem>> -> memref<2x128xi32, #tpu.memory_space<vmem>>
        %dma_wait3A_280 = arith.constant 0 : i32
        %dma_wait3A_281 = arith.constant 0 : i32
        %dma_wait3A_282 = tpu.memref_slice %arg4[%dma_wait3A_280, %dma_wait3A_281] : memref<2560x128xi32, #tpu.memory_space<hbm>> -> memref<2x128xi32, #tpu.memory_space<hbm>>
        tpu.wait_dma2 semaphore(%dma_wait3A_275 : memref<!tpu.dma_semaphore, #tpu.memory_space<semaphore_mem>>) src(%dma_wait3A_282 : memref<2x128xi32, #tpu.memory_space<hbm>>) dst(%dma_wait3A_279 : memref<2x128xi32, #tpu.memory_space<vmem>>)
      } else {
      }
      %dma_wait3A = arith.constant 0 : i32
      %dma_wait3A_126 = arith.constant 0 : i32
      %dma_wait3A_127 = arith.constant 0 : i32
      %dma_wait3A_128 = arith.constant 0 : i32
      %dma_wait3A_129 = arith.constant 0 : i32
      %dma_wait3A_130 = arith.constant 0 : i32
      %dma_wait3A_131 = tpu.memref_slice %arg9[%dma_wait3A_127, %dma_wait3A_129, %dma_wait3A_130] : memref<2x128x128xf32, #tpu.memory_space<vmem>> -> memref<1x128x128xf32, #tpu.memory_space<vmem>>
      %dma_wait3A_132 = tpu.memref_squeeze %dma_wait3A_131 : memref<1x128x128xf32, #tpu.memory_space<vmem>> -> memref<128x128xf32, #tpu.memory_space<vmem>>
      %dma_wait3A_133 = arith.constant 0 : i32
      %dma_wait3A_134 = tpu.memref_slice %arg7[%dma_wait3A, %dma_wait3A_126, %dma_wait3A_133] : memref<2x2x128xi32, #tpu.memory_space<vmem>> -> memref<1x1x128xi32, #tpu.memory_space<vmem>>
      %dma_wait3A_135 = tpu.memref_squeeze %dma_wait3A_134 : memref<1x1x128xi32, #tpu.memory_space<vmem>> -> memref<128xi32, #tpu.memory_space<vmem>>
      %dma_wait3A_136 = arith.constant 0 : i32
      %dma_wait3A_137 = arith.constant 0 : i32
      %dma_wait3A_138 = tpu.memref_slice %arg2[%dma_wait3A_136, %dma_wait3A_137] : memref<10240x128xf32, #tpu.memory_space<hbm>> -> memref<10240x128xf32, #tpu.memory_space<hbm>>
      %dma_wait3A_139 = tpu.memref_slice %arg11[%dma_wait3A_128] : memref<2x!tpu.dma_semaphore, #tpu.memory_space<semaphore_mem>> -> memref<1x!tpu.dma_semaphore, #tpu.memory_space<semaphore_mem>>
      %dma_wait3A_140 = tpu.memref_squeeze %dma_wait3A_139 : memref<1x!tpu.dma_semaphore, #tpu.memory_space<semaphore_mem>> -> memref<!tpu.dma_semaphore, #tpu.memory_space<semaphore_mem>>
      tpu.wait_indirect_dma semaphore(%dma_wait3A_140 : memref<!tpu.dma_semaphore, #tpu.memory_space<semaphore_mem>>) src(%dma_wait3A_138 : memref<10240x128xf32, #tpu.memory_space<hbm>>) dst(%dma_wait3A_132 : memref<128x128xf32, #tpu.memory_space<vmem>>)
      %run_scoped3A_141 = arith.constant 0 : i32
      %run_scoped3A_142 = arith.constant 0 : i32
      %run_scoped3A_143 = arith.constant 0 : i32
      "tpu.region"() ({
        %run_scoped3A_247 = tpu.sem_alloc : memref<!tpu.dma_semaphore, #tpu.memory_space<semaphore_mem>>
        %dma_start3A_248 = arith.constant 0 : i32
        %dma_start3A_249 = arith.constant 0 : i32
        %dma_start3A_250 = tpu.memref_slice %arg9[%run_scoped3A_141, %dma_start3A_248, %dma_start3A_249] : memref<2x128x128xf32, #tpu.memory_space<vmem>> -> memref<1x128x128xf32, #tpu.memory_space<vmem>>
        %dma_start3A_251 = tpu.memref_squeeze %dma_start3A_250 : memref<1x128x128xf32, #tpu.memory_space<vmem>> -> memref<128x128xf32, #tpu.memory_space<vmem>>
        %dma_start3A_252 = arith.constant 0 : i32
        %dma_start3A_253 = tpu.memref_slice %arg8[%run_scoped3A_142, %run_scoped3A_143, %dma_start3A_252] : memref<2x2x128xi32, #tpu.memory_space<vmem>> -> memref<1x1x128xi32, #tpu.memory_space<vmem>>
        %dma_start3A_254 = tpu.memref_squeeze %dma_start3A_253 : memref<1x1x128xi32, #tpu.memory_space<vmem>> -> memref<128xi32, #tpu.memory_space<vmem>>
        %dma_start3A_255 = arith.constant 0 : i32
        %dma_start3A_256 = arith.constant 0 : i32
        %dma_start3A_257 = tpu.memref_slice %arg10[%dma_start3A_255, %dma_start3A_256] : memref<10240x128xf32, #tpu.memory_space<vmem_shared>> -> memref<10240x128xf32, #tpu.memory_space<vmem_shared>>
        tpu.enqueue_indirect_dma source(%dma_start3A_251 : memref<128x128xf32, #tpu.memory_space<vmem>>) target(%dma_start3A_257 : memref<10240x128xf32, #tpu.memory_space<vmem_shared>>) offsets(%dma_start3A_254 : memref<128xi32, #tpu.memory_space<vmem>>) semaphore(%run_scoped3A_247 : memref<!tpu.dma_semaphore, #tpu.memory_space<semaphore_mem>>) {add = true}
        %dma_wait3A_258 = arith.constant 0 : i32
        %dma_wait3A_259 = arith.constant 0 : i32
        %dma_wait3A_260 = tpu.memref_slice %arg9[%run_scoped3A_141, %dma_wait3A_258, %dma_wait3A_259] : memref<2x128x128xf32, #tpu.memory_space<vmem>> -> memref<1x128x128xf32, #tpu.memory_space<vmem>>
        %dma_wait3A_261 = tpu.memref_squeeze %dma_wait3A_260 : memref<1x128x128xf32, #tpu.memory_space<vmem>> -> memref<128x128xf32, #tpu.memory_space<vmem>>
        %dma_wait3A_262 = arith.constant 0 : i32
        %dma_wait3A_263 = tpu.memref_slice %arg8[%run_scoped3A_142, %run_scoped3A_143, %dma_wait3A_262] : memref<2x2x128xi32, #tpu.memory_space<vmem>> -> memref<1x1x128xi32, #tpu.memory_space<vmem>>
        %dma_wait3A_264 = tpu.memref_squeeze %dma_wait3A_263 : memref<1x1x128xi32, #tpu.memory_space<vmem>> -> memref<128xi32, #tpu.memory_space<vmem>>
        %dma_wait3A_265 = arith.constant 0 : i32
        %dma_wait3A_266 = arith.constant 0 : i32
        %dma_wait3A_267 = tpu.memref_slice %arg10[%dma_wait3A_265, %dma_wait3A_266] : memref<10240x128xf32, #tpu.memory_space<vmem_shared>> -> memref<10240x128xf32, #tpu.memory_space<vmem_shared>>
        tpu.wait_indirect_dma semaphore(%run_scoped3A_247 : memref<!tpu.dma_semaphore, #tpu.memory_space<semaphore_mem>>) src(%dma_wait3A_261 : memref<128x128xf32, #tpu.memory_space<vmem>>) dst(%dma_wait3A_267 : memref<10240x128xf32, #tpu.memory_space<vmem_shared>>)
        tpu.yield
      }) : () -> ()
      %add3A_144 = arith.constant 1 : i32
      %add3A_145 = arith.addi %add3A_122, %add3A_144 : i32
      %lt3A_146 = arith.cmpi slt, %add3A_145, %select_n3A_10 : i32
      %convert_element_type3A_147 = arith.extui %lt3A_146 : i1 to i32
      %cond3A_148 = arith.constant 0 : i32
      %cond3A_149 = arith.cmpi ne, %convert_element_type3A_147, %cond3A_148 : i32
      scf.if %cond3A_149 {
        %dma_start3A_247 = arith.constant 1 : i32
        %dma_start3A_248 = arith.constant 0 : i32
        %dma_start3A_249 = arith.constant 0 : i32
        %dma_start3A_250 = arith.constant 0 : i32
        %dma_start3A_251 = arith.constant 0 : i32
        %dma_start3A_252 = arith.constant 0 : i32
        %dma_start3A_253 = tpu.memref_slice %arg9[%dma_start3A_249, %dma_start3A_251, %dma_start3A_252] : memref<2x128x128xf32, #tpu.memory_space<vmem>> -> memref<1x128x128xf32, #tpu.memory_space<vmem>>
        %dma_start3A_254 = tpu.memref_squeeze %dma_start3A_253 : memref<1x128x128xf32, #tpu.memory_space<vmem>> -> memref<128x128xf32, #tpu.memory_space<vmem>>
        %dma_start3A_255 = arith.constant 0 : i32
        %dma_start3A_256 = tpu.memref_slice %arg7[%dma_start3A_247, %dma_start3A_248, %dma_start3A_255] : memref<2x2x128xi32, #tpu.memory_space<vmem>> -> memref<1x1x128xi32, #tpu.memory_space<vmem>>
        %dma_start3A_257 = tpu.memref_squeeze %dma_start3A_256 : memref<1x1x128xi32, #tpu.memory_space<vmem>> -> memref<128xi32, #tpu.memory_space<vmem>>
        %dma_start3A_258 = arith.constant 0 : i32
        %dma_start3A_259 = arith.constant 0 : i32
        %dma_start3A_260 = tpu.memref_slice %arg2[%dma_start3A_258, %dma_start3A_259] : memref<10240x128xf32, #tpu.memory_space<hbm>> -> memref<10240x128xf32, #tpu.memory_space<hbm>>
        %dma_start3A_261 = tpu.memref_slice %arg11[%dma_start3A_250] : memref<2x!tpu.dma_semaphore, #tpu.memory_space<semaphore_mem>> -> memref<1x!tpu.dma_semaphore, #tpu.memory_space<semaphore_mem>>
        %dma_start3A_262 = tpu.memref_squeeze %dma_start3A_261 : memref<1x!tpu.dma_semaphore, #tpu.memory_space<semaphore_mem>> -> memref<!tpu.dma_semaphore, #tpu.memory_space<semaphore_mem>>
        tpu.enqueue_indirect_dma source(%dma_start3A_260 : memref<10240x128xf32, #tpu.memory_space<hbm>>) target(%dma_start3A_254 : memref<128x128xf32, #tpu.memory_space<vmem>>) offsets(%dma_start3A_257 : memref<128xi32, #tpu.memory_space<vmem>>) semaphore(%dma_start3A_262 : memref<!tpu.dma_semaphore, #tpu.memory_space<semaphore_mem>>)
      } else {
      }
      %dma_wait3A_150 = arith.constant 0 : i32
      %dma_wait3A_151 = arith.constant 1 : i32
      %dma_wait3A_152 = arith.constant 1 : i32
      %dma_wait3A_153 = arith.constant 1 : i32
      %dma_wait3A_154 = arith.constant 0 : i32
      %dma_wait3A_155 = arith.constant 0 : i32
      %dma_wait3A_156 = tpu.memref_slice %arg9[%dma_wait3A_152, %dma_wait3A_154, %dma_wait3A_155] : memref<2x128x128xf32, #tpu.memory_space<vmem>> -> memref<1x128x128xf32, #tpu.memory_space<vmem>>
      %dma_wait3A_157 = tpu.memref_squeeze %dma_wait3A_156 : memref<1x128x128xf32, #tpu.memory_space<vmem>> -> memref<128x128xf32, #tpu.memory_space<vmem>>
      %dma_wait3A_158 = arith.constant 0 : i32
      %dma_wait3A_159 = tpu.memref_slice %arg7[%dma_wait3A_150, %dma_wait3A_151, %dma_wait3A_158] : memref<2x2x128xi32, #tpu.memory_space<vmem>> -> memref<1x1x128xi32, #tpu.memory_space<vmem>>
      %dma_wait3A_160 = tpu.memref_squeeze %dma_wait3A_159 : memref<1x1x128xi32, #tpu.memory_space<vmem>> -> memref<128xi32, #tpu.memory_space<vmem>>
      %dma_wait3A_161 = arith.constant 0 : i32
      %dma_wait3A_162 = arith.constant 0 : i32
      %dma_wait3A_163 = tpu.memref_slice %arg2[%dma_wait3A_161, %dma_wait3A_162] : memref<10240x128xf32, #tpu.memory_space<hbm>> -> memref<10240x128xf32, #tpu.memory_space<hbm>>
      %dma_wait3A_164 = tpu.memref_slice %arg11[%dma_wait3A_153] : memref<2x!tpu.dma_semaphore, #tpu.memory_space<semaphore_mem>> -> memref<1x!tpu.dma_semaphore, #tpu.memory_space<semaphore_mem>>
      %dma_wait3A_165 = tpu.memref_squeeze %dma_wait3A_164 : memref<1x!tpu.dma_semaphore, #tpu.memory_space<semaphore_mem>> -> memref<!tpu.dma_semaphore, #tpu.memory_space<semaphore_mem>>
      tpu.wait_indirect_dma semaphore(%dma_wait3A_165 : memref<!tpu.dma_semaphore, #tpu.memory_space<semaphore_mem>>) src(%dma_wait3A_163 : memref<10240x128xf32, #tpu.memory_space<hbm>>) dst(%dma_wait3A_157 : memref<128x128xf32, #tpu.memory_space<vmem>>)
      %run_scoped3A_166 = arith.constant 1 : i32
      %run_scoped3A_167 = arith.constant 0 : i32
      %run_scoped3A_168 = arith.constant 1 : i32
      "tpu.region"() ({
        %run_scoped3A_247 = tpu.sem_alloc : memref<!tpu.dma_semaphore, #tpu.memory_space<semaphore_mem>>
        %dma_start3A_248 = arith.constant 0 : i32
        %dma_start3A_249 = arith.constant 0 : i32
        %dma_start3A_250 = tpu.memref_slice %arg9[%run_scoped3A_166, %dma_start3A_248, %dma_start3A_249] : memref<2x128x128xf32, #tpu.memory_space<vmem>> -> memref<1x128x128xf32, #tpu.memory_space<vmem>>
        %dma_start3A_251 = tpu.memref_squeeze %dma_start3A_250 : memref<1x128x128xf32, #tpu.memory_space<vmem>> -> memref<128x128xf32, #tpu.memory_space<vmem>>
        %dma_start3A_252 = arith.constant 0 : i32
        %dma_start3A_253 = tpu.memref_slice %arg8[%run_scoped3A_167, %run_scoped3A_168, %dma_start3A_252] : memref<2x2x128xi32, #tpu.memory_space<vmem>> -> memref<1x1x128xi32, #tpu.memory_space<vmem>>
        %dma_start3A_254 = tpu.memref_squeeze %dma_start3A_253 : memref<1x1x128xi32, #tpu.memory_space<vmem>> -> memref<128xi32, #tpu.memory_space<vmem>>
        %dma_start3A_255 = arith.constant 0 : i32
        %dma_start3A_256 = arith.constant 0 : i32
        %dma_start3A_257 = tpu.memref_slice %arg10[%dma_start3A_255, %dma_start3A_256] : memref<10240x128xf32, #tpu.memory_space<vmem_shared>> -> memref<10240x128xf32, #tpu.memory_space<vmem_shared>>
        tpu.enqueue_indirect_dma source(%dma_start3A_251 : memref<128x128xf32, #tpu.memory_space<vmem>>) target(%dma_start3A_257 : memref<10240x128xf32, #tpu.memory_space<vmem_shared>>) offsets(%dma_start3A_254 : memref<128xi32, #tpu.memory_space<vmem>>) semaphore(%run_scoped3A_247 : memref<!tpu.dma_semaphore, #tpu.memory_space<semaphore_mem>>) {add = true}
        %dma_wait3A_258 = arith.constant 0 : i32
        %dma_wait3A_259 = arith.constant 0 : i32
        %dma_wait3A_260 = tpu.memref_slice %arg9[%run_scoped3A_166, %dma_wait3A_258, %dma_wait3A_259] : memref<2x128x128xf32, #tpu.memory_space<vmem>> -> memref<1x128x128xf32, #tpu.memory_space<vmem>>
        %dma_wait3A_261 = tpu.memref_squeeze %dma_wait3A_260 : memref<1x128x128xf32, #tpu.memory_space<vmem>> -> memref<128x128xf32, #tpu.memory_space<vmem>>
        %dma_wait3A_262 = arith.constant 0 : i32
        %dma_wait3A_263 = tpu.memref_slice %arg8[%run_scoped3A_167, %run_scoped3A_168, %dma_wait3A_262] : memref<2x2x128xi32, #tpu.memory_space<vmem>> -> memref<1x1x128xi32, #tpu.memory_space<vmem>>
        %dma_wait3A_264 = tpu.memref_squeeze %dma_wait3A_263 : memref<1x1x128xi32, #tpu.memory_space<vmem>> -> memref<128xi32, #tpu.memory_space<vmem>>
        %dma_wait3A_265 = arith.constant 0 : i32
        %dma_wait3A_266 = arith.constant 0 : i32
        %dma_wait3A_267 = tpu.memref_slice %arg10[%dma_wait3A_265, %dma_wait3A_266] : memref<10240x128xf32, #tpu.memory_space<vmem_shared>> -> memref<10240x128xf32, #tpu.memory_space<vmem_shared>>
        tpu.wait_indirect_dma semaphore(%run_scoped3A_247 : memref<!tpu.dma_semaphore, #tpu.memory_space<semaphore_mem>>) src(%dma_wait3A_261 : memref<128x128xf32, #tpu.memory_space<vmem>>) dst(%dma_wait3A_267 : memref<10240x128xf32, #tpu.memory_space<vmem_shared>>)
        tpu.yield
      }) : () -> ()
      %add3A_169 = arith.constant 1 : i32
      %add3A_170 = arith.addi %add3A_122, %add3A_169 : i32
      %lt3A_171 = arith.cmpi slt, %add3A_170, %select_n3A_10 : i32
      %convert_element_type3A_172 = arith.extui %lt3A_171 : i1 to i32
      %cond3A_173 = arith.constant 0 : i32
      %cond3A_174 = arith.cmpi ne, %convert_element_type3A_172, %cond3A_173 : i32
      scf.if %cond3A_174 {
        %dma_start3A_247 = arith.constant 1 : i32
        %dma_start3A_248 = arith.constant 1 : i32
        %dma_start3A_249 = arith.constant 1 : i32
        %dma_start3A_250 = arith.constant 1 : i32
        %dma_start3A_251 = arith.constant 0 : i32
        %dma_start3A_252 = arith.constant 0 : i32
        %dma_start3A_253 = tpu.memref_slice %arg9[%dma_start3A_249, %dma_start3A_251, %dma_start3A_252] : memref<2x128x128xf32, #tpu.memory_space<vmem>> -> memref<1x128x128xf32, #tpu.memory_space<vmem>>
        %dma_start3A_254 = tpu.memref_squeeze %dma_start3A_253 : memref<1x128x128xf32, #tpu.memory_space<vmem>> -> memref<128x128xf32, #tpu.memory_space<vmem>>
        %dma_start3A_255 = arith.constant 0 : i32
        %dma_start3A_256 = tpu.memref_slice %arg7[%dma_start3A_247, %dma_start3A_248, %dma_start3A_255] : memref<2x2x128xi32, #tpu.memory_space<vmem>> -> memref<1x1x128xi32, #tpu.memory_space<vmem>>
        %dma_start3A_257 = tpu.memref_squeeze %dma_start3A_256 : memref<1x1x128xi32, #tpu.memory_space<vmem>> -> memref<128xi32, #tpu.memory_space<vmem>>
        %dma_start3A_258 = arith.constant 0 : i32
        %dma_start3A_259 = arith.constant 0 : i32
        %dma_start3A_260 = tpu.memref_slice %arg2[%dma_start3A_258, %dma_start3A_259] : memref<10240x128xf32, #tpu.memory_space<hbm>> -> memref<10240x128xf32, #tpu.memory_space<hbm>>
        %dma_start3A_261 = tpu.memref_slice %arg11[%dma_start3A_250] : memref<2x!tpu.dma_semaphore, #tpu.memory_space<semaphore_mem>> -> memref<1x!tpu.dma_semaphore, #tpu.memory_space<semaphore_mem>>
        %dma_start3A_262 = tpu.memref_squeeze %dma_start3A_261 : memref<1x!tpu.dma_semaphore, #tpu.memory_space<semaphore_mem>> -> memref<!tpu.dma_semaphore, #tpu.memory_space<semaphore_mem>>
        tpu.enqueue_indirect_dma source(%dma_start3A_260 : memref<10240x128xf32, #tpu.memory_space<hbm>>) target(%dma_start3A_254 : memref<128x128xf32, #tpu.memory_space<vmem>>) offsets(%dma_start3A_257 : memref<128xi32, #tpu.memory_space<vmem>>) semaphore(%dma_start3A_262 : memref<!tpu.dma_semaphore, #tpu.memory_space<semaphore_mem>>)
      } else {
      }
      %add3A_175 = arith.constant 2 : i32
      %add3A_176 = arith.addi %add3A_122, %add3A_175 : i32
      %lt3A_177 = arith.cmpi slt, %add3A_176, %select_n3A_10 : i32
      %convert_element_type3A_178 = arith.extui %lt3A_177 : i1 to i32
      %cond3A_179 = arith.constant 0 : i32
      %cond3A_180 = arith.cmpi ne, %convert_element_type3A_178, %cond3A_179 : i32
      scf.if %cond3A_180 {
        %add3A_247 = arith.constant 2 : i32
        %add3A_248 = arith.addi %add3A_122, %add3A_247 : i32
        %mul3A_249 = arith.constant 2 : i32
        %mul3A_250 = arith.muli %add3A_248, %mul3A_249 : i32
        %add3A_251 = arith.addi %select_n3A, %mul3A_250 : i32
        %dma_start3A_252 = arith.constant 0 : i32
        %dma_start3A_253 = arith.constant 0 : i32
        %dma_start3A_254 = arith.constant 0 : i32
        %dma_start3A_255 = arith.constant 0 : i32
        %dma_start3A_256 = tpu.memref_slice %arg7[%dma_start3A_252, %dma_start3A_254, %dma_start3A_255] : memref<2x2x128xi32, #tpu.memory_space<vmem>> -> memref<1x2x128xi32, #tpu.memory_space<vmem>>
        %dma_start3A_257 = tpu.memref_squeeze %dma_start3A_256 : memref<1x2x128xi32, #tpu.memory_space<vmem>> -> memref<2x128xi32, #tpu.memory_space<vmem>>
        %dma_start3A_258 = arith.constant 0 : i32
        %dma_start3A_259 = tpu.memref_slice %arg3[%add3A_251, %dma_start3A_258] : memref<2560x128xi32, #tpu.memory_space<hbm>> -> memref<2x128xi32, #tpu.memory_space<hbm>>
        %dma_start3A_260 = tpu.memref_slice %arg12[%dma_start3A_253] : memref<2x!tpu.dma_semaphore, #tpu.memory_space<semaphore_mem>> -> memref<1x!tpu.dma_semaphore, #tpu.memory_space<semaphore_mem>>
        %dma_start3A_261 = tpu.memref_squeeze %dma_start3A_260 : memref<1x!tpu.dma_semaphore, #tpu.memory_space<semaphore_mem>> -> memref<!tpu.dma_semaphore, #tpu.memory_space<semaphore_mem>>
        %dma_start3A_262 = arith.constant 0 : i32
        %dma_start3A_263 = arith.constant 0 : i32
        %dma_start3A_264 = tpu.memref_slice %arg7[%dma_start3A_252, %dma_start3A_262, %dma_start3A_263] : memref<2x2x128xi32, #tpu.memory_space<vmem>> -> memref<1x2x128xi32, #tpu.memory_space<vmem>>
        %dma_start3A_265 = tpu.memref_squeeze %dma_start3A_264 : memref<1x2x128xi32, #tpu.memory_space<vmem>> -> memref<2x128xi32, #tpu.memory_space<vmem>>
        %dma_start3A_266 = arith.constant 0 : i32
        %dma_start3A_267 = tpu.memref_slice %arg3[%add3A_251, %dma_start3A_266] : memref<2560x128xi32, #tpu.memory_space<hbm>> -> memref<2x128xi32, #tpu.memory_space<hbm>>
        tpu.enqueue_dma source(%dma_start3A_267 : memref<2x128xi32, #tpu.memory_space<hbm>>) target(%dma_start3A_265 : memref<2x128xi32, #tpu.memory_space<vmem>>) target_semaphore(%dma_start3A_261 : memref<!tpu.dma_semaphore, #tpu.memory_space<semaphore_mem>>)
        %dma_start3A_268 = arith.constant 0 : i32
        %dma_start3A_269 = arith.constant 0 : i32
        %dma_start3A_270 = arith.constant 0 : i32
        %dma_start3A_271 = arith.constant 0 : i32
        %dma_start3A_272 = tpu.memref_slice %arg8[%dma_start3A_268, %dma_start3A_270, %dma_start3A_271] : memref<2x2x128xi32, #tpu.memory_space<vmem>> -> memref<1x2x128xi32, #tpu.memory_space<vmem>>
        %dma_start3A_273 = tpu.memref_squeeze %dma_start3A_272 : memref<1x2x128xi32, #tpu.memory_space<vmem>> -> memref<2x128xi32, #tpu.memory_space<vmem>>
        %dma_start3A_274 = arith.constant 0 : i32
        %dma_start3A_275 = tpu.memref_slice %arg4[%add3A_251, %dma_start3A_274] : memref<2560x128xi32, #tpu.memory_space<hbm>> -> memref<2x128xi32, #tpu.memory_space<hbm>>
        %dma_start3A_276 = tpu.memref_slice %arg12[%dma_start3A_269] : memref<2x!tpu.dma_semaphore, #tpu.memory_space<semaphore_mem>> -> memref<1x!tpu.dma_semaphore, #tpu.memory_space<semaphore_mem>>
        %dma_start3A_277 = tpu.memref_squeeze %dma_start3A_276 : memref<1x!tpu.dma_semaphore, #tpu.memory_space<semaphore_mem>> -> memref<!tpu.dma_semaphore, #tpu.memory_space<semaphore_mem>>
        %dma_start3A_278 = arith.constant 0 : i32
        %dma_start3A_279 = arith.constant 0 : i32
        %dma_start3A_280 = tpu.memref_slice %arg8[%dma_start3A_268, %dma_start3A_278, %dma_start3A_279] : memref<2x2x128xi32, #tpu.memory_space<vmem>> -> memref<1x2x128xi32, #tpu.memory_space<vmem>>
        %dma_start3A_281 = tpu.memref_squeeze %dma_start3A_280 : memref<1x2x128xi32, #tpu.memory_space<vmem>> -> memref<2x128xi32, #tpu.memory_space<vmem>>
        %dma_start3A_282 = arith.constant 0 : i32
        %dma_start3A_283 = tpu.memref_slice %arg4[%add3A_251, %dma_start3A_282] : memref<2560x128xi32, #tpu.memory_space<hbm>> -> memref<2x128xi32, #tpu.memory_space<hbm>>
        tpu.enqueue_dma source(%dma_start3A_283 : memref<2x128xi32, #tpu.memory_space<hbm>>) target(%dma_start3A_281 : memref<2x128xi32, #tpu.memory_space<vmem>>) target_semaphore(%dma_start3A_277 : memref<!tpu.dma_semaphore, #tpu.memory_space<semaphore_mem>>)
      } else {
      }
      %mul3A_181 = arith.constant 2 : i32
      %mul3A_182 = arith.muli %add3A_118, %mul3A_181 : i32
      %add3A_183 = arith.constant 1 : i32
      %add3A_184 = arith.addi %mul3A_182, %add3A_183 : i32
      %add3A_185 = arith.constant 1 : i32
      %add3A_186 = arith.addi %add3A_184, %add3A_185 : i32
      %lt3A_187 = arith.cmpi slt, %add3A_186, %select_n3A_10 : i32
      %convert_element_type3A_188 = arith.extui %lt3A_187 : i1 to i32
      %cond3A_189 = arith.constant 0 : i32
      %cond3A_190 = arith.cmpi ne, %convert_element_type3A_188, %cond3A_189 : i32
      scf.if %cond3A_190 {
        %dma_wait3A_247 = arith.constant 0 : i32
        %dma_wait3A_248 = arith.constant 0 : i32
        %dma_wait3A_249 = arith.constant 0 : i32
        %dma_wait3A_250 = arith.constant 0 : i32
        %dma_wait3A_251 = tpu.memref_slice %arg7[%dma_wait3A_247, %dma_wait3A_249, %dma_wait3A_250] : memref<2x2x128xi32, #tpu.memory_space<vmem>> -> memref<1x2x128xi32, #tpu.memory_space<vmem>>
        %dma_wait3A_252 = tpu.memref_squeeze %dma_wait3A_251 : memref<1x2x128xi32, #tpu.memory_space<vmem>> -> memref<2x128xi32, #tpu.memory_space<vmem>>
        %dma_wait3A_253 = arith.constant 0 : i32
        %dma_wait3A_254 = arith.constant 0 : i32
        %dma_wait3A_255 = tpu.memref_slice %arg3[%dma_wait3A_253, %dma_wait3A_254] : memref<2560x128xi32, #tpu.memory_space<hbm>> -> memref<2x128xi32, #tpu.memory_space<hbm>>
        %dma_wait3A_256 = tpu.memref_slice %arg12[%dma_wait3A_248] : memref<2x!tpu.dma_semaphore, #tpu.memory_space<semaphore_mem>> -> memref<1x!tpu.dma_semaphore, #tpu.memory_space<semaphore_mem>>
        %dma_wait3A_257 = tpu.memref_squeeze %dma_wait3A_256 : memref<1x!tpu.dma_semaphore, #tpu.memory_space<semaphore_mem>> -> memref<!tpu.dma_semaphore, #tpu.memory_space<semaphore_mem>>
        %dma_wait3A_258 = arith.constant 0 : i32
        %dma_wait3A_259 = arith.constant 0 : i32
        %dma_wait3A_260 = tpu.memref_slice %arg7[%dma_wait3A_247, %dma_wait3A_258, %dma_wait3A_259] : memref<2x2x128xi32, #tpu.memory_space<vmem>> -> memref<1x2x128xi32, #tpu.memory_space<vmem>>
        %dma_wait3A_261 = tpu.memref_squeeze %dma_wait3A_260 : memref<1x2x128xi32, #tpu.memory_space<vmem>> -> memref<2x128xi32, #tpu.memory_space<vmem>>
        %dma_wait3A_262 = arith.constant 0 : i32
        %dma_wait3A_263 = arith.constant 0 : i32
        %dma_wait3A_264 = tpu.memref_slice %arg3[%dma_wait3A_262, %dma_wait3A_263] : memref<2560x128xi32, #tpu.memory_space<hbm>> -> memref<2x128xi32, #tpu.memory_space<hbm>>
        tpu.wait_dma2 semaphore(%dma_wait3A_257 : memref<!tpu.dma_semaphore, #tpu.memory_space<semaphore_mem>>) src(%dma_wait3A_264 : memref<2x128xi32, #tpu.memory_space<hbm>>) dst(%dma_wait3A_261 : memref<2x128xi32, #tpu.memory_space<vmem>>)
        %dma_wait3A_265 = arith.constant 0 : i32
        %dma_wait3A_266 = arith.constant 0 : i32
        %dma_wait3A_267 = arith.constant 0 : i32
        %dma_wait3A_268 = arith.constant 0 : i32
        %dma_wait3A_269 = tpu.memref_slice %arg8[%dma_wait3A_265, %dma_wait3A_267, %dma_wait3A_268] : memref<2x2x128xi32, #tpu.memory_space<vmem>> -> memref<1x2x128xi32, #tpu.memory_space<vmem>>
        %dma_wait3A_270 = tpu.memref_squeeze %dma_wait3A_269 : memref<1x2x128xi32, #tpu.memory_space<vmem>> -> memref<2x128xi32, #tpu.memory_space<vmem>>
        %dma_wait3A_271 = arith.constant 0 : i32
        %dma_wait3A_272 = arith.constant 0 : i32
        %dma_wait3A_273 = tpu.memref_slice %arg4[%dma_wait3A_271, %dma_wait3A_272] : memref<2560x128xi32, #tpu.memory_space<hbm>> -> memref<2x128xi32, #tpu.memory_space<hbm>>
        %dma_wait3A_274 = tpu.memref_slice %arg12[%dma_wait3A_266] : memref<2x!tpu.dma_semaphore, #tpu.memory_space<semaphore_mem>> -> memref<1x!tpu.dma_semaphore, #tpu.memory_space<semaphore_mem>>
        %dma_wait3A_275 = tpu.memref_squeeze %dma_wait3A_274 : memref<1x!tpu.dma_semaphore, #tpu.memory_space<semaphore_mem>> -> memref<!tpu.dma_semaphore, #tpu.memory_space<semaphore_mem>>
        %dma_wait3A_276 = arith.constant 0 : i32
        %dma_wait3A_277 = arith.constant 0 : i32
        %dma_wait3A_278 = tpu.memref_slice %arg8[%dma_wait3A_265, %dma_wait3A_276, %dma_wait3A_277] : memref<2x2x128xi32, #tpu.memory_space<vmem>> -> memref<1x2x128xi32, #tpu.memory_space<vmem>>
        %dma_wait3A_279 = tpu.memref_squeeze %dma_wait3A_278 : memref<1x2x128xi32, #tpu.memory_space<vmem>> -> memref<2x128xi32, #tpu.memory_space<vmem>>
        %dma_wait3A_280 = arith.constant 0 : i32
        %dma_wait3A_281 = arith.constant 0 : i32
        %dma_wait3A_282 = tpu.memref_slice %arg4[%dma_wait3A_280, %dma_wait3A_281] : memref<2560x128xi32, #tpu.memory_space<hbm>> -> memref<2x128xi32, #tpu.memory_space<hbm>>
        tpu.wait_dma2 semaphore(%dma_wait3A_275 : memref<!tpu.dma_semaphore, #tpu.memory_space<semaphore_mem>>) src(%dma_wait3A_282 : memref<2x128xi32, #tpu.memory_space<hbm>>) dst(%dma_wait3A_279 : memref<2x128xi32, #tpu.memory_space<vmem>>)
      } else {
      }
      %dma_wait3A_191 = arith.constant 1 : i32
      %dma_wait3A_192 = arith.constant 0 : i32
      %dma_wait3A_193 = arith.constant 0 : i32
      %dma_wait3A_194 = arith.constant 0 : i32
      %dma_wait3A_195 = arith.constant 0 : i32
      %dma_wait3A_196 = arith.constant 0 : i32
      %dma_wait3A_197 = tpu.memref_slice %arg9[%dma_wait3A_193, %dma_wait3A_195, %dma_wait3A_196] : memref<2x128x128xf32, #tpu.memory_space<vmem>> -> memref<1x128x128xf32, #tpu.memory_space<vmem>>
      %dma_wait3A_198 = tpu.memref_squeeze %dma_wait3A_197 : memref<1x128x128xf32, #tpu.memory_space<vmem>> -> memref<128x128xf32, #tpu.memory_space<vmem>>
      %dma_wait3A_199 = arith.constant 0 : i32
      %dma_wait3A_200 = tpu.memref_slice %arg7[%dma_wait3A_191, %dma_wait3A_192, %dma_wait3A_199] : memref<2x2x128xi32, #tpu.memory_space<vmem>> -> memref<1x1x128xi32, #tpu.memory_space<vmem>>
      %dma_wait3A_201 = tpu.memref_squeeze %dma_wait3A_200 : memref<1x1x128xi32, #tpu.memory_space<vmem>> -> memref<128xi32, #tpu.memory_space<vmem>>
      %dma_wait3A_202 = arith.constant 0 : i32
      %dma_wait3A_203 = arith.constant 0 : i32
      %dma_wait3A_204 = tpu.memref_slice %arg2[%dma_wait3A_202, %dma_wait3A_203] : memref<10240x128xf32, #tpu.memory_space<hbm>> -> memref<10240x128xf32, #tpu.memory_space<hbm>>
      %dma_wait3A_205 = tpu.memref_slice %arg11[%dma_wait3A_194] : memref<2x!tpu.dma_semaphore, #tpu.memory_space<semaphore_mem>> -> memref<1x!tpu.dma_semaphore, #tpu.memory_space<semaphore_mem>>
      %dma_wait3A_206 = tpu.memref_squeeze %dma_wait3A_205 : memref<1x!tpu.dma_semaphore, #tpu.memory_space<semaphore_mem>> -> memref<!tpu.dma_semaphore, #tpu.memory_space<semaphore_mem>>
      tpu.wait_indirect_dma semaphore(%dma_wait3A_206 : memref<!tpu.dma_semaphore, #tpu.memory_space<semaphore_mem>>) src(%dma_wait3A_204 : memref<10240x128xf32, #tpu.memory_space<hbm>>) dst(%dma_wait3A_198 : memref<128x128xf32, #tpu.memory_space<vmem>>)
      %run_scoped3A_207 = arith.constant 0 : i32
      %run_scoped3A_208 = arith.constant 1 : i32
      %run_scoped3A_209 = arith.constant 0 : i32
      "tpu.region"() ({
        %run_scoped3A_247 = tpu.sem_alloc : memref<!tpu.dma_semaphore, #tpu.memory_space<semaphore_mem>>
        %dma_start3A_248 = arith.constant 0 : i32
        %dma_start3A_249 = arith.constant 0 : i32
        %dma_start3A_250 = tpu.memref_slice %arg9[%run_scoped3A_207, %dma_start3A_248, %dma_start3A_249] : memref<2x128x128xf32, #tpu.memory_space<vmem>> -> memref<1x128x128xf32, #tpu.memory_space<vmem>>
        %dma_start3A_251 = tpu.memref_squeeze %dma_start3A_250 : memref<1x128x128xf32, #tpu.memory_space<vmem>> -> memref<128x128xf32, #tpu.memory_space<vmem>>
        %dma_start3A_252 = arith.constant 0 : i32
        %dma_start3A_253 = tpu.memref_slice %arg8[%run_scoped3A_208, %run_scoped3A_209, %dma_start3A_252] : memref<2x2x128xi32, #tpu.memory_space<vmem>> -> memref<1x1x128xi32, #tpu.memory_space<vmem>>
        %dma_start3A_254 = tpu.memref_squeeze %dma_start3A_253 : memref<1x1x128xi32, #tpu.memory_space<vmem>> -> memref<128xi32, #tpu.memory_space<vmem>>
        %dma_start3A_255 = arith.constant 0 : i32
        %dma_start3A_256 = arith.constant 0 : i32
        %dma_start3A_257 = tpu.memref_slice %arg10[%dma_start3A_255, %dma_start3A_256] : memref<10240x128xf32, #tpu.memory_space<vmem_shared>> -> memref<10240x128xf32, #tpu.memory_space<vmem_shared>>
        tpu.enqueue_indirect_dma source(%dma_start3A_251 : memref<128x128xf32, #tpu.memory_space<vmem>>) target(%dma_start3A_257 : memref<10240x128xf32, #tpu.memory_space<vmem_shared>>) offsets(%dma_start3A_254 : memref<128xi32, #tpu.memory_space<vmem>>) semaphore(%run_scoped3A_247 : memref<!tpu.dma_semaphore, #tpu.memory_space<semaphore_mem>>) {add = true}
        %dma_wait3A_258 = arith.constant 0 : i32
        %dma_wait3A_259 = arith.constant 0 : i32
        %dma_wait3A_260 = tpu.memref_slice %arg9[%run_scoped3A_207, %dma_wait3A_258, %dma_wait3A_259] : memref<2x128x128xf32, #tpu.memory_space<vmem>> -> memref<1x128x128xf32, #tpu.memory_space<vmem>>
        %dma_wait3A_261 = tpu.memref_squeeze %dma_wait3A_260 : memref<1x128x128xf32, #tpu.memory_space<vmem>> -> memref<128x128xf32, #tpu.memory_space<vmem>>
        %dma_wait3A_262 = arith.constant 0 : i32
        %dma_wait3A_263 = tpu.memref_slice %arg8[%run_scoped3A_208, %run_scoped3A_209, %dma_wait3A_262] : memref<2x2x128xi32, #tpu.memory_space<vmem>> -> memref<1x1x128xi32, #tpu.memory_space<vmem>>
        %dma_wait3A_264 = tpu.memref_squeeze %dma_wait3A_263 : memref<1x1x128xi32, #tpu.memory_space<vmem>> -> memref<128xi32, #tpu.memory_space<vmem>>
        %dma_wait3A_265 = arith.constant 0 : i32
        %dma_wait3A_266 = arith.constant 0 : i32
        %dma_wait3A_267 = tpu.memref_slice %arg10[%dma_wait3A_265, %dma_wait3A_266] : memref<10240x128xf32, #tpu.memory_space<vmem_shared>> -> memref<10240x128xf32, #tpu.memory_space<vmem_shared>>
        tpu.wait_indirect_dma semaphore(%run_scoped3A_247 : memref<!tpu.dma_semaphore, #tpu.memory_space<semaphore_mem>>) src(%dma_wait3A_261 : memref<128x128xf32, #tpu.memory_space<vmem>>) dst(%dma_wait3A_267 : memref<10240x128xf32, #tpu.memory_space<vmem_shared>>)
        tpu.yield
      }) : () -> ()
      %add3A_210 = arith.constant 1 : i32
      %add3A_211 = arith.addi %add3A_184, %add3A_210 : i32
      %lt3A_212 = arith.cmpi slt, %add3A_211, %select_n3A_10 : i32
      %convert_element_type3A_213 = arith.extui %lt3A_212 : i1 to i32
      %cond3A_214 = arith.constant 0 : i32
      %cond3A_215 = arith.cmpi ne, %convert_element_type3A_213, %cond3A_214 : i32
      scf.if %cond3A_215 {
        %dma_start3A_247 = arith.constant 0 : i32
        %dma_start3A_248 = arith.constant 0 : i32
        %dma_start3A_249 = arith.constant 0 : i32
        %dma_start3A_250 = arith.constant 0 : i32
        %dma_start3A_251 = arith.constant 0 : i32
        %dma_start3A_252 = arith.constant 0 : i32
        %dma_start3A_253 = tpu.memref_slice %arg9[%dma_start3A_249, %dma_start3A_251, %dma_start3A_252] : memref<2x128x128xf32, #tpu.memory_space<vmem>> -> memref<1x128x128xf32, #tpu.memory_space<vmem>>
        %dma_start3A_254 = tpu.memref_squeeze %dma_start3A_253 : memref<1x128x128xf32, #tpu.memory_space<vmem>> -> memref<128x128xf32, #tpu.memory_space<vmem>>
        %dma_start3A_255 = arith.constant 0 : i32
        %dma_start3A_256 = tpu.memref_slice %arg7[%dma_start3A_247, %dma_start3A_248, %dma_start3A_255] : memref<2x2x128xi32, #tpu.memory_space<vmem>> -> memref<1x1x128xi32, #tpu.memory_space<vmem>>
        %dma_start3A_257 = tpu.memref_squeeze %dma_start3A_256 : memref<1x1x128xi32, #tpu.memory_space<vmem>> -> memref<128xi32, #tpu.memory_space<vmem>>
        %dma_start3A_258 = arith.constant 0 : i32
        %dma_start3A_259 = arith.constant 0 : i32
        %dma_start3A_260 = tpu.memref_slice %arg2[%dma_start3A_258, %dma_start3A_259] : memref<10240x128xf32, #tpu.memory_space<hbm>> -> memref<10240x128xf32, #tpu.memory_space<hbm>>
        %dma_start3A_261 = tpu.memref_slice %arg11[%dma_start3A_250] : memref<2x!tpu.dma_semaphore, #tpu.memory_space<semaphore_mem>> -> memref<1x!tpu.dma_semaphore, #tpu.memory_space<semaphore_mem>>
        %dma_start3A_262 = tpu.memref_squeeze %dma_start3A_261 : memref<1x!tpu.dma_semaphore, #tpu.memory_space<semaphore_mem>> -> memref<!tpu.dma_semaphore, #tpu.memory_space<semaphore_mem>>
        tpu.enqueue_indirect_dma source(%dma_start3A_260 : memref<10240x128xf32, #tpu.memory_space<hbm>>) target(%dma_start3A_254 : memref<128x128xf32, #tpu.memory_space<vmem>>) offsets(%dma_start3A_257 : memref<128xi32, #tpu.memory_space<vmem>>) semaphore(%dma_start3A_262 : memref<!tpu.dma_semaphore, #tpu.memory_space<semaphore_mem>>)
      } else {
      }
      %dma_wait3A_216 = arith.constant 1 : i32
      %dma_wait3A_217 = arith.constant 1 : i32
      %dma_wait3A_218 = arith.constant 1 : i32
      %dma_wait3A_219 = arith.constant 1 : i32
      %dma_wait3A_220 = arith.constant 0 : i32
      %dma_wait3A_221 = arith.constant 0 : i32
      %dma_wait3A_222 = tpu.memref_slice %arg9[%dma_wait3A_218, %dma_wait3A_220, %dma_wait3A_221] : memref<2x128x128xf32, #tpu.memory_space<vmem>> -> memref<1x128x128xf32, #tpu.memory_space<vmem>>
      %dma_wait3A_223 = tpu.memref_squeeze %dma_wait3A_222 : memref<1x128x128xf32, #tpu.memory_space<vmem>> -> memref<128x128xf32, #tpu.memory_space<vmem>>
      %dma_wait3A_224 = arith.constant 0 : i32
      %dma_wait3A_225 = tpu.memref_slice %arg7[%dma_wait3A_216, %dma_wait3A_217, %dma_wait3A_224] : memref<2x2x128xi32, #tpu.memory_space<vmem>> -> memref<1x1x128xi32, #tpu.memory_space<vmem>>
      %dma_wait3A_226 = tpu.memref_squeeze %dma_wait3A_225 : memref<1x1x128xi32, #tpu.memory_space<vmem>> -> memref<128xi32, #tpu.memory_space<vmem>>
      %dma_wait3A_227 = arith.constant 0 : i32
      %dma_wait3A_228 = arith.constant 0 : i32
      %dma_wait3A_229 = tpu.memref_slice %arg2[%dma_wait3A_227, %dma_wait3A_228] : memref<10240x128xf32, #tpu.memory_space<hbm>> -> memref<10240x128xf32, #tpu.memory_space<hbm>>
      %dma_wait3A_230 = tpu.memref_slice %arg11[%dma_wait3A_219] : memref<2x!tpu.dma_semaphore, #tpu.memory_space<semaphore_mem>> -> memref<1x!tpu.dma_semaphore, #tpu.memory_space<semaphore_mem>>
      %dma_wait3A_231 = tpu.memref_squeeze %dma_wait3A_230 : memref<1x!tpu.dma_semaphore, #tpu.memory_space<semaphore_mem>> -> memref<!tpu.dma_semaphore, #tpu.memory_space<semaphore_mem>>
      tpu.wait_indirect_dma semaphore(%dma_wait3A_231 : memref<!tpu.dma_semaphore, #tpu.memory_space<semaphore_mem>>) src(%dma_wait3A_229 : memref<10240x128xf32, #tpu.memory_space<hbm>>) dst(%dma_wait3A_223 : memref<128x128xf32, #tpu.memory_space<vmem>>)
      %run_scoped3A_232 = arith.constant 1 : i32
      %run_scoped3A_233 = arith.constant 1 : i32
      %run_scoped3A_234 = arith.constant 1 : i32
      "tpu.region"() ({
        %run_scoped3A_247 = tpu.sem_alloc : memref<!tpu.dma_semaphore, #tpu.memory_space<semaphore_mem>>
        %dma_start3A_248 = arith.constant 0 : i32
        %dma_start3A_249 = arith.constant 0 : i32
        %dma_start3A_250 = tpu.memref_slice %arg9[%run_scoped3A_232, %dma_start3A_248, %dma_start3A_249] : memref<2x128x128xf32, #tpu.memory_space<vmem>> -> memref<1x128x128xf32, #tpu.memory_space<vmem>>
        %dma_start3A_251 = tpu.memref_squeeze %dma_start3A_250 : memref<1x128x128xf32, #tpu.memory_space<vmem>> -> memref<128x128xf32, #tpu.memory_space<vmem>>
        %dma_start3A_252 = arith.constant 0 : i32
        %dma_start3A_253 = tpu.memref_slice %arg8[%run_scoped3A_233, %run_scoped3A_234, %dma_start3A_252] : memref<2x2x128xi32, #tpu.memory_space<vmem>> -> memref<1x1x128xi32, #tpu.memory_space<vmem>>
        %dma_start3A_254 = tpu.memref_squeeze %dma_start3A_253 : memref<1x1x128xi32, #tpu.memory_space<vmem>> -> memref<128xi32, #tpu.memory_space<vmem>>
        %dma_start3A_255 = arith.constant 0 : i32
        %dma_start3A_256 = arith.constant 0 : i32
        %dma_start3A_257 = tpu.memref_slice %arg10[%dma_start3A_255, %dma_start3A_256] : memref<10240x128xf32, #tpu.memory_space<vmem_shared>> -> memref<10240x128xf32, #tpu.memory_space<vmem_shared>>
        tpu.enqueue_indirect_dma source(%dma_start3A_251 : memref<128x128xf32, #tpu.memory_space<vmem>>) target(%dma_start3A_257 : memref<10240x128xf32, #tpu.memory_space<vmem_shared>>) offsets(%dma_start3A_254 : memref<128xi32, #tpu.memory_space<vmem>>) semaphore(%run_scoped3A_247 : memref<!tpu.dma_semaphore, #tpu.memory_space<semaphore_mem>>) {add = true}
        %dma_wait3A_258 = arith.constant 0 : i32
        %dma_wait3A_259 = arith.constant 0 : i32
        %dma_wait3A_260 = tpu.memref_slice %arg9[%run_scoped3A_232, %dma_wait3A_258, %dma_wait3A_259] : memref<2x128x128xf32, #tpu.memory_space<vmem>> -> memref<1x128x128xf32, #tpu.memory_space<vmem>>
        %dma_wait3A_261 = tpu.memref_squeeze %dma_wait3A_260 : memref<1x128x128xf32, #tpu.memory_space<vmem>> -> memref<128x128xf32, #tpu.memory_space<vmem>>
        %dma_wait3A_262 = arith.constant 0 : i32
        %dma_wait3A_263 = tpu.memref_slice %arg8[%run_scoped3A_233, %run_scoped3A_234, %dma_wait3A_262] : memref<2x2x128xi32, #tpu.memory_space<vmem>> -> memref<1x1x128xi32, #tpu.memory_space<vmem>>
        %dma_wait3A_264 = tpu.memref_squeeze %dma_wait3A_263 : memref<1x1x128xi32, #tpu.memory_space<vmem>> -> memref<128xi32, #tpu.memory_space<vmem>>
        %dma_wait3A_265 = arith.constant 0 : i32
        %dma_wait3A_266 = arith.constant 0 : i32
        %dma_wait3A_267 = tpu.memref_slice %arg10[%dma_wait3A_265, %dma_wait3A_266] : memref<10240x128xf32, #tpu.memory_space<vmem_shared>> -> memref<10240x128xf32, #tpu.memory_space<vmem_shared>>
        tpu.wait_indirect_dma semaphore(%run_scoped3A_247 : memref<!tpu.dma_semaphore, #tpu.memory_space<semaphore_mem>>) src(%dma_wait3A_261 : memref<128x128xf32, #tpu.memory_space<vmem>>) dst(%dma_wait3A_267 : memref<10240x128xf32, #tpu.memory_space<vmem_shared>>)
        tpu.yield
      }) : () -> ()
      %add3A_235 = arith.constant 1 : i32
      %add3A_236 = arith.addi %add3A_184, %add3A_235 : i32
      %lt3A_237 = arith.cmpi slt, %add3A_236, %select_n3A_10 : i32
      %convert_element_type3A_238 = arith.extui %lt3A_237 : i1 to i32
      %cond3A_239 = arith.constant 0 : i32
      %cond3A_240 = arith.cmpi ne, %convert_element_type3A_238, %cond3A_239 : i32
      scf.if %cond3A_240 {
        %dma_start3A_247 = arith.constant 0 : i32
        %dma_start3A_248 = arith.constant 1 : i32
        %dma_start3A_249 = arith.constant 1 : i32
        %dma_start3A_250 = arith.constant 1 : i32
        %dma_start3A_251 = arith.constant 0 : i32
        %dma_start3A_252 = arith.constant 0 : i32
        %dma_start3A_253 = tpu.memref_slice %arg9[%dma_start3A_249, %dma_start3A_251, %dma_start3A_252] : memref<2x128x128xf32, #tpu.memory_space<vmem>> -> memref<1x128x128xf32, #tpu.memory_space<vmem>>
        %dma_start3A_254 = tpu.memref_squeeze %dma_start3A_253 : memref<1x128x128xf32, #tpu.memory_space<vmem>> -> memref<128x128xf32, #tpu.memory_space<vmem>>
        %dma_start3A_255 = arith.constant 0 : i32
        %dma_start3A_256 = tpu.memref_slice %arg7[%dma_start3A_247, %dma_start3A_248, %dma_start3A_255] : memref<2x2x128xi32, #tpu.memory_space<vmem>> -> memref<1x1x128xi32, #tpu.memory_space<vmem>>
        %dma_start3A_257 = tpu.memref_squeeze %dma_start3A_256 : memref<1x1x128xi32, #tpu.memory_space<vmem>> -> memref<128xi32, #tpu.memory_space<vmem>>
        %dma_start3A_258 = arith.constant 0 : i32
        %dma_start3A_259 = arith.constant 0 : i32
        %dma_start3A_260 = tpu.memref_slice %arg2[%dma_start3A_258, %dma_start3A_259] : memref<10240x128xf32, #tpu.memory_space<hbm>> -> memref<10240x128xf32, #tpu.memory_space<hbm>>
        %dma_start3A_261 = tpu.memref_slice %arg11[%dma_start3A_250] : memref<2x!tpu.dma_semaphore, #tpu.memory_space<semaphore_mem>> -> memref<1x!tpu.dma_semaphore, #tpu.memory_space<semaphore_mem>>
        %dma_start3A_262 = tpu.memref_squeeze %dma_start3A_261 : memref<1x!tpu.dma_semaphore, #tpu.memory_space<semaphore_mem>> -> memref<!tpu.dma_semaphore, #tpu.memory_space<semaphore_mem>>
        tpu.enqueue_indirect_dma source(%dma_start3A_260 : memref<10240x128xf32, #tpu.memory_space<hbm>>) target(%dma_start3A_254 : memref<128x128xf32, #tpu.memory_space<vmem>>) offsets(%dma_start3A_257 : memref<128xi32, #tpu.memory_space<vmem>>) semaphore(%dma_start3A_262 : memref<!tpu.dma_semaphore, #tpu.memory_space<semaphore_mem>>)
      } else {
      }
      %add3A_241 = arith.constant 2 : i32
      %add3A_242 = arith.addi %add3A_184, %add3A_241 : i32
      %lt3A_243 = arith.cmpi slt, %add3A_242, %select_n3A_10 : i32
      %convert_element_type3A_244 = arith.extui %lt3A_243 : i1 to i32
      %cond3A_245 = arith.constant 0 : i32
      %cond3A_246 = arith.cmpi ne, %convert_element_type3A_244, %cond3A_245 : i32
      scf.if %cond3A_246 {
        %add3A_247 = arith.constant 2 : i32
        %add3A_248 = arith.addi %add3A_184, %add3A_247 : i32
        %mul3A_249 = arith.constant 2 : i32
        %mul3A_250 = arith.muli %add3A_248, %mul3A_249 : i32
        %add3A_251 = arith.addi %select_n3A, %mul3A_250 : i32
        %dma_start3A_252 = arith.constant 1 : i32
        %dma_start3A_253 = arith.constant 1 : i32
        %dma_start3A_254 = arith.constant 0 : i32
        %dma_start3A_255 = arith.constant 0 : i32
        %dma_start3A_256 = tpu.memref_slice %arg7[%dma_start3A_252, %dma_start3A_254, %dma_start3A_255] : memref<2x2x128xi32, #tpu.memory_space<vmem>> -> memref<1x2x128xi32, #tpu.memory_space<vmem>>
        %dma_start3A_257 = tpu.memref_squeeze %dma_start3A_256 : memref<1x2x128xi32, #tpu.memory_space<vmem>> -> memref<2x128xi32, #tpu.memory_space<vmem>>
        %dma_start3A_258 = arith.constant 0 : i32
        %dma_start3A_259 = tpu.memref_slice %arg3[%add3A_251, %dma_start3A_258] : memref<2560x128xi32, #tpu.memory_space<hbm>> -> memref<2x128xi32, #tpu.memory_space<hbm>>
        %dma_start3A_260 = tpu.memref_slice %arg12[%dma_start3A_253] : memref<2x!tpu.dma_semaphore, #tpu.memory_space<semaphore_mem>> -> memref<1x!tpu.dma_semaphore, #tpu.memory_space<semaphore_mem>>
        %dma_start3A_261 = tpu.memref_squeeze %dma_start3A_260 : memref<1x!tpu.dma_semaphore, #tpu.memory_space<semaphore_mem>> -> memref<!tpu.dma_semaphore, #tpu.memory_space<semaphore_mem>>
        %dma_start3A_262 = arith.constant 0 : i32
        %dma_start3A_263 = arith.constant 0 : i32
        %dma_start3A_264 = tpu.memref_slice %arg7[%dma_start3A_252, %dma_start3A_262, %dma_start3A_263] : memref<2x2x128xi32, #tpu.memory_space<vmem>> -> memref<1x2x128xi32, #tpu.memory_space<vmem>>
        %dma_start3A_265 = tpu.memref_squeeze %dma_start3A_264 : memref<1x2x128xi32, #tpu.memory_space<vmem>> -> memref<2x128xi32, #tpu.memory_space<vmem>>
        %dma_start3A_266 = arith.constant 0 : i32
        %dma_start3A_267 = tpu.memref_slice %arg3[%add3A_251, %dma_start3A_266] : memref<2560x128xi32, #tpu.memory_space<hbm>> -> memref<2x128xi32, #tpu.memory_space<hbm>>
        tpu.enqueue_dma source(%dma_start3A_267 : memref<2x128xi32, #tpu.memory_space<hbm>>) target(%dma_start3A_265 : memref<2x128xi32, #tpu.memory_space<vmem>>) target_semaphore(%dma_start3A_261 : memref<!tpu.dma_semaphore, #tpu.memory_space<semaphore_mem>>)
        %dma_start3A_268 = arith.constant 1 : i32
        %dma_start3A_269 = arith.constant 1 : i32
        %dma_start3A_270 = arith.constant 0 : i32
        %dma_start3A_271 = arith.constant 0 : i32
        %dma_start3A_272 = tpu.memref_slice %arg8[%dma_start3A_268, %dma_start3A_270, %dma_start3A_271] : memref<2x2x128xi32, #tpu.memory_space<vmem>> -> memref<1x2x128xi32, #tpu.memory_space<vmem>>
        %dma_start3A_273 = tpu.memref_squeeze %dma_start3A_272 : memref<1x2x128xi32, #tpu.memory_space<vmem>> -> memref<2x128xi32, #tpu.memory_space<vmem>>
        %dma_start3A_274 = arith.constant 0 : i32
        %dma_start3A_275 = tpu.memref_slice %arg4[%add3A_251, %dma_start3A_274] : memref<2560x128xi32, #tpu.memory_space<hbm>> -> memref<2x128xi32, #tpu.memory_space<hbm>>
        %dma_start3A_276 = tpu.memref_slice %arg12[%dma_start3A_269] : memref<2x!tpu.dma_semaphore, #tpu.memory_space<semaphore_mem>> -> memref<1x!tpu.dma_semaphore, #tpu.memory_space<semaphore_mem>>
        %dma_start3A_277 = tpu.memref_squeeze %dma_start3A_276 : memref<1x!tpu.dma_semaphore, #tpu.memory_space<semaphore_mem>> -> memref<!tpu.dma_semaphore, #tpu.memory_space<semaphore_mem>>
        %dma_start3A_278 = arith.constant 0 : i32
        %dma_start3A_279 = arith.constant 0 : i32
        %dma_start3A_280 = tpu.memref_slice %arg8[%dma_start3A_268, %dma_start3A_278, %dma_start3A_279] : memref<2x2x128xi32, #tpu.memory_space<vmem>> -> memref<1x2x128xi32, #tpu.memory_space<vmem>>
        %dma_start3A_281 = tpu.memref_squeeze %dma_start3A_280 : memref<1x2x128xi32, #tpu.memory_space<vmem>> -> memref<2x128xi32, #tpu.memory_space<vmem>>
        %dma_start3A_282 = arith.constant 0 : i32
        %dma_start3A_283 = tpu.memref_slice %arg4[%add3A_251, %dma_start3A_282] : memref<2560x128xi32, #tpu.memory_space<hbm>> -> memref<2x128xi32, #tpu.memory_space<hbm>>
        tpu.enqueue_dma source(%dma_start3A_283 : memref<2x128xi32, #tpu.memory_space<hbm>>) target(%dma_start3A_281 : memref<2x128xi32, #tpu.memory_space<vmem>>) target_semaphore(%dma_start3A_277 : memref<!tpu.dma_semaphore, #tpu.memory_space<semaphore_mem>>)
      } else {
      }
    }
    %barrier3A_115 = arith.constant 0 : index
    tpu.barrier barrier_id(%barrier3A_115)
    "tpu.region"() ({
      %run_scoped3A_116 = tpu.sem_alloc : memref<!tpu.dma_semaphore, #tpu.memory_space<semaphore_mem>>
      %dma_start3A_117 = arith.constant 0 : i32
      %dma_start3A_118 = tpu.memref_slice %arg6[%arg0, %mul3A_0, %dma_start3A_117] : memref<2x10240x128xf32, #tpu.memory_space<hbm>> -> memref<1x640x128xf32, #tpu.memory_space<hbm>>
      %dma_start3A_119 = tpu.memref_squeeze %dma_start3A_118 : memref<1x640x128xf32, #tpu.memory_space<hbm>> -> memref<640x128xf32, #tpu.memory_space<hbm>>
      %dma_start3A_120 = arith.constant 0 : i32
      %dma_start3A_121 = tpu.memref_slice %arg10[%mul3A_0, %dma_start3A_120] : memref<10240x128xf32, #tpu.memory_space<vmem_shared>> -> memref<640x128xf32, #tpu.memory_space<vmem_shared>>
      tpu.enqueue_dma source(%dma_start3A_121 : memref<640x128xf32, #tpu.memory_space<vmem_shared>>) target(%dma_start3A_119 : memref<640x128xf32, #tpu.memory_space<hbm>>) target_semaphore(%run_scoped3A_116 : memref<!tpu.dma_semaphore, #tpu.memory_space<semaphore_mem>>)
      %dma_wait3A = arith.constant 0 : i32
      %dma_wait3A_122 = tpu.memref_slice %arg6[%arg0, %mul3A_0, %dma_wait3A] : memref<2x10240x128xf32, #tpu.memory_space<hbm>> -> memref<1x640x128xf32, #tpu.memory_space<hbm>>
      %dma_wait3A_123 = tpu.memref_squeeze %dma_wait3A_122 : memref<1x640x128xf32, #tpu.memory_space<hbm>> -> memref<640x128xf32, #tpu.memory_space<hbm>>
      %dma_wait3A_124 = arith.constant 0 : i32
      %dma_wait3A_125 = tpu.memref_slice %arg10[%mul3A_0, %dma_wait3A_124] : memref<10240x128xf32, #tpu.memory_space<vmem_shared>> -> memref<640x128xf32, #tpu.memory_space<vmem_shared>>
      tpu.wait_dma2 semaphore(%run_scoped3A_116 : memref<!tpu.dma_semaphore, #tpu.memory_space<semaphore_mem>>) src(%dma_wait3A_125 : memref<640x128xf32, #tpu.memory_space<vmem_shared>>) dst(%dma_wait3A_123 : memref<640x128xf32, #tpu.memory_space<hbm>>)
      tpu.yield
    }) : () -> ()
    return
  }
}

#map = affine_map<(d0, d1) -> (0, 0)>
#map1 = affine_map<(d0, d1) -> (0, 0, 0)>
module attributes {stable_mosaic.version = 14 : i64} {
  func.func @_msg_body(%arg0: i32, %arg1: i32, %arg2: memref<10240x128xf32, #tpu.memory_space<hbm>>, %arg3: memref<2560x128xi32, #tpu.memory_space<hbm>>, %arg4: memref<2560x128xi32, #tpu.memory_space<hbm>>, %arg5: memref<640x128xf32, #tpu.memory_space<hbm>>, %arg6: memref<2x10240x128xf32, #tpu.memory_space<hbm>>, %arg7: memref<2x2x128xi32, #tpu.memory_space<vmem>>, %arg8: memref<2x2x128xi32, #tpu.memory_space<vmem>>, %arg9: memref<2x128x128xf32, #tpu.memory_space<vmem>>, %arg10: memref<10240x128xf32, #tpu.memory_space<vmem_shared>>, %arg11: memref<2x!tpu.dma_semaphore, #tpu.memory_space<semaphore_mem>>, %arg12: memref<2x!tpu.dma_semaphore, #tpu.memory_space<semaphore_mem>>) attributes {dimension_semantics = [#tpu.dimension_semantics<core_parallel>, #tpu.dimension_semantics<subcore_parallel>], iteration_bounds = array<i64: 2, 16>, scalar_prefetch = 0 : i64, scratch_operands = 6 : i64, tpu.core_type = #tpu.core_type<sc_vector_subcore>, window_params = [{transform_indices = #map}, {transform_indices = #map}, {transform_indices = #map}, {transform_indices = #map}, {transform_indices = #map1}]} {
    %mul3A = arith.constant 640 : i32
    %mul3A_0 = arith.muli %arg1, %mul3A : i32
    "tpu.region"() ({
      %run_scoped3A_116 = tpu.sem_alloc : memref<!tpu.dma_semaphore, #tpu.memory_space<semaphore_mem>>
      %dma_start3A_117 = arith.constant 0 : i32
      %dma_start3A_118 = tpu.memref_slice %arg10[%mul3A_0, %dma_start3A_117] : memref<10240x128xf32, #tpu.memory_space<vmem_shared>> -> memref<640x128xf32, #tpu.memory_space<vmem_shared>>
      tpu.enqueue_dma source(%arg5 : memref<640x128xf32, #tpu.memory_space<hbm>>) target(%dma_start3A_118 : memref<640x128xf32, #tpu.memory_space<vmem_shared>>) target_semaphore(%run_scoped3A_116 : memref<!tpu.dma_semaphore, #tpu.memory_space<semaphore_mem>>)
      %dma_wait3A = arith.constant 0 : i32
      %dma_wait3A_119 = tpu.memref_slice %arg10[%mul3A_0, %dma_wait3A] : memref<10240x128xf32, #tpu.memory_space<vmem_shared>> -> memref<640x128xf32, #tpu.memory_space<vmem_shared>>
      tpu.wait_dma2 semaphore(%run_scoped3A_116 : memref<!tpu.dma_semaphore, #tpu.memory_space<semaphore_mem>>) src(%arg5 : memref<640x128xf32, #tpu.memory_space<hbm>>) dst(%dma_wait3A_119 : memref<640x128xf32, #tpu.memory_space<vmem_shared>>)
      tpu.yield
    }) : () -> ()
    %eq3A = arith.constant 0 : i32
    %eq3A_1 = arith.cmpi eq, %arg0, %eq3A : i32
    %mul3A_2 = arith.constant 120 : i32
    %mul3A_3 = arith.muli %arg1, %mul3A_2 : i32
    %mul3A_4 = arith.constant 40 : i32
    %mul3A_5 = arith.muli %arg1, %mul3A_4 : i32
    %add3A = arith.constant 1920 : i32
    %add3A_6 = arith.addi %add3A, %mul3A_5 : i32
    %select_n3A = arith.select %eq3A_1, %mul3A_3, %add3A_6 : i32
    %eq3A_7 = arith.constant 0 : i32
    %eq3A_8 = arith.cmpi eq, %arg0, %eq3A_7 : i32
    %jit3A = arith.constant 60 : i32
    %jit3A_9 = arith.constant 20 : i32
    %select_n3A_10 = arith.select %eq3A_8, %jit3A, %jit3A_9 : i32
    %add3A_11 = arith.constant 0 : i32
    %add3A_12 = arith.addi %select_n3A, %add3A_11 : i32
    %run_scoped3A = arith.constant 0 : i32
    "tpu.region"() ({
      %run_scoped3A_116 = tpu.sem_alloc : memref<!tpu.dma_semaphore, #tpu.memory_space<semaphore_mem>>
      %dma_start3A_117 = arith.constant 0 : i32
      %dma_start3A_118 = arith.constant 0 : i32
      %dma_start3A_119 = tpu.memref_slice %arg7[%run_scoped3A, %dma_start3A_117, %dma_start3A_118] : memref<2x2x128xi32, #tpu.memory_space<vmem>> -> memref<1x2x128xi32, #tpu.memory_space<vmem>>
      %dma_start3A_120 = tpu.memref_squeeze %dma_start3A_119 : memref<1x2x128xi32, #tpu.memory_space<vmem>> -> memref<2x128xi32, #tpu.memory_space<vmem>>
      %dma_start3A_121 = arith.constant 0 : i32
      %dma_start3A_122 = tpu.memref_slice %arg3[%add3A_12, %dma_start3A_121] : memref<2560x128xi32, #tpu.memory_space<hbm>> -> memref<2x128xi32, #tpu.memory_space<hbm>>
      %dma_start3A_123 = arith.constant 0 : i32
      %dma_start3A_124 = arith.constant 0 : i32
      %dma_start3A_125 = tpu.memref_slice %arg7[%run_scoped3A, %dma_start3A_123, %dma_start3A_124] : memref<2x2x128xi32, #tpu.memory_space<vmem>> -> memref<1x2x128xi32, #tpu.memory_space<vmem>>
      %dma_start3A_126 = tpu.memref_squeeze %dma_start3A_125 : memref<1x2x128xi32, #tpu.memory_space<vmem>> -> memref<2x128xi32, #tpu.memory_space<vmem>>
      %dma_start3A_127 = arith.constant 0 : i32
      %dma_start3A_128 = tpu.memref_slice %arg3[%add3A_12, %dma_start3A_127] : memref<2560x128xi32, #tpu.memory_space<hbm>> -> memref<2x128xi32, #tpu.memory_space<hbm>>
      tpu.enqueue_dma source(%dma_start3A_128 : memref<2x128xi32, #tpu.memory_space<hbm>>) target(%dma_start3A_126 : memref<2x128xi32, #tpu.memory_space<vmem>>) target_semaphore(%run_scoped3A_116 : memref<!tpu.dma_semaphore, #tpu.memory_space<semaphore_mem>>)
      %dma_wait3A = arith.constant 0 : i32
      %dma_wait3A_129 = arith.constant 0 : i32
      %dma_wait3A_130 = tpu.memref_slice %arg7[%run_scoped3A, %dma_wait3A, %dma_wait3A_129] : memref<2x2x128xi32, #tpu.memory_space<vmem>> -> memref<1x2x128xi32, #tpu.memory_space<vmem>>
      %dma_wait3A_131 = tpu.memref_squeeze %dma_wait3A_130 : memref<1x2x128xi32, #tpu.memory_space<vmem>> -> memref<2x128xi32, #tpu.memory_space<vmem>>
      %dma_wait3A_132 = arith.constant 0 : i32
      %dma_wait3A_133 = tpu.memref_slice %arg3[%add3A_12, %dma_wait3A_132] : memref<2560x128xi32, #tpu.memory_space<hbm>> -> memref<2x128xi32, #tpu.memory_space<hbm>>
      %dma_wait3A_134 = arith.constant 0 : i32
      %dma_wait3A_135 = arith.constant 0 : i32
      %dma_wait3A_136 = tpu.memref_slice %arg7[%run_scoped3A, %dma_wait3A_134, %dma_wait3A_135] : memref<2x2x128xi32, #tpu.memory_space<vmem>> -> memref<1x2x128xi32, #tpu.memory_space<vmem>>
      %dma_wait3A_137 = tpu.memref_squeeze %dma_wait3A_136 : memref<1x2x128xi32, #tpu.memory_space<vmem>> -> memref<2x128xi32, #tpu.memory_space<vmem>>
      %dma_wait3A_138 = arith.constant 0 : i32
      %dma_wait3A_139 = tpu.memref_slice %arg3[%add3A_12, %dma_wait3A_138] : memref<2560x128xi32, #tpu.memory_space<hbm>> -> memref<2x128xi32, #tpu.memory_space<hbm>>
      tpu.wait_dma2 semaphore(%run_scoped3A_116 : memref<!tpu.dma_semaphore, #tpu.memory_space<semaphore_mem>>) src(%dma_wait3A_139 : memref<2x128xi32, #tpu.memory_space<hbm>>) dst(%dma_wait3A_137 : memref<2x128xi32, #tpu.memory_space<vmem>>)
      tpu.yield
    }) : () -> ()
    %run_scoped3A_13 = arith.constant 0 : i32
    "tpu.region"() ({
      %run_scoped3A_116 = tpu.sem_alloc : memref<!tpu.dma_semaphore, #tpu.memory_space<semaphore_mem>>
      %dma_start3A_117 = arith.constant 0 : i32
      %dma_start3A_118 = arith.constant 0 : i32
      %dma_start3A_119 = tpu.memref_slice %arg8[%run_scoped3A_13, %dma_start3A_117, %dma_start3A_118] : memref<2x2x128xi32, #tpu.memory_space<vmem>> -> memref<1x2x128xi32, #tpu.memory_space<vmem>>
      %dma_start3A_120 = tpu.memref_squeeze %dma_start3A_119 : memref<1x2x128xi32, #tpu.memory_space<vmem>> -> memref<2x128xi32, #tpu.memory_space<vmem>>
      %dma_start3A_121 = arith.constant 0 : i32
      %dma_start3A_122 = tpu.memref_slice %arg4[%add3A_12, %dma_start3A_121] : memref<2560x128xi32, #tpu.memory_space<hbm>> -> memref<2x128xi32, #tpu.memory_space<hbm>>
      %dma_start3A_123 = arith.constant 0 : i32
      %dma_start3A_124 = arith.constant 0 : i32
      %dma_start3A_125 = tpu.memref_slice %arg8[%run_scoped3A_13, %dma_start3A_123, %dma_start3A_124] : memref<2x2x128xi32, #tpu.memory_space<vmem>> -> memref<1x2x128xi32, #tpu.memory_space<vmem>>
      %dma_start3A_126 = tpu.memref_squeeze %dma_start3A_125 : memref<1x2x128xi32, #tpu.memory_space<vmem>> -> memref<2x128xi32, #tpu.memory_space<vmem>>
      %dma_start3A_127 = arith.constant 0 : i32
      %dma_start3A_128 = tpu.memref_slice %arg4[%add3A_12, %dma_start3A_127] : memref<2560x128xi32, #tpu.memory_space<hbm>> -> memref<2x128xi32, #tpu.memory_space<hbm>>
      tpu.enqueue_dma source(%dma_start3A_128 : memref<2x128xi32, #tpu.memory_space<hbm>>) target(%dma_start3A_126 : memref<2x128xi32, #tpu.memory_space<vmem>>) target_semaphore(%run_scoped3A_116 : memref<!tpu.dma_semaphore, #tpu.memory_space<semaphore_mem>>)
      %dma_wait3A = arith.constant 0 : i32
      %dma_wait3A_129 = arith.constant 0 : i32
      %dma_wait3A_130 = tpu.memref_slice %arg8[%run_scoped3A_13, %dma_wait3A, %dma_wait3A_129] : memref<2x2x128xi32, #tpu.memory_space<vmem>> -> memref<1x2x128xi32, #tpu.memory_space<vmem>>
      %dma_wait3A_131 = tpu.memref_squeeze %dma_wait3A_130 : memref<1x2x128xi32, #tpu.memory_space<vmem>> -> memref<2x128xi32, #tpu.memory_space<vmem>>
      %dma_wait3A_132 = arith.constant 0 : i32
      %dma_wait3A_133 = tpu.memref_slice %arg4[%add3A_12, %dma_wait3A_132] : memref<2560x128xi32, #tpu.memory_space<hbm>> -> memref<2x128xi32, #tpu.memory_space<hbm>>
      %dma_wait3A_134 = arith.constant 0 : i32
      %dma_wait3A_135 = arith.constant 0 : i32
      %dma_wait3A_136 = tpu.memref_slice %arg8[%run_scoped3A_13, %dma_wait3A_134, %dma_wait3A_135] : memref<2x2x128xi32, #tpu.memory_space<vmem>> -> memref<1x2x128xi32, #tpu.memory_space<vmem>>
      %dma_wait3A_137 = tpu.memref_squeeze %dma_wait3A_136 : memref<1x2x128xi32, #tpu.memory_space<vmem>> -> memref<2x128xi32, #tpu.memory_space<vmem>>
      %dma_wait3A_138 = arith.constant 0 : i32
      %dma_wait3A_139 = tpu.memref_slice %arg4[%add3A_12, %dma_wait3A_138] : memref<2560x128xi32, #tpu.memory_space<hbm>> -> memref<2x128xi32, #tpu.memory_space<hbm>>
      tpu.wait_dma2 semaphore(%run_scoped3A_116 : memref<!tpu.dma_semaphore, #tpu.memory_space<semaphore_mem>>) src(%dma_wait3A_139 : memref<2x128xi32, #tpu.memory_space<hbm>>) dst(%dma_wait3A_137 : memref<2x128xi32, #tpu.memory_space<vmem>>)
      tpu.yield
    }) : () -> ()
    %dma_start3A = arith.constant 0 : i32
    %dma_start3A_14 = arith.constant 0 : i32
    %dma_start3A_15 = arith.constant 0 : i32
    %dma_start3A_16 = arith.constant 0 : i32
    %dma_start3A_17 = arith.constant 0 : i32
    %dma_start3A_18 = arith.constant 0 : i32
    %dma_start3A_19 = tpu.memref_slice %arg9[%dma_start3A_15, %dma_start3A_17, %dma_start3A_18] : memref<2x128x128xf32, #tpu.memory_space<vmem>> -> memref<1x128x128xf32, #tpu.memory_space<vmem>>
    %dma_start3A_20 = tpu.memref_squeeze %dma_start3A_19 : memref<1x128x128xf32, #tpu.memory_space<vmem>> -> memref<128x128xf32, #tpu.memory_space<vmem>>
    %dma_start3A_21 = arith.constant 0 : i32
    %dma_start3A_22 = tpu.memref_slice %arg7[%dma_start3A, %dma_start3A_14, %dma_start3A_21] : memref<2x2x128xi32, #tpu.memory_space<vmem>> -> memref<1x1x128xi32, #tpu.memory_space<vmem>>
    %dma_start3A_23 = tpu.memref_squeeze %dma_start3A_22 : memref<1x1x128xi32, #tpu.memory_space<vmem>> -> memref<128xi32, #tpu.memory_space<vmem>>
    %dma_start3A_24 = arith.constant 0 : i32
    %dma_start3A_25 = arith.constant 0 : i32
    %dma_start3A_26 = tpu.memref_slice %arg2[%dma_start3A_24, %dma_start3A_25] : memref<10240x128xf32, #tpu.memory_space<hbm>> -> memref<10240x128xf32, #tpu.memory_space<hbm>>
    %dma_start3A_27 = tpu.memref_slice %arg11[%dma_start3A_16] : memref<2x!tpu.dma_semaphore, #tpu.memory_space<semaphore_mem>> -> memref<1x!tpu.dma_semaphore, #tpu.memory_space<semaphore_mem>>
    %dma_start3A_28 = tpu.memref_squeeze %dma_start3A_27 : memref<1x!tpu.dma_semaphore, #tpu.memory_space<semaphore_mem>> -> memref<!tpu.dma_semaphore, #tpu.memory_space<semaphore_mem>>
    tpu.enqueue_indirect_dma source(%dma_start3A_26 : memref<10240x128xf32, #tpu.memory_space<hbm>>) target(%dma_start3A_20 : memref<128x128xf32, #tpu.memory_space<vmem>>) offsets(%dma_start3A_23 : memref<128xi32, #tpu.memory_space<vmem>>) semaphore(%dma_start3A_28 : memref<!tpu.dma_semaphore, #tpu.memory_space<semaphore_mem>>)
    %dma_start3A_29 = arith.constant 0 : i32
    %dma_start3A_30 = arith.constant 1 : i32
    %dma_start3A_31 = arith.constant 1 : i32
    %dma_start3A_32 = arith.constant 1 : i32
    %dma_start3A_33 = arith.constant 0 : i32
    %dma_start3A_34 = arith.constant 0 : i32
    %dma_start3A_35 = tpu.memref_slice %arg9[%dma_start3A_31, %dma_start3A_33, %dma_start3A_34] : memref<2x128x128xf32, #tpu.memory_space<vmem>> -> memref<1x128x128xf32, #tpu.memory_space<vmem>>
    %dma_start3A_36 = tpu.memref_squeeze %dma_start3A_35 : memref<1x128x128xf32, #tpu.memory_space<vmem>> -> memref<128x128xf32, #tpu.memory_space<vmem>>
    %dma_start3A_37 = arith.constant 0 : i32
    %dma_start3A_38 = tpu.memref_slice %arg7[%dma_start3A_29, %dma_start3A_30, %dma_start3A_37] : memref<2x2x128xi32, #tpu.memory_space<vmem>> -> memref<1x1x128xi32, #tpu.memory_space<vmem>>
    %dma_start3A_39 = tpu.memref_squeeze %dma_start3A_38 : memref<1x1x128xi32, #tpu.memory_space<vmem>> -> memref<128xi32, #tpu.memory_space<vmem>>
    %dma_start3A_40 = arith.constant 0 : i32
    %dma_start3A_41 = arith.constant 0 : i32
    %dma_start3A_42 = tpu.memref_slice %arg2[%dma_start3A_40, %dma_start3A_41] : memref<10240x128xf32, #tpu.memory_space<hbm>> -> memref<10240x128xf32, #tpu.memory_space<hbm>>
    %dma_start3A_43 = tpu.memref_slice %arg11[%dma_start3A_32] : memref<2x!tpu.dma_semaphore, #tpu.memory_space<semaphore_mem>> -> memref<1x!tpu.dma_semaphore, #tpu.memory_space<semaphore_mem>>
    %dma_start3A_44 = tpu.memref_squeeze %dma_start3A_43 : memref<1x!tpu.dma_semaphore, #tpu.memory_space<semaphore_mem>> -> memref<!tpu.dma_semaphore, #tpu.memory_space<semaphore_mem>>
    tpu.enqueue_indirect_dma source(%dma_start3A_42 : memref<10240x128xf32, #tpu.memory_space<hbm>>) target(%dma_start3A_36 : memref<128x128xf32, #tpu.memory_space<vmem>>) offsets(%dma_start3A_39 : memref<128xi32, #tpu.memory_space<vmem>>) semaphore(%dma_start3A_44 : memref<!tpu.dma_semaphore, #tpu.memory_space<semaphore_mem>>)
    %add3A_45 = arith.constant 2 : i32
    %add3A_46 = arith.addi %select_n3A, %add3A_45 : i32
    %dma_start3A_47 = arith.constant 1 : i32
    %dma_start3A_48 = arith.constant 1 : i32
    %dma_start3A_49 = arith.constant 0 : i32
    %dma_start3A_50 = arith.constant 0 : i32
    %dma_start3A_51 = tpu.memref_slice %arg7[%dma_start3A_47, %dma_start3A_49, %dma_start3A_50] : memref<2x2x128xi32, #tpu.memory_space<vmem>> -> memref<1x2x128xi32, #tpu.memory_space<vmem>>
    %dma_start3A_52 = tpu.memref_squeeze %dma_start3A_51 : memref<1x2x128xi32, #tpu.memory_space<vmem>> -> memref<2x128xi32, #tpu.memory_space<vmem>>
    %dma_start3A_53 = arith.constant 0 : i32
    %dma_start3A_54 = tpu.memref_slice %arg3[%add3A_46, %dma_start3A_53] : memref<2560x128xi32, #tpu.memory_space<hbm>> -> memref<2x128xi32, #tpu.memory_space<hbm>>
    %dma_start3A_55 = tpu.memref_slice %arg12[%dma_start3A_48] : memref<2x!tpu.dma_semaphore, #tpu.memory_space<semaphore_mem>> -> memref<1x!tpu.dma_semaphore, #tpu.memory_space<semaphore_mem>>
    %dma_start3A_56 = tpu.memref_squeeze %dma_start3A_55 : memref<1x!tpu.dma_semaphore, #tpu.memory_space<semaphore_mem>> -> memref<!tpu.dma_semaphore, #tpu.memory_space<semaphore_mem>>
    %dma_start3A_57 = arith.constant 0 : i32
    %dma_start3A_58 = arith.constant 0 : i32
    %dma_start3A_59 = tpu.memref_slice %arg7[%dma_start3A_47, %dma_start3A_57, %dma_start3A_58] : memref<2x2x128xi32, #tpu.memory_space<vmem>> -> memref<1x2x128xi32, #tpu.memory_space<vmem>>
    %dma_start3A_60 = tpu.memref_squeeze %dma_start3A_59 : memref<1x2x128xi32, #tpu.memory_space<vmem>> -> memref<2x128xi32, #tpu.memory_space<vmem>>
    %dma_start3A_61 = arith.constant 0 : i32
    %dma_start3A_62 = tpu.memref_slice %arg3[%add3A_46, %dma_start3A_61] : memref<2560x128xi32, #tpu.memory_space<hbm>> -> memref<2x128xi32, #tpu.memory_space<hbm>>
    tpu.enqueue_dma source(%dma_start3A_62 : memref<2x128xi32, #tpu.memory_space<hbm>>) target(%dma_start3A_60 : memref<2x128xi32, #tpu.memory_space<vmem>>) target_semaphore(%dma_start3A_56 : memref<!tpu.dma_semaphore, #tpu.memory_space<semaphore_mem>>)
    %dma_start3A_63 = arith.constant 1 : i32
    %dma_start3A_64 = arith.constant 1 : i32
    %dma_start3A_65 = arith.constant 0 : i32
    %dma_start3A_66 = arith.constant 0 : i32
    %dma_start3A_67 = tpu.memref_slice %arg8[%dma_start3A_63, %dma_start3A_65, %dma_start3A_66] : memref<2x2x128xi32, #tpu.memory_space<vmem>> -> memref<1x2x128xi32, #tpu.memory_space<vmem>>
    %dma_start3A_68 = tpu.memref_squeeze %dma_start3A_67 : memref<1x2x128xi32, #tpu.memory_space<vmem>> -> memref<2x128xi32, #tpu.memory_space<vmem>>
    %dma_start3A_69 = arith.constant 0 : i32
    %dma_start3A_70 = tpu.memref_slice %arg4[%add3A_46, %dma_start3A_69] : memref<2560x128xi32, #tpu.memory_space<hbm>> -> memref<2x128xi32, #tpu.memory_space<hbm>>
    %dma_start3A_71 = tpu.memref_slice %arg12[%dma_start3A_64] : memref<2x!tpu.dma_semaphore, #tpu.memory_space<semaphore_mem>> -> memref<1x!tpu.dma_semaphore, #tpu.memory_space<semaphore_mem>>
    %dma_start3A_72 = tpu.memref_squeeze %dma_start3A_71 : memref<1x!tpu.dma_semaphore, #tpu.memory_space<semaphore_mem>> -> memref<!tpu.dma_semaphore, #tpu.memory_space<semaphore_mem>>
    %dma_start3A_73 = arith.constant 0 : i32
    %dma_start3A_74 = arith.constant 0 : i32
    %dma_start3A_75 = tpu.memref_slice %arg8[%dma_start3A_63, %dma_start3A_73, %dma_start3A_74] : memref<2x2x128xi32, #tpu.memory_space<vmem>> -> memref<1x2x128xi32, #tpu.memory_space<vmem>>
    %dma_start3A_76 = tpu.memref_squeeze %dma_start3A_75 : memref<1x2x128xi32, #tpu.memory_space<vmem>> -> memref<2x128xi32, #tpu.memory_space<vmem>>
    %dma_start3A_77 = arith.constant 0 : i32
    %dma_start3A_78 = tpu.memref_slice %arg4[%add3A_46, %dma_start3A_77] : memref<2560x128xi32, #tpu.memory_space<hbm>> -> memref<2x128xi32, #tpu.memory_space<hbm>>
    tpu.enqueue_dma source(%dma_start3A_78 : memref<2x128xi32, #tpu.memory_space<hbm>>) target(%dma_start3A_76 : memref<2x128xi32, #tpu.memory_space<vmem>>) target_semaphore(%dma_start3A_72 : memref<!tpu.dma_semaphore, #tpu.memory_space<semaphore_mem>>)
    %barrier3A = arith.constant 0 : index
    tpu.barrier barrier_id(%barrier3A)
    %jit3A_79 = arith.constant 2 : i32
    %div3A = arith.divsi %select_n3A_10, %jit3A_79 : i32
    %sign3A = arith.constant 0 : i32
    %sign3A_80 = arith.cmpi sgt, %select_n3A_10, %sign3A : i32
    %sign3A_81 = arith.extui %sign3A_80 : i1 to i32
    %sign3A_82 = arith.constant 0 : i32
    %sign3A_83 = arith.cmpi slt, %select_n3A_10, %sign3A_82 : i32
    %sign3A_84 = arith.extui %sign3A_83 : i1 to i32
    %sign3A_85 = arith.subi %sign3A_81, %sign3A_84 : i32
    %sign3A_86 = arith.constant 0 : i32
    %sign3A_87 = arith.cmpi sgt, %jit3A_79, %sign3A_86 : i32
    %sign3A_88 = arith.extui %sign3A_87 : i1 to i32
    %sign3A_89 = arith.constant 0 : i32
    %sign3A_90 = arith.cmpi slt, %jit3A_79, %sign3A_89 : i32
    %sign3A_91 = arith.extui %sign3A_90 : i1 to i32
    %sign3A_92 = arith.subi %sign3A_88, %sign3A_91 : i32
    %ne3A = arith.cmpi ne, %sign3A_85, %sign3A_92 : i32
    %rem3A = arith.remsi %select_n3A_10, %jit3A_79 : i32
    %ne3A_93 = arith.constant 0 : i32
    %ne3A_94 = arith.cmpi ne, %rem3A, %ne3A_93 : i32
    %and3A = arith.andi %ne3A, %ne3A_94 : i1
    %sub3A = arith.constant 1 : i32
    %sub3A_95 = arith.subi %div3A, %sub3A : i32
    %select_n3A_96 = arith.select %and3A, %sub3A_95, %div3A : i32
    %sub3A_97 = arith.constant 0 : i32
    %sub3A_98 = arith.subi %select_n3A_96, %sub3A_97 : i32
    %sub3A_99 = arith.constant 1 : i32
    %sub3A_100 = arith.constant 1 : i32
    %sub3A_101 = arith.subi %sub3A_99, %sub3A_100 : i32
    %add3A_102 = arith.addi %sub3A_98, %sub3A_101 : i32
    %div3A_103 = arith.constant 1 : i32
    %div3A_104 = arith.divsi %add3A_102, %div3A_103 : i32
    %while3A = arith.constant 1 : i32
    %while3A_105 = arith.constant 0 : i32
    %while3A_106 = arith.constant 0 : i32
    %while3A_107 = arith.subi %div3A_104, %while3A_106 : i32
    %while3A_108 = arith.addi %while3A_106, %while3A_107 : i32
    %while3A_109 = arith.constant 1 : i32
    %while3A_110 = arith.divsi %while3A_107, %while3A_109 : i32
    %while3A_111 = arith.muli %while3A_110, %while3A_109 : i32
    %while3A_112 = arith.addi %while3A_106, %while3A_111 : i32
    %while3A_113 = arith.constant 1 : i32
    scf.for %while3A_116 = %while3A_106 to %while3A_112 step %while3A_113  : i32 {
      %mul3A_117 = arith.muli %while3A_116, %while3A : i32
      %add3A_118 = arith.addi %while3A_105, %mul3A_117 : i32
      %mul3A_119 = arith.constant 2 : i32
      %mul3A_120 = arith.muli %add3A_118, %mul3A_119 : i32
      %add3A_121 = arith.constant 0 : i32
      %add3A_122 = arith.addi %mul3A_120, %add3A_121 : i32
      %add3A_123 = arith.constant 1 : i32
      %add3A_124 = arith.addi %add3A_122, %add3A_123 : i32
      %lt3A = arith.cmpi slt, %add3A_124, %select_n3A_10 : i32
      %convert_element_type3A = arith.extui %lt3A : i1 to i32
      %cond3A = arith.constant 0 : i32
      %cond3A_125 = arith.cmpi ne, %convert_element_type3A, %cond3A : i32
      scf.if %cond3A_125 {
        %dma_wait3A_247 = arith.constant 1 : i32
        %dma_wait3A_248 = arith.constant 1 : i32
        %dma_wait3A_249 = arith.constant 0 : i32
        %dma_wait3A_250 = arith.constant 0 : i32
        %dma_wait3A_251 = tpu.memref_slice %arg7[%dma_wait3A_247, %dma_wait3A_249, %dma_wait3A_250] : memref<2x2x128xi32, #tpu.memory_space<vmem>> -> memref<1x2x128xi32, #tpu.memory_space<vmem>>
        %dma_wait3A_252 = tpu.memref_squeeze %dma_wait3A_251 : memref<1x2x128xi32, #tpu.memory_space<vmem>> -> memref<2x128xi32, #tpu.memory_space<vmem>>
        %dma_wait3A_253 = arith.constant 0 : i32
        %dma_wait3A_254 = arith.constant 0 : i32
        %dma_wait3A_255 = tpu.memref_slice %arg3[%dma_wait3A_253, %dma_wait3A_254] : memref<2560x128xi32, #tpu.memory_space<hbm>> -> memref<2x128xi32, #tpu.memory_space<hbm>>
        %dma_wait3A_256 = tpu.memref_slice %arg12[%dma_wait3A_248] : memref<2x!tpu.dma_semaphore, #tpu.memory_space<semaphore_mem>> -> memref<1x!tpu.dma_semaphore, #tpu.memory_space<semaphore_mem>>
        %dma_wait3A_257 = tpu.memref_squeeze %dma_wait3A_256 : memref<1x!tpu.dma_semaphore, #tpu.memory_space<semaphore_mem>> -> memref<!tpu.dma_semaphore, #tpu.memory_space<semaphore_mem>>
        %dma_wait3A_258 = arith.constant 0 : i32
        %dma_wait3A_259 = arith.constant 0 : i32
        %dma_wait3A_260 = tpu.memref_slice %arg7[%dma_wait3A_247, %dma_wait3A_258, %dma_wait3A_259] : memref<2x2x128xi32, #tpu.memory_space<vmem>> -> memref<1x2x128xi32, #tpu.memory_space<vmem>>
        %dma_wait3A_261 = tpu.memref_squeeze %dma_wait3A_260 : memref<1x2x128xi32, #tpu.memory_space<vmem>> -> memref<2x128xi32, #tpu.memory_space<vmem>>
        %dma_wait3A_262 = arith.constant 0 : i32
        %dma_wait3A_263 = arith.constant 0 : i32
        %dma_wait3A_264 = tpu.memref_slice %arg3[%dma_wait3A_262, %dma_wait3A_263] : memref<2560x128xi32, #tpu.memory_space<hbm>> -> memref<2x128xi32, #tpu.memory_space<hbm>>
        tpu.wait_dma2 semaphore(%dma_wait3A_257 : memref<!tpu.dma_semaphore, #tpu.memory_space<semaphore_mem>>) src(%dma_wait3A_264 : memref<2x128xi32, #tpu.memory_space<hbm>>) dst(%dma_wait3A_261 : memref<2x128xi32, #tpu.memory_space<vmem>>)
        %dma_wait3A_265 = arith.constant 1 : i32
        %dma_wait3A_266 = arith.constant 1 : i32
        %dma_wait3A_267 = arith.constant 0 : i32
        %dma_wait3A_268 = arith.constant 0 : i32
        %dma_wait3A_269 = tpu.memref_slice %arg8[%dma_wait3A_265, %dma_wait3A_267, %dma_wait3A_268] : memref<2x2x128xi32, #tpu.memory_space<vmem>> -> memref<1x2x128xi32, #tpu.memory_space<vmem>>
        %dma_wait3A_270 = tpu.memref_squeeze %dma_wait3A_269 : memref<1x2x128xi32, #tpu.memory_space<vmem>> -> memref<2x128xi32, #tpu.memory_space<vmem>>
        %dma_wait3A_271 = arith.constant 0 : i32
        %dma_wait3A_272 = arith.constant 0 : i32
        %dma_wait3A_273 = tpu.memref_slice %arg4[%dma_wait3A_271, %dma_wait3A_272] : memref<2560x128xi32, #tpu.memory_space<hbm>> -> memref<2x128xi32, #tpu.memory_space<hbm>>
        %dma_wait3A_274 = tpu.memref_slice %arg12[%dma_wait3A_266] : memref<2x!tpu.dma_semaphore, #tpu.memory_space<semaphore_mem>> -> memref<1x!tpu.dma_semaphore, #tpu.memory_space<semaphore_mem>>
        %dma_wait3A_275 = tpu.memref_squeeze %dma_wait3A_274 : memref<1x!tpu.dma_semaphore, #tpu.memory_space<semaphore_mem>> -> memref<!tpu.dma_semaphore, #tpu.memory_space<semaphore_mem>>
        %dma_wait3A_276 = arith.constant 0 : i32
        %dma_wait3A_277 = arith.constant 0 : i32
        %dma_wait3A_278 = tpu.memref_slice %arg8[%dma_wait3A_265, %dma_wait3A_276, %dma_wait3A_277] : memref<2x2x128xi32, #tpu.memory_space<vmem>> -> memref<1x2x128xi32, #tpu.memory_space<vmem>>
        %dma_wait3A_279 = tpu.memref_squeeze %dma_wait3A_278 : memref<1x2x128xi32, #tpu.memory_space<vmem>> -> memref<2x128xi32, #tpu.memory_space<vmem>>
        %dma_wait3A_280 = arith.constant 0 : i32
        %dma_wait3A_281 = arith.constant 0 : i32
        %dma_wait3A_282 = tpu.memref_slice %arg4[%dma_wait3A_280, %dma_wait3A_281] : memref<2560x128xi32, #tpu.memory_space<hbm>> -> memref<2x128xi32, #tpu.memory_space<hbm>>
        tpu.wait_dma2 semaphore(%dma_wait3A_275 : memref<!tpu.dma_semaphore, #tpu.memory_space<semaphore_mem>>) src(%dma_wait3A_282 : memref<2x128xi32, #tpu.memory_space<hbm>>) dst(%dma_wait3A_279 : memref<2x128xi32, #tpu.memory_space<vmem>>)
      } else {
      }
      %dma_wait3A = arith.constant 0 : i32
      %dma_wait3A_126 = arith.constant 0 : i32
      %dma_wait3A_127 = arith.constant 0 : i32
      %dma_wait3A_128 = arith.constant 0 : i32
      %dma_wait3A_129 = arith.constant 0 : i32
      %dma_wait3A_130 = arith.constant 0 : i32
      %dma_wait3A_131 = tpu.memref_slice %arg9[%dma_wait3A_127, %dma_wait3A_129, %dma_wait3A_130] : memref<2x128x128xf32, #tpu.memory_space<vmem>> -> memref<1x128x128xf32, #tpu.memory_space<vmem>>
      %dma_wait3A_132 = tpu.memref_squeeze %dma_wait3A_131 : memref<1x128x128xf32, #tpu.memory_space<vmem>> -> memref<128x128xf32, #tpu.memory_space<vmem>>
      %dma_wait3A_133 = arith.constant 0 : i32
      %dma_wait3A_134 = tpu.memref_slice %arg7[%dma_wait3A, %dma_wait3A_126, %dma_wait3A_133] : memref<2x2x128xi32, #tpu.memory_space<vmem>> -> memref<1x1x128xi32, #tpu.memory_space<vmem>>
      %dma_wait3A_135 = tpu.memref_squeeze %dma_wait3A_134 : memref<1x1x128xi32, #tpu.memory_space<vmem>> -> memref<128xi32, #tpu.memory_space<vmem>>
      %dma_wait3A_136 = arith.constant 0 : i32
      %dma_wait3A_137 = arith.constant 0 : i32
      %dma_wait3A_138 = tpu.memref_slice %arg2[%dma_wait3A_136, %dma_wait3A_137] : memref<10240x128xf32, #tpu.memory_space<hbm>> -> memref<10240x128xf32, #tpu.memory_space<hbm>>
      %dma_wait3A_139 = tpu.memref_slice %arg11[%dma_wait3A_128] : memref<2x!tpu.dma_semaphore, #tpu.memory_space<semaphore_mem>> -> memref<1x!tpu.dma_semaphore, #tpu.memory_space<semaphore_mem>>
      %dma_wait3A_140 = tpu.memref_squeeze %dma_wait3A_139 : memref<1x!tpu.dma_semaphore, #tpu.memory_space<semaphore_mem>> -> memref<!tpu.dma_semaphore, #tpu.memory_space<semaphore_mem>>
      tpu.wait_indirect_dma semaphore(%dma_wait3A_140 : memref<!tpu.dma_semaphore, #tpu.memory_space<semaphore_mem>>) src(%dma_wait3A_138 : memref<10240x128xf32, #tpu.memory_space<hbm>>) dst(%dma_wait3A_132 : memref<128x128xf32, #tpu.memory_space<vmem>>)
      %run_scoped3A_141 = arith.constant 0 : i32
      %run_scoped3A_142 = arith.constant 0 : i32
      %run_scoped3A_143 = arith.constant 0 : i32
      "tpu.region"() ({
        %run_scoped3A_247 = tpu.sem_alloc : memref<!tpu.dma_semaphore, #tpu.memory_space<semaphore_mem>>
        %dma_start3A_248 = arith.constant 0 : i32
        %dma_start3A_249 = arith.constant 0 : i32
        %dma_start3A_250 = tpu.memref_slice %arg9[%run_scoped3A_141, %dma_start3A_248, %dma_start3A_249] : memref<2x128x128xf32, #tpu.memory_space<vmem>> -> memref<1x128x128xf32, #tpu.memory_space<vmem>>
        %dma_start3A_251 = tpu.memref_squeeze %dma_start3A_250 : memref<1x128x128xf32, #tpu.memory_space<vmem>> -> memref<128x128xf32, #tpu.memory_space<vmem>>
        %dma_start3A_252 = arith.constant 0 : i32
        %dma_start3A_253 = tpu.memref_slice %arg8[%run_scoped3A_142, %run_scoped3A_143, %dma_start3A_252] : memref<2x2x128xi32, #tpu.memory_space<vmem>> -> memref<1x1x128xi32, #tpu.memory_space<vmem>>
        %dma_start3A_254 = tpu.memref_squeeze %dma_start3A_253 : memref<1x1x128xi32, #tpu.memory_space<vmem>> -> memref<128xi32, #tpu.memory_space<vmem>>
        %dma_start3A_255 = arith.constant 0 : i32
        %dma_start3A_256 = arith.constant 0 : i32
        %dma_start3A_257 = tpu.memref_slice %arg10[%dma_start3A_255, %dma_start3A_256] : memref<10240x128xf32, #tpu.memory_space<vmem_shared>> -> memref<10240x128xf32, #tpu.memory_space<vmem_shared>>
        tpu.enqueue_indirect_dma source(%dma_start3A_251 : memref<128x128xf32, #tpu.memory_space<vmem>>) target(%dma_start3A_257 : memref<10240x128xf32, #tpu.memory_space<vmem_shared>>) offsets(%dma_start3A_254 : memref<128xi32, #tpu.memory_space<vmem>>) semaphore(%run_scoped3A_247 : memref<!tpu.dma_semaphore, #tpu.memory_space<semaphore_mem>>) {add = true}
        %dma_wait3A_258 = arith.constant 0 : i32
        %dma_wait3A_259 = arith.constant 0 : i32
        %dma_wait3A_260 = tpu.memref_slice %arg9[%run_scoped3A_141, %dma_wait3A_258, %dma_wait3A_259] : memref<2x128x128xf32, #tpu.memory_space<vmem>> -> memref<1x128x128xf32, #tpu.memory_space<vmem>>
        %dma_wait3A_261 = tpu.memref_squeeze %dma_wait3A_260 : memref<1x128x128xf32, #tpu.memory_space<vmem>> -> memref<128x128xf32, #tpu.memory_space<vmem>>
        %dma_wait3A_262 = arith.constant 0 : i32
        %dma_wait3A_263 = tpu.memref_slice %arg8[%run_scoped3A_142, %run_scoped3A_143, %dma_wait3A_262] : memref<2x2x128xi32, #tpu.memory_space<vmem>> -> memref<1x1x128xi32, #tpu.memory_space<vmem>>
        %dma_wait3A_264 = tpu.memref_squeeze %dma_wait3A_263 : memref<1x1x128xi32, #tpu.memory_space<vmem>> -> memref<128xi32, #tpu.memory_space<vmem>>
        %dma_wait3A_265 = arith.constant 0 : i32
        %dma_wait3A_266 = arith.constant 0 : i32
        %dma_wait3A_267 = tpu.memref_slice %arg10[%dma_wait3A_265, %dma_wait3A_266] : memref<10240x128xf32, #tpu.memory_space<vmem_shared>> -> memref<10240x128xf32, #tpu.memory_space<vmem_shared>>
        tpu.wait_indirect_dma semaphore(%run_scoped3A_247 : memref<!tpu.dma_semaphore, #tpu.memory_space<semaphore_mem>>) src(%dma_wait3A_261 : memref<128x128xf32, #tpu.memory_space<vmem>>) dst(%dma_wait3A_267 : memref<10240x128xf32, #tpu.memory_space<vmem_shared>>)
        tpu.yield
      }) : () -> ()
      %add3A_144 = arith.constant 1 : i32
      %add3A_145 = arith.addi %add3A_122, %add3A_144 : i32
      %lt3A_146 = arith.cmpi slt, %add3A_145, %select_n3A_10 : i32
      %convert_element_type3A_147 = arith.extui %lt3A_146 : i1 to i32
      %cond3A_148 = arith.constant 0 : i32
      %cond3A_149 = arith.cmpi ne, %convert_element_type3A_147, %cond3A_148 : i32
      scf.if %cond3A_149 {
        %dma_start3A_247 = arith.constant 1 : i32
        %dma_start3A_248 = arith.constant 0 : i32
        %dma_start3A_249 = arith.constant 0 : i32
        %dma_start3A_250 = arith.constant 0 : i32
        %dma_start3A_251 = arith.constant 0 : i32
        %dma_start3A_252 = arith.constant 0 : i32
        %dma_start3A_253 = tpu.memref_slice %arg9[%dma_start3A_249, %dma_start3A_251, %dma_start3A_252] : memref<2x128x128xf32, #tpu.memory_space<vmem>> -> memref<1x128x128xf32, #tpu.memory_space<vmem>>
        %dma_start3A_254 = tpu.memref_squeeze %dma_start3A_253 : memref<1x128x128xf32, #tpu.memory_space<vmem>> -> memref<128x128xf32, #tpu.memory_space<vmem>>
        %dma_start3A_255 = arith.constant 0 : i32
        %dma_start3A_256 = tpu.memref_slice %arg7[%dma_start3A_247, %dma_start3A_248, %dma_start3A_255] : memref<2x2x128xi32, #tpu.memory_space<vmem>> -> memref<1x1x128xi32, #tpu.memory_space<vmem>>
        %dma_start3A_257 = tpu.memref_squeeze %dma_start3A_256 : memref<1x1x128xi32, #tpu.memory_space<vmem>> -> memref<128xi32, #tpu.memory_space<vmem>>
        %dma_start3A_258 = arith.constant 0 : i32
        %dma_start3A_259 = arith.constant 0 : i32
        %dma_start3A_260 = tpu.memref_slice %arg2[%dma_start3A_258, %dma_start3A_259] : memref<10240x128xf32, #tpu.memory_space<hbm>> -> memref<10240x128xf32, #tpu.memory_space<hbm>>
        %dma_start3A_261 = tpu.memref_slice %arg11[%dma_start3A_250] : memref<2x!tpu.dma_semaphore, #tpu.memory_space<semaphore_mem>> -> memref<1x!tpu.dma_semaphore, #tpu.memory_space<semaphore_mem>>
        %dma_start3A_262 = tpu.memref_squeeze %dma_start3A_261 : memref<1x!tpu.dma_semaphore, #tpu.memory_space<semaphore_mem>> -> memref<!tpu.dma_semaphore, #tpu.memory_space<semaphore_mem>>
        tpu.enqueue_indirect_dma source(%dma_start3A_260 : memref<10240x128xf32, #tpu.memory_space<hbm>>) target(%dma_start3A_254 : memref<128x128xf32, #tpu.memory_space<vmem>>) offsets(%dma_start3A_257 : memref<128xi32, #tpu.memory_space<vmem>>) semaphore(%dma_start3A_262 : memref<!tpu.dma_semaphore, #tpu.memory_space<semaphore_mem>>)
      } else {
      }
      %dma_wait3A_150 = arith.constant 0 : i32
      %dma_wait3A_151 = arith.constant 1 : i32
      %dma_wait3A_152 = arith.constant 1 : i32
      %dma_wait3A_153 = arith.constant 1 : i32
      %dma_wait3A_154 = arith.constant 0 : i32
      %dma_wait3A_155 = arith.constant 0 : i32
      %dma_wait3A_156 = tpu.memref_slice %arg9[%dma_wait3A_152, %dma_wait3A_154, %dma_wait3A_155] : memref<2x128x128xf32, #tpu.memory_space<vmem>> -> memref<1x128x128xf32, #tpu.memory_space<vmem>>
      %dma_wait3A_157 = tpu.memref_squeeze %dma_wait3A_156 : memref<1x128x128xf32, #tpu.memory_space<vmem>> -> memref<128x128xf32, #tpu.memory_space<vmem>>
      %dma_wait3A_158 = arith.constant 0 : i32
      %dma_wait3A_159 = tpu.memref_slice %arg7[%dma_wait3A_150, %dma_wait3A_151, %dma_wait3A_158] : memref<2x2x128xi32, #tpu.memory_space<vmem>> -> memref<1x1x128xi32, #tpu.memory_space<vmem>>
      %dma_wait3A_160 = tpu.memref_squeeze %dma_wait3A_159 : memref<1x1x128xi32, #tpu.memory_space<vmem>> -> memref<128xi32, #tpu.memory_space<vmem>>
      %dma_wait3A_161 = arith.constant 0 : i32
      %dma_wait3A_162 = arith.constant 0 : i32
      %dma_wait3A_163 = tpu.memref_slice %arg2[%dma_wait3A_161, %dma_wait3A_162] : memref<10240x128xf32, #tpu.memory_space<hbm>> -> memref<10240x128xf32, #tpu.memory_space<hbm>>
      %dma_wait3A_164 = tpu.memref_slice %arg11[%dma_wait3A_153] : memref<2x!tpu.dma_semaphore, #tpu.memory_space<semaphore_mem>> -> memref<1x!tpu.dma_semaphore, #tpu.memory_space<semaphore_mem>>
      %dma_wait3A_165 = tpu.memref_squeeze %dma_wait3A_164 : memref<1x!tpu.dma_semaphore, #tpu.memory_space<semaphore_mem>> -> memref<!tpu.dma_semaphore, #tpu.memory_space<semaphore_mem>>
      tpu.wait_indirect_dma semaphore(%dma_wait3A_165 : memref<!tpu.dma_semaphore, #tpu.memory_space<semaphore_mem>>) src(%dma_wait3A_163 : memref<10240x128xf32, #tpu.memory_space<hbm>>) dst(%dma_wait3A_157 : memref<128x128xf32, #tpu.memory_space<vmem>>)
      %run_scoped3A_166 = arith.constant 1 : i32
      %run_scoped3A_167 = arith.constant 0 : i32
      %run_scoped3A_168 = arith.constant 1 : i32
      "tpu.region"() ({
        %run_scoped3A_247 = tpu.sem_alloc : memref<!tpu.dma_semaphore, #tpu.memory_space<semaphore_mem>>
        %dma_start3A_248 = arith.constant 0 : i32
        %dma_start3A_249 = arith.constant 0 : i32
        %dma_start3A_250 = tpu.memref_slice %arg9[%run_scoped3A_166, %dma_start3A_248, %dma_start3A_249] : memref<2x128x128xf32, #tpu.memory_space<vmem>> -> memref<1x128x128xf32, #tpu.memory_space<vmem>>
        %dma_start3A_251 = tpu.memref_squeeze %dma_start3A_250 : memref<1x128x128xf32, #tpu.memory_space<vmem>> -> memref<128x128xf32, #tpu.memory_space<vmem>>
        %dma_start3A_252 = arith.constant 0 : i32
        %dma_start3A_253 = tpu.memref_slice %arg8[%run_scoped3A_167, %run_scoped3A_168, %dma_start3A_252] : memref<2x2x128xi32, #tpu.memory_space<vmem>> -> memref<1x1x128xi32, #tpu.memory_space<vmem>>
        %dma_start3A_254 = tpu.memref_squeeze %dma_start3A_253 : memref<1x1x128xi32, #tpu.memory_space<vmem>> -> memref<128xi32, #tpu.memory_space<vmem>>
        %dma_start3A_255 = arith.constant 0 : i32
        %dma_start3A_256 = arith.constant 0 : i32
        %dma_start3A_257 = tpu.memref_slice %arg10[%dma_start3A_255, %dma_start3A_256] : memref<10240x128xf32, #tpu.memory_space<vmem_shared>> -> memref<10240x128xf32, #tpu.memory_space<vmem_shared>>
        tpu.enqueue_indirect_dma source(%dma_start3A_251 : memref<128x128xf32, #tpu.memory_space<vmem>>) target(%dma_start3A_257 : memref<10240x128xf32, #tpu.memory_space<vmem_shared>>) offsets(%dma_start3A_254 : memref<128xi32, #tpu.memory_space<vmem>>) semaphore(%run_scoped3A_247 : memref<!tpu.dma_semaphore, #tpu.memory_space<semaphore_mem>>) {add = true}
        %dma_wait3A_258 = arith.constant 0 : i32
        %dma_wait3A_259 = arith.constant 0 : i32
        %dma_wait3A_260 = tpu.memref_slice %arg9[%run_scoped3A_166, %dma_wait3A_258, %dma_wait3A_259] : memref<2x128x128xf32, #tpu.memory_space<vmem>> -> memref<1x128x128xf32, #tpu.memory_space<vmem>>
        %dma_wait3A_261 = tpu.memref_squeeze %dma_wait3A_260 : memref<1x128x128xf32, #tpu.memory_space<vmem>> -> memref<128x128xf32, #tpu.memory_space<vmem>>
        %dma_wait3A_262 = arith.constant 0 : i32
        %dma_wait3A_263 = tpu.memref_slice %arg8[%run_scoped3A_167, %run_scoped3A_168, %dma_wait3A_262] : memref<2x2x128xi32, #tpu.memory_space<vmem>> -> memref<1x1x128xi32, #tpu.memory_space<vmem>>
        %dma_wait3A_264 = tpu.memref_squeeze %dma_wait3A_263 : memref<1x1x128xi32, #tpu.memory_space<vmem>> -> memref<128xi32, #tpu.memory_space<vmem>>
        %dma_wait3A_265 = arith.constant 0 : i32
        %dma_wait3A_266 = arith.constant 0 : i32
        %dma_wait3A_267 = tpu.memref_slice %arg10[%dma_wait3A_265, %dma_wait3A_266] : memref<10240x128xf32, #tpu.memory_space<vmem_shared>> -> memref<10240x128xf32, #tpu.memory_space<vmem_shared>>
        tpu.wait_indirect_dma semaphore(%run_scoped3A_247 : memref<!tpu.dma_semaphore, #tpu.memory_space<semaphore_mem>>) src(%dma_wait3A_261 : memref<128x128xf32, #tpu.memory_space<vmem>>) dst(%dma_wait3A_267 : memref<10240x128xf32, #tpu.memory_space<vmem_shared>>)
        tpu.yield
      }) : () -> ()
      %add3A_169 = arith.constant 1 : i32
      %add3A_170 = arith.addi %add3A_122, %add3A_169 : i32
      %lt3A_171 = arith.cmpi slt, %add3A_170, %select_n3A_10 : i32
      %convert_element_type3A_172 = arith.extui %lt3A_171 : i1 to i32
      %cond3A_173 = arith.constant 0 : i32
      %cond3A_174 = arith.cmpi ne, %convert_element_type3A_172, %cond3A_173 : i32
      scf.if %cond3A_174 {
        %dma_start3A_247 = arith.constant 1 : i32
        %dma_start3A_248 = arith.constant 1 : i32
        %dma_start3A_249 = arith.constant 1 : i32
        %dma_start3A_250 = arith.constant 1 : i32
        %dma_start3A_251 = arith.constant 0 : i32
        %dma_start3A_252 = arith.constant 0 : i32
        %dma_start3A_253 = tpu.memref_slice %arg9[%dma_start3A_249, %dma_start3A_251, %dma_start3A_252] : memref<2x128x128xf32, #tpu.memory_space<vmem>> -> memref<1x128x128xf32, #tpu.memory_space<vmem>>
        %dma_start3A_254 = tpu.memref_squeeze %dma_start3A_253 : memref<1x128x128xf32, #tpu.memory_space<vmem>> -> memref<128x128xf32, #tpu.memory_space<vmem>>
        %dma_start3A_255 = arith.constant 0 : i32
        %dma_start3A_256 = tpu.memref_slice %arg7[%dma_start3A_247, %dma_start3A_248, %dma_start3A_255] : memref<2x2x128xi32, #tpu.memory_space<vmem>> -> memref<1x1x128xi32, #tpu.memory_space<vmem>>
        %dma_start3A_257 = tpu.memref_squeeze %dma_start3A_256 : memref<1x1x128xi32, #tpu.memory_space<vmem>> -> memref<128xi32, #tpu.memory_space<vmem>>
        %dma_start3A_258 = arith.constant 0 : i32
        %dma_start3A_259 = arith.constant 0 : i32
        %dma_start3A_260 = tpu.memref_slice %arg2[%dma_start3A_258, %dma_start3A_259] : memref<10240x128xf32, #tpu.memory_space<hbm>> -> memref<10240x128xf32, #tpu.memory_space<hbm>>
        %dma_start3A_261 = tpu.memref_slice %arg11[%dma_start3A_250] : memref<2x!tpu.dma_semaphore, #tpu.memory_space<semaphore_mem>> -> memref<1x!tpu.dma_semaphore, #tpu.memory_space<semaphore_mem>>
        %dma_start3A_262 = tpu.memref_squeeze %dma_start3A_261 : memref<1x!tpu.dma_semaphore, #tpu.memory_space<semaphore_mem>> -> memref<!tpu.dma_semaphore, #tpu.memory_space<semaphore_mem>>
        tpu.enqueue_indirect_dma source(%dma_start3A_260 : memref<10240x128xf32, #tpu.memory_space<hbm>>) target(%dma_start3A_254 : memref<128x128xf32, #tpu.memory_space<vmem>>) offsets(%dma_start3A_257 : memref<128xi32, #tpu.memory_space<vmem>>) semaphore(%dma_start3A_262 : memref<!tpu.dma_semaphore, #tpu.memory_space<semaphore_mem>>)
      } else {
      }
      %add3A_175 = arith.constant 2 : i32
      %add3A_176 = arith.addi %add3A_122, %add3A_175 : i32
      %lt3A_177 = arith.cmpi slt, %add3A_176, %select_n3A_10 : i32
      %convert_element_type3A_178 = arith.extui %lt3A_177 : i1 to i32
      %cond3A_179 = arith.constant 0 : i32
      %cond3A_180 = arith.cmpi ne, %convert_element_type3A_178, %cond3A_179 : i32
      scf.if %cond3A_180 {
        %add3A_247 = arith.constant 2 : i32
        %add3A_248 = arith.addi %add3A_122, %add3A_247 : i32
        %mul3A_249 = arith.constant 2 : i32
        %mul3A_250 = arith.muli %add3A_248, %mul3A_249 : i32
        %add3A_251 = arith.addi %select_n3A, %mul3A_250 : i32
        %dma_start3A_252 = arith.constant 0 : i32
        %dma_start3A_253 = arith.constant 0 : i32
        %dma_start3A_254 = arith.constant 0 : i32
        %dma_start3A_255 = arith.constant 0 : i32
        %dma_start3A_256 = tpu.memref_slice %arg7[%dma_start3A_252, %dma_start3A_254, %dma_start3A_255] : memref<2x2x128xi32, #tpu.memory_space<vmem>> -> memref<1x2x128xi32, #tpu.memory_space<vmem>>
        %dma_start3A_257 = tpu.memref_squeeze %dma_start3A_256 : memref<1x2x128xi32, #tpu.memory_space<vmem>> -> memref<2x128xi32, #tpu.memory_space<vmem>>
        %dma_start3A_258 = arith.constant 0 : i32
        %dma_start3A_259 = tpu.memref_slice %arg3[%add3A_251, %dma_start3A_258] : memref<2560x128xi32, #tpu.memory_space<hbm>> -> memref<2x128xi32, #tpu.memory_space<hbm>>
        %dma_start3A_260 = tpu.memref_slice %arg12[%dma_start3A_253] : memref<2x!tpu.dma_semaphore, #tpu.memory_space<semaphore_mem>> -> memref<1x!tpu.dma_semaphore, #tpu.memory_space<semaphore_mem>>
        %dma_start3A_261 = tpu.memref_squeeze %dma_start3A_260 : memref<1x!tpu.dma_semaphore, #tpu.memory_space<semaphore_mem>> -> memref<!tpu.dma_semaphore, #tpu.memory_space<semaphore_mem>>
        %dma_start3A_262 = arith.constant 0 : i32
        %dma_start3A_263 = arith.constant 0 : i32
        %dma_start3A_264 = tpu.memref_slice %arg7[%dma_start3A_252, %dma_start3A_262, %dma_start3A_263] : memref<2x2x128xi32, #tpu.memory_space<vmem>> -> memref<1x2x128xi32, #tpu.memory_space<vmem>>
        %dma_start3A_265 = tpu.memref_squeeze %dma_start3A_264 : memref<1x2x128xi32, #tpu.memory_space<vmem>> -> memref<2x128xi32, #tpu.memory_space<vmem>>
        %dma_start3A_266 = arith.constant 0 : i32
        %dma_start3A_267 = tpu.memref_slice %arg3[%add3A_251, %dma_start3A_266] : memref<2560x128xi32, #tpu.memory_space<hbm>> -> memref<2x128xi32, #tpu.memory_space<hbm>>
        tpu.enqueue_dma source(%dma_start3A_267 : memref<2x128xi32, #tpu.memory_space<hbm>>) target(%dma_start3A_265 : memref<2x128xi32, #tpu.memory_space<vmem>>) target_semaphore(%dma_start3A_261 : memref<!tpu.dma_semaphore, #tpu.memory_space<semaphore_mem>>)
        %dma_start3A_268 = arith.constant 0 : i32
        %dma_start3A_269 = arith.constant 0 : i32
        %dma_start3A_270 = arith.constant 0 : i32
        %dma_start3A_271 = arith.constant 0 : i32
        %dma_start3A_272 = tpu.memref_slice %arg8[%dma_start3A_268, %dma_start3A_270, %dma_start3A_271] : memref<2x2x128xi32, #tpu.memory_space<vmem>> -> memref<1x2x128xi32, #tpu.memory_space<vmem>>
        %dma_start3A_273 = tpu.memref_squeeze %dma_start3A_272 : memref<1x2x128xi32, #tpu.memory_space<vmem>> -> memref<2x128xi32, #tpu.memory_space<vmem>>
        %dma_start3A_274 = arith.constant 0 : i32
        %dma_start3A_275 = tpu.memref_slice %arg4[%add3A_251, %dma_start3A_274] : memref<2560x128xi32, #tpu.memory_space<hbm>> -> memref<2x128xi32, #tpu.memory_space<hbm>>
        %dma_start3A_276 = tpu.memref_slice %arg12[%dma_start3A_269] : memref<2x!tpu.dma_semaphore, #tpu.memory_space<semaphore_mem>> -> memref<1x!tpu.dma_semaphore, #tpu.memory_space<semaphore_mem>>
        %dma_start3A_277 = tpu.memref_squeeze %dma_start3A_276 : memref<1x!tpu.dma_semaphore, #tpu.memory_space<semaphore_mem>> -> memref<!tpu.dma_semaphore, #tpu.memory_space<semaphore_mem>>
        %dma_start3A_278 = arith.constant 0 : i32
        %dma_start3A_279 = arith.constant 0 : i32
        %dma_start3A_280 = tpu.memref_slice %arg8[%dma_start3A_268, %dma_start3A_278, %dma_start3A_279] : memref<2x2x128xi32, #tpu.memory_space<vmem>> -> memref<1x2x128xi32, #tpu.memory_space<vmem>>
        %dma_start3A_281 = tpu.memref_squeeze %dma_start3A_280 : memref<1x2x128xi32, #tpu.memory_space<vmem>> -> memref<2x128xi32, #tpu.memory_space<vmem>>
        %dma_start3A_282 = arith.constant 0 : i32
        %dma_start3A_283 = tpu.memref_slice %arg4[%add3A_251, %dma_start3A_282] : memref<2560x128xi32, #tpu.memory_space<hbm>> -> memref<2x128xi32, #tpu.memory_space<hbm>>
        tpu.enqueue_dma source(%dma_start3A_283 : memref<2x128xi32, #tpu.memory_space<hbm>>) target(%dma_start3A_281 : memref<2x128xi32, #tpu.memory_space<vmem>>) target_semaphore(%dma_start3A_277 : memref<!tpu.dma_semaphore, #tpu.memory_space<semaphore_mem>>)
      } else {
      }
      %mul3A_181 = arith.constant 2 : i32
      %mul3A_182 = arith.muli %add3A_118, %mul3A_181 : i32
      %add3A_183 = arith.constant 1 : i32
      %add3A_184 = arith.addi %mul3A_182, %add3A_183 : i32
      %add3A_185 = arith.constant 1 : i32
      %add3A_186 = arith.addi %add3A_184, %add3A_185 : i32
      %lt3A_187 = arith.cmpi slt, %add3A_186, %select_n3A_10 : i32
      %convert_element_type3A_188 = arith.extui %lt3A_187 : i1 to i32
      %cond3A_189 = arith.constant 0 : i32
      %cond3A_190 = arith.cmpi ne, %convert_element_type3A_188, %cond3A_189 : i32
      scf.if %cond3A_190 {
        %dma_wait3A_247 = arith.constant 0 : i32
        %dma_wait3A_248 = arith.constant 0 : i32
        %dma_wait3A_249 = arith.constant 0 : i32
        %dma_wait3A_250 = arith.constant 0 : i32
        %dma_wait3A_251 = tpu.memref_slice %arg7[%dma_wait3A_247, %dma_wait3A_249, %dma_wait3A_250] : memref<2x2x128xi32, #tpu.memory_space<vmem>> -> memref<1x2x128xi32, #tpu.memory_space<vmem>>
        %dma_wait3A_252 = tpu.memref_squeeze %dma_wait3A_251 : memref<1x2x128xi32, #tpu.memory_space<vmem>> -> memref<2x128xi32, #tpu.memory_space<vmem>>
        %dma_wait3A_253 = arith.constant 0 : i32
        %dma_wait3A_254 = arith.constant 0 : i32
        %dma_wait3A_255 = tpu.memref_slice %arg3[%dma_wait3A_253, %dma_wait3A_254] : memref<2560x128xi32, #tpu.memory_space<hbm>> -> memref<2x128xi32, #tpu.memory_space<hbm>>
        %dma_wait3A_256 = tpu.memref_slice %arg12[%dma_wait3A_248] : memref<2x!tpu.dma_semaphore, #tpu.memory_space<semaphore_mem>> -> memref<1x!tpu.dma_semaphore, #tpu.memory_space<semaphore_mem>>
        %dma_wait3A_257 = tpu.memref_squeeze %dma_wait3A_256 : memref<1x!tpu.dma_semaphore, #tpu.memory_space<semaphore_mem>> -> memref<!tpu.dma_semaphore, #tpu.memory_space<semaphore_mem>>
        %dma_wait3A_258 = arith.constant 0 : i32
        %dma_wait3A_259 = arith.constant 0 : i32
        %dma_wait3A_260 = tpu.memref_slice %arg7[%dma_wait3A_247, %dma_wait3A_258, %dma_wait3A_259] : memref<2x2x128xi32, #tpu.memory_space<vmem>> -> memref<1x2x128xi32, #tpu.memory_space<vmem>>
        %dma_wait3A_261 = tpu.memref_squeeze %dma_wait3A_260 : memref<1x2x128xi32, #tpu.memory_space<vmem>> -> memref<2x128xi32, #tpu.memory_space<vmem>>
        %dma_wait3A_262 = arith.constant 0 : i32
        %dma_wait3A_263 = arith.constant 0 : i32
        %dma_wait3A_264 = tpu.memref_slice %arg3[%dma_wait3A_262, %dma_wait3A_263] : memref<2560x128xi32, #tpu.memory_space<hbm>> -> memref<2x128xi32, #tpu.memory_space<hbm>>
        tpu.wait_dma2 semaphore(%dma_wait3A_257 : memref<!tpu.dma_semaphore, #tpu.memory_space<semaphore_mem>>) src(%dma_wait3A_264 : memref<2x128xi32, #tpu.memory_space<hbm>>) dst(%dma_wait3A_261 : memref<2x128xi32, #tpu.memory_space<vmem>>)
        %dma_wait3A_265 = arith.constant 0 : i32
        %dma_wait3A_266 = arith.constant 0 : i32
        %dma_wait3A_267 = arith.constant 0 : i32
        %dma_wait3A_268 = arith.constant 0 : i32
        %dma_wait3A_269 = tpu.memref_slice %arg8[%dma_wait3A_265, %dma_wait3A_267, %dma_wait3A_268] : memref<2x2x128xi32, #tpu.memory_space<vmem>> -> memref<1x2x128xi32, #tpu.memory_space<vmem>>
        %dma_wait3A_270 = tpu.memref_squeeze %dma_wait3A_269 : memref<1x2x128xi32, #tpu.memory_space<vmem>> -> memref<2x128xi32, #tpu.memory_space<vmem>>
        %dma_wait3A_271 = arith.constant 0 : i32
        %dma_wait3A_272 = arith.constant 0 : i32
        %dma_wait3A_273 = tpu.memref_slice %arg4[%dma_wait3A_271, %dma_wait3A_272] : memref<2560x128xi32, #tpu.memory_space<hbm>> -> memref<2x128xi32, #tpu.memory_space<hbm>>
        %dma_wait3A_274 = tpu.memref_slice %arg12[%dma_wait3A_266] : memref<2x!tpu.dma_semaphore, #tpu.memory_space<semaphore_mem>> -> memref<1x!tpu.dma_semaphore, #tpu.memory_space<semaphore_mem>>
        %dma_wait3A_275 = tpu.memref_squeeze %dma_wait3A_274 : memref<1x!tpu.dma_semaphore, #tpu.memory_space<semaphore_mem>> -> memref<!tpu.dma_semaphore, #tpu.memory_space<semaphore_mem>>
        %dma_wait3A_276 = arith.constant 0 : i32
        %dma_wait3A_277 = arith.constant 0 : i32
        %dma_wait3A_278 = tpu.memref_slice %arg8[%dma_wait3A_265, %dma_wait3A_276, %dma_wait3A_277] : memref<2x2x128xi32, #tpu.memory_space<vmem>> -> memref<1x2x128xi32, #tpu.memory_space<vmem>>
        %dma_wait3A_279 = tpu.memref_squeeze %dma_wait3A_278 : memref<1x2x128xi32, #tpu.memory_space<vmem>> -> memref<2x128xi32, #tpu.memory_space<vmem>>
        %dma_wait3A_280 = arith.constant 0 : i32
        %dma_wait3A_281 = arith.constant 0 : i32
        %dma_wait3A_282 = tpu.memref_slice %arg4[%dma_wait3A_280, %dma_wait3A_281] : memref<2560x128xi32, #tpu.memory_space<hbm>> -> memref<2x128xi32, #tpu.memory_space<hbm>>
        tpu.wait_dma2 semaphore(%dma_wait3A_275 : memref<!tpu.dma_semaphore, #tpu.memory_space<semaphore_mem>>) src(%dma_wait3A_282 : memref<2x128xi32, #tpu.memory_space<hbm>>) dst(%dma_wait3A_279 : memref<2x128xi32, #tpu.memory_space<vmem>>)
      } else {
      }
      %dma_wait3A_191 = arith.constant 1 : i32
      %dma_wait3A_192 = arith.constant 0 : i32
      %dma_wait3A_193 = arith.constant 0 : i32
      %dma_wait3A_194 = arith.constant 0 : i32
      %dma_wait3A_195 = arith.constant 0 : i32
      %dma_wait3A_196 = arith.constant 0 : i32
      %dma_wait3A_197 = tpu.memref_slice %arg9[%dma_wait3A_193, %dma_wait3A_195, %dma_wait3A_196] : memref<2x128x128xf32, #tpu.memory_space<vmem>> -> memref<1x128x128xf32, #tpu.memory_space<vmem>>
      %dma_wait3A_198 = tpu.memref_squeeze %dma_wait3A_197 : memref<1x128x128xf32, #tpu.memory_space<vmem>> -> memref<128x128xf32, #tpu.memory_space<vmem>>
      %dma_wait3A_199 = arith.constant 0 : i32
      %dma_wait3A_200 = tpu.memref_slice %arg7[%dma_wait3A_191, %dma_wait3A_192, %dma_wait3A_199] : memref<2x2x128xi32, #tpu.memory_space<vmem>> -> memref<1x1x128xi32, #tpu.memory_space<vmem>>
      %dma_wait3A_201 = tpu.memref_squeeze %dma_wait3A_200 : memref<1x1x128xi32, #tpu.memory_space<vmem>> -> memref<128xi32, #tpu.memory_space<vmem>>
      %dma_wait3A_202 = arith.constant 0 : i32
      %dma_wait3A_203 = arith.constant 0 : i32
      %dma_wait3A_204 = tpu.memref_slice %arg2[%dma_wait3A_202, %dma_wait3A_203] : memref<10240x128xf32, #tpu.memory_space<hbm>> -> memref<10240x128xf32, #tpu.memory_space<hbm>>
      %dma_wait3A_205 = tpu.memref_slice %arg11[%dma_wait3A_194] : memref<2x!tpu.dma_semaphore, #tpu.memory_space<semaphore_mem>> -> memref<1x!tpu.dma_semaphore, #tpu.memory_space<semaphore_mem>>
      %dma_wait3A_206 = tpu.memref_squeeze %dma_wait3A_205 : memref<1x!tpu.dma_semaphore, #tpu.memory_space<semaphore_mem>> -> memref<!tpu.dma_semaphore, #tpu.memory_space<semaphore_mem>>
      tpu.wait_indirect_dma semaphore(%dma_wait3A_206 : memref<!tpu.dma_semaphore, #tpu.memory_space<semaphore_mem>>) src(%dma_wait3A_204 : memref<10240x128xf32, #tpu.memory_space<hbm>>) dst(%dma_wait3A_198 : memref<128x128xf32, #tpu.memory_space<vmem>>)
      %run_scoped3A_207 = arith.constant 0 : i32
      %run_scoped3A_208 = arith.constant 1 : i32
      %run_scoped3A_209 = arith.constant 0 : i32
      "tpu.region"() ({
        %run_scoped3A_247 = tpu.sem_alloc : memref<!tpu.dma_semaphore, #tpu.memory_space<semaphore_mem>>
        %dma_start3A_248 = arith.constant 0 : i32
        %dma_start3A_249 = arith.constant 0 : i32
        %dma_start3A_250 = tpu.memref_slice %arg9[%run_scoped3A_207, %dma_start3A_248, %dma_start3A_249] : memref<2x128x128xf32, #tpu.memory_space<vmem>> -> memref<1x128x128xf32, #tpu.memory_space<vmem>>
        %dma_start3A_251 = tpu.memref_squeeze %dma_start3A_250 : memref<1x128x128xf32, #tpu.memory_space<vmem>> -> memref<128x128xf32, #tpu.memory_space<vmem>>
        %dma_start3A_252 = arith.constant 0 : i32
        %dma_start3A_253 = tpu.memref_slice %arg8[%run_scoped3A_208, %run_scoped3A_209, %dma_start3A_252] : memref<2x2x128xi32, #tpu.memory_space<vmem>> -> memref<1x1x128xi32, #tpu.memory_space<vmem>>
        %dma_start3A_254 = tpu.memref_squeeze %dma_start3A_253 : memref<1x1x128xi32, #tpu.memory_space<vmem>> -> memref<128xi32, #tpu.memory_space<vmem>>
        %dma_start3A_255 = arith.constant 0 : i32
        %dma_start3A_256 = arith.constant 0 : i32
        %dma_start3A_257 = tpu.memref_slice %arg10[%dma_start3A_255, %dma_start3A_256] : memref<10240x128xf32, #tpu.memory_space<vmem_shared>> -> memref<10240x128xf32, #tpu.memory_space<vmem_shared>>
        tpu.enqueue_indirect_dma source(%dma_start3A_251 : memref<128x128xf32, #tpu.memory_space<vmem>>) target(%dma_start3A_257 : memref<10240x128xf32, #tpu.memory_space<vmem_shared>>) offsets(%dma_start3A_254 : memref<128xi32, #tpu.memory_space<vmem>>) semaphore(%run_scoped3A_247 : memref<!tpu.dma_semaphore, #tpu.memory_space<semaphore_mem>>) {add = true}
        %dma_wait3A_258 = arith.constant 0 : i32
        %dma_wait3A_259 = arith.constant 0 : i32
        %dma_wait3A_260 = tpu.memref_slice %arg9[%run_scoped3A_207, %dma_wait3A_258, %dma_wait3A_259] : memref<2x128x128xf32, #tpu.memory_space<vmem>> -> memref<1x128x128xf32, #tpu.memory_space<vmem>>
        %dma_wait3A_261 = tpu.memref_squeeze %dma_wait3A_260 : memref<1x128x128xf32, #tpu.memory_space<vmem>> -> memref<128x128xf32, #tpu.memory_space<vmem>>
        %dma_wait3A_262 = arith.constant 0 : i32
        %dma_wait3A_263 = tpu.memref_slice %arg8[%run_scoped3A_208, %run_scoped3A_209, %dma_wait3A_262] : memref<2x2x128xi32, #tpu.memory_space<vmem>> -> memref<1x1x128xi32, #tpu.memory_space<vmem>>
        %dma_wait3A_264 = tpu.memref_squeeze %dma_wait3A_263 : memref<1x1x128xi32, #tpu.memory_space<vmem>> -> memref<128xi32, #tpu.memory_space<vmem>>
        %dma_wait3A_265 = arith.constant 0 : i32
        %dma_wait3A_266 = arith.constant 0 : i32
        %dma_wait3A_267 = tpu.memref_slice %arg10[%dma_wait3A_265, %dma_wait3A_266] : memref<10240x128xf32, #tpu.memory_space<vmem_shared>> -> memref<10240x128xf32, #tpu.memory_space<vmem_shared>>
        tpu.wait_indirect_dma semaphore(%run_scoped3A_247 : memref<!tpu.dma_semaphore, #tpu.memory_space<semaphore_mem>>) src(%dma_wait3A_261 : memref<128x128xf32, #tpu.memory_space<vmem>>) dst(%dma_wait3A_267 : memref<10240x128xf32, #tpu.memory_space<vmem_shared>>)
        tpu.yield
      }) : () -> ()
      %add3A_210 = arith.constant 1 : i32
      %add3A_211 = arith.addi %add3A_184, %add3A_210 : i32
      %lt3A_212 = arith.cmpi slt, %add3A_211, %select_n3A_10 : i32
      %convert_element_type3A_213 = arith.extui %lt3A_212 : i1 to i32
      %cond3A_214 = arith.constant 0 : i32
      %cond3A_215 = arith.cmpi ne, %convert_element_type3A_213, %cond3A_214 : i32
      scf.if %cond3A_215 {
        %dma_start3A_247 = arith.constant 0 : i32
        %dma_start3A_248 = arith.constant 0 : i32
        %dma_start3A_249 = arith.constant 0 : i32
        %dma_start3A_250 = arith.constant 0 : i32
        %dma_start3A_251 = arith.constant 0 : i32
        %dma_start3A_252 = arith.constant 0 : i32
        %dma_start3A_253 = tpu.memref_slice %arg9[%dma_start3A_249, %dma_start3A_251, %dma_start3A_252] : memref<2x128x128xf32, #tpu.memory_space<vmem>> -> memref<1x128x128xf32, #tpu.memory_space<vmem>>
        %dma_start3A_254 = tpu.memref_squeeze %dma_start3A_253 : memref<1x128x128xf32, #tpu.memory_space<vmem>> -> memref<128x128xf32, #tpu.memory_space<vmem>>
        %dma_start3A_255 = arith.constant 0 : i32
        %dma_start3A_256 = tpu.memref_slice %arg7[%dma_start3A_247, %dma_start3A_248, %dma_start3A_255] : memref<2x2x128xi32, #tpu.memory_space<vmem>> -> memref<1x1x128xi32, #tpu.memory_space<vmem>>
        %dma_start3A_257 = tpu.memref_squeeze %dma_start3A_256 : memref<1x1x128xi32, #tpu.memory_space<vmem>> -> memref<128xi32, #tpu.memory_space<vmem>>
        %dma_start3A_258 = arith.constant 0 : i32
        %dma_start3A_259 = arith.constant 0 : i32
        %dma_start3A_260 = tpu.memref_slice %arg2[%dma_start3A_258, %dma_start3A_259] : memref<10240x128xf32, #tpu.memory_space<hbm>> -> memref<10240x128xf32, #tpu.memory_space<hbm>>
        %dma_start3A_261 = tpu.memref_slice %arg11[%dma_start3A_250] : memref<2x!tpu.dma_semaphore, #tpu.memory_space<semaphore_mem>> -> memref<1x!tpu.dma_semaphore, #tpu.memory_space<semaphore_mem>>
        %dma_start3A_262 = tpu.memref_squeeze %dma_start3A_261 : memref<1x!tpu.dma_semaphore, #tpu.memory_space<semaphore_mem>> -> memref<!tpu.dma_semaphore, #tpu.memory_space<semaphore_mem>>
        tpu.enqueue_indirect_dma source(%dma_start3A_260 : memref<10240x128xf32, #tpu.memory_space<hbm>>) target(%dma_start3A_254 : memref<128x128xf32, #tpu.memory_space<vmem>>) offsets(%dma_start3A_257 : memref<128xi32, #tpu.memory_space<vmem>>) semaphore(%dma_start3A_262 : memref<!tpu.dma_semaphore, #tpu.memory_space<semaphore_mem>>)
      } else {
      }
      %dma_wait3A_216 = arith.constant 1 : i32
      %dma_wait3A_217 = arith.constant 1 : i32
      %dma_wait3A_218 = arith.constant 1 : i32
      %dma_wait3A_219 = arith.constant 1 : i32
      %dma_wait3A_220 = arith.constant 0 : i32
      %dma_wait3A_221 = arith.constant 0 : i32
      %dma_wait3A_222 = tpu.memref_slice %arg9[%dma_wait3A_218, %dma_wait3A_220, %dma_wait3A_221] : memref<2x128x128xf32, #tpu.memory_space<vmem>> -> memref<1x128x128xf32, #tpu.memory_space<vmem>>
      %dma_wait3A_223 = tpu.memref_squeeze %dma_wait3A_222 : memref<1x128x128xf32, #tpu.memory_space<vmem>> -> memref<128x128xf32, #tpu.memory_space<vmem>>
      %dma_wait3A_224 = arith.constant 0 : i32
      %dma_wait3A_225 = tpu.memref_slice %arg7[%dma_wait3A_216, %dma_wait3A_217, %dma_wait3A_224] : memref<2x2x128xi32, #tpu.memory_space<vmem>> -> memref<1x1x128xi32, #tpu.memory_space<vmem>>
      %dma_wait3A_226 = tpu.memref_squeeze %dma_wait3A_225 : memref<1x1x128xi32, #tpu.memory_space<vmem>> -> memref<128xi32, #tpu.memory_space<vmem>>
      %dma_wait3A_227 = arith.constant 0 : i32
      %dma_wait3A_228 = arith.constant 0 : i32
      %dma_wait3A_229 = tpu.memref_slice %arg2[%dma_wait3A_227, %dma_wait3A_228] : memref<10240x128xf32, #tpu.memory_space<hbm>> -> memref<10240x128xf32, #tpu.memory_space<hbm>>
      %dma_wait3A_230 = tpu.memref_slice %arg11[%dma_wait3A_219] : memref<2x!tpu.dma_semaphore, #tpu.memory_space<semaphore_mem>> -> memref<1x!tpu.dma_semaphore, #tpu.memory_space<semaphore_mem>>
      %dma_wait3A_231 = tpu.memref_squeeze %dma_wait3A_230 : memref<1x!tpu.dma_semaphore, #tpu.memory_space<semaphore_mem>> -> memref<!tpu.dma_semaphore, #tpu.memory_space<semaphore_mem>>
      tpu.wait_indirect_dma semaphore(%dma_wait3A_231 : memref<!tpu.dma_semaphore, #tpu.memory_space<semaphore_mem>>) src(%dma_wait3A_229 : memref<10240x128xf32, #tpu.memory_space<hbm>>) dst(%dma_wait3A_223 : memref<128x128xf32, #tpu.memory_space<vmem>>)
      %run_scoped3A_232 = arith.constant 1 : i32
      %run_scoped3A_233 = arith.constant 1 : i32
      %run_scoped3A_234 = arith.constant 1 : i32
      "tpu.region"() ({
        %run_scoped3A_247 = tpu.sem_alloc : memref<!tpu.dma_semaphore, #tpu.memory_space<semaphore_mem>>
        %dma_start3A_248 = arith.constant 0 : i32
        %dma_start3A_249 = arith.constant 0 : i32
        %dma_start3A_250 = tpu.memref_slice %arg9[%run_scoped3A_232, %dma_start3A_248, %dma_start3A_249] : memref<2x128x128xf32, #tpu.memory_space<vmem>> -> memref<1x128x128xf32, #tpu.memory_space<vmem>>
        %dma_start3A_251 = tpu.memref_squeeze %dma_start3A_250 : memref<1x128x128xf32, #tpu.memory_space<vmem>> -> memref<128x128xf32, #tpu.memory_space<vmem>>
        %dma_start3A_252 = arith.constant 0 : i32
        %dma_start3A_253 = tpu.memref_slice %arg8[%run_scoped3A_233, %run_scoped3A_234, %dma_start3A_252] : memref<2x2x128xi32, #tpu.memory_space<vmem>> -> memref<1x1x128xi32, #tpu.memory_space<vmem>>
        %dma_start3A_254 = tpu.memref_squeeze %dma_start3A_253 : memref<1x1x128xi32, #tpu.memory_space<vmem>> -> memref<128xi32, #tpu.memory_space<vmem>>
        %dma_start3A_255 = arith.constant 0 : i32
        %dma_start3A_256 = arith.constant 0 : i32
        %dma_start3A_257 = tpu.memref_slice %arg10[%dma_start3A_255, %dma_start3A_256] : memref<10240x128xf32, #tpu.memory_space<vmem_shared>> -> memref<10240x128xf32, #tpu.memory_space<vmem_shared>>
        tpu.enqueue_indirect_dma source(%dma_start3A_251 : memref<128x128xf32, #tpu.memory_space<vmem>>) target(%dma_start3A_257 : memref<10240x128xf32, #tpu.memory_space<vmem_shared>>) offsets(%dma_start3A_254 : memref<128xi32, #tpu.memory_space<vmem>>) semaphore(%run_scoped3A_247 : memref<!tpu.dma_semaphore, #tpu.memory_space<semaphore_mem>>) {add = true}
        %dma_wait3A_258 = arith.constant 0 : i32
        %dma_wait3A_259 = arith.constant 0 : i32
        %dma_wait3A_260 = tpu.memref_slice %arg9[%run_scoped3A_232, %dma_wait3A_258, %dma_wait3A_259] : memref<2x128x128xf32, #tpu.memory_space<vmem>> -> memref<1x128x128xf32, #tpu.memory_space<vmem>>
        %dma_wait3A_261 = tpu.memref_squeeze %dma_wait3A_260 : memref<1x128x128xf32, #tpu.memory_space<vmem>> -> memref<128x128xf32, #tpu.memory_space<vmem>>
        %dma_wait3A_262 = arith.constant 0 : i32
        %dma_wait3A_263 = tpu.memref_slice %arg8[%run_scoped3A_233, %run_scoped3A_234, %dma_wait3A_262] : memref<2x2x128xi32, #tpu.memory_space<vmem>> -> memref<1x1x128xi32, #tpu.memory_space<vmem>>
        %dma_wait3A_264 = tpu.memref_squeeze %dma_wait3A_263 : memref<1x1x128xi32, #tpu.memory_space<vmem>> -> memref<128xi32, #tpu.memory_space<vmem>>
        %dma_wait3A_265 = arith.constant 0 : i32
        %dma_wait3A_266 = arith.constant 0 : i32
        %dma_wait3A_267 = tpu.memref_slice %arg10[%dma_wait3A_265, %dma_wait3A_266] : memref<10240x128xf32, #tpu.memory_space<vmem_shared>> -> memref<10240x128xf32, #tpu.memory_space<vmem_shared>>
        tpu.wait_indirect_dma semaphore(%run_scoped3A_247 : memref<!tpu.dma_semaphore, #tpu.memory_space<semaphore_mem>>) src(%dma_wait3A_261 : memref<128x128xf32, #tpu.memory_space<vmem>>) dst(%dma_wait3A_267 : memref<10240x128xf32, #tpu.memory_space<vmem_shared>>)
        tpu.yield
      }) : () -> ()
      %add3A_235 = arith.constant 1 : i32
      %add3A_236 = arith.addi %add3A_184, %add3A_235 : i32
      %lt3A_237 = arith.cmpi slt, %add3A_236, %select_n3A_10 : i32
      %convert_element_type3A_238 = arith.extui %lt3A_237 : i1 to i32
      %cond3A_239 = arith.constant 0 : i32
      %cond3A_240 = arith.cmpi ne, %convert_element_type3A_238, %cond3A_239 : i32
      scf.if %cond3A_240 {
        %dma_start3A_247 = arith.constant 0 : i32
        %dma_start3A_248 = arith.constant 1 : i32
        %dma_start3A_249 = arith.constant 1 : i32
        %dma_start3A_250 = arith.constant 1 : i32
        %dma_start3A_251 = arith.constant 0 : i32
        %dma_start3A_252 = arith.constant 0 : i32
        %dma_start3A_253 = tpu.memref_slice %arg9[%dma_start3A_249, %dma_start3A_251, %dma_start3A_252] : memref<2x128x128xf32, #tpu.memory_space<vmem>> -> memref<1x128x128xf32, #tpu.memory_space<vmem>>
        %dma_start3A_254 = tpu.memref_squeeze %dma_start3A_253 : memref<1x128x128xf32, #tpu.memory_space<vmem>> -> memref<128x128xf32, #tpu.memory_space<vmem>>
        %dma_start3A_255 = arith.constant 0 : i32
        %dma_start3A_256 = tpu.memref_slice %arg7[%dma_start3A_247, %dma_start3A_248, %dma_start3A_255] : memref<2x2x128xi32, #tpu.memory_space<vmem>> -> memref<1x1x128xi32, #tpu.memory_space<vmem>>
        %dma_start3A_257 = tpu.memref_squeeze %dma_start3A_256 : memref<1x1x128xi32, #tpu.memory_space<vmem>> -> memref<128xi32, #tpu.memory_space<vmem>>
        %dma_start3A_258 = arith.constant 0 : i32
        %dma_start3A_259 = arith.constant 0 : i32
        %dma_start3A_260 = tpu.memref_slice %arg2[%dma_start3A_258, %dma_start3A_259] : memref<10240x128xf32, #tpu.memory_space<hbm>> -> memref<10240x128xf32, #tpu.memory_space<hbm>>
        %dma_start3A_261 = tpu.memref_slice %arg11[%dma_start3A_250] : memref<2x!tpu.dma_semaphore, #tpu.memory_space<semaphore_mem>> -> memref<1x!tpu.dma_semaphore, #tpu.memory_space<semaphore_mem>>
        %dma_start3A_262 = tpu.memref_squeeze %dma_start3A_261 : memref<1x!tpu.dma_semaphore, #tpu.memory_space<semaphore_mem>> -> memref<!tpu.dma_semaphore, #tpu.memory_space<semaphore_mem>>
        tpu.enqueue_indirect_dma source(%dma_start3A_260 : memref<10240x128xf32, #tpu.memory_space<hbm>>) target(%dma_start3A_254 : memref<128x128xf32, #tpu.memory_space<vmem>>) offsets(%dma_start3A_257 : memref<128xi32, #tpu.memory_space<vmem>>) semaphore(%dma_start3A_262 : memref<!tpu.dma_semaphore, #tpu.memory_space<semaphore_mem>>)
      } else {
      }
      %add3A_241 = arith.constant 2 : i32
      %add3A_242 = arith.addi %add3A_184, %add3A_241 : i32
      %lt3A_243 = arith.cmpi slt, %add3A_242, %select_n3A_10 : i32
      %convert_element_type3A_244 = arith.extui %lt3A_243 : i1 to i32
      %cond3A_245 = arith.constant 0 : i32
      %cond3A_246 = arith.cmpi ne, %convert_element_type3A_244, %cond3A_245 : i32
      scf.if %cond3A_246 {
        %add3A_247 = arith.constant 2 : i32
        %add3A_248 = arith.addi %add3A_184, %add3A_247 : i32
        %mul3A_249 = arith.constant 2 : i32
        %mul3A_250 = arith.muli %add3A_248, %mul3A_249 : i32
        %add3A_251 = arith.addi %select_n3A, %mul3A_250 : i32
        %dma_start3A_252 = arith.constant 1 : i32
        %dma_start3A_253 = arith.constant 1 : i32
        %dma_start3A_254 = arith.constant 0 : i32
        %dma_start3A_255 = arith.constant 0 : i32
        %dma_start3A_256 = tpu.memref_slice %arg7[%dma_start3A_252, %dma_start3A_254, %dma_start3A_255] : memref<2x2x128xi32, #tpu.memory_space<vmem>> -> memref<1x2x128xi32, #tpu.memory_space<vmem>>
        %dma_start3A_257 = tpu.memref_squeeze %dma_start3A_256 : memref<1x2x128xi32, #tpu.memory_space<vmem>> -> memref<2x128xi32, #tpu.memory_space<vmem>>
        %dma_start3A_258 = arith.constant 0 : i32
        %dma_start3A_259 = tpu.memref_slice %arg3[%add3A_251, %dma_start3A_258] : memref<2560x128xi32, #tpu.memory_space<hbm>> -> memref<2x128xi32, #tpu.memory_space<hbm>>
        %dma_start3A_260 = tpu.memref_slice %arg12[%dma_start3A_253] : memref<2x!tpu.dma_semaphore, #tpu.memory_space<semaphore_mem>> -> memref<1x!tpu.dma_semaphore, #tpu.memory_space<semaphore_mem>>
        %dma_start3A_261 = tpu.memref_squeeze %dma_start3A_260 : memref<1x!tpu.dma_semaphore, #tpu.memory_space<semaphore_mem>> -> memref<!tpu.dma_semaphore, #tpu.memory_space<semaphore_mem>>
        %dma_start3A_262 = arith.constant 0 : i32
        %dma_start3A_263 = arith.constant 0 : i32
        %dma_start3A_264 = tpu.memref_slice %arg7[%dma_start3A_252, %dma_start3A_262, %dma_start3A_263] : memref<2x2x128xi32, #tpu.memory_space<vmem>> -> memref<1x2x128xi32, #tpu.memory_space<vmem>>
        %dma_start3A_265 = tpu.memref_squeeze %dma_start3A_264 : memref<1x2x128xi32, #tpu.memory_space<vmem>> -> memref<2x128xi32, #tpu.memory_space<vmem>>
        %dma_start3A_266 = arith.constant 0 : i32
        %dma_start3A_267 = tpu.memref_slice %arg3[%add3A_251, %dma_start3A_266] : memref<2560x128xi32, #tpu.memory_space<hbm>> -> memref<2x128xi32, #tpu.memory_space<hbm>>
        tpu.enqueue_dma source(%dma_start3A_267 : memref<2x128xi32, #tpu.memory_space<hbm>>) target(%dma_start3A_265 : memref<2x128xi32, #tpu.memory_space<vmem>>) target_semaphore(%dma_start3A_261 : memref<!tpu.dma_semaphore, #tpu.memory_space<semaphore_mem>>)
        %dma_start3A_268 = arith.constant 1 : i32
        %dma_start3A_269 = arith.constant 1 : i32
        %dma_start3A_270 = arith.constant 0 : i32
        %dma_start3A_271 = arith.constant 0 : i32
        %dma_start3A_272 = tpu.memref_slice %arg8[%dma_start3A_268, %dma_start3A_270, %dma_start3A_271] : memref<2x2x128xi32, #tpu.memory_space<vmem>> -> memref<1x2x128xi32, #tpu.memory_space<vmem>>
        %dma_start3A_273 = tpu.memref_squeeze %dma_start3A_272 : memref<1x2x128xi32, #tpu.memory_space<vmem>> -> memref<2x128xi32, #tpu.memory_space<vmem>>
        %dma_start3A_274 = arith.constant 0 : i32
        %dma_start3A_275 = tpu.memref_slice %arg4[%add3A_251, %dma_start3A_274] : memref<2560x128xi32, #tpu.memory_space<hbm>> -> memref<2x128xi32, #tpu.memory_space<hbm>>
        %dma_start3A_276 = tpu.memref_slice %arg12[%dma_start3A_269] : memref<2x!tpu.dma_semaphore, #tpu.memory_space<semaphore_mem>> -> memref<1x!tpu.dma_semaphore, #tpu.memory_space<semaphore_mem>>
        %dma_start3A_277 = tpu.memref_squeeze %dma_start3A_276 : memref<1x!tpu.dma_semaphore, #tpu.memory_space<semaphore_mem>> -> memref<!tpu.dma_semaphore, #tpu.memory_space<semaphore_mem>>
        %dma_start3A_278 = arith.constant 0 : i32
        %dma_start3A_279 = arith.constant 0 : i32
        %dma_start3A_280 = tpu.memref_slice %arg8[%dma_start3A_268, %dma_start3A_278, %dma_start3A_279] : memref<2x2x128xi32, #tpu.memory_space<vmem>> -> memref<1x2x128xi32, #tpu.memory_space<vmem>>
        %dma_start3A_281 = tpu.memref_squeeze %dma_start3A_280 : memref<1x2x128xi32, #tpu.memory_space<vmem>> -> memref<2x128xi32, #tpu.memory_space<vmem>>
        %dma_start3A_282 = arith.constant 0 : i32
        %dma_start3A_283 = tpu.memref_slice %arg4[%add3A_251, %dma_start3A_282] : memref<2560x128xi32, #tpu.memory_space<hbm>> -> memref<2x128xi32, #tpu.memory_space<hbm>>
        tpu.enqueue_dma source(%dma_start3A_283 : memref<2x128xi32, #tpu.memory_space<hbm>>) target(%dma_start3A_281 : memref<2x128xi32, #tpu.memory_space<vmem>>) target_semaphore(%dma_start3A_277 : memref<!tpu.dma_semaphore, #tpu.memory_space<semaphore_mem>>)
      } else {
      }
    }
    %while3A_114 = arith.constant 1 : i32
    scf.for %while3A_116 = %while3A_112 to %while3A_108 step %while3A_114  : i32 {
      %mul3A_117 = arith.muli %while3A_116, %while3A : i32
      %add3A_118 = arith.addi %while3A_105, %mul3A_117 : i32
      %mul3A_119 = arith.constant 2 : i32
      %mul3A_120 = arith.muli %add3A_118, %mul3A_119 : i32
      %add3A_121 = arith.constant 0 : i32
      %add3A_122 = arith.addi %mul3A_120, %add3A_121 : i32
      %add3A_123 = arith.constant 1 : i32
      %add3A_124 = arith.addi %add3A_122, %add3A_123 : i32
      %lt3A = arith.cmpi slt, %add3A_124, %select_n3A_10 : i32
      %convert_element_type3A = arith.extui %lt3A : i1 to i32
      %cond3A = arith.constant 0 : i32
      %cond3A_125 = arith.cmpi ne, %convert_element_type3A, %cond3A : i32
      scf.if %cond3A_125 {
        %dma_wait3A_247 = arith.constant 1 : i32
        %dma_wait3A_248 = arith.constant 1 : i32
        %dma_wait3A_249 = arith.constant 0 : i32
        %dma_wait3A_250 = arith.constant 0 : i32
        %dma_wait3A_251 = tpu.memref_slice %arg7[%dma_wait3A_247, %dma_wait3A_249, %dma_wait3A_250] : memref<2x2x128xi32, #tpu.memory_space<vmem>> -> memref<1x2x128xi32, #tpu.memory_space<vmem>>
        %dma_wait3A_252 = tpu.memref_squeeze %dma_wait3A_251 : memref<1x2x128xi32, #tpu.memory_space<vmem>> -> memref<2x128xi32, #tpu.memory_space<vmem>>
        %dma_wait3A_253 = arith.constant 0 : i32
        %dma_wait3A_254 = arith.constant 0 : i32
        %dma_wait3A_255 = tpu.memref_slice %arg3[%dma_wait3A_253, %dma_wait3A_254] : memref<2560x128xi32, #tpu.memory_space<hbm>> -> memref<2x128xi32, #tpu.memory_space<hbm>>
        %dma_wait3A_256 = tpu.memref_slice %arg12[%dma_wait3A_248] : memref<2x!tpu.dma_semaphore, #tpu.memory_space<semaphore_mem>> -> memref<1x!tpu.dma_semaphore, #tpu.memory_space<semaphore_mem>>
        %dma_wait3A_257 = tpu.memref_squeeze %dma_wait3A_256 : memref<1x!tpu.dma_semaphore, #tpu.memory_space<semaphore_mem>> -> memref<!tpu.dma_semaphore, #tpu.memory_space<semaphore_mem>>
        %dma_wait3A_258 = arith.constant 0 : i32
        %dma_wait3A_259 = arith.constant 0 : i32
        %dma_wait3A_260 = tpu.memref_slice %arg7[%dma_wait3A_247, %dma_wait3A_258, %dma_wait3A_259] : memref<2x2x128xi32, #tpu.memory_space<vmem>> -> memref<1x2x128xi32, #tpu.memory_space<vmem>>
        %dma_wait3A_261 = tpu.memref_squeeze %dma_wait3A_260 : memref<1x2x128xi32, #tpu.memory_space<vmem>> -> memref<2x128xi32, #tpu.memory_space<vmem>>
        %dma_wait3A_262 = arith.constant 0 : i32
        %dma_wait3A_263 = arith.constant 0 : i32
        %dma_wait3A_264 = tpu.memref_slice %arg3[%dma_wait3A_262, %dma_wait3A_263] : memref<2560x128xi32, #tpu.memory_space<hbm>> -> memref<2x128xi32, #tpu.memory_space<hbm>>
        tpu.wait_dma2 semaphore(%dma_wait3A_257 : memref<!tpu.dma_semaphore, #tpu.memory_space<semaphore_mem>>) src(%dma_wait3A_264 : memref<2x128xi32, #tpu.memory_space<hbm>>) dst(%dma_wait3A_261 : memref<2x128xi32, #tpu.memory_space<vmem>>)
        %dma_wait3A_265 = arith.constant 1 : i32
        %dma_wait3A_266 = arith.constant 1 : i32
        %dma_wait3A_267 = arith.constant 0 : i32
        %dma_wait3A_268 = arith.constant 0 : i32
        %dma_wait3A_269 = tpu.memref_slice %arg8[%dma_wait3A_265, %dma_wait3A_267, %dma_wait3A_268] : memref<2x2x128xi32, #tpu.memory_space<vmem>> -> memref<1x2x128xi32, #tpu.memory_space<vmem>>
        %dma_wait3A_270 = tpu.memref_squeeze %dma_wait3A_269 : memref<1x2x128xi32, #tpu.memory_space<vmem>> -> memref<2x128xi32, #tpu.memory_space<vmem>>
        %dma_wait3A_271 = arith.constant 0 : i32
        %dma_wait3A_272 = arith.constant 0 : i32
        %dma_wait3A_273 = tpu.memref_slice %arg4[%dma_wait3A_271, %dma_wait3A_272] : memref<2560x128xi32, #tpu.memory_space<hbm>> -> memref<2x128xi32, #tpu.memory_space<hbm>>
        %dma_wait3A_274 = tpu.memref_slice %arg12[%dma_wait3A_266] : memref<2x!tpu.dma_semaphore, #tpu.memory_space<semaphore_mem>> -> memref<1x!tpu.dma_semaphore, #tpu.memory_space<semaphore_mem>>
        %dma_wait3A_275 = tpu.memref_squeeze %dma_wait3A_274 : memref<1x!tpu.dma_semaphore, #tpu.memory_space<semaphore_mem>> -> memref<!tpu.dma_semaphore, #tpu.memory_space<semaphore_mem>>
        %dma_wait3A_276 = arith.constant 0 : i32
        %dma_wait3A_277 = arith.constant 0 : i32
        %dma_wait3A_278 = tpu.memref_slice %arg8[%dma_wait3A_265, %dma_wait3A_276, %dma_wait3A_277] : memref<2x2x128xi32, #tpu.memory_space<vmem>> -> memref<1x2x128xi32, #tpu.memory_space<vmem>>
        %dma_wait3A_279 = tpu.memref_squeeze %dma_wait3A_278 : memref<1x2x128xi32, #tpu.memory_space<vmem>> -> memref<2x128xi32, #tpu.memory_space<vmem>>
        %dma_wait3A_280 = arith.constant 0 : i32
        %dma_wait3A_281 = arith.constant 0 : i32
        %dma_wait3A_282 = tpu.memref_slice %arg4[%dma_wait3A_280, %dma_wait3A_281] : memref<2560x128xi32, #tpu.memory_space<hbm>> -> memref<2x128xi32, #tpu.memory_space<hbm>>
        tpu.wait_dma2 semaphore(%dma_wait3A_275 : memref<!tpu.dma_semaphore, #tpu.memory_space<semaphore_mem>>) src(%dma_wait3A_282 : memref<2x128xi32, #tpu.memory_space<hbm>>) dst(%dma_wait3A_279 : memref<2x128xi32, #tpu.memory_space<vmem>>)
      } else {
      }
      %dma_wait3A = arith.constant 0 : i32
      %dma_wait3A_126 = arith.constant 0 : i32
      %dma_wait3A_127 = arith.constant 0 : i32
      %dma_wait3A_128 = arith.constant 0 : i32
      %dma_wait3A_129 = arith.constant 0 : i32
      %dma_wait3A_130 = arith.constant 0 : i32
      %dma_wait3A_131 = tpu.memref_slice %arg9[%dma_wait3A_127, %dma_wait3A_129, %dma_wait3A_130] : memref<2x128x128xf32, #tpu.memory_space<vmem>> -> memref<1x128x128xf32, #tpu.memory_space<vmem>>
      %dma_wait3A_132 = tpu.memref_squeeze %dma_wait3A_131 : memref<1x128x128xf32, #tpu.memory_space<vmem>> -> memref<128x128xf32, #tpu.memory_space<vmem>>
      %dma_wait3A_133 = arith.constant 0 : i32
      %dma_wait3A_134 = tpu.memref_slice %arg7[%dma_wait3A, %dma_wait3A_126, %dma_wait3A_133] : memref<2x2x128xi32, #tpu.memory_space<vmem>> -> memref<1x1x128xi32, #tpu.memory_space<vmem>>
      %dma_wait3A_135 = tpu.memref_squeeze %dma_wait3A_134 : memref<1x1x128xi32, #tpu.memory_space<vmem>> -> memref<128xi32, #tpu.memory_space<vmem>>
      %dma_wait3A_136 = arith.constant 0 : i32
      %dma_wait3A_137 = arith.constant 0 : i32
      %dma_wait3A_138 = tpu.memref_slice %arg2[%dma_wait3A_136, %dma_wait3A_137] : memref<10240x128xf32, #tpu.memory_space<hbm>> -> memref<10240x128xf32, #tpu.memory_space<hbm>>
      %dma_wait3A_139 = tpu.memref_slice %arg11[%dma_wait3A_128] : memref<2x!tpu.dma_semaphore, #tpu.memory_space<semaphore_mem>> -> memref<1x!tpu.dma_semaphore, #tpu.memory_space<semaphore_mem>>
      %dma_wait3A_140 = tpu.memref_squeeze %dma_wait3A_139 : memref<1x!tpu.dma_semaphore, #tpu.memory_space<semaphore_mem>> -> memref<!tpu.dma_semaphore, #tpu.memory_space<semaphore_mem>>
      tpu.wait_indirect_dma semaphore(%dma_wait3A_140 : memref<!tpu.dma_semaphore, #tpu.memory_space<semaphore_mem>>) src(%dma_wait3A_138 : memref<10240x128xf32, #tpu.memory_space<hbm>>) dst(%dma_wait3A_132 : memref<128x128xf32, #tpu.memory_space<vmem>>)
      %run_scoped3A_141 = arith.constant 0 : i32
      %run_scoped3A_142 = arith.constant 0 : i32
      %run_scoped3A_143 = arith.constant 0 : i32
      "tpu.region"() ({
        %run_scoped3A_247 = tpu.sem_alloc : memref<!tpu.dma_semaphore, #tpu.memory_space<semaphore_mem>>
        %dma_start3A_248 = arith.constant 0 : i32
        %dma_start3A_249 = arith.constant 0 : i32
        %dma_start3A_250 = tpu.memref_slice %arg9[%run_scoped3A_141, %dma_start3A_248, %dma_start3A_249] : memref<2x128x128xf32, #tpu.memory_space<vmem>> -> memref<1x128x128xf32, #tpu.memory_space<vmem>>
        %dma_start3A_251 = tpu.memref_squeeze %dma_start3A_250 : memref<1x128x128xf32, #tpu.memory_space<vmem>> -> memref<128x128xf32, #tpu.memory_space<vmem>>
        %dma_start3A_252 = arith.constant 0 : i32
        %dma_start3A_253 = tpu.memref_slice %arg8[%run_scoped3A_142, %run_scoped3A_143, %dma_start3A_252] : memref<2x2x128xi32, #tpu.memory_space<vmem>> -> memref<1x1x128xi32, #tpu.memory_space<vmem>>
        %dma_start3A_254 = tpu.memref_squeeze %dma_start3A_253 : memref<1x1x128xi32, #tpu.memory_space<vmem>> -> memref<128xi32, #tpu.memory_space<vmem>>
        %dma_start3A_255 = arith.constant 0 : i32
        %dma_start3A_256 = arith.constant 0 : i32
        %dma_start3A_257 = tpu.memref_slice %arg10[%dma_start3A_255, %dma_start3A_256] : memref<10240x128xf32, #tpu.memory_space<vmem_shared>> -> memref<10240x128xf32, #tpu.memory_space<vmem_shared>>
        tpu.enqueue_indirect_dma source(%dma_start3A_251 : memref<128x128xf32, #tpu.memory_space<vmem>>) target(%dma_start3A_257 : memref<10240x128xf32, #tpu.memory_space<vmem_shared>>) offsets(%dma_start3A_254 : memref<128xi32, #tpu.memory_space<vmem>>) semaphore(%run_scoped3A_247 : memref<!tpu.dma_semaphore, #tpu.memory_space<semaphore_mem>>) {add = true}
        %dma_wait3A_258 = arith.constant 0 : i32
        %dma_wait3A_259 = arith.constant 0 : i32
        %dma_wait3A_260 = tpu.memref_slice %arg9[%run_scoped3A_141, %dma_wait3A_258, %dma_wait3A_259] : memref<2x128x128xf32, #tpu.memory_space<vmem>> -> memref<1x128x128xf32, #tpu.memory_space<vmem>>
        %dma_wait3A_261 = tpu.memref_squeeze %dma_wait3A_260 : memref<1x128x128xf32, #tpu.memory_space<vmem>> -> memref<128x128xf32, #tpu.memory_space<vmem>>
        %dma_wait3A_262 = arith.constant 0 : i32
        %dma_wait3A_263 = tpu.memref_slice %arg8[%run_scoped3A_142, %run_scoped3A_143, %dma_wait3A_262] : memref<2x2x128xi32, #tpu.memory_space<vmem>> -> memref<1x1x128xi32, #tpu.memory_space<vmem>>
        %dma_wait3A_264 = tpu.memref_squeeze %dma_wait3A_263 : memref<1x1x128xi32, #tpu.memory_space<vmem>> -> memref<128xi32, #tpu.memory_space<vmem>>
        %dma_wait3A_265 = arith.constant 0 : i32
        %dma_wait3A_266 = arith.constant 0 : i32
        %dma_wait3A_267 = tpu.memref_slice %arg10[%dma_wait3A_265, %dma_wait3A_266] : memref<10240x128xf32, #tpu.memory_space<vmem_shared>> -> memref<10240x128xf32, #tpu.memory_space<vmem_shared>>
        tpu.wait_indirect_dma semaphore(%run_scoped3A_247 : memref<!tpu.dma_semaphore, #tpu.memory_space<semaphore_mem>>) src(%dma_wait3A_261 : memref<128x128xf32, #tpu.memory_space<vmem>>) dst(%dma_wait3A_267 : memref<10240x128xf32, #tpu.memory_space<vmem_shared>>)
        tpu.yield
      }) : () -> ()
      %add3A_144 = arith.constant 1 : i32
      %add3A_145 = arith.addi %add3A_122, %add3A_144 : i32
      %lt3A_146 = arith.cmpi slt, %add3A_145, %select_n3A_10 : i32
      %convert_element_type3A_147 = arith.extui %lt3A_146 : i1 to i32
      %cond3A_148 = arith.constant 0 : i32
      %cond3A_149 = arith.cmpi ne, %convert_element_type3A_147, %cond3A_148 : i32
      scf.if %cond3A_149 {
        %dma_start3A_247 = arith.constant 1 : i32
        %dma_start3A_248 = arith.constant 0 : i32
        %dma_start3A_249 = arith.constant 0 : i32
        %dma_start3A_250 = arith.constant 0 : i32
        %dma_start3A_251 = arith.constant 0 : i32
        %dma_start3A_252 = arith.constant 0 : i32
        %dma_start3A_253 = tpu.memref_slice %arg9[%dma_start3A_249, %dma_start3A_251, %dma_start3A_252] : memref<2x128x128xf32, #tpu.memory_space<vmem>> -> memref<1x128x128xf32, #tpu.memory_space<vmem>>
        %dma_start3A_254 = tpu.memref_squeeze %dma_start3A_253 : memref<1x128x128xf32, #tpu.memory_space<vmem>> -> memref<128x128xf32, #tpu.memory_space<vmem>>
        %dma_start3A_255 = arith.constant 0 : i32
        %dma_start3A_256 = tpu.memref_slice %arg7[%dma_start3A_247, %dma_start3A_248, %dma_start3A_255] : memref<2x2x128xi32, #tpu.memory_space<vmem>> -> memref<1x1x128xi32, #tpu.memory_space<vmem>>
        %dma_start3A_257 = tpu.memref_squeeze %dma_start3A_256 : memref<1x1x128xi32, #tpu.memory_space<vmem>> -> memref<128xi32, #tpu.memory_space<vmem>>
        %dma_start3A_258 = arith.constant 0 : i32
        %dma_start3A_259 = arith.constant 0 : i32
        %dma_start3A_260 = tpu.memref_slice %arg2[%dma_start3A_258, %dma_start3A_259] : memref<10240x128xf32, #tpu.memory_space<hbm>> -> memref<10240x128xf32, #tpu.memory_space<hbm>>
        %dma_start3A_261 = tpu.memref_slice %arg11[%dma_start3A_250] : memref<2x!tpu.dma_semaphore, #tpu.memory_space<semaphore_mem>> -> memref<1x!tpu.dma_semaphore, #tpu.memory_space<semaphore_mem>>
        %dma_start3A_262 = tpu.memref_squeeze %dma_start3A_261 : memref<1x!tpu.dma_semaphore, #tpu.memory_space<semaphore_mem>> -> memref<!tpu.dma_semaphore, #tpu.memory_space<semaphore_mem>>
        tpu.enqueue_indirect_dma source(%dma_start3A_260 : memref<10240x128xf32, #tpu.memory_space<hbm>>) target(%dma_start3A_254 : memref<128x128xf32, #tpu.memory_space<vmem>>) offsets(%dma_start3A_257 : memref<128xi32, #tpu.memory_space<vmem>>) semaphore(%dma_start3A_262 : memref<!tpu.dma_semaphore, #tpu.memory_space<semaphore_mem>>)
      } else {
      }
      %dma_wait3A_150 = arith.constant 0 : i32
      %dma_wait3A_151 = arith.constant 1 : i32
      %dma_wait3A_152 = arith.constant 1 : i32
      %dma_wait3A_153 = arith.constant 1 : i32
      %dma_wait3A_154 = arith.constant 0 : i32
      %dma_wait3A_155 = arith.constant 0 : i32
      %dma_wait3A_156 = tpu.memref_slice %arg9[%dma_wait3A_152, %dma_wait3A_154, %dma_wait3A_155] : memref<2x128x128xf32, #tpu.memory_space<vmem>> -> memref<1x128x128xf32, #tpu.memory_space<vmem>>
      %dma_wait3A_157 = tpu.memref_squeeze %dma_wait3A_156 : memref<1x128x128xf32, #tpu.memory_space<vmem>> -> memref<128x128xf32, #tpu.memory_space<vmem>>
      %dma_wait3A_158 = arith.constant 0 : i32
      %dma_wait3A_159 = tpu.memref_slice %arg7[%dma_wait3A_150, %dma_wait3A_151, %dma_wait3A_158] : memref<2x2x128xi32, #tpu.memory_space<vmem>> -> memref<1x1x128xi32, #tpu.memory_space<vmem>>
      %dma_wait3A_160 = tpu.memref_squeeze %dma_wait3A_159 : memref<1x1x128xi32, #tpu.memory_space<vmem>> -> memref<128xi32, #tpu.memory_space<vmem>>
      %dma_wait3A_161 = arith.constant 0 : i32
      %dma_wait3A_162 = arith.constant 0 : i32
      %dma_wait3A_163 = tpu.memref_slice %arg2[%dma_wait3A_161, %dma_wait3A_162] : memref<10240x128xf32, #tpu.memory_space<hbm>> -> memref<10240x128xf32, #tpu.memory_space<hbm>>
      %dma_wait3A_164 = tpu.memref_slice %arg11[%dma_wait3A_153] : memref<2x!tpu.dma_semaphore, #tpu.memory_space<semaphore_mem>> -> memref<1x!tpu.dma_semaphore, #tpu.memory_space<semaphore_mem>>
      %dma_wait3A_165 = tpu.memref_squeeze %dma_wait3A_164 : memref<1x!tpu.dma_semaphore, #tpu.memory_space<semaphore_mem>> -> memref<!tpu.dma_semaphore, #tpu.memory_space<semaphore_mem>>
      tpu.wait_indirect_dma semaphore(%dma_wait3A_165 : memref<!tpu.dma_semaphore, #tpu.memory_space<semaphore_mem>>) src(%dma_wait3A_163 : memref<10240x128xf32, #tpu.memory_space<hbm>>) dst(%dma_wait3A_157 : memref<128x128xf32, #tpu.memory_space<vmem>>)
      %run_scoped3A_166 = arith.constant 1 : i32
      %run_scoped3A_167 = arith.constant 0 : i32
      %run_scoped3A_168 = arith.constant 1 : i32
      "tpu.region"() ({
        %run_scoped3A_247 = tpu.sem_alloc : memref<!tpu.dma_semaphore, #tpu.memory_space<semaphore_mem>>
        %dma_start3A_248 = arith.constant 0 : i32
        %dma_start3A_249 = arith.constant 0 : i32
        %dma_start3A_250 = tpu.memref_slice %arg9[%run_scoped3A_166, %dma_start3A_248, %dma_start3A_249] : memref<2x128x128xf32, #tpu.memory_space<vmem>> -> memref<1x128x128xf32, #tpu.memory_space<vmem>>
        %dma_start3A_251 = tpu.memref_squeeze %dma_start3A_250 : memref<1x128x128xf32, #tpu.memory_space<vmem>> -> memref<128x128xf32, #tpu.memory_space<vmem>>
        %dma_start3A_252 = arith.constant 0 : i32
        %dma_start3A_253 = tpu.memref_slice %arg8[%run_scoped3A_167, %run_scoped3A_168, %dma_start3A_252] : memref<2x2x128xi32, #tpu.memory_space<vmem>> -> memref<1x1x128xi32, #tpu.memory_space<vmem>>
        %dma_start3A_254 = tpu.memref_squeeze %dma_start3A_253 : memref<1x1x128xi32, #tpu.memory_space<vmem>> -> memref<128xi32, #tpu.memory_space<vmem>>
        %dma_start3A_255 = arith.constant 0 : i32
        %dma_start3A_256 = arith.constant 0 : i32
        %dma_start3A_257 = tpu.memref_slice %arg10[%dma_start3A_255, %dma_start3A_256] : memref<10240x128xf32, #tpu.memory_space<vmem_shared>> -> memref<10240x128xf32, #tpu.memory_space<vmem_shared>>
        tpu.enqueue_indirect_dma source(%dma_start3A_251 : memref<128x128xf32, #tpu.memory_space<vmem>>) target(%dma_start3A_257 : memref<10240x128xf32, #tpu.memory_space<vmem_shared>>) offsets(%dma_start3A_254 : memref<128xi32, #tpu.memory_space<vmem>>) semaphore(%run_scoped3A_247 : memref<!tpu.dma_semaphore, #tpu.memory_space<semaphore_mem>>) {add = true}
        %dma_wait3A_258 = arith.constant 0 : i32
        %dma_wait3A_259 = arith.constant 0 : i32
        %dma_wait3A_260 = tpu.memref_slice %arg9[%run_scoped3A_166, %dma_wait3A_258, %dma_wait3A_259] : memref<2x128x128xf32, #tpu.memory_space<vmem>> -> memref<1x128x128xf32, #tpu.memory_space<vmem>>
        %dma_wait3A_261 = tpu.memref_squeeze %dma_wait3A_260 : memref<1x128x128xf32, #tpu.memory_space<vmem>> -> memref<128x128xf32, #tpu.memory_space<vmem>>
        %dma_wait3A_262 = arith.constant 0 : i32
        %dma_wait3A_263 = tpu.memref_slice %arg8[%run_scoped3A_167, %run_scoped3A_168, %dma_wait3A_262] : memref<2x2x128xi32, #tpu.memory_space<vmem>> -> memref<1x1x128xi32, #tpu.memory_space<vmem>>
        %dma_wait3A_264 = tpu.memref_squeeze %dma_wait3A_263 : memref<1x1x128xi32, #tpu.memory_space<vmem>> -> memref<128xi32, #tpu.memory_space<vmem>>
        %dma_wait3A_265 = arith.constant 0 : i32
        %dma_wait3A_266 = arith.constant 0 : i32
        %dma_wait3A_267 = tpu.memref_slice %arg10[%dma_wait3A_265, %dma_wait3A_266] : memref<10240x128xf32, #tpu.memory_space<vmem_shared>> -> memref<10240x128xf32, #tpu.memory_space<vmem_shared>>
        tpu.wait_indirect_dma semaphore(%run_scoped3A_247 : memref<!tpu.dma_semaphore, #tpu.memory_space<semaphore_mem>>) src(%dma_wait3A_261 : memref<128x128xf32, #tpu.memory_space<vmem>>) dst(%dma_wait3A_267 : memref<10240x128xf32, #tpu.memory_space<vmem_shared>>)
        tpu.yield
      }) : () -> ()
      %add3A_169 = arith.constant 1 : i32
      %add3A_170 = arith.addi %add3A_122, %add3A_169 : i32
      %lt3A_171 = arith.cmpi slt, %add3A_170, %select_n3A_10 : i32
      %convert_element_type3A_172 = arith.extui %lt3A_171 : i1 to i32
      %cond3A_173 = arith.constant 0 : i32
      %cond3A_174 = arith.cmpi ne, %convert_element_type3A_172, %cond3A_173 : i32
      scf.if %cond3A_174 {
        %dma_start3A_247 = arith.constant 1 : i32
        %dma_start3A_248 = arith.constant 1 : i32
        %dma_start3A_249 = arith.constant 1 : i32
        %dma_start3A_250 = arith.constant 1 : i32
        %dma_start3A_251 = arith.constant 0 : i32
        %dma_start3A_252 = arith.constant 0 : i32
        %dma_start3A_253 = tpu.memref_slice %arg9[%dma_start3A_249, %dma_start3A_251, %dma_start3A_252] : memref<2x128x128xf32, #tpu.memory_space<vmem>> -> memref<1x128x128xf32, #tpu.memory_space<vmem>>
        %dma_start3A_254 = tpu.memref_squeeze %dma_start3A_253 : memref<1x128x128xf32, #tpu.memory_space<vmem>> -> memref<128x128xf32, #tpu.memory_space<vmem>>
        %dma_start3A_255 = arith.constant 0 : i32
        %dma_start3A_256 = tpu.memref_slice %arg7[%dma_start3A_247, %dma_start3A_248, %dma_start3A_255] : memref<2x2x128xi32, #tpu.memory_space<vmem>> -> memref<1x1x128xi32, #tpu.memory_space<vmem>>
        %dma_start3A_257 = tpu.memref_squeeze %dma_start3A_256 : memref<1x1x128xi32, #tpu.memory_space<vmem>> -> memref<128xi32, #tpu.memory_space<vmem>>
        %dma_start3A_258 = arith.constant 0 : i32
        %dma_start3A_259 = arith.constant 0 : i32
        %dma_start3A_260 = tpu.memref_slice %arg2[%dma_start3A_258, %dma_start3A_259] : memref<10240x128xf32, #tpu.memory_space<hbm>> -> memref<10240x128xf32, #tpu.memory_space<hbm>>
        %dma_start3A_261 = tpu.memref_slice %arg11[%dma_start3A_250] : memref<2x!tpu.dma_semaphore, #tpu.memory_space<semaphore_mem>> -> memref<1x!tpu.dma_semaphore, #tpu.memory_space<semaphore_mem>>
        %dma_start3A_262 = tpu.memref_squeeze %dma_start3A_261 : memref<1x!tpu.dma_semaphore, #tpu.memory_space<semaphore_mem>> -> memref<!tpu.dma_semaphore, #tpu.memory_space<semaphore_mem>>
        tpu.enqueue_indirect_dma source(%dma_start3A_260 : memref<10240x128xf32, #tpu.memory_space<hbm>>) target(%dma_start3A_254 : memref<128x128xf32, #tpu.memory_space<vmem>>) offsets(%dma_start3A_257 : memref<128xi32, #tpu.memory_space<vmem>>) semaphore(%dma_start3A_262 : memref<!tpu.dma_semaphore, #tpu.memory_space<semaphore_mem>>)
      } else {
      }
      %add3A_175 = arith.constant 2 : i32
      %add3A_176 = arith.addi %add3A_122, %add3A_175 : i32
      %lt3A_177 = arith.cmpi slt, %add3A_176, %select_n3A_10 : i32
      %convert_element_type3A_178 = arith.extui %lt3A_177 : i1 to i32
      %cond3A_179 = arith.constant 0 : i32
      %cond3A_180 = arith.cmpi ne, %convert_element_type3A_178, %cond3A_179 : i32
      scf.if %cond3A_180 {
        %add3A_247 = arith.constant 2 : i32
        %add3A_248 = arith.addi %add3A_122, %add3A_247 : i32
        %mul3A_249 = arith.constant 2 : i32
        %mul3A_250 = arith.muli %add3A_248, %mul3A_249 : i32
        %add3A_251 = arith.addi %select_n3A, %mul3A_250 : i32
        %dma_start3A_252 = arith.constant 0 : i32
        %dma_start3A_253 = arith.constant 0 : i32
        %dma_start3A_254 = arith.constant 0 : i32
        %dma_start3A_255 = arith.constant 0 : i32
        %dma_start3A_256 = tpu.memref_slice %arg7[%dma_start3A_252, %dma_start3A_254, %dma_start3A_255] : memref<2x2x128xi32, #tpu.memory_space<vmem>> -> memref<1x2x128xi32, #tpu.memory_space<vmem>>
        %dma_start3A_257 = tpu.memref_squeeze %dma_start3A_256 : memref<1x2x128xi32, #tpu.memory_space<vmem>> -> memref<2x128xi32, #tpu.memory_space<vmem>>
        %dma_start3A_258 = arith.constant 0 : i32
        %dma_start3A_259 = tpu.memref_slice %arg3[%add3A_251, %dma_start3A_258] : memref<2560x128xi32, #tpu.memory_space<hbm>> -> memref<2x128xi32, #tpu.memory_space<hbm>>
        %dma_start3A_260 = tpu.memref_slice %arg12[%dma_start3A_253] : memref<2x!tpu.dma_semaphore, #tpu.memory_space<semaphore_mem>> -> memref<1x!tpu.dma_semaphore, #tpu.memory_space<semaphore_mem>>
        %dma_start3A_261 = tpu.memref_squeeze %dma_start3A_260 : memref<1x!tpu.dma_semaphore, #tpu.memory_space<semaphore_mem>> -> memref<!tpu.dma_semaphore, #tpu.memory_space<semaphore_mem>>
        %dma_start3A_262 = arith.constant 0 : i32
        %dma_start3A_263 = arith.constant 0 : i32
        %dma_start3A_264 = tpu.memref_slice %arg7[%dma_start3A_252, %dma_start3A_262, %dma_start3A_263] : memref<2x2x128xi32, #tpu.memory_space<vmem>> -> memref<1x2x128xi32, #tpu.memory_space<vmem>>
        %dma_start3A_265 = tpu.memref_squeeze %dma_start3A_264 : memref<1x2x128xi32, #tpu.memory_space<vmem>> -> memref<2x128xi32, #tpu.memory_space<vmem>>
        %dma_start3A_266 = arith.constant 0 : i32
        %dma_start3A_267 = tpu.memref_slice %arg3[%add3A_251, %dma_start3A_266] : memref<2560x128xi32, #tpu.memory_space<hbm>> -> memref<2x128xi32, #tpu.memory_space<hbm>>
        tpu.enqueue_dma source(%dma_start3A_267 : memref<2x128xi32, #tpu.memory_space<hbm>>) target(%dma_start3A_265 : memref<2x128xi32, #tpu.memory_space<vmem>>) target_semaphore(%dma_start3A_261 : memref<!tpu.dma_semaphore, #tpu.memory_space<semaphore_mem>>)
        %dma_start3A_268 = arith.constant 0 : i32
        %dma_start3A_269 = arith.constant 0 : i32
        %dma_start3A_270 = arith.constant 0 : i32
        %dma_start3A_271 = arith.constant 0 : i32
        %dma_start3A_272 = tpu.memref_slice %arg8[%dma_start3A_268, %dma_start3A_270, %dma_start3A_271] : memref<2x2x128xi32, #tpu.memory_space<vmem>> -> memref<1x2x128xi32, #tpu.memory_space<vmem>>
        %dma_start3A_273 = tpu.memref_squeeze %dma_start3A_272 : memref<1x2x128xi32, #tpu.memory_space<vmem>> -> memref<2x128xi32, #tpu.memory_space<vmem>>
        %dma_start3A_274 = arith.constant 0 : i32
        %dma_start3A_275 = tpu.memref_slice %arg4[%add3A_251, %dma_start3A_274] : memref<2560x128xi32, #tpu.memory_space<hbm>> -> memref<2x128xi32, #tpu.memory_space<hbm>>
        %dma_start3A_276 = tpu.memref_slice %arg12[%dma_start3A_269] : memref<2x!tpu.dma_semaphore, #tpu.memory_space<semaphore_mem>> -> memref<1x!tpu.dma_semaphore, #tpu.memory_space<semaphore_mem>>
        %dma_start3A_277 = tpu.memref_squeeze %dma_start3A_276 : memref<1x!tpu.dma_semaphore, #tpu.memory_space<semaphore_mem>> -> memref<!tpu.dma_semaphore, #tpu.memory_space<semaphore_mem>>
        %dma_start3A_278 = arith.constant 0 : i32
        %dma_start3A_279 = arith.constant 0 : i32
        %dma_start3A_280 = tpu.memref_slice %arg8[%dma_start3A_268, %dma_start3A_278, %dma_start3A_279] : memref<2x2x128xi32, #tpu.memory_space<vmem>> -> memref<1x2x128xi32, #tpu.memory_space<vmem>>
        %dma_start3A_281 = tpu.memref_squeeze %dma_start3A_280 : memref<1x2x128xi32, #tpu.memory_space<vmem>> -> memref<2x128xi32, #tpu.memory_space<vmem>>
        %dma_start3A_282 = arith.constant 0 : i32
        %dma_start3A_283 = tpu.memref_slice %arg4[%add3A_251, %dma_start3A_282] : memref<2560x128xi32, #tpu.memory_space<hbm>> -> memref<2x128xi32, #tpu.memory_space<hbm>>
        tpu.enqueue_dma source(%dma_start3A_283 : memref<2x128xi32, #tpu.memory_space<hbm>>) target(%dma_start3A_281 : memref<2x128xi32, #tpu.memory_space<vmem>>) target_semaphore(%dma_start3A_277 : memref<!tpu.dma_semaphore, #tpu.memory_space<semaphore_mem>>)
      } else {
      }
      %mul3A_181 = arith.constant 2 : i32
      %mul3A_182 = arith.muli %add3A_118, %mul3A_181 : i32
      %add3A_183 = arith.constant 1 : i32
      %add3A_184 = arith.addi %mul3A_182, %add3A_183 : i32
      %add3A_185 = arith.constant 1 : i32
      %add3A_186 = arith.addi %add3A_184, %add3A_185 : i32
      %lt3A_187 = arith.cmpi slt, %add3A_186, %select_n3A_10 : i32
      %convert_element_type3A_188 = arith.extui %lt3A_187 : i1 to i32
      %cond3A_189 = arith.constant 0 : i32
      %cond3A_190 = arith.cmpi ne, %convert_element_type3A_188, %cond3A_189 : i32
      scf.if %cond3A_190 {
        %dma_wait3A_247 = arith.constant 0 : i32
        %dma_wait3A_248 = arith.constant 0 : i32
        %dma_wait3A_249 = arith.constant 0 : i32
        %dma_wait3A_250 = arith.constant 0 : i32
        %dma_wait3A_251 = tpu.memref_slice %arg7[%dma_wait3A_247, %dma_wait3A_249, %dma_wait3A_250] : memref<2x2x128xi32, #tpu.memory_space<vmem>> -> memref<1x2x128xi32, #tpu.memory_space<vmem>>
        %dma_wait3A_252 = tpu.memref_squeeze %dma_wait3A_251 : memref<1x2x128xi32, #tpu.memory_space<vmem>> -> memref<2x128xi32, #tpu.memory_space<vmem>>
        %dma_wait3A_253 = arith.constant 0 : i32
        %dma_wait3A_254 = arith.constant 0 : i32
        %dma_wait3A_255 = tpu.memref_slice %arg3[%dma_wait3A_253, %dma_wait3A_254] : memref<2560x128xi32, #tpu.memory_space<hbm>> -> memref<2x128xi32, #tpu.memory_space<hbm>>
        %dma_wait3A_256 = tpu.memref_slice %arg12[%dma_wait3A_248] : memref<2x!tpu.dma_semaphore, #tpu.memory_space<semaphore_mem>> -> memref<1x!tpu.dma_semaphore, #tpu.memory_space<semaphore_mem>>
        %dma_wait3A_257 = tpu.memref_squeeze %dma_wait3A_256 : memref<1x!tpu.dma_semaphore, #tpu.memory_space<semaphore_mem>> -> memref<!tpu.dma_semaphore, #tpu.memory_space<semaphore_mem>>
        %dma_wait3A_258 = arith.constant 0 : i32
        %dma_wait3A_259 = arith.constant 0 : i32
        %dma_wait3A_260 = tpu.memref_slice %arg7[%dma_wait3A_247, %dma_wait3A_258, %dma_wait3A_259] : memref<2x2x128xi32, #tpu.memory_space<vmem>> -> memref<1x2x128xi32, #tpu.memory_space<vmem>>
        %dma_wait3A_261 = tpu.memref_squeeze %dma_wait3A_260 : memref<1x2x128xi32, #tpu.memory_space<vmem>> -> memref<2x128xi32, #tpu.memory_space<vmem>>
        %dma_wait3A_262 = arith.constant 0 : i32
        %dma_wait3A_263 = arith.constant 0 : i32
        %dma_wait3A_264 = tpu.memref_slice %arg3[%dma_wait3A_262, %dma_wait3A_263] : memref<2560x128xi32, #tpu.memory_space<hbm>> -> memref<2x128xi32, #tpu.memory_space<hbm>>
        tpu.wait_dma2 semaphore(%dma_wait3A_257 : memref<!tpu.dma_semaphore, #tpu.memory_space<semaphore_mem>>) src(%dma_wait3A_264 : memref<2x128xi32, #tpu.memory_space<hbm>>) dst(%dma_wait3A_261 : memref<2x128xi32, #tpu.memory_space<vmem>>)
        %dma_wait3A_265 = arith.constant 0 : i32
        %dma_wait3A_266 = arith.constant 0 : i32
        %dma_wait3A_267 = arith.constant 0 : i32
        %dma_wait3A_268 = arith.constant 0 : i32
        %dma_wait3A_269 = tpu.memref_slice %arg8[%dma_wait3A_265, %dma_wait3A_267, %dma_wait3A_268] : memref<2x2x128xi32, #tpu.memory_space<vmem>> -> memref<1x2x128xi32, #tpu.memory_space<vmem>>
        %dma_wait3A_270 = tpu.memref_squeeze %dma_wait3A_269 : memref<1x2x128xi32, #tpu.memory_space<vmem>> -> memref<2x128xi32, #tpu.memory_space<vmem>>
        %dma_wait3A_271 = arith.constant 0 : i32
        %dma_wait3A_272 = arith.constant 0 : i32
        %dma_wait3A_273 = tpu.memref_slice %arg4[%dma_wait3A_271, %dma_wait3A_272] : memref<2560x128xi32, #tpu.memory_space<hbm>> -> memref<2x128xi32, #tpu.memory_space<hbm>>
        %dma_wait3A_274 = tpu.memref_slice %arg12[%dma_wait3A_266] : memref<2x!tpu.dma_semaphore, #tpu.memory_space<semaphore_mem>> -> memref<1x!tpu.dma_semaphore, #tpu.memory_space<semaphore_mem>>
        %dma_wait3A_275 = tpu.memref_squeeze %dma_wait3A_274 : memref<1x!tpu.dma_semaphore, #tpu.memory_space<semaphore_mem>> -> memref<!tpu.dma_semaphore, #tpu.memory_space<semaphore_mem>>
        %dma_wait3A_276 = arith.constant 0 : i32
        %dma_wait3A_277 = arith.constant 0 : i32
        %dma_wait3A_278 = tpu.memref_slice %arg8[%dma_wait3A_265, %dma_wait3A_276, %dma_wait3A_277] : memref<2x2x128xi32, #tpu.memory_space<vmem>> -> memref<1x2x128xi32, #tpu.memory_space<vmem>>
        %dma_wait3A_279 = tpu.memref_squeeze %dma_wait3A_278 : memref<1x2x128xi32, #tpu.memory_space<vmem>> -> memref<2x128xi32, #tpu.memory_space<vmem>>
        %dma_wait3A_280 = arith.constant 0 : i32
        %dma_wait3A_281 = arith.constant 0 : i32
        %dma_wait3A_282 = tpu.memref_slice %arg4[%dma_wait3A_280, %dma_wait3A_281] : memref<2560x128xi32, #tpu.memory_space<hbm>> -> memref<2x128xi32, #tpu.memory_space<hbm>>
        tpu.wait_dma2 semaphore(%dma_wait3A_275 : memref<!tpu.dma_semaphore, #tpu.memory_space<semaphore_mem>>) src(%dma_wait3A_282 : memref<2x128xi32, #tpu.memory_space<hbm>>) dst(%dma_wait3A_279 : memref<2x128xi32, #tpu.memory_space<vmem>>)
      } else {
      }
      %dma_wait3A_191 = arith.constant 1 : i32
      %dma_wait3A_192 = arith.constant 0 : i32
      %dma_wait3A_193 = arith.constant 0 : i32
      %dma_wait3A_194 = arith.constant 0 : i32
      %dma_wait3A_195 = arith.constant 0 : i32
      %dma_wait3A_196 = arith.constant 0 : i32
      %dma_wait3A_197 = tpu.memref_slice %arg9[%dma_wait3A_193, %dma_wait3A_195, %dma_wait3A_196] : memref<2x128x128xf32, #tpu.memory_space<vmem>> -> memref<1x128x128xf32, #tpu.memory_space<vmem>>
      %dma_wait3A_198 = tpu.memref_squeeze %dma_wait3A_197 : memref<1x128x128xf32, #tpu.memory_space<vmem>> -> memref<128x128xf32, #tpu.memory_space<vmem>>
      %dma_wait3A_199 = arith.constant 0 : i32
      %dma_wait3A_200 = tpu.memref_slice %arg7[%dma_wait3A_191, %dma_wait3A_192, %dma_wait3A_199] : memref<2x2x128xi32, #tpu.memory_space<vmem>> -> memref<1x1x128xi32, #tpu.memory_space<vmem>>
      %dma_wait3A_201 = tpu.memref_squeeze %dma_wait3A_200 : memref<1x1x128xi32, #tpu.memory_space<vmem>> -> memref<128xi32, #tpu.memory_space<vmem>>
      %dma_wait3A_202 = arith.constant 0 : i32
      %dma_wait3A_203 = arith.constant 0 : i32
      %dma_wait3A_204 = tpu.memref_slice %arg2[%dma_wait3A_202, %dma_wait3A_203] : memref<10240x128xf32, #tpu.memory_space<hbm>> -> memref<10240x128xf32, #tpu.memory_space<hbm>>
      %dma_wait3A_205 = tpu.memref_slice %arg11[%dma_wait3A_194] : memref<2x!tpu.dma_semaphore, #tpu.memory_space<semaphore_mem>> -> memref<1x!tpu.dma_semaphore, #tpu.memory_space<semaphore_mem>>
      %dma_wait3A_206 = tpu.memref_squeeze %dma_wait3A_205 : memref<1x!tpu.dma_semaphore, #tpu.memory_space<semaphore_mem>> -> memref<!tpu.dma_semaphore, #tpu.memory_space<semaphore_mem>>
      tpu.wait_indirect_dma semaphore(%dma_wait3A_206 : memref<!tpu.dma_semaphore, #tpu.memory_space<semaphore_mem>>) src(%dma_wait3A_204 : memref<10240x128xf32, #tpu.memory_space<hbm>>) dst(%dma_wait3A_198 : memref<128x128xf32, #tpu.memory_space<vmem>>)
      %run_scoped3A_207 = arith.constant 0 : i32
      %run_scoped3A_208 = arith.constant 1 : i32
      %run_scoped3A_209 = arith.constant 0 : i32
      "tpu.region"() ({
        %run_scoped3A_247 = tpu.sem_alloc : memref<!tpu.dma_semaphore, #tpu.memory_space<semaphore_mem>>
        %dma_start3A_248 = arith.constant 0 : i32
        %dma_start3A_249 = arith.constant 0 : i32
        %dma_start3A_250 = tpu.memref_slice %arg9[%run_scoped3A_207, %dma_start3A_248, %dma_start3A_249] : memref<2x128x128xf32, #tpu.memory_space<vmem>> -> memref<1x128x128xf32, #tpu.memory_space<vmem>>
        %dma_start3A_251 = tpu.memref_squeeze %dma_start3A_250 : memref<1x128x128xf32, #tpu.memory_space<vmem>> -> memref<128x128xf32, #tpu.memory_space<vmem>>
        %dma_start3A_252 = arith.constant 0 : i32
        %dma_start3A_253 = tpu.memref_slice %arg8[%run_scoped3A_208, %run_scoped3A_209, %dma_start3A_252] : memref<2x2x128xi32, #tpu.memory_space<vmem>> -> memref<1x1x128xi32, #tpu.memory_space<vmem>>
        %dma_start3A_254 = tpu.memref_squeeze %dma_start3A_253 : memref<1x1x128xi32, #tpu.memory_space<vmem>> -> memref<128xi32, #tpu.memory_space<vmem>>
        %dma_start3A_255 = arith.constant 0 : i32
        %dma_start3A_256 = arith.constant 0 : i32
        %dma_start3A_257 = tpu.memref_slice %arg10[%dma_start3A_255, %dma_start3A_256] : memref<10240x128xf32, #tpu.memory_space<vmem_shared>> -> memref<10240x128xf32, #tpu.memory_space<vmem_shared>>
        tpu.enqueue_indirect_dma source(%dma_start3A_251 : memref<128x128xf32, #tpu.memory_space<vmem>>) target(%dma_start3A_257 : memref<10240x128xf32, #tpu.memory_space<vmem_shared>>) offsets(%dma_start3A_254 : memref<128xi32, #tpu.memory_space<vmem>>) semaphore(%run_scoped3A_247 : memref<!tpu.dma_semaphore, #tpu.memory_space<semaphore_mem>>) {add = true}
        %dma_wait3A_258 = arith.constant 0 : i32
        %dma_wait3A_259 = arith.constant 0 : i32
        %dma_wait3A_260 = tpu.memref_slice %arg9[%run_scoped3A_207, %dma_wait3A_258, %dma_wait3A_259] : memref<2x128x128xf32, #tpu.memory_space<vmem>> -> memref<1x128x128xf32, #tpu.memory_space<vmem>>
        %dma_wait3A_261 = tpu.memref_squeeze %dma_wait3A_260 : memref<1x128x128xf32, #tpu.memory_space<vmem>> -> memref<128x128xf32, #tpu.memory_space<vmem>>
        %dma_wait3A_262 = arith.constant 0 : i32
        %dma_wait3A_263 = tpu.memref_slice %arg8[%run_scoped3A_208, %run_scoped3A_209, %dma_wait3A_262] : memref<2x2x128xi32, #tpu.memory_space<vmem>> -> memref<1x1x128xi32, #tpu.memory_space<vmem>>
        %dma_wait3A_264 = tpu.memref_squeeze %dma_wait3A_263 : memref<1x1x128xi32, #tpu.memory_space<vmem>> -> memref<128xi32, #tpu.memory_space<vmem>>
        %dma_wait3A_265 = arith.constant 0 : i32
        %dma_wait3A_266 = arith.constant 0 : i32
        %dma_wait3A_267 = tpu.memref_slice %arg10[%dma_wait3A_265, %dma_wait3A_266] : memref<10240x128xf32, #tpu.memory_space<vmem_shared>> -> memref<10240x128xf32, #tpu.memory_space<vmem_shared>>
        tpu.wait_indirect_dma semaphore(%run_scoped3A_247 : memref<!tpu.dma_semaphore, #tpu.memory_space<semaphore_mem>>) src(%dma_wait3A_261 : memref<128x128xf32, #tpu.memory_space<vmem>>) dst(%dma_wait3A_267 : memref<10240x128xf32, #tpu.memory_space<vmem_shared>>)
        tpu.yield
      }) : () -> ()
      %add3A_210 = arith.constant 1 : i32
      %add3A_211 = arith.addi %add3A_184, %add3A_210 : i32
      %lt3A_212 = arith.cmpi slt, %add3A_211, %select_n3A_10 : i32
      %convert_element_type3A_213 = arith.extui %lt3A_212 : i1 to i32
      %cond3A_214 = arith.constant 0 : i32
      %cond3A_215 = arith.cmpi ne, %convert_element_type3A_213, %cond3A_214 : i32
      scf.if %cond3A_215 {
        %dma_start3A_247 = arith.constant 0 : i32
        %dma_start3A_248 = arith.constant 0 : i32
        %dma_start3A_249 = arith.constant 0 : i32
        %dma_start3A_250 = arith.constant 0 : i32
        %dma_start3A_251 = arith.constant 0 : i32
        %dma_start3A_252 = arith.constant 0 : i32
        %dma_start3A_253 = tpu.memref_slice %arg9[%dma_start3A_249, %dma_start3A_251, %dma_start3A_252] : memref<2x128x128xf32, #tpu.memory_space<vmem>> -> memref<1x128x128xf32, #tpu.memory_space<vmem>>
        %dma_start3A_254 = tpu.memref_squeeze %dma_start3A_253 : memref<1x128x128xf32, #tpu.memory_space<vmem>> -> memref<128x128xf32, #tpu.memory_space<vmem>>
        %dma_start3A_255 = arith.constant 0 : i32
        %dma_start3A_256 = tpu.memref_slice %arg7[%dma_start3A_247, %dma_start3A_248, %dma_start3A_255] : memref<2x2x128xi32, #tpu.memory_space<vmem>> -> memref<1x1x128xi32, #tpu.memory_space<vmem>>
        %dma_start3A_257 = tpu.memref_squeeze %dma_start3A_256 : memref<1x1x128xi32, #tpu.memory_space<vmem>> -> memref<128xi32, #tpu.memory_space<vmem>>
        %dma_start3A_258 = arith.constant 0 : i32
        %dma_start3A_259 = arith.constant 0 : i32
        %dma_start3A_260 = tpu.memref_slice %arg2[%dma_start3A_258, %dma_start3A_259] : memref<10240x128xf32, #tpu.memory_space<hbm>> -> memref<10240x128xf32, #tpu.memory_space<hbm>>
        %dma_start3A_261 = tpu.memref_slice %arg11[%dma_start3A_250] : memref<2x!tpu.dma_semaphore, #tpu.memory_space<semaphore_mem>> -> memref<1x!tpu.dma_semaphore, #tpu.memory_space<semaphore_mem>>
        %dma_start3A_262 = tpu.memref_squeeze %dma_start3A_261 : memref<1x!tpu.dma_semaphore, #tpu.memory_space<semaphore_mem>> -> memref<!tpu.dma_semaphore, #tpu.memory_space<semaphore_mem>>
        tpu.enqueue_indirect_dma source(%dma_start3A_260 : memref<10240x128xf32, #tpu.memory_space<hbm>>) target(%dma_start3A_254 : memref<128x128xf32, #tpu.memory_space<vmem>>) offsets(%dma_start3A_257 : memref<128xi32, #tpu.memory_space<vmem>>) semaphore(%dma_start3A_262 : memref<!tpu.dma_semaphore, #tpu.memory_space<semaphore_mem>>)
      } else {
      }
      %dma_wait3A_216 = arith.constant 1 : i32
      %dma_wait3A_217 = arith.constant 1 : i32
      %dma_wait3A_218 = arith.constant 1 : i32
      %dma_wait3A_219 = arith.constant 1 : i32
      %dma_wait3A_220 = arith.constant 0 : i32
      %dma_wait3A_221 = arith.constant 0 : i32
      %dma_wait3A_222 = tpu.memref_slice %arg9[%dma_wait3A_218, %dma_wait3A_220, %dma_wait3A_221] : memref<2x128x128xf32, #tpu.memory_space<vmem>> -> memref<1x128x128xf32, #tpu.memory_space<vmem>>
      %dma_wait3A_223 = tpu.memref_squeeze %dma_wait3A_222 : memref<1x128x128xf32, #tpu.memory_space<vmem>> -> memref<128x128xf32, #tpu.memory_space<vmem>>
      %dma_wait3A_224 = arith.constant 0 : i32
      %dma_wait3A_225 = tpu.memref_slice %arg7[%dma_wait3A_216, %dma_wait3A_217, %dma_wait3A_224] : memref<2x2x128xi32, #tpu.memory_space<vmem>> -> memref<1x1x128xi32, #tpu.memory_space<vmem>>
      %dma_wait3A_226 = tpu.memref_squeeze %dma_wait3A_225 : memref<1x1x128xi32, #tpu.memory_space<vmem>> -> memref<128xi32, #tpu.memory_space<vmem>>
      %dma_wait3A_227 = arith.constant 0 : i32
      %dma_wait3A_228 = arith.constant 0 : i32
      %dma_wait3A_229 = tpu.memref_slice %arg2[%dma_wait3A_227, %dma_wait3A_228] : memref<10240x128xf32, #tpu.memory_space<hbm>> -> memref<10240x128xf32, #tpu.memory_space<hbm>>
      %dma_wait3A_230 = tpu.memref_slice %arg11[%dma_wait3A_219] : memref<2x!tpu.dma_semaphore, #tpu.memory_space<semaphore_mem>> -> memref<1x!tpu.dma_semaphore, #tpu.memory_space<semaphore_mem>>
      %dma_wait3A_231 = tpu.memref_squeeze %dma_wait3A_230 : memref<1x!tpu.dma_semaphore, #tpu.memory_space<semaphore_mem>> -> memref<!tpu.dma_semaphore, #tpu.memory_space<semaphore_mem>>
      tpu.wait_indirect_dma semaphore(%dma_wait3A_231 : memref<!tpu.dma_semaphore, #tpu.memory_space<semaphore_mem>>) src(%dma_wait3A_229 : memref<10240x128xf32, #tpu.memory_space<hbm>>) dst(%dma_wait3A_223 : memref<128x128xf32, #tpu.memory_space<vmem>>)
      %run_scoped3A_232 = arith.constant 1 : i32
      %run_scoped3A_233 = arith.constant 1 : i32
      %run_scoped3A_234 = arith.constant 1 : i32
      "tpu.region"() ({
        %run_scoped3A_247 = tpu.sem_alloc : memref<!tpu.dma_semaphore, #tpu.memory_space<semaphore_mem>>
        %dma_start3A_248 = arith.constant 0 : i32
        %dma_start3A_249 = arith.constant 0 : i32
        %dma_start3A_250 = tpu.memref_slice %arg9[%run_scoped3A_232, %dma_start3A_248, %dma_start3A_249] : memref<2x128x128xf32, #tpu.memory_space<vmem>> -> memref<1x128x128xf32, #tpu.memory_space<vmem>>
        %dma_start3A_251 = tpu.memref_squeeze %dma_start3A_250 : memref<1x128x128xf32, #tpu.memory_space<vmem>> -> memref<128x128xf32, #tpu.memory_space<vmem>>
        %dma_start3A_252 = arith.constant 0 : i32
        %dma_start3A_253 = tpu.memref_slice %arg8[%run_scoped3A_233, %run_scoped3A_234, %dma_start3A_252] : memref<2x2x128xi32, #tpu.memory_space<vmem>> -> memref<1x1x128xi32, #tpu.memory_space<vmem>>
        %dma_start3A_254 = tpu.memref_squeeze %dma_start3A_253 : memref<1x1x128xi32, #tpu.memory_space<vmem>> -> memref<128xi32, #tpu.memory_space<vmem>>
        %dma_start3A_255 = arith.constant 0 : i32
        %dma_start3A_256 = arith.constant 0 : i32
        %dma_start3A_257 = tpu.memref_slice %arg10[%dma_start3A_255, %dma_start3A_256] : memref<10240x128xf32, #tpu.memory_space<vmem_shared>> -> memref<10240x128xf32, #tpu.memory_space<vmem_shared>>
        tpu.enqueue_indirect_dma source(%dma_start3A_251 : memref<128x128xf32, #tpu.memory_space<vmem>>) target(%dma_start3A_257 : memref<10240x128xf32, #tpu.memory_space<vmem_shared>>) offsets(%dma_start3A_254 : memref<128xi32, #tpu.memory_space<vmem>>) semaphore(%run_scoped3A_247 : memref<!tpu.dma_semaphore, #tpu.memory_space<semaphore_mem>>) {add = true}
        %dma_wait3A_258 = arith.constant 0 : i32
        %dma_wait3A_259 = arith.constant 0 : i32
        %dma_wait3A_260 = tpu.memref_slice %arg9[%run_scoped3A_232, %dma_wait3A_258, %dma_wait3A_259] : memref<2x128x128xf32, #tpu.memory_space<vmem>> -> memref<1x128x128xf32, #tpu.memory_space<vmem>>
        %dma_wait3A_261 = tpu.memref_squeeze %dma_wait3A_260 : memref<1x128x128xf32, #tpu.memory_space<vmem>> -> memref<128x128xf32, #tpu.memory_space<vmem>>
        %dma_wait3A_262 = arith.constant 0 : i32
        %dma_wait3A_263 = tpu.memref_slice %arg8[%run_scoped3A_233, %run_scoped3A_234, %dma_wait3A_262] : memref<2x2x128xi32, #tpu.memory_space<vmem>> -> memref<1x1x128xi32, #tpu.memory_space<vmem>>
        %dma_wait3A_264 = tpu.memref_squeeze %dma_wait3A_263 : memref<1x1x128xi32, #tpu.memory_space<vmem>> -> memref<128xi32, #tpu.memory_space<vmem>>
        %dma_wait3A_265 = arith.constant 0 : i32
        %dma_wait3A_266 = arith.constant 0 : i32
        %dma_wait3A_267 = tpu.memref_slice %arg10[%dma_wait3A_265, %dma_wait3A_266] : memref<10240x128xf32, #tpu.memory_space<vmem_shared>> -> memref<10240x128xf32, #tpu.memory_space<vmem_shared>>
        tpu.wait_indirect_dma semaphore(%run_scoped3A_247 : memref<!tpu.dma_semaphore, #tpu.memory_space<semaphore_mem>>) src(%dma_wait3A_261 : memref<128x128xf32, #tpu.memory_space<vmem>>) dst(%dma_wait3A_267 : memref<10240x128xf32, #tpu.memory_space<vmem_shared>>)
        tpu.yield
      }) : () -> ()
      %add3A_235 = arith.constant 1 : i32
      %add3A_236 = arith.addi %add3A_184, %add3A_235 : i32
      %lt3A_237 = arith.cmpi slt, %add3A_236, %select_n3A_10 : i32
      %convert_element_type3A_238 = arith.extui %lt3A_237 : i1 to i32
      %cond3A_239 = arith.constant 0 : i32
      %cond3A_240 = arith.cmpi ne, %convert_element_type3A_238, %cond3A_239 : i32
      scf.if %cond3A_240 {
        %dma_start3A_247 = arith.constant 0 : i32
        %dma_start3A_248 = arith.constant 1 : i32
        %dma_start3A_249 = arith.constant 1 : i32
        %dma_start3A_250 = arith.constant 1 : i32
        %dma_start3A_251 = arith.constant 0 : i32
        %dma_start3A_252 = arith.constant 0 : i32
        %dma_start3A_253 = tpu.memref_slice %arg9[%dma_start3A_249, %dma_start3A_251, %dma_start3A_252] : memref<2x128x128xf32, #tpu.memory_space<vmem>> -> memref<1x128x128xf32, #tpu.memory_space<vmem>>
        %dma_start3A_254 = tpu.memref_squeeze %dma_start3A_253 : memref<1x128x128xf32, #tpu.memory_space<vmem>> -> memref<128x128xf32, #tpu.memory_space<vmem>>
        %dma_start3A_255 = arith.constant 0 : i32
        %dma_start3A_256 = tpu.memref_slice %arg7[%dma_start3A_247, %dma_start3A_248, %dma_start3A_255] : memref<2x2x128xi32, #tpu.memory_space<vmem>> -> memref<1x1x128xi32, #tpu.memory_space<vmem>>
        %dma_start3A_257 = tpu.memref_squeeze %dma_start3A_256 : memref<1x1x128xi32, #tpu.memory_space<vmem>> -> memref<128xi32, #tpu.memory_space<vmem>>
        %dma_start3A_258 = arith.constant 0 : i32
        %dma_start3A_259 = arith.constant 0 : i32
        %dma_start3A_260 = tpu.memref_slice %arg2[%dma_start3A_258, %dma_start3A_259] : memref<10240x128xf32, #tpu.memory_space<hbm>> -> memref<10240x128xf32, #tpu.memory_space<hbm>>
        %dma_start3A_261 = tpu.memref_slice %arg11[%dma_start3A_250] : memref<2x!tpu.dma_semaphore, #tpu.memory_space<semaphore_mem>> -> memref<1x!tpu.dma_semaphore, #tpu.memory_space<semaphore_mem>>
        %dma_start3A_262 = tpu.memref_squeeze %dma_start3A_261 : memref<1x!tpu.dma_semaphore, #tpu.memory_space<semaphore_mem>> -> memref<!tpu.dma_semaphore, #tpu.memory_space<semaphore_mem>>
        tpu.enqueue_indirect_dma source(%dma_start3A_260 : memref<10240x128xf32, #tpu.memory_space<hbm>>) target(%dma_start3A_254 : memref<128x128xf32, #tpu.memory_space<vmem>>) offsets(%dma_start3A_257 : memref<128xi32, #tpu.memory_space<vmem>>) semaphore(%dma_start3A_262 : memref<!tpu.dma_semaphore, #tpu.memory_space<semaphore_mem>>)
      } else {
      }
      %add3A_241 = arith.constant 2 : i32
      %add3A_242 = arith.addi %add3A_184, %add3A_241 : i32
      %lt3A_243 = arith.cmpi slt, %add3A_242, %select_n3A_10 : i32
      %convert_element_type3A_244 = arith.extui %lt3A_243 : i1 to i32
      %cond3A_245 = arith.constant 0 : i32
      %cond3A_246 = arith.cmpi ne, %convert_element_type3A_244, %cond3A_245 : i32
      scf.if %cond3A_246 {
        %add3A_247 = arith.constant 2 : i32
        %add3A_248 = arith.addi %add3A_184, %add3A_247 : i32
        %mul3A_249 = arith.constant 2 : i32
        %mul3A_250 = arith.muli %add3A_248, %mul3A_249 : i32
        %add3A_251 = arith.addi %select_n3A, %mul3A_250 : i32
        %dma_start3A_252 = arith.constant 1 : i32
        %dma_start3A_253 = arith.constant 1 : i32
        %dma_start3A_254 = arith.constant 0 : i32
        %dma_start3A_255 = arith.constant 0 : i32
        %dma_start3A_256 = tpu.memref_slice %arg7[%dma_start3A_252, %dma_start3A_254, %dma_start3A_255] : memref<2x2x128xi32, #tpu.memory_space<vmem>> -> memref<1x2x128xi32, #tpu.memory_space<vmem>>
        %dma_start3A_257 = tpu.memref_squeeze %dma_start3A_256 : memref<1x2x128xi32, #tpu.memory_space<vmem>> -> memref<2x128xi32, #tpu.memory_space<vmem>>
        %dma_start3A_258 = arith.constant 0 : i32
        %dma_start3A_259 = tpu.memref_slice %arg3[%add3A_251, %dma_start3A_258] : memref<2560x128xi32, #tpu.memory_space<hbm>> -> memref<2x128xi32, #tpu.memory_space<hbm>>
        %dma_start3A_260 = tpu.memref_slice %arg12[%dma_start3A_253] : memref<2x!tpu.dma_semaphore, #tpu.memory_space<semaphore_mem>> -> memref<1x!tpu.dma_semaphore, #tpu.memory_space<semaphore_mem>>
        %dma_start3A_261 = tpu.memref_squeeze %dma_start3A_260 : memref<1x!tpu.dma_semaphore, #tpu.memory_space<semaphore_mem>> -> memref<!tpu.dma_semaphore, #tpu.memory_space<semaphore_mem>>
        %dma_start3A_262 = arith.constant 0 : i32
        %dma_start3A_263 = arith.constant 0 : i32
        %dma_start3A_264 = tpu.memref_slice %arg7[%dma_start3A_252, %dma_start3A_262, %dma_start3A_263] : memref<2x2x128xi32, #tpu.memory_space<vmem>> -> memref<1x2x128xi32, #tpu.memory_space<vmem>>
        %dma_start3A_265 = tpu.memref_squeeze %dma_start3A_264 : memref<1x2x128xi32, #tpu.memory_space<vmem>> -> memref<2x128xi32, #tpu.memory_space<vmem>>
        %dma_start3A_266 = arith.constant 0 : i32
        %dma_start3A_267 = tpu.memref_slice %arg3[%add3A_251, %dma_start3A_266] : memref<2560x128xi32, #tpu.memory_space<hbm>> -> memref<2x128xi32, #tpu.memory_space<hbm>>
        tpu.enqueue_dma source(%dma_start3A_267 : memref<2x128xi32, #tpu.memory_space<hbm>>) target(%dma_start3A_265 : memref<2x128xi32, #tpu.memory_space<vmem>>) target_semaphore(%dma_start3A_261 : memref<!tpu.dma_semaphore, #tpu.memory_space<semaphore_mem>>)
        %dma_start3A_268 = arith.constant 1 : i32
        %dma_start3A_269 = arith.constant 1 : i32
        %dma_start3A_270 = arith.constant 0 : i32
        %dma_start3A_271 = arith.constant 0 : i32
        %dma_start3A_272 = tpu.memref_slice %arg8[%dma_start3A_268, %dma_start3A_270, %dma_start3A_271] : memref<2x2x128xi32, #tpu.memory_space<vmem>> -> memref<1x2x128xi32, #tpu.memory_space<vmem>>
        %dma_start3A_273 = tpu.memref_squeeze %dma_start3A_272 : memref<1x2x128xi32, #tpu.memory_space<vmem>> -> memref<2x128xi32, #tpu.memory_space<vmem>>
        %dma_start3A_274 = arith.constant 0 : i32
        %dma_start3A_275 = tpu.memref_slice %arg4[%add3A_251, %dma_start3A_274] : memref<2560x128xi32, #tpu.memory_space<hbm>> -> memref<2x128xi32, #tpu.memory_space<hbm>>
        %dma_start3A_276 = tpu.memref_slice %arg12[%dma_start3A_269] : memref<2x!tpu.dma_semaphore, #tpu.memory_space<semaphore_mem>> -> memref<1x!tpu.dma_semaphore, #tpu.memory_space<semaphore_mem>>
        %dma_start3A_277 = tpu.memref_squeeze %dma_start3A_276 : memref<1x!tpu.dma_semaphore, #tpu.memory_space<semaphore_mem>> -> memref<!tpu.dma_semaphore, #tpu.memory_space<semaphore_mem>>
        %dma_start3A_278 = arith.constant 0 : i32
        %dma_start3A_279 = arith.constant 0 : i32
        %dma_start3A_280 = tpu.memref_slice %arg8[%dma_start3A_268, %dma_start3A_278, %dma_start3A_279] : memref<2x2x128xi32, #tpu.memory_space<vmem>> -> memref<1x2x128xi32, #tpu.memory_space<vmem>>
        %dma_start3A_281 = tpu.memref_squeeze %dma_start3A_280 : memref<1x2x128xi32, #tpu.memory_space<vmem>> -> memref<2x128xi32, #tpu.memory_space<vmem>>
        %dma_start3A_282 = arith.constant 0 : i32
        %dma_start3A_283 = tpu.memref_slice %arg4[%add3A_251, %dma_start3A_282] : memref<2560x128xi32, #tpu.memory_space<hbm>> -> memref<2x128xi32, #tpu.memory_space<hbm>>
        tpu.enqueue_dma source(%dma_start3A_283 : memref<2x128xi32, #tpu.memory_space<hbm>>) target(%dma_start3A_281 : memref<2x128xi32, #tpu.memory_space<vmem>>) target_semaphore(%dma_start3A_277 : memref<!tpu.dma_semaphore, #tpu.memory_space<semaphore_mem>>)
      } else {
      }
    }
    %barrier3A_115 = arith.constant 0 : index
    tpu.barrier barrier_id(%barrier3A_115)
    "tpu.region"() ({
      %run_scoped3A_116 = tpu.sem_alloc : memref<!tpu.dma_semaphore, #tpu.memory_space<semaphore_mem>>
      %dma_start3A_117 = arith.constant 0 : i32
      %dma_start3A_118 = tpu.memref_slice %arg6[%arg0, %mul3A_0, %dma_start3A_117] : memref<2x10240x128xf32, #tpu.memory_space<hbm>> -> memref<1x640x128xf32, #tpu.memory_space<hbm>>
      %dma_start3A_119 = tpu.memref_squeeze %dma_start3A_118 : memref<1x640x128xf32, #tpu.memory_space<hbm>> -> memref<640x128xf32, #tpu.memory_space<hbm>>
      %dma_start3A_120 = arith.constant 0 : i32
      %dma_start3A_121 = tpu.memref_slice %arg10[%mul3A_0, %dma_start3A_120] : memref<10240x128xf32, #tpu.memory_space<vmem_shared>> -> memref<640x128xf32, #tpu.memory_space<vmem_shared>>
      tpu.enqueue_dma source(%dma_start3A_121 : memref<640x128xf32, #tpu.memory_space<vmem_shared>>) target(%dma_start3A_119 : memref<640x128xf32, #tpu.memory_space<hbm>>) target_semaphore(%run_scoped3A_116 : memref<!tpu.dma_semaphore, #tpu.memory_space<semaphore_mem>>)
      %dma_wait3A = arith.constant 0 : i32
      %dma_wait3A_122 = tpu.memref_slice %arg6[%arg0, %mul3A_0, %dma_wait3A] : memref<2x10240x128xf32, #tpu.memory_space<hbm>> -> memref<1x640x128xf32, #tpu.memory_space<hbm>>
      %dma_wait3A_123 = tpu.memref_squeeze %dma_wait3A_122 : memref<1x640x128xf32, #tpu.memory_space<hbm>> -> memref<640x128xf32, #tpu.memory_space<hbm>>
      %dma_wait3A_124 = arith.constant 0 : i32
      %dma_wait3A_125 = tpu.memref_slice %arg10[%mul3A_0, %dma_wait3A_124] : memref<10240x128xf32, #tpu.memory_space<vmem_shared>> -> memref<640x128xf32, #tpu.memory_space<vmem_shared>>
      tpu.wait_dma2 semaphore(%run_scoped3A_116 : memref<!tpu.dma_semaphore, #tpu.memory_space<semaphore_mem>>) src(%dma_wait3A_125 : memref<640x128xf32, #tpu.memory_space<vmem_shared>>) dst(%dma_wait3A_123 : memref<640x128xf32, #tpu.memory_space<hbm>>)
      tpu.yield
    }) : () -> ()
    return
  }
}

#map = affine_map<(d0, d1) -> (0, 0)>
#map1 = affine_map<(d0, d1) -> (0, 0, 0)>
module attributes {stable_mosaic.version = 14 : i64} {
  func.func @_deg_body(%arg0: i32, %arg1: i32, %arg2: memref<2560x128xi32, #tpu.memory_space<hbm>>, %arg3: memref<128x128xf32, #tpu.memory_space<hbm>>, %arg4: memref<640x128xf32, #tpu.memory_space<hbm>>, %arg5: memref<2x10240x128xf32, #tpu.memory_space<hbm>>, %arg6: memref<80x128xi32, #tpu.memory_space<vmem>>, %arg7: memref<128x128xf32, #tpu.memory_space<vmem>>, %arg8: memref<10240x128xf32, #tpu.memory_space<vmem_shared>>) attributes {dimension_semantics = [#tpu.dimension_semantics<core_parallel>, #tpu.dimension_semantics<subcore_parallel>], iteration_bounds = array<i64: 2, 16>, scalar_prefetch = 0 : i64, scratch_operands = 3 : i64, tpu.core_type = #tpu.core_type<sc_vector_subcore>, window_params = [{transform_indices = #map}, {transform_indices = #map}, {transform_indices = #map}, {transform_indices = #map1}]} {
    %mul3A = arith.constant 2 : i32
    %mul3A_0 = arith.muli %arg1, %mul3A : i32
    %add3A = arith.addi %mul3A_0, %arg0 : i32
    %mul3A_1 = arith.constant 640 : i32
    %mul3A_2 = arith.muli %arg1, %mul3A_1 : i32
    "tpu.region"() ({
      %run_scoped3A = tpu.sem_alloc : memref<!tpu.dma_semaphore, #tpu.memory_space<semaphore_mem>>
      tpu.enqueue_dma source(%arg3 : memref<128x128xf32, #tpu.memory_space<hbm>>) target(%arg7 : memref<128x128xf32, #tpu.memory_space<vmem>>) target_semaphore(%run_scoped3A : memref<!tpu.dma_semaphore, #tpu.memory_space<semaphore_mem>>)
      tpu.wait_dma2 semaphore(%run_scoped3A : memref<!tpu.dma_semaphore, #tpu.memory_space<semaphore_mem>>) src(%arg3 : memref<128x128xf32, #tpu.memory_space<hbm>>) dst(%arg7 : memref<128x128xf32, #tpu.memory_space<vmem>>)
      tpu.yield
    }) : () -> ()
    "tpu.region"() ({
      %run_scoped3A = tpu.sem_alloc : memref<!tpu.dma_semaphore, #tpu.memory_space<semaphore_mem>>
      %dma_start3A = arith.constant 0 : i32
      %dma_start3A_10 = tpu.memref_slice %arg8[%mul3A_2, %dma_start3A] : memref<10240x128xf32, #tpu.memory_space<vmem_shared>> -> memref<640x128xf32, #tpu.memory_space<vmem_shared>>
      tpu.enqueue_dma source(%arg4 : memref<640x128xf32, #tpu.memory_space<hbm>>) target(%dma_start3A_10 : memref<640x128xf32, #tpu.memory_space<vmem_shared>>) target_semaphore(%run_scoped3A : memref<!tpu.dma_semaphore, #tpu.memory_space<semaphore_mem>>)
      %dma_wait3A = arith.constant 0 : i32
      %dma_wait3A_11 = tpu.memref_slice %arg8[%mul3A_2, %dma_wait3A] : memref<10240x128xf32, #tpu.memory_space<vmem_shared>> -> memref<640x128xf32, #tpu.memory_space<vmem_shared>>
      tpu.wait_dma2 semaphore(%run_scoped3A : memref<!tpu.dma_semaphore, #tpu.memory_space<semaphore_mem>>) src(%arg4 : memref<640x128xf32, #tpu.memory_space<hbm>>) dst(%dma_wait3A_11 : memref<640x128xf32, #tpu.memory_space<vmem_shared>>)
      tpu.yield
    }) : () -> ()
    %mul3A_3 = arith.constant 80 : i32
    %mul3A_4 = arith.muli %add3A, %mul3A_3 : i32
    "tpu.region"() ({
      %run_scoped3A = tpu.sem_alloc : memref<!tpu.dma_semaphore, #tpu.memory_space<semaphore_mem>>
      %dma_start3A = arith.constant 0 : i32
      %dma_start3A_10 = tpu.memref_slice %arg2[%mul3A_4, %dma_start3A] : memref<2560x128xi32, #tpu.memory_space<hbm>> -> memref<80x128xi32, #tpu.memory_space<hbm>>
      %dma_start3A_11 = arith.constant 0 : i32
      %dma_start3A_12 = tpu.memref_slice %arg2[%mul3A_4, %dma_start3A_11] : memref<2560x128xi32, #tpu.memory_space<hbm>> -> memref<80x128xi32, #tpu.memory_space<hbm>>
      tpu.enqueue_dma source(%dma_start3A_12 : memref<80x128xi32, #tpu.memory_space<hbm>>) target(%arg6 : memref<80x128xi32, #tpu.memory_space<vmem>>) target_semaphore(%run_scoped3A : memref<!tpu.dma_semaphore, #tpu.memory_space<semaphore_mem>>)
      %dma_wait3A = arith.constant 0 : i32
      %dma_wait3A_13 = tpu.memref_slice %arg2[%mul3A_4, %dma_wait3A] : memref<2560x128xi32, #tpu.memory_space<hbm>> -> memref<80x128xi32, #tpu.memory_space<hbm>>
      %dma_wait3A_14 = arith.constant 0 : i32
      %dma_wait3A_15 = tpu.memref_slice %arg2[%mul3A_4, %dma_wait3A_14] : memref<2560x128xi32, #tpu.memory_space<hbm>> -> memref<80x128xi32, #tpu.memory_space<hbm>>
      tpu.wait_dma2 semaphore(%run_scoped3A : memref<!tpu.dma_semaphore, #tpu.memory_space<semaphore_mem>>) src(%dma_wait3A_15 : memref<80x128xi32, #tpu.memory_space<hbm>>) dst(%arg6 : memref<80x128xi32, #tpu.memory_space<vmem>>)
      tpu.yield
    }) : () -> ()
    %barrier3A = arith.constant 0 : index
    tpu.barrier barrier_id(%barrier3A)
    %scan3A = arith.constant 0 : i32
    %scan3A_5 = arith.constant 80 : i32
    %scan3A_6 = arith.addi %scan3A, %scan3A_5 : i32
    %scan3A_7 = arith.constant 1 : i32
    scf.for %scan3A_10 = %scan3A to %scan3A_6 step %scan3A_7  : i32 {
      %mul3A_11 = arith.constant 1 : i32
      %mul3A_12 = arith.muli %scan3A_10, %mul3A_11 : i32
      %add3A_13 = arith.constant 0 : i32
      %add3A_14 = arith.addi %add3A_13, %mul3A_12 : i32
      "tpu.region"() ({
        %run_scoped3A = tpu.sem_alloc : memref<!tpu.dma_semaphore, #tpu.memory_space<semaphore_mem>>
        %dma_start3A = arith.constant 0 : i32
        %dma_start3A_15 = tpu.memref_slice %arg6[%add3A_14, %dma_start3A] : memref<80x128xi32, #tpu.memory_space<vmem>> -> memref<1x128xi32, #tpu.memory_space<vmem>>
        %dma_start3A_16 = tpu.memref_squeeze %dma_start3A_15 : memref<1x128xi32, #tpu.memory_space<vmem>> -> memref<128xi32, #tpu.memory_space<vmem>>
        %dma_start3A_17 = arith.constant 0 : i32
        %dma_start3A_18 = arith.constant 0 : i32
        %dma_start3A_19 = tpu.memref_slice %arg8[%dma_start3A_17, %dma_start3A_18] : memref<10240x128xf32, #tpu.memory_space<vmem_shared>> -> memref<10240x128xf32, #tpu.memory_space<vmem_shared>>
        tpu.enqueue_indirect_dma source(%arg7 : memref<128x128xf32, #tpu.memory_space<vmem>>) target(%dma_start3A_19 : memref<10240x128xf32, #tpu.memory_space<vmem_shared>>) offsets(%dma_start3A_16 : memref<128xi32, #tpu.memory_space<vmem>>) semaphore(%run_scoped3A : memref<!tpu.dma_semaphore, #tpu.memory_space<semaphore_mem>>) {add = true}
        %dma_wait3A = arith.constant 0 : i32
        %dma_wait3A_20 = tpu.memref_slice %arg6[%add3A_14, %dma_wait3A] : memref<80x128xi32, #tpu.memory_space<vmem>> -> memref<1x128xi32, #tpu.memory_space<vmem>>
        %dma_wait3A_21 = tpu.memref_squeeze %dma_wait3A_20 : memref<1x128xi32, #tpu.memory_space<vmem>> -> memref<128xi32, #tpu.memory_space<vmem>>
        %dma_wait3A_22 = arith.constant 0 : i32
        %dma_wait3A_23 = arith.constant 0 : i32
        %dma_wait3A_24 = tpu.memref_slice %arg8[%dma_wait3A_22, %dma_wait3A_23] : memref<10240x128xf32, #tpu.memory_space<vmem_shared>> -> memref<10240x128xf32, #tpu.memory_space<vmem_shared>>
        tpu.wait_indirect_dma semaphore(%run_scoped3A : memref<!tpu.dma_semaphore, #tpu.memory_space<semaphore_mem>>) src(%arg7 : memref<128x128xf32, #tpu.memory_space<vmem>>) dst(%dma_wait3A_24 : memref<10240x128xf32, #tpu.memory_space<vmem_shared>>)
        tpu.yield
      }) : () -> ()
    }
    %scan3A_8 = arith.constant 80 : i32
    %barrier3A_9 = arith.constant 0 : index
    tpu.barrier barrier_id(%barrier3A_9)
    "tpu.region"() ({
      %run_scoped3A = tpu.sem_alloc : memref<!tpu.dma_semaphore, #tpu.memory_space<semaphore_mem>>
      %dma_start3A = arith.constant 0 : i32
      %dma_start3A_10 = tpu.memref_slice %arg5[%arg0, %mul3A_2, %dma_start3A] : memref<2x10240x128xf32, #tpu.memory_space<hbm>> -> memref<1x640x128xf32, #tpu.memory_space<hbm>>
      %dma_start3A_11 = tpu.memref_squeeze %dma_start3A_10 : memref<1x640x128xf32, #tpu.memory_space<hbm>> -> memref<640x128xf32, #tpu.memory_space<hbm>>
      %dma_start3A_12 = arith.constant 0 : i32
      %dma_start3A_13 = tpu.memref_slice %arg8[%mul3A_2, %dma_start3A_12] : memref<10240x128xf32, #tpu.memory_space<vmem_shared>> -> memref<640x128xf32, #tpu.memory_space<vmem_shared>>
      tpu.enqueue_dma source(%dma_start3A_13 : memref<640x128xf32, #tpu.memory_space<vmem_shared>>) target(%dma_start3A_11 : memref<640x128xf32, #tpu.memory_space<hbm>>) target_semaphore(%run_scoped3A : memref<!tpu.dma_semaphore, #tpu.memory_space<semaphore_mem>>)
      %dma_wait3A = arith.constant 0 : i32
      %dma_wait3A_14 = tpu.memref_slice %arg5[%arg0, %mul3A_2, %dma_wait3A] : memref<2x10240x128xf32, #tpu.memory_space<hbm>> -> memref<1x640x128xf32, #tpu.memory_space<hbm>>
      %dma_wait3A_15 = tpu.memref_squeeze %dma_wait3A_14 : memref<1x640x128xf32, #tpu.memory_space<hbm>> -> memref<640x128xf32, #tpu.memory_space<hbm>>
      %dma_wait3A_16 = arith.constant 0 : i32
      %dma_wait3A_17 = tpu.memref_slice %arg8[%mul3A_2, %dma_wait3A_16] : memref<10240x128xf32, #tpu.memory_space<vmem_shared>> -> memref<640x128xf32, #tpu.memory_space<vmem_shared>>
      tpu.wait_dma2 semaphore(%run_scoped3A : memref<!tpu.dma_semaphore, #tpu.memory_space<semaphore_mem>>) src(%dma_wait3A_17 : memref<640x128xf32, #tpu.memory_space<vmem_shared>>) dst(%dma_wait3A_15 : memref<640x128xf32, #tpu.memory_space<hbm>>)
      tpu.yield
    }) : () -> ()
    return
  }
}

module attributes {stable_mosaic.version = 14 : i64} {
  func.func @_prep_body(%arg0: i32, %arg1: memref<1024x128xf32, #tpu.memory_space<vmem>>, %arg2: memref<128x128xf32, #tpu.memory_space<vmem>>, %arg3: memref<2x1024x128xf32, #tpu.memory_space<vmem>>, %arg4: memref<1024x128xf32, #tpu.memory_space<vmem>>) attributes {dimension_semantics = [#tpu.dimension_semantics<arbitrary>], iteration_bounds = array<i64: 10>, scalar_prefetch = 0 : i64, scratch_operands = 0 : i64, tpu.core_type = #tpu.core_type<tc>, window_params = [{transform_indices = @transform_0, window_bounds = array<i64: 1024, 128>}, {pipeline_mode = #tpu.pipeline_mode<synchronous>, transform_indices = @transform_1, window_bounds = array<i64: 128, 128>}, {transform_indices = @transform_2, window_bounds = array<i64: 2, 1024, 128>}, {transform_indices = @transform_3, window_bounds = array<i64: 1024, 128>}]} {
    %get3A = arith.constant 0 : index
    %get3A_0 = arith.constant 0 : index
    %get3A_1 = arith.constant 0 : index
    %get3A_2 = vector.load %arg3[%get3A, %get3A_0, %get3A_1] : memref<2x1024x128xf32, #tpu.memory_space<vmem>>, vector<1x1024x1xf32>
    %get3A_3 = vector.shape_cast %get3A_2 : vector<1x1024x1xf32> to vector<1024x1xf32>
    %get3A_4 = arith.constant 1 : index
    %get3A_5 = arith.constant 0 : index
    %get3A_6 = arith.constant 0 : index
    %get3A_7 = vector.load %arg3[%get3A_4, %get3A_5, %get3A_6] : memref<2x1024x128xf32, #tpu.memory_space<vmem>>, vector<1x1024x1xf32>
    %get3A_8 = vector.shape_cast %get3A_7 : vector<1x1024x1xf32> to vector<1024x1xf32>
    %add3A = arith.addf %get3A_3, %get3A_8 : vector<1024x1xf32>
    %add3A_9 = arith.constant 1.000000e+00 : f32
    %add3A_10 = vector.broadcast %add3A_9 : f32 to vector<1024x1xf32>
    %add3A_11 = arith.addf %add3A, %add3A_10 : vector<1024x1xf32>
    %rsqrt3A = math.rsqrt %add3A_11 : vector<1024x1xf32>
    %get3A_12 = arith.constant 0 : index
    %get3A_13 = arith.constant 0 : index
    %get3A_14 = vector.load %arg1[%get3A_12, %get3A_13] : memref<1024x128xf32, #tpu.memory_space<vmem>>, vector<1024x128xf32>
    %get3A_15 = arith.constant 0 : index
    %get3A_16 = arith.constant 0 : index
    %get3A_17 = vector.load %arg2[%get3A_15, %get3A_16] : memref<128x128xf32, #tpu.memory_space<vmem>>, vector<128x128xf32>
    %dot_general3A = arith.constant dense<0.000000e+00> : vector<1024x128xf32>
    %dot_general3A_18 = tpu.matmul %get3A_14, %get3A_17, %dot_general3A {dimension_numbers = #tpu.dot_dimension_numbers<[1], [0], [0], [1], [0, 0, 1, 1], [], []>, transpose_lhs_hint = false} : vector<1024x128xf32>, vector<128x128xf32>, vector<1024x128xf32> -> vector<1024x128xf32>
    %mul3A = vector.broadcast %rsqrt3A : vector<1024x1xf32> to vector<1024x128xf32>
    %mul3A_19 = arith.mulf %dot_general3A_18, %mul3A : vector<1024x128xf32>
    %swap3A = arith.constant 0 : index
    %swap3A_20 = arith.constant 0 : index
    %swap3A_21 = vector.load %arg4[%swap3A, %swap3A_20] : memref<1024x128xf32, #tpu.memory_space<vmem>>, vector<1024x128xf32>
    tpu.vector_store %arg4[%swap3A, %swap3A_20], %mul3A_19 {strides = array<i32>} : memref<1024x128xf32, #tpu.memory_space<vmem>>, vector<1024x128xf32>,
    return
  }
  func.func @transform_0(%arg0: i32) -> (i32, i32) {
    %c0_i32 = arith.constant 0 : i32
    %c0_i32_0 = arith.constant 0 : i32
    return %arg0, %c0_i32 : i32, i32
  }
  func.func @transform_1(%arg0: i32) -> (i32, i32) {
    %c0_i32 = arith.constant 0 : i32
    %c0_i32_0 = arith.constant 0 : i32
    %c0_i32_1 = arith.constant 0 : i32
    return %c0_i32, %c0_i32_0 : i32, i32
  }
  func.func @transform_2(%arg0: i32) -> (i32, i32, i32) {
    %c0_i32 = arith.constant 0 : i32
    %c0_i32_0 = arith.constant 0 : i32
    %c0_i32_1 = arith.constant 0 : i32
    return %c0_i32, %arg0, %c0_i32_0 : i32, i32, i32
  }
  func.func @transform_3(%arg0: i32) -> (i32, i32) {
    %c0_i32 = arith.constant 0 : i32
    %c0_i32_0 = arith.constant 0 : i32
    return %arg0, %c0_i32 : i32, i32
  }
}

module attributes {stable_mosaic.version = 14 : i64} {
  func.func @_mid_body(%arg0: i32, %arg1: memref<2x1024x128xf32, #tpu.memory_space<vmem>>, %arg2: memref<2x1024x128xf32, #tpu.memory_space<vmem>>, %arg3: memref<1024x128xf32, #tpu.memory_space<vmem>>, %arg4: memref<1x128xf32, #tpu.memory_space<vmem>>, %arg5: memref<128x128xf32, #tpu.memory_space<vmem>>, %arg6: memref<1024x128xf32, #tpu.memory_space<vmem>>) attributes {dimension_semantics = [#tpu.dimension_semantics<arbitrary>], iteration_bounds = array<i64: 10>, scalar_prefetch = 0 : i64, scratch_operands = 0 : i64, tpu.core_type = #tpu.core_type<tc>, window_params = [{transform_indices = @transform_0, window_bounds = array<i64: 2, 1024, 128>}, {transform_indices = @transform_1, window_bounds = array<i64: 2, 1024, 128>}, {transform_indices = @transform_2, window_bounds = array<i64: 1024, 128>}, {pipeline_mode = #tpu.pipeline_mode<synchronous>, transform_indices = @transform_3, window_bounds = array<i64: 1, 128>}, {pipeline_mode = #tpu.pipeline_mode<synchronous>, transform_indices = @transform_4, window_bounds = array<i64: 128, 128>}, {transform_indices = @transform_5, window_bounds = array<i64: 1024, 128>}]} {
    %get3A = arith.constant 0 : index
    %get3A_0 = arith.constant 0 : index
    %get3A_1 = arith.constant 0 : index
    %get3A_2 = vector.load %arg1[%get3A, %get3A_0, %get3A_1] : memref<2x1024x128xf32, #tpu.memory_space<vmem>>, vector<1x1024x1xf32>
    %get3A_3 = vector.shape_cast %get3A_2 : vector<1x1024x1xf32> to vector<1024x1xf32>
    %get3A_4 = arith.constant 1 : index
    %get3A_5 = arith.constant 0 : index
    %get3A_6 = arith.constant 0 : index
    %get3A_7 = vector.load %arg1[%get3A_4, %get3A_5, %get3A_6] : memref<2x1024x128xf32, #tpu.memory_space<vmem>>, vector<1x1024x1xf32>
    %get3A_8 = vector.shape_cast %get3A_7 : vector<1x1024x1xf32> to vector<1024x1xf32>
    %add3A = arith.addf %get3A_3, %get3A_8 : vector<1024x1xf32>
    %add3A_9 = arith.constant 1.000000e+00 : f32
    %add3A_10 = vector.broadcast %add3A_9 : f32 to vector<1024x1xf32>
    %add3A_11 = arith.addf %add3A, %add3A_10 : vector<1024x1xf32>
    %rsqrt3A = math.rsqrt %add3A_11 : vector<1024x1xf32>
    %get3A_12 = arith.constant 0 : index
    %get3A_13 = arith.constant 0 : index
    %get3A_14 = arith.constant 0 : index
    %get3A_15 = vector.load %arg2[%get3A_12, %get3A_13, %get3A_14] : memref<2x1024x128xf32, #tpu.memory_space<vmem>>, vector<1x1024x128xf32>
    %get3A_16 = vector.shape_cast %get3A_15 : vector<1x1024x128xf32> to vector<1024x128xf32>
    %get3A_17 = arith.constant 1 : index
    %get3A_18 = arith.constant 0 : index
    %get3A_19 = arith.constant 0 : index
    %get3A_20 = vector.load %arg2[%get3A_17, %get3A_18, %get3A_19] : memref<2x1024x128xf32, #tpu.memory_space<vmem>>, vector<1x1024x128xf32>
    %get3A_21 = vector.shape_cast %get3A_20 : vector<1x1024x128xf32> to vector<1024x128xf32>
    %add3A_22 = arith.addf %get3A_16, %get3A_21 : vector<1024x128xf32>
    %get3A_23 = arith.constant 0 : index
    %get3A_24 = arith.constant 0 : index
    %get3A_25 = vector.load %arg3[%get3A_23, %get3A_24] : memref<1024x128xf32, #tpu.memory_space<vmem>>, vector<1024x128xf32>
    %add3A_26 = arith.addf %add3A_22, %get3A_25 : vector<1024x128xf32>
    %mul3A = vector.broadcast %rsqrt3A : vector<1024x1xf32> to vector<1024x128xf32>
    %mul3A_27 = arith.mulf %add3A_26, %mul3A : vector<1024x128xf32>
    %get3A_28 = arith.constant 0 : index
    %get3A_29 = arith.constant 0 : index
    %get3A_30 = vector.load %arg4[%get3A_28, %get3A_29] : memref<1x128xf32, #tpu.memory_space<vmem>>, vector<1x128xf32>
    %add3A_31 = vector.broadcast %get3A_30 : vector<1x128xf32> to vector<1024x128xf32>
    %add3A_32 = arith.addf %mul3A_27, %add3A_31 : vector<1024x128xf32>
    %max3A = arith.constant 0.000000e+00 : f32
    %max3A_33 = vector.broadcast %max3A : f32 to vector<1024x128xf32>
    %max3A_34 = arith.maximumf %add3A_32, %max3A_33 : vector<1024x128xf32>
    %get3A_35 = arith.constant 0 : index
    %get3A_36 = arith.constant 0 : index
    %get3A_37 = vector.load %arg5[%get3A_35, %get3A_36] : memref<128x128xf32, #tpu.memory_space<vmem>>, vector<128x128xf32>
    %dot_general3A = arith.constant dense<0.000000e+00> : vector<1024x128xf32>
    %dot_general3A_38 = tpu.matmul %max3A_34, %get3A_37, %dot_general3A {dimension_numbers = #tpu.dot_dimension_numbers<[1], [0], [0], [1], [0, 0, 1, 1], [], []>, transpose_lhs_hint = false} : vector<1024x128xf32>, vector<128x128xf32>, vector<1024x128xf32> -> vector<1024x128xf32>
    %mul3A_39 = vector.broadcast %rsqrt3A : vector<1024x1xf32> to vector<1024x128xf32>
    %mul3A_40 = arith.mulf %dot_general3A_38, %mul3A_39 : vector<1024x128xf32>
    %swap3A = arith.constant 0 : index
    %swap3A_41 = arith.constant 0 : index
    %swap3A_42 = vector.load %arg6[%swap3A, %swap3A_41] : memref<1024x128xf32, #tpu.memory_space<vmem>>, vector<1024x128xf32>
    tpu.vector_store %arg6[%swap3A, %swap3A_41], %mul3A_40 {strides = array<i32>} : memref<1024x128xf32, #tpu.memory_space<vmem>>, vector<1024x128xf32>,
    return
  }
  func.func @transform_0(%arg0: i32) -> (i32, i32, i32) {
    %c0_i32 = arith.constant 0 : i32
    %c0_i32_0 = arith.constant 0 : i32
    %c0_i32_1 = arith.constant 0 : i32
    return %c0_i32, %arg0, %c0_i32_0 : i32, i32, i32
  }
  func.func @transform_1(%arg0: i32) -> (i32, i32, i32) {
    %c0_i32 = arith.constant 0 : i32
    %c0_i32_0 = arith.constant 0 : i32
    %c0_i32_1 = arith.constant 0 : i32
    return %c0_i32, %arg0, %c0_i32_0 : i32, i32, i32
  }
  func.func @transform_2(%arg0: i32) -> (i32, i32) {
    %c0_i32 = arith.constant 0 : i32
    %c0_i32_0 = arith.constant 0 : i32
    return %arg0, %c0_i32 : i32, i32
  }
  func.func @transform_3(%arg0: i32) -> (i32, i32) {
    %c0_i32 = arith.constant 0 : i32
    %c0_i32_0 = arith.constant 0 : i32
    %c0_i32_1 = arith.constant 0 : i32
    return %c0_i32, %c0_i32_0 : i32, i32
  }
  func.func @transform_4(%arg0: i32) -> (i32, i32) {
    %c0_i32 = arith.constant 0 : i32
    %c0_i32_0 = arith.constant 0 : i32
    %c0_i32_1 = arith.constant 0 : i32
    return %c0_i32, %c0_i32_0 : i32, i32
  }
  func.func @transform_5(%arg0: i32) -> (i32, i32) {
    %c0_i32 = arith.constant 0 : i32
    %c0_i32_0 = arith.constant 0 : i32
    return %arg0, %c0_i32 : i32, i32
  }
}

module attributes {stable_mosaic.version = 14 : i64} {
  func.func @_final_body(%arg0: i32, %arg1: memref<2x1024x128xf32, #tpu.memory_space<vmem>>, %arg2: memref<2x1024x128xf32, #tpu.memory_space<vmem>>, %arg3: memref<1024x128xf32, #tpu.memory_space<vmem>>, %arg4: memref<1x128xf32, #tpu.memory_space<vmem>>, %arg5: memref<128x128xf32, #tpu.memory_space<vmem>>, %arg6: memref<1x128xf32, #tpu.memory_space<vmem>>, %arg7: memref<1024x128xf32, #tpu.memory_space<vmem>>) attributes {dimension_semantics = [#tpu.dimension_semantics<arbitrary>], iteration_bounds = array<i64: 10>, scalar_prefetch = 0 : i64, scratch_operands = 0 : i64, tpu.core_type = #tpu.core_type<tc>, window_params = [{transform_indices = @transform_0, window_bounds = array<i64: 2, 1024, 128>}, {transform_indices = @transform_1, window_bounds = array<i64: 2, 1024, 128>}, {transform_indices = @transform_2, window_bounds = array<i64: 1024, 128>}, {pipeline_mode = #tpu.pipeline_mode<synchronous>, transform_indices = @transform_3, window_bounds = array<i64: 1, 128>}, {pipeline_mode = #tpu.pipeline_mode<synchronous>, transform_indices = @transform_4, window_bounds = array<i64: 128, 128>}, {pipeline_mode = #tpu.pipeline_mode<synchronous>, transform_indices = @transform_5, window_bounds = array<i64: 1, 128>}, {transform_indices = @transform_6, window_bounds = array<i64: 1024, 128>}]} {
    %get3A = arith.constant 0 : index
    %get3A_0 = arith.constant 0 : index
    %get3A_1 = arith.constant 0 : index
    %get3A_2 = vector.load %arg1[%get3A, %get3A_0, %get3A_1] : memref<2x1024x128xf32, #tpu.memory_space<vmem>>, vector<1x1024x1xf32>
    %get3A_3 = vector.shape_cast %get3A_2 : vector<1x1024x1xf32> to vector<1024x1xf32>
    %get3A_4 = arith.constant 1 : index
    %get3A_5 = arith.constant 0 : index
    %get3A_6 = arith.constant 0 : index
    %get3A_7 = vector.load %arg1[%get3A_4, %get3A_5, %get3A_6] : memref<2x1024x128xf32, #tpu.memory_space<vmem>>, vector<1x1024x1xf32>
    %get3A_8 = vector.shape_cast %get3A_7 : vector<1x1024x1xf32> to vector<1024x1xf32>
    %add3A = arith.addf %get3A_3, %get3A_8 : vector<1024x1xf32>
    %add3A_9 = arith.constant 1.000000e+00 : f32
    %add3A_10 = vector.broadcast %add3A_9 : f32 to vector<1024x1xf32>
    %add3A_11 = arith.addf %add3A, %add3A_10 : vector<1024x1xf32>
    %rsqrt3A = math.rsqrt %add3A_11 : vector<1024x1xf32>
    %get3A_12 = arith.constant 0 : index
    %get3A_13 = arith.constant 0 : index
    %get3A_14 = arith.constant 0 : index
    %get3A_15 = vector.load %arg2[%get3A_12, %get3A_13, %get3A_14] : memref<2x1024x128xf32, #tpu.memory_space<vmem>>, vector<1x1024x128xf32>
    %get3A_16 = vector.shape_cast %get3A_15 : vector<1x1024x128xf32> to vector<1024x128xf32>
    %get3A_17 = arith.constant 1 : index
    %get3A_18 = arith.constant 0 : index
    %get3A_19 = arith.constant 0 : index
    %get3A_20 = vector.load %arg2[%get3A_17, %get3A_18, %get3A_19] : memref<2x1024x128xf32, #tpu.memory_space<vmem>>, vector<1x1024x128xf32>
    %get3A_21 = vector.shape_cast %get3A_20 : vector<1x1024x128xf32> to vector<1024x128xf32>
    %add3A_22 = arith.addf %get3A_16, %get3A_21 : vector<1024x128xf32>
    %get3A_23 = arith.constant 0 : index
    %get3A_24 = arith.constant 0 : index
    %get3A_25 = vector.load %arg3[%get3A_23, %get3A_24] : memref<1024x128xf32, #tpu.memory_space<vmem>>, vector<1024x128xf32>
    %add3A_26 = arith.addf %add3A_22, %get3A_25 : vector<1024x128xf32>
    %mul3A = vector.broadcast %rsqrt3A : vector<1024x1xf32> to vector<1024x128xf32>
    %mul3A_27 = arith.mulf %add3A_26, %mul3A : vector<1024x128xf32>
    %get3A_28 = arith.constant 0 : index
    %get3A_29 = arith.constant 0 : index
    %get3A_30 = vector.load %arg4[%get3A_28, %get3A_29] : memref<1x128xf32, #tpu.memory_space<vmem>>, vector<1x128xf32>
    %add3A_31 = vector.broadcast %get3A_30 : vector<1x128xf32> to vector<1024x128xf32>
    %add3A_32 = arith.addf %mul3A_27, %add3A_31 : vector<1024x128xf32>
    %max3A = arith.constant 0.000000e+00 : f32
    %max3A_33 = vector.broadcast %max3A : f32 to vector<1024x128xf32>
    %max3A_34 = arith.maximumf %add3A_32, %max3A_33 : vector<1024x128xf32>
    %get3A_35 = arith.constant 0 : index
    %get3A_36 = arith.constant 0 : index
    %get3A_37 = vector.load %arg5[%get3A_35, %get3A_36] : memref<128x128xf32, #tpu.memory_space<vmem>>, vector<128x128xf32>
    %dot_general3A = arith.constant dense<0.000000e+00> : vector<1024x128xf32>
    %dot_general3A_38 = tpu.matmul %max3A_34, %get3A_37, %dot_general3A {dimension_numbers = #tpu.dot_dimension_numbers<[1], [0], [0], [1], [0, 0, 1, 1], [], []>, transpose_lhs_hint = false} : vector<1024x128xf32>, vector<128x128xf32>, vector<1024x128xf32> -> vector<1024x128xf32>
    %get3A_39 = arith.constant 0 : index
    %get3A_40 = arith.constant 0 : index
    %get3A_41 = vector.load %arg6[%get3A_39, %get3A_40] : memref<1x128xf32, #tpu.memory_space<vmem>>, vector<1x128xf32>
    %add3A_42 = vector.broadcast %get3A_41 : vector<1x128xf32> to vector<1024x128xf32>
    %add3A_43 = arith.addf %dot_general3A_38, %add3A_42 : vector<1024x128xf32>
    %swap3A = arith.constant 0 : index
    %swap3A_44 = arith.constant 0 : index
    %swap3A_45 = vector.load %arg7[%swap3A, %swap3A_44] : memref<1024x128xf32, #tpu.memory_space<vmem>>, vector<1024x128xf32>
    tpu.vector_store %arg7[%swap3A, %swap3A_44], %add3A_43 {strides = array<i32>} : memref<1024x128xf32, #tpu.memory_space<vmem>>, vector<1024x128xf32>,
    return
  }
  func.func @transform_0(%arg0: i32) -> (i32, i32, i32) {
    %c0_i32 = arith.constant 0 : i32
    %c0_i32_0 = arith.constant 0 : i32
    %c0_i32_1 = arith.constant 0 : i32
    return %c0_i32, %arg0, %c0_i32_0 : i32, i32, i32
  }
  func.func @transform_1(%arg0: i32) -> (i32, i32, i32) {
    %c0_i32 = arith.constant 0 : i32
    %c0_i32_0 = arith.constant 0 : i32
    %c0_i32_1 = arith.constant 0 : i32
    return %c0_i32, %arg0, %c0_i32_0 : i32, i32, i32
  }
  func.func @transform_2(%arg0: i32) -> (i32, i32) {
    %c0_i32 = arith.constant 0 : i32
    %c0_i32_0 = arith.constant 0 : i32
    return %arg0, %c0_i32 : i32, i32
  }
  func.func @transform_3(%arg0: i32) -> (i32, i32) {
    %c0_i32 = arith.constant 0 : i32
    %c0_i32_0 = arith.constant 0 : i32
    %c0_i32_1 = arith.constant 0 : i32
    return %c0_i32, %c0_i32_0 : i32, i32
  }
  func.func @transform_4(%arg0: i32) -> (i32, i32) {
    %c0_i32 = arith.constant 0 : i32
    %c0_i32_0 = arith.constant 0 : i32
    %c0_i32_1 = arith.constant 0 : i32
    return %c0_i32, %c0_i32_0 : i32, i32
  }
  func.func @transform_5(%arg0: i32) -> (i32, i32) {
    %c0_i32 = arith.constant 0 : i32
    %c0_i32_0 = arith.constant 0 : i32
    %c0_i32_1 = arith.constant 0 : i32
    return %c0_i32, %c0_i32_0 : i32, i32
  }
  func.func @transform_6(%arg0: i32) -> (i32, i32) {
    %c0_i32 = arith.constant 0 : i32
    %c0_i32_0 = arith.constant 0 : i32
    return %arg0, %c0_i32 : i32, i32
  }
}

</mosaic_0001>

<sc_bundles>
// kernel: kernel.11.cloned.1.call-start
scs
__scs_entry_jumppad:
0x0: {  	(pc) =	sbr.rel $0x88, $3  }
0x1: {  	(tag) =	ssettag $0x0;
	lr =	simm.s32 $0x1  }
0x2: {  	[smem:$0x3F99] =	sst lr;
	_ =	strace $0xD0000000  }
0x3: {  	_ = 	snop  }
0x4: {  	_ = 	snop  }
0x5: {  	_ = 	snop  }
0x6: {  	_ = 	snop  }
0x7: {  	_ = 	snop  }
__scs_overlays_trampoline_lowered:
0x8: {  	[smem:$0x3FA8] =	sst s0  }
0x9: {  	[smem:$0x3FA9] =	sst s1  }
0xa: {  	[smem:$0x3FAA] =	sst s2  }
0xb: {  	[smem:$0x3FAB] =	sst s3  }
0xc: {  	[smem:$0x3FAC] =	sst s4  }
0xd: {  	[smem:$0x3FAD] =	sst s5  }
0xe: {  	[smem:$0x3FAE] =	sst s6  }
0xf: {  	[smem:$0x3FAF] =	sst s7  }
0x10: {  	[smem:$0x3FB0] =	sst s8  }
0x11: {  	[smem:$0x3FB1] =	sst s9;
	s0 =	simm.s32 @!p0 $0x0  }
0x12: {  	s1 =	sld [smem:$0x3F97];
	s0 =	simm.s32 @p0 $0x1  }
0x13: {  	[smem:$0x3FB2] =	sst s0;
	s0 =	simm.s32 @!p1 $0x0  }
0x14: {  	s2 =	sld [smem:$0x3F96];
	s0 =	simm.s32 @p1 $0x1  }
0x15: {  	[smem:$0x3FB3] =	sst s0;
	s0 =	simm.s32 @!p2 $0x0  }
0x16: {  	s3 =	sld [smem:$0x3FDB];
	s0 =	simm.s32 @p2 $0x1  }
0x17: {  	s4 =	simm.s32 $0x1BF5;
	[smem:$0x3FB5] =	sst s0  }
0x18: {  	s0 =	sld [smem:$0x3F98];
	_ =	swait.ge [sflag:s4], $0x0  }
0x19: {  	s7 =	sld [smem:$0x3F99]  }
0x1a: {  	s8 =	sadd.s32 $0xFFFFE003, lr  }
0x1b: {  	s9 =	sadd.s32 $0xFFFFFEF7, lr;
	s5 =	simm.s32 $0xFFFFFFFF;
	p2 =	slt.u32 s8, $0xFFFFF086  }
0x1c: {  	p1 =	slt.u32 s9, $0xF7A;
	s5 =	simm.s32 @!p2 $0x0  }
0x1d: {  	s5 =	simm.s32 @p1 $0x1;
	p0 =	seq.s32 s7, s2  }
0x1e: {  	s7 =	smul.u32 @!p0 $0xF7A, s2;
	p2 =	seq.s32 @!p0 s5, $0x0  }
0x1f: {  	s9 =	smul.u32 $0xF7A, s1;
	s8 =	simm.s32 @!p0 $0x1BF5;
	p2 =	por !p2, p0  }
0x20: {  	[sflag:s8] =	ssyncset.s32 @!p0 $0xFFFFF086;
	s6 =	sadd.s32 @!p0 s3, s7;
	s7 =	simm.s32 @!p0 $0x108  }
0x21: {  	s3 =	sadd.s32 s3, s9;
	s6 =	sadd.s32 @!p0 $0x88, s6;
	s7 =	simm.s32 @p2 $0x1082  }
0x22: {  	[simem:s7], [sflag:s8] =	dma.local @!p0 [hbm:s6], $0xF7A  }
0x23: {  	s9 =	sor.u32 $0xD0000000, s2;
	s6 =	simm.s32 $0x108;
	_ =	swait.ge @!p0 [sflag:s8], $0x0  }
0x24: {  	s3 =	sadd.s32 $0x88, s3;
	s6 =	simm.s32 @!p1 $0x1082;
	[sflag:s4] =	ssyncset.s32 $0xFFFFF086  }
0x25: {  	[simem:s6], [sflag:s4] =	dma.local [hbm:s3], $0xF7A  }
0x26: {  	[smem:$0x3F99] =	sst s1;
	(tag) =	ssettag s2;
	_ =	strace s9  }
0x27: {  	s1 =	sld [smem:$0x3FA9]  }
0x28: {  	s2 =	sld [smem:$0x3FAA]  }
0x29: {  	s4 =	sld [smem:$0x3FAC]  }
0x2a: {  	p0 =	seq.s32 s5, $0x0;
	s5 =	sld [smem:$0x3FAD]  }
0x2b: {  	s6 =	sld [smem:$0x3FAE]  }
0x2c: {  	s7 =	sld [smem:$0x3FAF]  }
0x2d: {  	s3 =	simm.s32 $0x108;
	s8 =	sld [smem:$0x3FB0]  }
0x2e: {  	s3 =	simm.s32 @!p0 $0x1082;
	s9 =	sld [smem:$0x3FB1]  }
0x2f: {  	lr =	sadd.s32 s0, s3;
	s0 =	sld [smem:$0x3FA8]  }
0x30: {  	s3 =	sld [smem:$0x3FAB]  }
0x31: {  	[smem:$0x3FB4] =	sst s10  }
0x32: {  	s10 =	sld [smem:$0x3FB2];
	_ =	sdelay $0x3  }
0x33: {  	p0 =	seq.s32 s10, $0x1;
	s10 =	sld [smem:$0x3FB4];
	_ =	sdelay $0x3  }
0x34: {  	[smem:$0x3FB4] =	sst s10  }
0x35: {  	s10 =	sld [smem:$0x3FB3];
	_ =	sdelay $0x3  }
0x36: {  	p1 =	seq.s32 s10, $0x1;
	s10 =	sld [smem:$0x3FB4];
	_ =	sdelay $0x3  }
0x37: {  	[smem:$0x3FB4] =	sst s10  }
0x38: {  	s10 =	sld [smem:$0x3FB5]  }
0x39: {  	_ = 	snop;
	(pc) =	sbr.ind lr, $3  }
0x3a: {  	_ = 	snop  }
0x3b: {  	_ = 	snop  }
0x3c: {  	p2 =	seq.s32 s10, $0x1;
	s10 =	sld [smem:$0x3FB4]  }
0x3d: {  	_ =	shalt  }
0x3e: {  	_ =	shalt  }
0x3f: {  	_ =	shalt  }
0x40: {  	_ =	shalt  }
0x41: {  	_ =	shalt  }
0x42: {  	_ =	shalt  }
0x43: {  	_ =	shalt  }
0x44: {  	_ =	shalt  }
0x45: {  	_ =	shalt  }
0x46: {  	_ =	shalt  }
0x47: {  	_ =	shalt  }
0x48: {  	_ =	shalt  }
0x49: {  	_ =	shalt  }
0x4a: {  	_ =	shalt  }
0x4b: {  	_ =	shalt  }
0x4c: {  	_ =	shalt  }
0x4d: {  	_ =	shalt  }
0x4e: {  	_ =	shalt  }
0x4f: {  	_ =	shalt  }
0x50: {  	_ =	shalt  }
0x51: {  	_ =	shalt  }
0x52: {  	_ =	shalt  }
0x53: {  	_ =	shalt  }
0x54: {  	_ =	shalt  }
0x55: {  	_ =	shalt  }
0x56: {  	_ =	shalt  }
0x57: {  	_ =	shalt  }
0x58: {  	_ =	shalt  }
0x59: {  	_ =	shalt  }
0x5a: {  	_ =	shalt  }
0x5b: {  	_ =	shalt  }
0x5c: {  	_ =	shalt  }
0x5d: {  	_ =	shalt  }
0x5e: {  	_ =	shalt  }
0x5f: {  	_ =	shalt  }
0x60: {  	_ =	shalt  }
0x61: {  	_ =	shalt  }
0x62: {  	_ =	shalt  }
0x63: {  	_ =	shalt  }
0x64: {  	_ =	shalt  }
0x65: {  	_ =	shalt  }
0x66: {  	_ =	shalt  }
0x67: {  	_ =	shalt  }
0x68: {  	_ =	shalt  }
0x69: {  	_ =	shalt  }
0x6a: {  	_ =	shalt  }
0x6b: {  	_ =	shalt  }
0x6c: {  	_ =	shalt  }
0x6d: {  	_ =	shalt  }
0x6e: {  	_ =	shalt  }
0x6f: {  	_ =	shalt  }
0x70: {  	_ =	shalt  }
0x71: {  	_ =	shalt  }
0x72: {  	_ =	shalt  }
0x73: {  	_ =	shalt  }
0x74: {  	_ =	shalt  }
0x75: {  	_ =	shalt  }
0x76: {  	_ =	shalt  }
0x77: {  	_ =	shalt  }
0x78: {  	_ =	shalt  }
0x79: {  	_ =	shalt  }
0x7a: {  	_ =	shalt  }
0x7b: {  	_ =	shalt  }
0x7c: {  	_ =	shalt  }
0x7d: {  	_ =	shalt  }
0x7e: {  	_ =	shalt  }
0x7f: {  	_ =	shalt  }
0x80: {  	_ =	shalt  }
0x81: {  	_ =	shalt  }
0x82: {  	_ =	shalt  }
0x83: {  	_ =	shalt  }
0x84: {  	_ =	shalt  }
0x85: {  	_ =	shalt  }
0x86: {  	_ =	shalt  }
0x87: {  	_ =	shalt  }
.Lfunc_end0:
.L_simem_size_0:
called_computation.1_lowered:
.L_overlay_start_0:
0x88: {  	s2 =	sld [smem:$0x3FD9]  }
0x89: {  	s3 =	sld [smem:$0x3FFE];
	_ =	sdelay $0x1  }
0x8a: {  	s1 =	srdreg.scid  }
0x8b: {  	s0 =	sand.u32 $0x1, s1  }
0x8c: {  	s17 =	sshll.u32 s0, $0xA;
	s2 =	sadd.s32 s3, s2  }
0x8d: {  	s2 =	sadd.s32 s2, s17  }
0x8e: {  	[smem:$0x3FC0] =	sst s2  }
0x8f: {  	_ = 	snop  }
0x90: {  	s2 =	sld [smem:$0x3FD0];
	(tm) =	ssettm $0x1  }
0x91: {  	s18 =	sld [smem:$0x3FFB];
	_ =	sdelay $0x3  }
0x92: {  	_ =	strace s18  }
0x93: {  	s3 =	sld [smem:$0x3FFC];
	_ =	sdelay $0x3  }
0x94: {  	_ =	strace s3  }
0x95: {  	s3 =	sld [smem:$0x3FFD];
	_ =	sdelay $0x3  }
0x96: {  	_ =	strace s3  }
0x97: {  	_ =	strace $0x8FFFFFFF  }
0x98: {  	s19 =	sld [smem:$0x3FDB];
	_ =	sdelay $0x1  }
0x99: {  	s4 =	simm.s32 $_scs_section_size  }
0x9a: {  	s5 =	simm.s32 $_size__tile_overlayer_lowered;
	s6 =	simm.s32 $_tile_overlayer_lowered  }
0x9b: {  	s22 =	simm.s32 $0x1BFF;
	s21 =	sshll.u32 s6, $0x1;
	s3 =	sadd.s32 s4, s19  }
0x9c: {  	s7 =	simm.s32 $0x0;
	s20 =	sshll.u32 s5, $0x1;
	s5 =	sadd.s32 s21, s3  }
0x9d: {  	[timem:s7], [sflag:s22] =	dma.local [hbm:s5], s20  }
0x9e: {  	_ =	swait.ge [sflag:s22], s20  }
0x9f: {  	s4 =	ssub.s32 $0x0, s20;
	[sflag:s22] =	ssyncset.done $0x0  }
0xa0: {  	[sflag:s22] =	ssyncadd.s32 s4;
	_ =	sdelay $0x1  }
0xa1: {  	s23 =	simm.s32 $0x1B8B  }
0xa2: {  	_ =	swait.ge [sflag:s23], $0x1  }
0xa3: {  	[sflag:s23] =	ssyncset.done $0x0  }
0xa4: {  	s25 =	simm.s32 $0x1B8E;
	s24 =	sld [smem:$0x3FFE];
	[sflag:s23] =	ssyncadd.s32 $0xFFFFFFFF  }
0xa5: {  	s26 =	simm.s32 $execute0_lowered;
	[smem:$0x3FD2] =	sst s25  }
0xa6: {  	s5 =	sshll.u32 s26, $0x1;
	_ =	strace $0x80000049;
	[dreg:$0x1] =	wrdreg $0xFFFFFFFF  }
0xa7: {  	s28 =	simm.s32 $_size_execute0_lowered;
	s3 =	sadd.s32 s3, s5;
	[dreg:$0x0] =	wrdreg $0x0  }
0xa8: {  	s5 =	sshll.u32 s28, $0x1;
	[dreg:$0x2] =	wrdreg s3  }
0xa9: {  	[dreg:$0x3] =	wrdreg s5  }
0xaa: {  	[dreg:$0x4] =	wrdreg $0xC0  }
0xab: {  	_ =	task [dreg:s7], $0x5FFFF  }
0xac: {  	[dreg:$0x1] =	wrdreg $0xFFFFFFFF  }
0xad: {  	[dreg:$0x0] =	wrdreg $0x60  }
0xae: {  	[dreg:$0x2] =	wrdreg s24  }
0xaf: {  	[dreg:$0x3] =	wrdreg s2  }
0xb0: {  	[dreg:$0x4] =	wrdreg $0x84000  }
0xb1: {  	[dreg:$0x5] =	wrdreg $0x9  }
0xb2: {  	_ =	task.clear_ibuf [dreg:s7], $0x6FFFF;
	_ =	strace $0x90000049  }
0xb3: {  	s29 =	simm.s32 $0x9;
	_ =	strace $0x8000004B  }
0xb4: {  	_ =	swait.ge [sflag:s29], $0x1  }
0xb5: {  	[sflag:s29] =	ssyncadd.s32 $0xFFFFFFFF  }
0xb6: {  	_ =	strace $0x9000004B  }
0xb7: {  	_ =	sfence  }
0xb8: {  	s30 =	sld [smem:$0x0];
	_ =	sdelay $0x2  }
0xb9: {  	s31 =	sshll.u32 s1, $0xD;
	s1 =	sshrl.u32 s1, $0x2  }
0xba: {  	s3 =	sand.u32 $0x4000, s31;
	s1 =	sadd.s32 s1, s30  }
0xbb: {  	s0 =	sor.u32 s3, s0;
	s1 =	sshll.u32 s1, $0x11  }
0xbc: {  	s0 =	sor.u32 s1, s0  }
0xbd: {  	s0 =	sadd.s32 $0x8F2B, s0  }
0xbe: {  	[sflag:s0] =	ssyncadd.remote.s32 $0x1  }
0xbf: {  	_ =	sfence.sel $0xFFFF  }
0xc0: {  	[dreg:$0x0] =	wrdreg $0xFFFFFFFF;
	(pc) =	sbr.abs _section_cstart, $3  }
0xc1: {  	[dreg:$0x1] =	wrdreg $0xFFFFFFFF  }
0xc2: {  	_ =	task.clear_ibuf [dreg:s7], $0x2FFFF;
	_ =	strace $0x9FFFFFFF  }
0xc3: {  	(tm) =	ssettm $0x7FFFFFFF  }
tec
execute0_lowered:
.L_overlay_start_1:
0x0: {  	(tag) =	ssettag $0x1  }
0x1: {  	s0 =	rddreg [dreg:$0x0]  }
0x2: {  	s1 =	rddreg [dreg:$0x1]  }
0x3: {  	s2 =	rddreg [dreg:$0x2]  }
0x4: {  	s4 =	simm.s32 $0x0;
	s3 =	srdreg.scid;
	s7 =	stileid.u32  }
0x5: {  	s18 =	simm.s32 $0x5;
	s20 =	simm.s32 $0x80;
	s30 =	simm.s32 $0x280  }
0x6: {  	s31 =	simm.s32 $0x380;
	[smem:$0x7FF] =	sst s4;
	s9 =	smul.u32 $0x14000, s7  }
0x7: {  	s3 =	sand.u32 $0x1, s3;
	s5 =	sadd.s32 $0xFA00, s0;
	s23 =	smul.u32 $0x50000, s7  }
0x8: {  	s6 =	sadd.s32 $0x2A00, s0;
	s10 =	sadd.s32 $0xD200, s0;
	s12 =	smul.u32 $0x28, s7  }
0x9: {  	s25 =	sshll.u32 s7, $0x6;
	_ =	strace $0x8000004A;
	[dreg:$0x8] =	wrdreg s10  }
0xa: {  	s8 =	smul.u32 $0x140000, s3;
	s22 =	ssub.s32 $0x2, s3;
	[dreg:$0x5] =	wrdreg s30  }
0xb: {  	p0 =	seq.s32 s3, $0x0;
	[dreg:$0x6] =	wrdreg s31;
	s11 =	sshrl.u32 s22, $0x1  }
0xc: {  	s24 =	sshrl.u32 s23, $0x2;
	s3 =	sadd.s32 $0x780, s12;
	s8 =	sadd.s32 s9, s8  }
0xd: {  	s16 =	ssub.s32 s22, s11;
	s17 =	sadd.s32 s24, s2;
	s9 =	simm.s32 $0x3C  }
0xe: {  	s22 =	simm.s32 $0x4400;
	s8 =	sshrl.u32 s8, $0x3;
	s9 =	simm.s32 @!p0 $0x14  }
0xf: {  	s16 =	smax.u32 s16, $0x1;
	s0 =	sadd.s32 s8, s0;
	s8 =	smul.u32 $0x78, s7  }
0x10: {  	s17 =	sshrl.u32 s17, $0x3;
	s14 =	sadd.s32 $0xFFFFFFFF, s9;
	s29 =	sshll.u32 s9, $0x8  }
0x11: {  	[dreg:$0x4] =	wrdreg s14;
	s15 =	sadd.s32 $0x37A00, s0;
	s3 =	smov.u32 @p0 s8  }
0x12: {  	[dreg:$0x7] =	wrdreg s29;
	s8 =	sor.u32 $0x1C05, s25;
	s26 =	sshll.u32 s3, $0x4  }
0x13: {  	s25 =	simm.s32 $0x2;
	s14 =	sshll.u32 s3, $0x7;
	s28 =	sadd.s32 s1, s26  }
0x14: {  	s13 =	sor.u32 $0x20, s26;
	s11 =	sadd.s32 s6, s26;
	s26 =	simm.s32 $0x0  }
0x15: {  	[dreg:$0x9] =	wrdreg s28;
	s12 =	sadd.s32 s1, s13;
	s13 =	sadd.s32 s6, s13  }
.LBB2_1:
0x16: {  	s0 =	rddreg [dreg:$0x8]  }
0x17: {  	[spmem:s17], [sflag:s8] =	dma.local [hbm:s0], $0x2800  }
0x18: {  	_ =	swait.ge [sflag:s18], $0x2800  }
0x19: {  	[sflag:s18] =	ssyncset.done $0x0  }
0x1a: {  	s24 =	rddreg [dreg:$0x9];
	[sflag:s18] =	ssyncadd.s32 $0xFFFFD800  }
0x1b: {  	[tilespmem:s4], [sflag:$0x5] =	stream.linear.gather [hbm4b:s24+s4], $0x100, $0x38;
	[tilespmem:$0x1C400] =	vst v63  }
0x1c: {  	_ =	swait.ge [sflag:s18], $0x100  }
0x1d: {  	[sflag:s18] =	ssyncset.done $0x0  }
0x1e: {  	s3 =	simm.s32 $0x200;
	[sflag:s18] =	ssyncadd.s32 $0xFFFFFF00  }
0x1f: {  	[tilespmem:s3], [sflag:$0x5] =	stream.linear.gather [hbm4b:s11+s4], $0x100, $0x38;
	[tilespmem:$0x1C400] =	vst v63  }
0x20: {  	_ =	swait.ge [sflag:s18], $0x100  }
0x21: {  	[sflag:s18] =	ssyncset.done $0x0  }
0x22: {  	s7 =	simm.s32 $0x400;
	[sflag:s18] =	ssyncadd.s32 $0xFFFFFF00  }
0x23: {  	[tilespmem:s7], [sflag:$0x1] =	stream.indirect.gather [hbm4b:s5+s20], $0x80, s4, s20, $0xb8;
	[tilespmem:$0x1C400] =	vst v63  }
0x24: {  	_ = 	snop  }
0x25: {  	[tilespmem:s22], [sflag:$0x2] =	stream.indirect.gather [hbm4b:s5+s20], $0x80, s20, s20, $0xb8;
	[tilespmem:$0x1C400] =	vst v63  }
0x26: {  	s10 =	simm.s32 $0x100  }
0x27: {  	[tilespmem:s10], [sflag:$0x4] =	stream.linear.gather [hbm4b:s12+s4], $0x100, $0x38;
	[tilespmem:$0x1C400] =	vst v63  }
0x28: {  	s19 =	simm.s32 $0x300  }
0x29: {  	[tilespmem:s19], [sflag:$0x4] =	stream.linear.gather [hbm4b:s13+s4], $0x100, $0x38;
	[tilespmem:$0x1C400] =	vst v63  }
0x2a: {  	[bflag:$0x0] =	sbarrier.arrive $0xFFFF  }
0x2b: {  	s21 =	rddreg [dreg:$0x4]  }
0x2c: {  	p1 =	sle.u32 s21, $0x0  }
0x2d: {  	s0 =	simm.s32 @p1 $0x1  }
0x2e: {  	_ =	swait.ge @p1 [sflag:s0], $0x4000  }
0x2f: {  	s3 =	simm.s32 @p1 $0x400;
	s28 =	simm.s32 @p1 $0x5;
	[sflag:s0] =	ssyncset.done @p1 $0x0  }
0x30: {  	s29 =	simm.s32 @p1 $0x200;
	[sflag:s0] =	ssyncadd.s32 @p1 $0xFFFFC000;
	s0 =	simm.s32 @p1 $0x80  }
0x31: {  	[spmem:s2] =	stream.indirect.scatter.add.f32 @p1 [tilespmem:s3], [sflag:$0x5], $0x80, s29, s0, $0xb8;
	[tilespmem:$0x1C400] =	vst v63  }
0x32: {  	_ =	swait.ge @p1 [sflag:s28], $0x4000  }
0x33: {  	[sflag:s28] =	ssyncset.done @p1 $0x0  }
0x34: {  	s0 =	simm.s32 @!p1 $0x4;
	[sflag:s28] =	ssyncadd.s32 @p1 $0xFFFFC000  }
0x35: {  	_ =	swait.ge @!p1 [sflag:s0], $0x100  }
0x36: {  	[sflag:s0] =	ssyncset.done @!p1 $0x0  }
0x37: {  	[sflag:s0] =	ssyncadd.s32 @!p1 $0xFFFFFF00  }
0x38: {  	_ =	swait.ge @!p1 [sflag:s0], $0x100  }
0x39: {  	[sflag:s0] =	ssyncset.done @!p1 $0x0  }
0x3a: {  	[sflag:s0] =	ssyncadd.s32 @!p1 $0xFFFFFF00;
	s0 =	simm.s32 @!p1 $0x1  }
0x3b: {  	_ =	swait.ge @!p1 [sflag:s0], $0x4000  }
0x3c: {  	s3 =	simm.s32 @!p1 $0x400;
	s29 =	simm.s32 @!p1 $0x200;
	[sflag:s0] =	ssyncset.done @!p1 $0x0  }
0x3d: {  	s28 =	simm.s32 @!p1 $0x5;
	[sflag:s0] =	ssyncadd.s32 @!p1 $0xFFFFC000;
	s0 =	simm.s32 @!p1 $0x80  }
0x3e: {  	[spmem:s2] =	stream.indirect.scatter.add.f32 @!p1 [tilespmem:s3], [sflag:$0x5], $0x80, s29, s0, $0xb8;
	[tilespmem:$0x1C400] =	vst v63  }
0x3f: {  	_ =	swait.ge @!p1 [sflag:s28], $0x4000  }
0x40: {  	[sflag:s28] =	ssyncset.done @!p1 $0x0  }
0x41: {  	[sflag:s28] =	ssyncadd.s32 @!p1 $0xFFFFC000;
	s28 =	simm.s32 @!p1 $0x100  }
0x42: {  	[tilespmem:s3], [sflag:$0x1] =	stream.indirect.gather @!p1 [hbm4b:s5+s0], $0x80, s28, s0, $0xb8;
	[tilespmem:$0x1C400] =	vst v63  }
0x43: {  	_ =	swait.ge [sflag:s25], $0x4000  }
0x44: {  	[sflag:s25] =	ssyncset.done $0x0  }
0x45: {  	p0 =	sle.u32 s9, $0x2;
	s23 =	rddreg [dreg:$0x5];
	[sflag:s25] =	ssyncadd.s32 $0xFFFFC000  }
0x46: {  	[spmem:s2] =	stream.indirect.scatter.add.f32 [tilespmem:s22], [sflag:$0x5], $0x80, s23, s20, $0xb8;
	[tilespmem:$0x1C400] =	vst v63  }
0x47: {  	s30 =	sxor.u32 @!p0 $0xFFFFFFFF, s4;
	s31 =	simm.s32 @p0 $0x80;
	_ =	swait.ge [sflag:s18], $0x4000  }
0x48: {  	s30 =	sand.u32 @!p0 $0x200, s30;
	s29 =	simm.s32 @p0 $0x1;
	[sflag:s18] =	ssyncset.done $0x0  }
0x49: {  	s3 =	simm.s32 @!p1 $0x4400;
	s28 =	simm.s32 @!p1 $0x180;
	[sflag:s18] =	ssyncadd.s32 $0xFFFFC000  }
0x4a: {  	[tilespmem:s3], [sflag:$0x2] =	stream.indirect.gather @!p1 [hbm4b:s5+s0], $0x80, s28, s0, $0xb8;
	[tilespmem:$0x1C400] =	vst v63  }
0x4b: {  	s0 =	simm.s32 @p0 $0x400;
	s3 =	sadd.s32 @!p0 $0x0, s14;
	_ =	swait.ge @p0 [sflag:s29], $0x4000  }
0x4c: {  	s28 =	simm.s32 @p0 $0x300;
	s3 =	sadd.s32 @!p0 $0x200, s3;
	[sflag:s29] =	ssyncset.done @p0 $0x0  }
0x4d: {  	s3 =	sand.u32 @!p0 $0x7FFFFC00, s3;
	[sflag:s29] =	ssyncadd.s32 @p0 $0xFFFFC000;
	s29 =	simm.s32 @p0 $0x5  }
0x4e: {  	[spmem:s2] =	stream.indirect.scatter.add.f32 @p0 [tilespmem:s0], [sflag:$0x5], $0x80, s28, s31, $0xb8;
	[tilespmem:$0x1C400] =	vst v63  }
0x4f: {  	s0 =	sor.u32 @!p0 s30, s3;
	_ =	swait.ge @p0 [sflag:s29], $0x4000  }
0x50: {  	s0 =	sshrl.u32 @!p0 s0, $0x3;
	[sflag:s29] =	ssyncset.done @p0 $0x0  }
0x51: {  	s28 =	simm.s32 @!p0 $0x0;
	s3 =	sadd.s32 @!p0 s1, s0;
	[sflag:s29] =	ssyncadd.s32 @p0 $0xFFFFC000  }
0x52: {  	[tilespmem:s28], [sflag:$0x3] =	stream.linear.gather @!p0 [hbm4b:s3+s28], $0x100, $0x38;
	[tilespmem:$0x1C400] =	vst v63  }
0x53: {  	s0 =	sadd.s32 @!p0 s6, s0;
	s29 =	simm.s32 @!p0 $0x3;
	s3 =	simm.s32 @!p0 $0x200  }
0x54: {  	[tilespmem:s3], [sflag:$0x3] =	stream.linear.gather @!p0 [hbm4b:s0+s28], $0x100, $0x38;
	[tilespmem:$0x1C400] =	vst v63  }
0x55: {  	_ =	swait.ge @!p0 [sflag:s29], $0x100  }
0x56: {  	[sflag:s29] =	ssyncset.done @!p0 $0x0  }
0x57: {  	[sflag:s29] =	ssyncadd.s32 @!p0 $0xFFFFFF00  }
0x58: {  	_ =	swait.ge @!p0 [sflag:s29], $0x100  }
0x59: {  	[sflag:s29] =	ssyncset.done @!p0 $0x0  }
0x5a: {  	s0 =	simm.s32 @!p0 $0x1;
	[sflag:s29] =	ssyncadd.s32 @!p0 $0xFFFFFF00  }
0x5b: {  	_ =	swait.ge @!p0 [sflag:s0], $0x4000  }
0x5c: {  	s30 =	simm.s32 @!p0 $0x300;
	s3 =	simm.s32 @!p0 $0x400;
	[sflag:s0] =	ssyncset.done @!p0 $0x0  }
0x5d: {  	s29 =	simm.s32 @!p0 $0x80;
	[sflag:s0] =	ssyncadd.s32 @!p0 $0xFFFFC000;
	s0 =	simm.s32 @!p0 $0x5  }
0x5e: {  	[spmem:s2] =	stream.indirect.scatter.add.f32 @!p0 [tilespmem:s3], [sflag:$0x5], $0x80, s30, s29, $0xb8;
	[tilespmem:$0x1C400] =	vst v63  }
0x5f: {  	_ =	swait.ge @!p0 [sflag:s0], $0x4000  }
0x60: {  	[sflag:s0] =	ssyncset.done @!p0 $0x0  }
0x61: {  	[sflag:s0] =	ssyncadd.s32 @!p0 $0xFFFFC000  }
0x62: {  	[tilespmem:s3], [sflag:$0x1] =	stream.indirect.gather @!p0 [hbm4b:s5+s29], $0x80, s28, s29, $0xb8;
	[tilespmem:$0x1C400] =	vst v63  }
0x63: {  	_ =	swait.ge [sflag:s25], $0x4000  }
0x64: {  	[sflag:s25] =	ssyncset.done $0x0  }
0x65: {  	s24 =	rddreg [dreg:$0x6];
	[sflag:s25] =	ssyncadd.s32 $0xFFFFC000  }
0x66: {  	[spmem:s2] =	stream.indirect.scatter.add.f32 [tilespmem:s22], [sflag:$0x5], $0x80, s24, s20, $0xb8;
	[tilespmem:$0x1C400] =	vst v63  }
0x67: {  	_ =	swait.ge [sflag:s18], $0x4000  }
0x68: {  	[sflag:s18] =	ssyncset.done $0x0  }
0x69: {  	s0 =	simm.s32 @!p0 $0x4400;
	s31 =	rddreg [dreg:$0x7];
	[sflag:s18] =	ssyncadd.s32 $0xFFFFC000  }
0x6a: {  	[tilespmem:s0], [sflag:$0x2] =	stream.indirect.gather @!p0 [hbm4b:s5+s29], $0x80, s29, s29, $0xb8;
	[tilespmem:$0x1C400] =	vst v63  }
0x6b: {  	p0 =	sne.s32 s31, $0x200  }
.Ltmp0:
0x6c: {  	p1 =	sle.u32 s9, $0x3;
	(pc) =	sbr.rel @!p0 .LBB2_3-.Ltmp0, $4  }
0x6d: {  	s30 =	sadd.s32 @!p1 $0x300, s14;
	s3 =	simm.s32 @!p1 $0x300  }
0x6e: {  	s30 =	sand.u32 @!p1 $0x7FFFFC00, s30;
	s28 =	simm.s32 $0x200;
	s3 =	sand.u32 @!p1 $0x300, s3  }
0x6f: {  	s3 =	sor.u32 @!p1 s3, s30;
	s30 =	simm.s32 @!p1 $0x100;
	s29 =	simm.s32 $0x2  }
0x70: {  	s0 =	simm.s32 @!p1 $0x300;
	s31 =	sshrl.u32 @!p1 s3, $0x3;
	s3 =	simm.s32 @!p1 $0x0  }
.LBB2_2:
0x71: {  	s21 =	sadd.s32 @!p1 s1, s31  }
0x72: {  	[tilespmem:s30], [sflag:$0x4] =	stream.linear.gather @!p1 [hbm4b:s21+s3], $0x100, $0x38;
	[tilespmem:$0x1C400] =	vst v63  }
0x73: {  	s19 =	rddreg [dreg:$0x4];
	s23 =	sadd.s32 @!p1 s6, s31  }
0x74: {  	[tilespmem:s0], [sflag:$0x4] =	stream.linear.gather @!p1 [hbm4b:s23+s3], $0x100, $0x38;
	[tilespmem:$0x1C400] =	vst v63  }
0x75: {  	p1 =	sge.u32 s29, s19  }
0x76: {  	s0 =	simm.s32 @p1 $0x1  }
0x77: {  	_ =	swait.ge @p1 [sflag:s0], $0x4000  }
0x78: {  	s3 =	simm.s32 @p1 $0x400;
	s19 =	simm.s32 @p1 $0x5;
	[sflag:s0] =	ssyncset.done @p1 $0x0  }
0x79: {  	s21 =	simm.s32 @p1 $0x200;
	[sflag:s0] =	ssyncadd.s32 @p1 $0xFFFFC000;
	s0 =	simm.s32 @p1 $0x80  }
0x7a: {  	[spmem:s2] =	stream.indirect.scatter.add.f32 @p1 [tilespmem:s3], [sflag:$0x5], $0x80, s21, s0, $0xb8;
	[tilespmem:$0x1C400] =	vst v63  }
0x7b: {  	_ =	swait.ge @p1 [sflag:s19], $0x4000  }
0x7c: {  	[sflag:s19] =	ssyncset.done @p1 $0x0  }
0x7d: {  	s0 =	simm.s32 @!p1 $0x4;
	[sflag:s19] =	ssyncadd.s32 @p1 $0xFFFFC000  }
0x7e: {  	_ =	swait.ge @!p1 [sflag:s0], $0x100  }
0x7f: {  	[sflag:s0] =	ssyncset.done @!p1 $0x0  }
0x80: {  	[sflag:s0] =	ssyncadd.s32 @!p1 $0xFFFFFF00  }
0x81: {  	_ =	swait.ge @!p1 [sflag:s0], $0x100  }
0x82: {  	[sflag:s0] =	ssyncset.done @!p1 $0x0  }
0x83: {  	[sflag:s0] =	ssyncadd.s32 @!p1 $0xFFFFFF00;
	s0 =	simm.s32 @!p1 $0x1  }
0x84: {  	_ =	swait.ge @!p1 [sflag:s0], $0x4000  }
0x85: {  	s3 =	simm.s32 @!p1 $0x400;
	s21 =	simm.s32 @!p1 $0x200;
	[sflag:s0] =	ssyncset.done @!p1 $0x0  }
0x86: {  	s19 =	simm.s32 @!p1 $0x5;
	[sflag:s0] =	ssyncadd.s32 @!p1 $0xFFFFC000;
	s0 =	simm.s32 @!p1 $0x80  }
0x87: {  	[spmem:s2] =	stream.indirect.scatter.add.f32 @!p1 [tilespmem:s3], [sflag:$0x5], $0x80, s21, s0, $0xb8;
	[tilespmem:$0x1C400] =	vst v63  }
0x88: {  	_ =	swait.ge @!p1 [sflag:s19], $0x4000  }
0x89: {  	[sflag:s19] =	ssyncset.done @!p1 $0x0  }
0x8a: {  	[sflag:s19] =	ssyncadd.s32 @!p1 $0xFFFFC000;
	s19 =	simm.s32 @!p1 $0x100  }
0x8b: {  	[tilespmem:s3], [sflag:$0x1] =	stream.indirect.gather @!p1 [hbm4b:s5+s0], $0x80, s19, s0, $0xb8;
	[tilespmem:$0x1C400] =	vst v63  }
0x8c: {  	s31 =	smov.u32 s29;
	s29 =	sadd.s32 $0x2, s29;
	_ =	swait.ge [sflag:s25], $0x4000  }
0x8d: {  	s30 =	smov.u32 s28;
	p0 =	sge.u32 s29, s9;
	[sflag:s25] =	ssyncset.done $0x0  }
0x8e: {  	s23 =	simm.s32 @p0 $0x400;
	s19 =	rddreg [dreg:$0x5];
	[sflag:s25] =	ssyncadd.s32 $0xFFFFC000  }
0x8f: {  	[spmem:s2] =	stream.indirect.scatter.add.f32 [tilespmem:s22], [sflag:$0x5], $0x80, s19, s20, $0xb8;
	[tilespmem:$0x1C400] =	vst v63  }
0x90: {  	s24 =	sadd.s32 @!p0 s30, s14;
	s7 =	simm.s32 @p0 $0x300;
	_ =	swait.ge [sflag:s18], $0x4000  }
0x91: {  	s24 =	sadd.s32 @!p0 $0x200, s24;
	s21 =	simm.s32 @p0 $0x1;
	[sflag:s18] =	ssyncset.done $0x0  }
0x92: {  	s3 =	simm.s32 @!p1 $0x4400;
	s19 =	simm.s32 @!p1 $0x180;
	[sflag:s18] =	ssyncadd.s32 $0xFFFFC000  }
0x93: {  	[tilespmem:s3], [sflag:$0x2] =	stream.indirect.gather @!p1 [hbm4b:s5+s0], $0x80, s19, s0, $0xb8;
	[tilespmem:$0x1C400] =	vst v63  }
0x94: {  	s10 =	sxor.u32 @!p0 $0xFFFFFFFF, s30;
	s0 =	sand.u32 @!p0 $0x7FFFFC00, s24;
	_ =	swait.ge @p0 [sflag:s21], $0x4000  }
0x95: {  	s3 =	sand.u32 @!p0 $0x200, s10;
	s10 =	simm.s32 @p0 $0x80;
	[sflag:s21] =	ssyncset.done @p0 $0x0  }
0x96: {  	s0 =	sor.u32 @!p0 s3, s0;
	s3 =	simm.s32 @p0 $0x5;
	[sflag:s21] =	ssyncadd.s32 @p0 $0xFFFFC000  }
0x97: {  	[spmem:s2] =	stream.indirect.scatter.add.f32 @p0 [tilespmem:s23], [sflag:$0x5], $0x80, s7, s10, $0xb8;
	[tilespmem:$0x1C400] =	vst v63  }
0x98: {  	_ =	swait.ge @p0 [sflag:s3], $0x4000  }
0x99: {  	s0 =	sshrl.u32 @!p0 s0, $0x3;
	[sflag:s3] =	ssyncset.done @p0 $0x0  }
0x9a: {  	s7 =	sadd.s32 @!p0 s1, s0;
	s10 =	simm.s32 @!p0 $0x0;
	[sflag:s3] =	ssyncadd.s32 @p0 $0xFFFFC000  }
0x9b: {  	[tilespmem:s10], [sflag:$0x3] =	stream.linear.gather @!p0 [hbm4b:s7+s10], $0x100, $0x38;
	[tilespmem:$0x1C400] =	vst v63  }
0x9c: {  	s0 =	sadd.s32 @!p0 s6, s0;
	s3 =	simm.s32 @!p0 $0x200;
	s7 =	simm.s32 @!p0 $0x3  }
0x9d: {  	[tilespmem:s3], [sflag:$0x3] =	stream.linear.gather @!p0 [hbm4b:s0+s10], $0x100, $0x38;
	[tilespmem:$0x1C400] =	vst v63  }
0x9e: {  	_ =	swait.ge @!p0 [sflag:s7], $0x100  }
0x9f: {  	[sflag:s7] =	ssyncset.done @!p0 $0x0  }
0xa0: {  	[sflag:s7] =	ssyncadd.s32 @!p0 $0xFFFFFF00  }
0xa1: {  	_ =	swait.ge @!p0 [sflag:s7], $0x100  }
0xa2: {  	[sflag:s7] =	ssyncset.done @!p0 $0x0  }
0xa3: {  	s0 =	simm.s32 @!p0 $0x1;
	[sflag:s7] =	ssyncadd.s32 @!p0 $0xFFFFFF00  }
0xa4: {  	_ =	swait.ge @!p0 [sflag:s0], $0x4000  }
0xa5: {  	s19 =	simm.s32 @!p0 $0x300;
	s3 =	simm.s32 @!p0 $0x400;
	[sflag:s0] =	ssyncset.done @!p0 $0x0  }
0xa6: {  	s7 =	simm.s32 @!p0 $0x80;
	[sflag:s0] =	ssyncadd.s32 @!p0 $0xFFFFC000;
	s0 =	simm.s32 @!p0 $0x5  }
0xa7: {  	[spmem:s2] =	stream.indirect.scatter.add.f32 @!p0 [tilespmem:s3], [sflag:$0x5], $0x80, s19, s7, $0xb8;
	[tilespmem:$0x1C400] =	vst v63  }
0xa8: {  	_ =	swait.ge @!p0 [sflag:s0], $0x4000  }
0xa9: {  	[sflag:s0] =	ssyncset.done @!p0 $0x0  }
0xaa: {  	[sflag:s0] =	ssyncadd.s32 @!p0 $0xFFFFC000  }
0xab: {  	[tilespmem:s3], [sflag:$0x1] =	stream.indirect.gather @!p0 [hbm4b:s5+s7], $0x80, s10, s7, $0xb8;
	[tilespmem:$0x1C400] =	vst v63  }
0xac: {  	_ =	swait.ge [sflag:s25], $0x4000  }
0xad: {  	[sflag:s25] =	ssyncset.done $0x0  }
0xae: {  	s21 =	rddreg [dreg:$0x6];
	[sflag:s25] =	ssyncadd.s32 $0xFFFFC000  }
0xaf: {  	[spmem:s2] =	stream.indirect.scatter.add.f32 [tilespmem:s22], [sflag:$0x5], $0x80, s21, s20, $0xb8;
	[tilespmem:$0x1C400] =	vst v63  }
0xb0: {  	_ =	swait.ge [sflag:s18], $0x4000  }
0xb1: {  	s28 =	sadd.s32 $0x200, s28;
	s23 =	sadd.s32 $0x3, s31;
	[sflag:s18] =	ssyncset.done $0x0  }
0xb2: {  	s10 =	simm.s32 @!p0 $0x4400;
	s24 =	rddreg [dreg:$0x7];
	[sflag:s18] =	ssyncadd.s32 $0xFFFFC000  }
0xb3: {  	[tilespmem:s10], [sflag:$0x2] =	stream.indirect.gather @!p0 [hbm4b:s5+s7], $0x80, s7, s7, $0xb8;
	[tilespmem:$0x1C400] =	vst v63  }
0xb4: {  	p1 =	sge.u32 s23, s9;
	p0 =	sne.s32 s24, s28  }
.Ltmp1:
0xb5: {  	s19 =	sadd.s32 @!p1 $0x300, s30;
	(pc) =	sbr.rel @p0 .LBB2_2-.Ltmp1, $4  }
0xb6: {  	s3 =	sadd.s32 @!p1 s14, s19  }
0xb7: {  	s19 =	sand.u32 @!p1 $0x300, s19;
	s3 =	sand.u32 @!p1 $0x7FFFFC00, s3  }
0xb8: {  	s30 =	simm.s32 @!p1 $0x100;
	s3 =	sor.u32 @!p1 s19, s3  }
0xb9: {  	s0 =	simm.s32 @!p1 $0x300;
	s31 =	sshrl.u32 @!p1 s3, $0x3;
	s3 =	simm.s32 @!p1 $0x0  }
.LBB2_3:
0xba: {  	s7 =	sadd.s32 @!p1 s1, s31;
	s26 =	sadd.s32 $0x1, s26  }
0xbb: {  	[tilespmem:s30], [sflag:$0x4] =	stream.linear.gather @!p1 [hbm4b:s7+s3], $0x100, $0x38;
	[tilespmem:$0x1C400] =	vst v63  }
0xbc: {  	s7 =	sadd.s32 @!p1 s6, s31;
	p0 =	sne.s32 s26, s16  }
0xbd: {  	[tilespmem:s0], [sflag:$0x4] =	stream.linear.gather @!p1 [hbm4b:s7+s3], $0x100, $0x38;
	[tilespmem:$0x1C400] =	vst v63  }
.Ltmp2:
0xbe: {  	[bflag:$0x0] =	sbarrier.arrive $0xFFFF;
	(pc) =	sbr.rel @p0 .LBB2_1-.Ltmp2, $4  }
0xbf: {  	[hbm:s15], [sflag:s8] =	dma.local [spmem:s17], $0x2800  }
0xc0: {  	_ =	swait.ge [sflag:s18], $0x2800  }
0xc1: {  	[sflag:s18] =	ssyncset.done $0x0  }
0xc2: {  	[sflag:s18] =	ssyncadd.s32 $0xFFFFD800  }
0xc3: {  	_ =	sfence.sel $0x180000  }
0xc4: {  	[bflag:$0x0] =	sbarrier.arrive $0xFFFF  }
0xc5: {  	_ =	strace $0x9000004A  }
0xc6: {  	s0 =	stileid.u32;
	[bflag:$0x2] =	sbarrier.arrive $0xFFFF  }
0xc7: {  	p0 =	sne.s32 s0, $0x0;
	s0 =	rddreg [dreg:$0x3]  }
0xc8: {  	s0 =	sadd.s32 @!p0 $0x100000, s0  }
0xc9: {  	[sflag:s0] =	ssyncadd.tile.s32 @!p0 $0x1;
	_ =	shalt  }
.Lfunc_end2:
_tile_overlayer_lowered:
.L_overlay_start_2:
0xca: {  	(tag) =	ssettag $0x2  }
0xcb: {  	s0 =	rddreg [dreg:$0x0];
	s2 =	stileid.u32  }
0xcc: {  	s1 =	rddreg [dreg:$0x1];
	p0 =	sne.s32 s2, $0x0  }
0xcd: {  	s3 =	rddreg [dreg:$0x2];
	[bflag:$0x3] =	sbarrier.arrive $0xFFFF;
	s2 =	simm.s32 @!p0 $0x1C05  }
0xce: {  	[timem:s3], [sflag:s2] =	dma.local @!p0 [hbm:s0], s1  }
0xcf: {  	s0 =	simm.s32 @!p0 $0x5  }
0xd0: {  	_ =	swait.ge @!p0 [sflag:s0], s1  }
0xd1: {  	s1 =	ssub.s32 @!p0 $0x0, s1;
	[sflag:s0] =	ssyncset.done @!p0 $0x0  }
0xd2: {  	[sflag:s0] =	ssyncadd.s32 @!p0 s1  }
0xd3: {  	[bflag:$0x3] =	sbarrier.arrive $0xFFFF  }
0xd4: {  	_ =	shalt  }

// kernel: kernel.14.cloned.1.call-start
scs
__scs_entry_jumppad:
0x0: {  	(pc) =	sbr.rel $0x88, $3  }
0x1: {  	(tag) =	ssettag $0x0;
	lr =	simm.s32 $0x1  }
0x2: {  	[smem:$0x3F99] =	sst lr;
	_ =	strace $0xD0000000  }
0x3: {  	_ = 	snop  }
0x4: {  	_ = 	snop  }
0x5: {  	_ = 	snop  }
0x6: {  	_ = 	snop  }
0x7: {  	_ = 	snop  }
__scs_overlays_trampoline_lowered:
0x8: {  	[smem:$0x3FA8] =	sst s0  }
0x9: {  	[smem:$0x3FA9] =	sst s1  }
0xa: {  	[smem:$0x3FAA] =	sst s2  }
0xb: {  	[smem:$0x3FAB] =	sst s3  }
0xc: {  	[smem:$0x3FAC] =	sst s4  }
0xd: {  	[smem:$0x3FAD] =	sst s5  }
0xe: {  	[smem:$0x3FAE] =	sst s6  }
0xf: {  	[smem:$0x3FAF] =	sst s7  }
0x10: {  	[smem:$0x3FB0] =	sst s8  }
0x11: {  	[smem:$0x3FB1] =	sst s9;
	s0 =	simm.s32 @!p0 $0x0  }
0x12: {  	s1 =	sld [smem:$0x3F97];
	s0 =	simm.s32 @p0 $0x1  }
0x13: {  	[smem:$0x3FB2] =	sst s0;
	s0 =	simm.s32 @!p1 $0x0  }
0x14: {  	s2 =	sld [smem:$0x3F96];
	s0 =	simm.s32 @p1 $0x1  }
0x15: {  	[smem:$0x3FB3] =	sst s0;
	s0 =	simm.s32 @!p2 $0x0  }
0x16: {  	s3 =	sld [smem:$0x3FDB];
	s0 =	simm.s32 @p2 $0x1  }
0x17: {  	s4 =	simm.s32 $0x1BF5;
	[smem:$0x3FB5] =	sst s0  }
0x18: {  	s0 =	sld [smem:$0x3F98];
	_ =	swait.ge [sflag:s4], $0x0  }
0x19: {  	s7 =	sld [smem:$0x3F99]  }
0x1a: {  	s8 =	sadd.s32 $0xFFFFE003, lr  }
0x1b: {  	s9 =	sadd.s32 $0xFFFFFEF7, lr;
	s5 =	simm.s32 $0xFFFFFFFF;
	p2 =	slt.u32 s8, $0xFFFFF086  }
0x1c: {  	p1 =	slt.u32 s9, $0xF7A;
	s5 =	simm.s32 @!p2 $0x0  }
0x1d: {  	s5 =	simm.s32 @p1 $0x1;
	p0 =	seq.s32 s7, s2  }
0x1e: {  	s7 =	smul.u32 @!p0 $0xF7A, s2;
	p2 =	seq.s32 @!p0 s5, $0x0  }
0x1f: {  	s9 =	smul.u32 $0xF7A, s1;
	s8 =	simm.s32 @!p0 $0x1BF5;
	p2 =	por !p2, p0  }
0x20: {  	[sflag:s8] =	ssyncset.s32 @!p0 $0xFFFFF086;
	s6 =	sadd.s32 @!p0 s3, s7;
	s7 =	simm.s32 @!p0 $0x108  }
0x21: {  	s3 =	sadd.s32 s3, s9;
	s6 =	sadd.s32 @!p0 $0x88, s6;
	s7 =	simm.s32 @p2 $0x1082  }
0x22: {  	[simem:s7], [sflag:s8] =	dma.local @!p0 [hbm:s6], $0xF7A  }
0x23: {  	s9 =	sor.u32 $0xD0000000, s2;
	s6 =	simm.s32 $0x108;
	_ =	swait.ge @!p0 [sflag:s8], $0x0  }
0x24: {  	s3 =	sadd.s32 $0x88, s3;
	s6 =	simm.s32 @!p1 $0x1082;
	[sflag:s4] =	ssyncset.s32 $0xFFFFF086  }
0x25: {  	[simem:s6], [sflag:s4] =	dma.local [hbm:s3], $0xF7A  }
0x26: {  	[smem:$0x3F99] =	sst s1;
	(tag) =	ssettag s2;
	_ =	strace s9  }
0x27: {  	s1 =	sld [smem:$0x3FA9]  }
0x28: {  	s2 =	sld [smem:$0x3FAA]  }
0x29: {  	s4 =	sld [smem:$0x3FAC]  }
0x2a: {  	p0 =	seq.s32 s5, $0x0;
	s5 =	sld [smem:$0x3FAD]  }
0x2b: {  	s6 =	sld [smem:$0x3FAE]  }
0x2c: {  	s7 =	sld [smem:$0x3FAF]  }
0x2d: {  	s3 =	simm.s32 $0x108;
	s8 =	sld [smem:$0x3FB0]  }
0x2e: {  	s3 =	simm.s32 @!p0 $0x1082;
	s9 =	sld [smem:$0x3FB1]  }
0x2f: {  	lr =	sadd.s32 s0, s3;
	s0 =	sld [smem:$0x3FA8]  }
0x30: {  	s3 =	sld [smem:$0x3FAB]  }
0x31: {  	[smem:$0x3FB4] =	sst s10  }
0x32: {  	s10 =	sld [smem:$0x3FB2];
	_ =	sdelay $0x3  }
0x33: {  	p0 =	seq.s32 s10, $0x1;
	s10 =	sld [smem:$0x3FB4];
	_ =	sdelay $0x3  }
0x34: {  	[smem:$0x3FB4] =	sst s10  }
0x35: {  	s10 =	sld [smem:$0x3FB3];
	_ =	sdelay $0x3  }
0x36: {  	p1 =	seq.s32 s10, $0x1;
	s10 =	sld [smem:$0x3FB4];
	_ =	sdelay $0x3  }
0x37: {  	[smem:$0x3FB4] =	sst s10  }
0x38: {  	s10 =	sld [smem:$0x3FB5]  }
0x39: {  	_ = 	snop;
	(pc) =	sbr.ind lr, $3  }
0x3a: {  	_ = 	snop  }
0x3b: {  	_ = 	snop  }
0x3c: {  	p2 =	seq.s32 s10, $0x1;
	s10 =	sld [smem:$0x3FB4]  }
0x3d: {  	_ =	shalt  }
0x3e: {  	_ =	shalt  }
0x3f: {  	_ =	shalt  }
0x40: {  	_ =	shalt  }
0x41: {  	_ =	shalt  }
0x42: {  	_ =	shalt  }
0x43: {  	_ =	shalt  }
0x44: {  	_ =	shalt  }
0x45: {  	_ =	shalt  }
0x46: {  	_ =	shalt  }
0x47: {  	_ =	shalt  }
0x48: {  	_ =	shalt  }
0x49: {  	_ =	shalt  }
0x4a: {  	_ =	shalt  }
0x4b: {  	_ =	shalt  }
0x4c: {  	_ =	shalt  }
0x4d: {  	_ =	shalt  }
0x4e: {  	_ =	shalt  }
0x4f: {  	_ =	shalt  }
0x50: {  	_ =	shalt  }
0x51: {  	_ =	shalt  }
0x52: {  	_ =	shalt  }
0x53: {  	_ =	shalt  }
0x54: {  	_ =	shalt  }
0x55: {  	_ =	shalt  }
0x56: {  	_ =	shalt  }
0x57: {  	_ =	shalt  }
0x58: {  	_ =	shalt  }
0x59: {  	_ =	shalt  }
0x5a: {  	_ =	shalt  }
0x5b: {  	_ =	shalt  }
0x5c: {  	_ =	shalt  }
0x5d: {  	_ =	shalt  }
0x5e: {  	_ =	shalt  }
0x5f: {  	_ =	shalt  }
0x60: {  	_ =	shalt  }
0x61: {  	_ =	shalt  }
0x62: {  	_ =	shalt  }
0x63: {  	_ =	shalt  }
0x64: {  	_ =	shalt  }
0x65: {  	_ =	shalt  }
0x66: {  	_ =	shalt  }
0x67: {  	_ =	shalt  }
0x68: {  	_ =	shalt  }
0x69: {  	_ =	shalt  }
0x6a: {  	_ =	shalt  }
0x6b: {  	_ =	shalt  }
0x6c: {  	_ =	shalt  }
0x6d: {  	_ =	shalt  }
0x6e: {  	_ =	shalt  }
0x6f: {  	_ =	shalt  }
0x70: {  	_ =	shalt  }
0x71: {  	_ =	shalt  }
0x72: {  	_ =	shalt  }
0x73: {  	_ =	shalt  }
0x74: {  	_ =	shalt  }
0x75: {  	_ =	shalt  }
0x76: {  	_ =	shalt  }
0x77: {  	_ =	shalt  }
0x78: {  	_ =	shalt  }
0x79: {  	_ =	shalt  }
0x7a: {  	_ =	shalt  }
0x7b: {  	_ =	shalt  }
0x7c: {  	_ =	shalt  }
0x7d: {  	_ =	shalt  }
0x7e: {  	_ =	shalt  }
0x7f: {  	_ =	shalt  }
0x80: {  	_ =	shalt  }
0x81: {  	_ =	shalt  }
0x82: {  	_ =	shalt  }
0x83: {  	_ =	shalt  }
0x84: {  	_ =	shalt  }
0x85: {  	_ =	shalt  }
0x86: {  	_ =	shalt  }
0x87: {  	_ =	shalt  }
.Lfunc_end0:
.L_simem_size_0:
called_computation.2_lowered:
.L_overlay_start_0:
0x88: {  	s2 =	sld [smem:$0x3FD9]  }
0x89: {  	s3 =	sld [smem:$0x3FFE];
	_ =	sdelay $0x1  }
0x8a: {  	s1 =	srdreg.scid  }
0x8b: {  	s0 =	sand.u32 $0x1, s1  }
0x8c: {  	s17 =	sshll.u32 s0, $0xA;
	s2 =	sadd.s32 s3, s2  }
0x8d: {  	s2 =	sadd.s32 s2, s17  }
0x8e: {  	[smem:$0x3FC0] =	sst s2  }
0x8f: {  	_ = 	snop  }
0x90: {  	s2 =	sld [smem:$0x3FD0];
	(tm) =	ssettm $0x1  }
0x91: {  	s18 =	sld [smem:$0x3FFB];
	_ =	sdelay $0x3  }
0x92: {  	_ =	strace s18  }
0x93: {  	s3 =	sld [smem:$0x3FFC];
	_ =	sdelay $0x3  }
0x94: {  	_ =	strace s3  }
0x95: {  	s3 =	sld [smem:$0x3FFD];
	_ =	sdelay $0x3  }
0x96: {  	_ =	strace s3  }
0x97: {  	_ =	strace $0x8FFFFFFF  }
0x98: {  	s19 =	sld [smem:$0x3FDB];
	_ =	sdelay $0x1  }
0x99: {  	s4 =	simm.s32 $_scs_section_size  }
0x9a: {  	s5 =	simm.s32 $_size__tile_overlayer_lowered;
	s6 =	simm.s32 $_tile_overlayer_lowered  }
0x9b: {  	s22 =	simm.s32 $0x1BFF;
	s21 =	sshll.u32 s6, $0x1;
	s3 =	sadd.s32 s4, s19  }
0x9c: {  	s7 =	simm.s32 $0x0;
	s20 =	sshll.u32 s5, $0x1;
	s5 =	sadd.s32 s21, s3  }
0x9d: {  	[timem:s7], [sflag:s22] =	dma.local [hbm:s5], s20  }
0x9e: {  	_ =	swait.ge [sflag:s22], s20  }
0x9f: {  	s4 =	ssub.s32 $0x0, s20;
	[sflag:s22] =	ssyncset.done $0x0  }
0xa0: {  	[sflag:s22] =	ssyncadd.s32 s4;
	_ =	sdelay $0x1  }
0xa1: {  	s23 =	simm.s32 $0x1B8B  }
0xa2: {  	_ =	swait.ge [sflag:s23], $0x1  }
0xa3: {  	[sflag:s23] =	ssyncset.done $0x0  }
0xa4: {  	s25 =	simm.s32 $0x1B8E;
	s24 =	sld [smem:$0x3FFE];
	[sflag:s23] =	ssyncadd.s32 $0xFFFFFFFF  }
0xa5: {  	s26 =	simm.s32 $execute0_lowered;
	[smem:$0x3FD2] =	sst s25  }
0xa6: {  	s5 =	sshll.u32 s26, $0x1;
	_ =	strace $0x8000004C;
	[dreg:$0x1] =	wrdreg $0xFFFFFFFF  }
0xa7: {  	s28 =	simm.s32 $_size_execute0_lowered;
	s3 =	sadd.s32 s3, s5;
	[dreg:$0x0] =	wrdreg $0x0  }
0xa8: {  	s5 =	sshll.u32 s28, $0x1;
	[dreg:$0x2] =	wrdreg s3  }
0xa9: {  	[dreg:$0x3] =	wrdreg s5  }
0xaa: {  	[dreg:$0x4] =	wrdreg $0xC0  }
0xab: {  	_ =	task [dreg:s7], $0x5FFFF  }
0xac: {  	[dreg:$0x1] =	wrdreg $0xFFFFFFFF  }
0xad: {  	[dreg:$0x0] =	wrdreg $0x60  }
0xae: {  	[dreg:$0x2] =	wrdreg s24  }
0xaf: {  	[dreg:$0x3] =	wrdreg s2  }
0xb0: {  	[dreg:$0x4] =	wrdreg $0x84000  }
0xb1: {  	[dreg:$0x5] =	wrdreg $0x9  }
0xb2: {  	_ =	task.clear_ibuf [dreg:s7], $0x6FFFF;
	_ =	strace $0x9000004C  }
0xb3: {  	s29 =	simm.s32 $0x9;
	_ =	strace $0x8000004E  }
0xb4: {  	_ =	swait.ge [sflag:s29], $0x1  }
0xb5: {  	[sflag:s29] =	ssyncadd.s32 $0xFFFFFFFF  }
0xb6: {  	_ =	strace $0x9000004E  }
0xb7: {  	_ =	sfence  }
0xb8: {  	s30 =	sld [smem:$0x0];
	_ =	sdelay $0x2  }
0xb9: {  	s31 =	sshll.u32 s1, $0xD;
	s1 =	sshrl.u32 s1, $0x2  }
0xba: {  	s3 =	sand.u32 $0x4000, s31;
	s1 =	sadd.s32 s1, s30  }
0xbb: {  	s0 =	sor.u32 s3, s0;
	s1 =	sshll.u32 s1, $0x11  }
0xbc: {  	s0 =	sor.u32 s1, s0  }
0xbd: {  	s0 =	sadd.s32 $0x8F2B, s0  }
0xbe: {  	[sflag:s0] =	ssyncadd.remote.s32 $0x1  }
0xbf: {  	_ =	sfence.sel $0xFFFF  }
0xc0: {  	[dreg:$0x0] =	wrdreg $0xFFFFFFFF;
	(pc) =	sbr.abs _section_cstart, $3  }
0xc1: {  	[dreg:$0x1] =	wrdreg $0xFFFFFFFF  }
0xc2: {  	_ =	task.clear_ibuf [dreg:s7], $0x2FFFF;
	_ =	strace $0x9FFFFFFF  }
0xc3: {  	(tm) =	ssettm $0x7FFFFFFF  }
tec
execute0_lowered:
.L_overlay_start_1:
0x0: {  	(tag) =	ssettag $0x1  }
0x1: {  	s0 =	rddreg [dreg:$0x0]  }
0x2: {  	s1 =	rddreg [dreg:$0x1]  }
0x3: {  	s2 =	rddreg [dreg:$0x2]  }
0x4: {  	s4 =	simm.s32 $0x0;
	s3 =	srdreg.scid;
	s7 =	stileid.u32  }
0x5: {  	s18 =	simm.s32 $0x5;
	s20 =	simm.s32 $0x80;
	s30 =	simm.s32 $0x280  }
0x6: {  	s31 =	simm.s32 $0x380;
	[smem:$0x7FF] =	sst s4;
	s9 =	smul.u32 $0x14000, s7  }
0x7: {  	s3 =	sand.u32 $0x1, s3;
	s5 =	sadd.s32 $0xFA00, s0;
	s23 =	smul.u32 $0x50000, s7  }
0x8: {  	s6 =	sadd.s32 $0x2A00, s0;
	s10 =	sadd.s32 $0xD200, s0;
	s12 =	smul.u32 $0x28, s7  }
0x9: {  	s25 =	sshll.u32 s7, $0x6;
	_ =	strace $0x8000004D;
	[dreg:$0x8] =	wrdreg s10  }
0xa: {  	s8 =	smul.u32 $0x140000, s3;
	s22 =	ssub.s32 $0x2, s3;
	[dreg:$0x5] =	wrdreg s30  }
0xb: {  	p0 =	seq.s32 s3, $0x0;
	[dreg:$0x6] =	wrdreg s31;
	s11 =	sshrl.u32 s22, $0x1  }
0xc: {  	s24 =	sshrl.u32 s23, $0x2;
	s3 =	sadd.s32 $0x780, s12;
	s8 =	sadd.s32 s9, s8  }
0xd: {  	s16 =	ssub.s32 s22, s11;
	s17 =	sadd.s32 s24, s2;
	s9 =	simm.s32 $0x3C  }
0xe: {  	s22 =	simm.s32 $0x4400;
	s8 =	sshrl.u32 s8, $0x3;
	s9 =	simm.s32 @!p0 $0x14  }
0xf: {  	s16 =	smax.u32 s16, $0x1;
	s0 =	sadd.s32 s8, s0;
	s8 =	smul.u32 $0x78, s7  }
0x10: {  	s17 =	sshrl.u32 s17, $0x3;
	s14 =	sadd.s32 $0xFFFFFFFF, s9;
	s29 =	sshll.u32 s9, $0x8  }
0x11: {  	[dreg:$0x4] =	wrdreg s14;
	s15 =	sadd.s32 $0x37A00, s0;
	s3 =	smov.u32 @p0 s8  }
0x12: {  	[dreg:$0x7] =	wrdreg s29;
	s8 =	sor.u32 $0x1C05, s25;
	s26 =	sshll.u32 s3, $0x4  }
0x13: {  	s25 =	simm.s32 $0x2;
	s14 =	sshll.u32 s3, $0x7;
	s28 =	sadd.s32 s1, s26  }
0x14: {  	s13 =	sor.u32 $0x20, s26;
	s11 =	sadd.s32 s6, s26;
	s26 =	simm.s32 $0x0  }
0x15: {  	[dreg:$0x9] =	wrdreg s28;
	s12 =	sadd.s32 s1, s13;
	s13 =	sadd.s32 s6, s13  }
.LBB2_1:
0x16: {  	s0 =	rddreg [dreg:$0x8]  }
0x17: {  	[spmem:s17], [sflag:s8] =	dma.local [hbm:s0], $0x2800  }
0x18: {  	_ =	swait.ge [sflag:s18], $0x2800  }
0x19: {  	[sflag:s18] =	ssyncset.done $0x0  }
0x1a: {  	s24 =	rddreg [dreg:$0x9];
	[sflag:s18] =	ssyncadd.s32 $0xFFFFD800  }
0x1b: {  	[tilespmem:s4], [sflag:$0x5] =	stream.linear.gather [hbm4b:s24+s4], $0x100, $0x38;
	[tilespmem:$0x1C400] =	vst v63  }
0x1c: {  	_ =	swait.ge [sflag:s18], $0x100  }
0x1d: {  	[sflag:s18] =	ssyncset.done $0x0  }
0x1e: {  	s3 =	simm.s32 $0x200;
	[sflag:s18] =	ssyncadd.s32 $0xFFFFFF00  }
0x1f: {  	[tilespmem:s3], [sflag:$0x5] =	stream.linear.gather [hbm4b:s11+s4], $0x100, $0x38;
	[tilespmem:$0x1C400] =	vst v63  }
0x20: {  	_ =	swait.ge [sflag:s18], $0x100  }
0x21: {  	[sflag:s18] =	ssyncset.done $0x0  }
0x22: {  	s7 =	simm.s32 $0x400;
	[sflag:s18] =	ssyncadd.s32 $0xFFFFFF00  }
0x23: {  	[tilespmem:s7], [sflag:$0x1] =	stream.indirect.gather [hbm4b:s5+s20], $0x80, s4, s20, $0xb8;
	[tilespmem:$0x1C400] =	vst v63  }
0x24: {  	_ = 	snop  }
0x25: {  	[tilespmem:s22], [sflag:$0x2] =	stream.indirect.gather [hbm4b:s5+s20], $0x80, s20, s20, $0xb8;
	[tilespmem:$0x1C400] =	vst v63  }
0x26: {  	s10 =	simm.s32 $0x100  }
0x27: {  	[tilespmem:s10], [sflag:$0x4] =	stream.linear.gather [hbm4b:s12+s4], $0x100, $0x38;
	[tilespmem:$0x1C400] =	vst v63  }
0x28: {  	s19 =	simm.s32 $0x300  }
0x29: {  	[tilespmem:s19], [sflag:$0x4] =	stream.linear.gather [hbm4b:s13+s4], $0x100, $0x38;
	[tilespmem:$0x1C400] =	vst v63  }
0x2a: {  	[bflag:$0x0] =	sbarrier.arrive $0xFFFF  }
0x2b: {  	s21 =	rddreg [dreg:$0x4]  }
0x2c: {  	p1 =	sle.u32 s21, $0x0  }
0x2d: {  	s0 =	simm.s32 @p1 $0x1  }
0x2e: {  	_ =	swait.ge @p1 [sflag:s0], $0x4000  }
0x2f: {  	s3 =	simm.s32 @p1 $0x400;
	s28 =	simm.s32 @p1 $0x5;
	[sflag:s0] =	ssyncset.done @p1 $0x0  }
0x30: {  	s29 =	simm.s32 @p1 $0x200;
	[sflag:s0] =	ssyncadd.s32 @p1 $0xFFFFC000;
	s0 =	simm.s32 @p1 $0x80  }
0x31: {  	[spmem:s2] =	stream.indirect.scatter.add.f32 @p1 [tilespmem:s3], [sflag:$0x5], $0x80, s29, s0, $0xb8;
	[tilespmem:$0x1C400] =	vst v63  }
0x32: {  	_ =	swait.ge @p1 [sflag:s28], $0x4000  }
0x33: {  	[sflag:s28] =	ssyncset.done @p1 $0x0  }
0x34: {  	s0 =	simm.s32 @!p1 $0x4;
	[sflag:s28] =	ssyncadd.s32 @p1 $0xFFFFC000  }
0x35: {  	_ =	swait.ge @!p1 [sflag:s0], $0x100  }
0x36: {  	[sflag:s0] =	ssyncset.done @!p1 $0x0  }
0x37: {  	[sflag:s0] =	ssyncadd.s32 @!p1 $0xFFFFFF00  }
0x38: {  	_ =	swait.ge @!p1 [sflag:s0], $0x100  }
0x39: {  	[sflag:s0] =	ssyncset.done @!p1 $0x0  }
0x3a: {  	[sflag:s0] =	ssyncadd.s32 @!p1 $0xFFFFFF00;
	s0 =	simm.s32 @!p1 $0x1  }
0x3b: {  	_ =	swait.ge @!p1 [sflag:s0], $0x4000  }
0x3c: {  	s3 =	simm.s32 @!p1 $0x400;
	s29 =	simm.s32 @!p1 $0x200;
	[sflag:s0] =	ssyncset.done @!p1 $0x0  }
0x3d: {  	s28 =	simm.s32 @!p1 $0x5;
	[sflag:s0] =	ssyncadd.s32 @!p1 $0xFFFFC000;
	s0 =	simm.s32 @!p1 $0x80  }
0x3e: {  	[spmem:s2] =	stream.indirect.scatter.add.f32 @!p1 [tilespmem:s3], [sflag:$0x5], $0x80, s29, s0, $0xb8;
	[tilespmem:$0x1C400] =	vst v63  }
0x3f: {  	_ =	swait.ge @!p1 [sflag:s28], $0x4000  }
0x40: {  	[sflag:s28] =	ssyncset.done @!p1 $0x0  }
0x41: {  	[sflag:s28] =	ssyncadd.s32 @!p1 $0xFFFFC000;
	s28 =	simm.s32 @!p1 $0x100  }
0x42: {  	[tilespmem:s3], [sflag:$0x1] =	stream.indirect.gather @!p1 [hbm4b:s5+s0], $0x80, s28, s0, $0xb8;
	[tilespmem:$0x1C400] =	vst v63  }
0x43: {  	_ =	swait.ge [sflag:s25], $0x4000  }
0x44: {  	[sflag:s25] =	ssyncset.done $0x0  }
0x45: {  	p0 =	sle.u32 s9, $0x2;
	s23 =	rddreg [dreg:$0x5];
	[sflag:s25] =	ssyncadd.s32 $0xFFFFC000  }
0x46: {  	[spmem:s2] =	stream.indirect.scatter.add.f32 [tilespmem:s22], [sflag:$0x5], $0x80, s23, s20, $0xb8;
	[tilespmem:$0x1C400] =	vst v63  }
0x47: {  	s30 =	sxor.u32 @!p0 $0xFFFFFFFF, s4;
	s31 =	simm.s32 @p0 $0x80;
	_ =	swait.ge [sflag:s18], $0x4000  }
0x48: {  	s30 =	sand.u32 @!p0 $0x200, s30;
	s29 =	simm.s32 @p0 $0x1;
	[sflag:s18] =	ssyncset.done $0x0  }
0x49: {  	s3 =	simm.s32 @!p1 $0x4400;
	s28 =	simm.s32 @!p1 $0x180;
	[sflag:s18] =	ssyncadd.s32 $0xFFFFC000  }
0x4a: {  	[tilespmem:s3], [sflag:$0x2] =	stream.indirect.gather @!p1 [hbm4b:s5+s0], $0x80, s28, s0, $0xb8;
	[tilespmem:$0x1C400] =	vst v63  }
0x4b: {  	s0 =	simm.s32 @p0 $0x400;
	s3 =	sadd.s32 @!p0 $0x0, s14;
	_ =	swait.ge @p0 [sflag:s29], $0x4000  }
0x4c: {  	s28 =	simm.s32 @p0 $0x300;
	s3 =	sadd.s32 @!p0 $0x200, s3;
	[sflag:s29] =	ssyncset.done @p0 $0x0  }
0x4d: {  	s3 =	sand.u32 @!p0 $0x7FFFFC00, s3;
	[sflag:s29] =	ssyncadd.s32 @p0 $0xFFFFC000;
	s29 =	simm.s32 @p0 $0x5  }
0x4e: {  	[spmem:s2] =	stream.indirect.scatter.add.f32 @p0 [tilespmem:s0], [sflag:$0x5], $0x80, s28, s31, $0xb8;
	[tilespmem:$0x1C400] =	vst v63  }
0x4f: {  	s0 =	sor.u32 @!p0 s30, s3;
	_ =	swait.ge @p0 [sflag:s29], $0x4000  }
0x50: {  	s0 =	sshrl.u32 @!p0 s0, $0x3;
	[sflag:s29] =	ssyncset.done @p0 $0x0  }
0x51: {  	s28 =	simm.s32 @!p0 $0x0;
	s3 =	sadd.s32 @!p0 s1, s0;
	[sflag:s29] =	ssyncadd.s32 @p0 $0xFFFFC000  }
0x52: {  	[tilespmem:s28], [sflag:$0x3] =	stream.linear.gather @!p0 [hbm4b:s3+s28], $0x100, $0x38;
	[tilespmem:$0x1C400] =	vst v63  }
0x53: {  	s0 =	sadd.s32 @!p0 s6, s0;
	s29 =	simm.s32 @!p0 $0x3;
	s3 =	simm.s32 @!p0 $0x200  }
0x54: {  	[tilespmem:s3], [sflag:$0x3] =	stream.linear.gather @!p0 [hbm4b:s0+s28], $0x100, $0x38;
	[tilespmem:$0x1C400] =	vst v63  }
0x55: {  	_ =	swait.ge @!p0 [sflag:s29], $0x100  }
0x56: {  	[sflag:s29] =	ssyncset.done @!p0 $0x0  }
0x57: {  	[sflag:s29] =	ssyncadd.s32 @!p0 $0xFFFFFF00  }
0x58: {  	_ =	swait.ge @!p0 [sflag:s29], $0x100  }
0x59: {  	[sflag:s29] =	ssyncset.done @!p0 $0x0  }
0x5a: {  	s0 =	simm.s32 @!p0 $0x1;
	[sflag:s29] =	ssyncadd.s32 @!p0 $0xFFFFFF00  }
0x5b: {  	_ =	swait.ge @!p0 [sflag:s0], $0x4000  }
0x5c: {  	s30 =	simm.s32 @!p0 $0x300;
	s3 =	simm.s32 @!p0 $0x400;
	[sflag:s0] =	ssyncset.done @!p0 $0x0  }
0x5d: {  	s29 =	simm.s32 @!p0 $0x80;
	[sflag:s0] =	ssyncadd.s32 @!p0 $0xFFFFC000;
	s0 =	simm.s32 @!p0 $0x5  }
0x5e: {  	[spmem:s2] =	stream.indirect.scatter.add.f32 @!p0 [tilespmem:s3], [sflag:$0x5], $0x80, s30, s29, $0xb8;
	[tilespmem:$0x1C400] =	vst v63  }
0x5f: {  	_ =	swait.ge @!p0 [sflag:s0], $0x4000  }
0x60: {  	[sflag:s0] =	ssyncset.done @!p0 $0x0  }
0x61: {  	[sflag:s0] =	ssyncadd.s32 @!p0 $0xFFFFC000  }
0x62: {  	[tilespmem:s3], [sflag:$0x1] =	stream.indirect.gather @!p0 [hbm4b:s5+s29], $0x80, s28, s29, $0xb8;
	[tilespmem:$0x1C400] =	vst v63  }
0x63: {  	_ =	swait.ge [sflag:s25], $0x4000  }
0x64: {  	[sflag:s25] =	ssyncset.done $0x0  }
0x65: {  	s24 =	rddreg [dreg:$0x6];
	[sflag:s25] =	ssyncadd.s32 $0xFFFFC000  }
0x66: {  	[spmem:s2] =	stream.indirect.scatter.add.f32 [tilespmem:s22], [sflag:$0x5], $0x80, s24, s20, $0xb8;
	[tilespmem:$0x1C400] =	vst v63  }
0x67: {  	_ =	swait.ge [sflag:s18], $0x4000  }
0x68: {  	[sflag:s18] =	ssyncset.done $0x0  }
0x69: {  	s0 =	simm.s32 @!p0 $0x4400;
	s31 =	rddreg [dreg:$0x7];
	[sflag:s18] =	ssyncadd.s32 $0xFFFFC000  }
0x6a: {  	[tilespmem:s0], [sflag:$0x2] =	stream.indirect.gather @!p0 [hbm4b:s5+s29], $0x80, s29, s29, $0xb8;
	[tilespmem:$0x1C400] =	vst v63  }
0x6b: {  	p0 =	sne.s32 s31, $0x200  }
.Ltmp0:
0x6c: {  	p1 =	sle.u32 s9, $0x3;
	(pc) =	sbr.rel @!p0 .LBB2_3-.Ltmp0, $4  }
0x6d: {  	s30 =	sadd.s32 @!p1 $0x300, s14;
	s3 =	simm.s32 @!p1 $0x300  }
0x6e: {  	s30 =	sand.u32 @!p1 $0x7FFFFC00, s30;
	s28 =	simm.s32 $0x200;
	s3 =	sand.u32 @!p1 $0x300, s3  }
0x6f: {  	s3 =	sor.u32 @!p1 s3, s30;
	s30 =	simm.s32 @!p1 $0x100;
	s29 =	simm.s32 $0x2  }
0x70: {  	s0 =	simm.s32 @!p1 $0x300;
	s31 =	sshrl.u32 @!p1 s3, $0x3;
	s3 =	simm.s32 @!p1 $0x0  }
.LBB2_2:
0x71: {  	s21 =	sadd.s32 @!p1 s1, s31  }
0x72: {  	[tilespmem:s30], [sflag:$0x4] =	stream.linear.gather @!p1 [hbm4b:s21+s3], $0x100, $0x38;
	[tilespmem:$0x1C400] =	vst v63  }
0x73: {  	s19 =	rddreg [dreg:$0x4];
	s23 =	sadd.s32 @!p1 s6, s31  }
0x74: {  	[tilespmem:s0], [sflag:$0x4] =	stream.linear.gather @!p1 [hbm4b:s23+s3], $0x100, $0x38;
	[tilespmem:$0x1C400] =	vst v63  }
0x75: {  	p1 =	sge.u32 s29, s19  }
0x76: {  	s0 =	simm.s32 @p1 $0x1  }
0x77: {  	_ =	swait.ge @p1 [sflag:s0], $0x4000  }
0x78: {  	s3 =	simm.s32 @p1 $0x400;
	s19 =	simm.s32 @p1 $0x5;
	[sflag:s0] =	ssyncset.done @p1 $0x0  }
0x79: {  	s21 =	simm.s32 @p1 $0x200;
	[sflag:s0] =	ssyncadd.s32 @p1 $0xFFFFC000;
	s0 =	simm.s32 @p1 $0x80  }
0x7a: {  	[spmem:s2] =	stream.indirect.scatter.add.f32 @p1 [tilespmem:s3], [sflag:$0x5], $0x80, s21, s0, $0xb8;
	[tilespmem:$0x1C400] =	vst v63  }
0x7b: {  	_ =	swait.ge @p1 [sflag:s19], $0x4000  }
0x7c: {  	[sflag:s19] =	ssyncset.done @p1 $0x0  }
0x7d: {  	s0 =	simm.s32 @!p1 $0x4;
	[sflag:s19] =	ssyncadd.s32 @p1 $0xFFFFC000  }
0x7e: {  	_ =	swait.ge @!p1 [sflag:s0], $0x100  }
0x7f: {  	[sflag:s0] =	ssyncset.done @!p1 $0x0  }
0x80: {  	[sflag:s0] =	ssyncadd.s32 @!p1 $0xFFFFFF00  }
0x81: {  	_ =	swait.ge @!p1 [sflag:s0], $0x100  }
0x82: {  	[sflag:s0] =	ssyncset.done @!p1 $0x0  }
0x83: {  	[sflag:s0] =	ssyncadd.s32 @!p1 $0xFFFFFF00;
	s0 =	simm.s32 @!p1 $0x1  }
0x84: {  	_ =	swait.ge @!p1 [sflag:s0], $0x4000  }
0x85: {  	s3 =	simm.s32 @!p1 $0x400;
	s21 =	simm.s32 @!p1 $0x200;
	[sflag:s0] =	ssyncset.done @!p1 $0x0  }
0x86: {  	s19 =	simm.s32 @!p1 $0x5;
	[sflag:s0] =	ssyncadd.s32 @!p1 $0xFFFFC000;
	s0 =	simm.s32 @!p1 $0x80  }
0x87: {  	[spmem:s2] =	stream.indirect.scatter.add.f32 @!p1 [tilespmem:s3], [sflag:$0x5], $0x80, s21, s0, $0xb8;
	[tilespmem:$0x1C400] =	vst v63  }
0x88: {  	_ =	swait.ge @!p1 [sflag:s19], $0x4000  }
0x89: {  	[sflag:s19] =	ssyncset.done @!p1 $0x0  }
0x8a: {  	[sflag:s19] =	ssyncadd.s32 @!p1 $0xFFFFC000;
	s19 =	simm.s32 @!p1 $0x100  }
0x8b: {  	[tilespmem:s3], [sflag:$0x1] =	stream.indirect.gather @!p1 [hbm4b:s5+s0], $0x80, s19, s0, $0xb8;
	[tilespmem:$0x1C400] =	vst v63  }
0x8c: {  	s31 =	smov.u32 s29;
	s29 =	sadd.s32 $0x2, s29;
	_ =	swait.ge [sflag:s25], $0x4000  }
0x8d: {  	s30 =	smov.u32 s28;
	p0 =	sge.u32 s29, s9;
	[sflag:s25] =	ssyncset.done $0x0  }
0x8e: {  	s23 =	simm.s32 @p0 $0x400;
	s19 =	rddreg [dreg:$0x5];
	[sflag:s25] =	ssyncadd.s32 $0xFFFFC000  }
0x8f: {  	[spmem:s2] =	stream.indirect.scatter.add.f32 [tilespmem:s22], [sflag:$0x5], $0x80, s19, s20, $0xb8;
	[tilespmem:$0x1C400] =	vst v63  }
0x90: {  	s24 =	sadd.s32 @!p0 s30, s14;
	s7 =	simm.s32 @p0 $0x300;
	_ =	swait.ge [sflag:s18], $0x4000  }
0x91: {  	s24 =	sadd.s32 @!p0 $0x200, s24;
	s21 =	simm.s32 @p0 $0x1;
	[sflag:s18] =	ssyncset.done $0x0  }
0x92: {  	s3 =	simm.s32 @!p1 $0x4400;
	s19 =	simm.s32 @!p1 $0x180;
	[sflag:s18] =	ssyncadd.s32 $0xFFFFC000  }
0x93: {  	[tilespmem:s3], [sflag:$0x2] =	stream.indirect.gather @!p1 [hbm4b:s5+s0], $0x80, s19, s0, $0xb8;
	[tilespmem:$0x1C400] =	vst v63  }
0x94: {  	s10 =	sxor.u32 @!p0 $0xFFFFFFFF, s30;
	s0 =	sand.u32 @!p0 $0x7FFFFC00, s24;
	_ =	swait.ge @p0 [sflag:s21], $0x4000  }
0x95: {  	s3 =	sand.u32 @!p0 $0x200, s10;
	s10 =	simm.s32 @p0 $0x80;
	[sflag:s21] =	ssyncset.done @p0 $0x0  }
0x96: {  	s0 =	sor.u32 @!p0 s3, s0;
	s3 =	simm.s32 @p0 $0x5;
	[sflag:s21] =	ssyncadd.s32 @p0 $0xFFFFC000  }
0x97: {  	[spmem:s2] =	stream.indirect.scatter.add.f32 @p0 [tilespmem:s23], [sflag:$0x5], $0x80, s7, s10, $0xb8;
	[tilespmem:$0x1C400] =	vst v63  }
0x98: {  	_ =	swait.ge @p0 [sflag:s3], $0x4000  }
0x99: {  	s0 =	sshrl.u32 @!p0 s0, $0x3;
	[sflag:s3] =	ssyncset.done @p0 $0x0  }
0x9a: {  	s7 =	sadd.s32 @!p0 s1, s0;
	s10 =	simm.s32 @!p0 $0x0;
	[sflag:s3] =	ssyncadd.s32 @p0 $0xFFFFC000  }
0x9b: {  	[tilespmem:s10], [sflag:$0x3] =	stream.linear.gather @!p0 [hbm4b:s7+s10], $0x100, $0x38;
	[tilespmem:$0x1C400] =	vst v63  }
0x9c: {  	s0 =	sadd.s32 @!p0 s6, s0;
	s3 =	simm.s32 @!p0 $0x200;
	s7 =	simm.s32 @!p0 $0x3  }
0x9d: {  	[tilespmem:s3], [sflag:$0x3] =	stream.linear.gather @!p0 [hbm4b:s0+s10], $0x100, $0x38;
	[tilespmem:$0x1C400] =	vst v63  }
0x9e: {  	_ =	swait.ge @!p0 [sflag:s7], $0x100  }
0x9f: {  	[sflag:s7] =	ssyncset.done @!p0 $0x0  }
0xa0: {  	[sflag:s7] =	ssyncadd.s32 @!p0 $0xFFFFFF00  }
0xa1: {  	_ =	swait.ge @!p0 [sflag:s7], $0x100  }
0xa2: {  	[sflag:s7] =	ssyncset.done @!p0 $0x0  }
0xa3: {  	s0 =	simm.s32 @!p0 $0x1;
	[sflag:s7] =	ssyncadd.s32 @!p0 $0xFFFFFF00  }
0xa4: {  	_ =	swait.ge @!p0 [sflag:s0], $0x4000  }
0xa5: {  	s19 =	simm.s32 @!p0 $0x300;
	s3 =	simm.s32 @!p0 $0x400;
	[sflag:s0] =	ssyncset.done @!p0 $0x0  }
0xa6: {  	s7 =	simm.s32 @!p0 $0x80;
	[sflag:s0] =	ssyncadd.s32 @!p0 $0xFFFFC000;
	s0 =	simm.s32 @!p0 $0x5  }
0xa7: {  	[spmem:s2] =	stream.indirect.scatter.add.f32 @!p0 [tilespmem:s3], [sflag:$0x5], $0x80, s19, s7, $0xb8;
	[tilespmem:$0x1C400] =	vst v63  }
0xa8: {  	_ =	swait.ge @!p0 [sflag:s0], $0x4000  }
0xa9: {  	[sflag:s0] =	ssyncset.done @!p0 $0x0  }
0xaa: {  	[sflag:s0] =	ssyncadd.s32 @!p0 $0xFFFFC000  }
0xab: {  	[tilespmem:s3], [sflag:$0x1] =	stream.indirect.gather @!p0 [hbm4b:s5+s7], $0x80, s10, s7, $0xb8;
	[tilespmem:$0x1C400] =	vst v63  }
0xac: {  	_ =	swait.ge [sflag:s25], $0x4000  }
0xad: {  	[sflag:s25] =	ssyncset.done $0x0  }
0xae: {  	s21 =	rddreg [dreg:$0x6];
	[sflag:s25] =	ssyncadd.s32 $0xFFFFC000  }
0xaf: {  	[spmem:s2] =	stream.indirect.scatter.add.f32 [tilespmem:s22], [sflag:$0x5], $0x80, s21, s20, $0xb8;
	[tilespmem:$0x1C400] =	vst v63  }
0xb0: {  	_ =	swait.ge [sflag:s18], $0x4000  }
0xb1: {  	s28 =	sadd.s32 $0x200, s28;
	s23 =	sadd.s32 $0x3, s31;
	[sflag:s18] =	ssyncset.done $0x0  }
0xb2: {  	s10 =	simm.s32 @!p0 $0x4400;
	s24 =	rddreg [dreg:$0x7];
	[sflag:s18] =	ssyncadd.s32 $0xFFFFC000  }
0xb3: {  	[tilespmem:s10], [sflag:$0x2] =	stream.indirect.gather @!p0 [hbm4b:s5+s7], $0x80, s7, s7, $0xb8;
	[tilespmem:$0x1C400] =	vst v63  }
0xb4: {  	p1 =	sge.u32 s23, s9;
	p0 =	sne.s32 s24, s28  }
.Ltmp1:
0xb5: {  	s19 =	sadd.s32 @!p1 $0x300, s30;
	(pc) =	sbr.rel @p0 .LBB2_2-.Ltmp1, $4  }
0xb6: {  	s3 =	sadd.s32 @!p1 s14, s19  }
0xb7: {  	s19 =	sand.u32 @!p1 $0x300, s19;
	s3 =	sand.u32 @!p1 $0x7FFFFC00, s3  }
0xb8: {  	s30 =	simm.s32 @!p1 $0x100;
	s3 =	sor.u32 @!p1 s19, s3  }
0xb9: {  	s0 =	simm.s32 @!p1 $0x300;
	s31 =	sshrl.u32 @!p1 s3, $0x3;
	s3 =	simm.s32 @!p1 $0x0  }
.LBB2_3:
0xba: {  	s7 =	sadd.s32 @!p1 s1, s31;
	s26 =	sadd.s32 $0x1, s26  }
0xbb: {  	[tilespmem:s30], [sflag:$0x4] =	stream.linear.gather @!p1 [hbm4b:s7+s3], $0x100, $0x38;
	[tilespmem:$0x1C400] =	vst v63  }
0xbc: {  	s7 =	sadd.s32 @!p1 s6, s31;
	p0 =	sne.s32 s26, s16  }
0xbd: {  	[tilespmem:s0], [sflag:$0x4] =	stream.linear.gather @!p1 [hbm4b:s7+s3], $0x100, $0x38;
	[tilespmem:$0x1C400] =	vst v63  }
.Ltmp2:
0xbe: {  	[bflag:$0x0] =	sbarrier.arrive $0xFFFF;
	(pc) =	sbr.rel @p0 .LBB2_1-.Ltmp2, $4  }
0xbf: {  	[hbm:s15], [sflag:s8] =	dma.local [spmem:s17], $0x2800  }
0xc0: {  	_ =	swait.ge [sflag:s18], $0x2800  }
0xc1: {  	[sflag:s18] =	ssyncset.done $0x0  }
0xc2: {  	[sflag:s18] =	ssyncadd.s32 $0xFFFFD800  }
0xc3: {  	_ =	sfence.sel $0x180000  }
0xc4: {  	[bflag:$0x0] =	sbarrier.arrive $0xFFFF  }
0xc5: {  	_ =	strace $0x9000004D  }
0xc6: {  	s0 =	stileid.u32;
	[bflag:$0x2] =	sbarrier.arrive $0xFFFF  }
0xc7: {  	p0 =	sne.s32 s0, $0x0;
	s0 =	rddreg [dreg:$0x3]  }
0xc8: {  	s0 =	sadd.s32 @!p0 $0x100000, s0  }
0xc9: {  	[sflag:s0] =	ssyncadd.tile.s32 @!p0 $0x1;
	_ =	shalt  }
.Lfunc_end2:
_tile_overlayer_lowered:
.L_overlay_start_2:
0xca: {  	(tag) =	ssettag $0x2  }
0xcb: {  	s0 =	rddreg [dreg:$0x0];
	s2 =	stileid.u32  }
0xcc: {  	s1 =	rddreg [dreg:$0x1];
	p0 =	sne.s32 s2, $0x0  }
0xcd: {  	s3 =	rddreg [dreg:$0x2];
	[bflag:$0x3] =	sbarrier.arrive $0xFFFF;
	s2 =	simm.s32 @!p0 $0x1C05  }
0xce: {  	[timem:s3], [sflag:s2] =	dma.local @!p0 [hbm:s0], s1  }
0xcf: {  	s0 =	simm.s32 @!p0 $0x5  }
0xd0: {  	_ =	swait.ge @!p0 [sflag:s0], s1  }
0xd1: {  	s1 =	ssub.s32 @!p0 $0x0, s1;
	[sflag:s0] =	ssyncset.done @!p0 $0x0  }
0xd2: {  	[sflag:s0] =	ssyncadd.s32 @!p0 s1  }
0xd3: {  	[bflag:$0x3] =	sbarrier.arrive $0xFFFF  }
0xd4: {  	_ =	shalt  }

// kernel: kernel.8.cloned.1.call-start
scs
__scs_entry_jumppad:
0x0: {  	(pc) =	sbr.rel $0x88, $3  }
0x1: {  	(tag) =	ssettag $0x0;
	lr =	simm.s32 $0x1  }
0x2: {  	[smem:$0x3F99] =	sst lr;
	_ =	strace $0xD0000000  }
0x3: {  	_ = 	snop  }
0x4: {  	_ = 	snop  }
0x5: {  	_ = 	snop  }
0x6: {  	_ = 	snop  }
0x7: {  	_ = 	snop  }
__scs_overlays_trampoline_lowered:
0x8: {  	[smem:$0x3FA8] =	sst s0  }
0x9: {  	[smem:$0x3FA9] =	sst s1  }
0xa: {  	[smem:$0x3FAA] =	sst s2  }
0xb: {  	[smem:$0x3FAB] =	sst s3  }
0xc: {  	[smem:$0x3FAC] =	sst s4  }
0xd: {  	[smem:$0x3FAD] =	sst s5  }
0xe: {  	[smem:$0x3FAE] =	sst s6  }
0xf: {  	[smem:$0x3FAF] =	sst s7  }
0x10: {  	[smem:$0x3FB0] =	sst s8  }
0x11: {  	[smem:$0x3FB1] =	sst s9;
	s0 =	simm.s32 @!p0 $0x0  }
0x12: {  	s1 =	sld [smem:$0x3F97];
	s0 =	simm.s32 @p0 $0x1  }
0x13: {  	[smem:$0x3FB2] =	sst s0;
	s0 =	simm.s32 @!p1 $0x0  }
0x14: {  	s2 =	sld [smem:$0x3F96];
	s0 =	simm.s32 @p1 $0x1  }
0x15: {  	[smem:$0x3FB3] =	sst s0;
	s0 =	simm.s32 @!p2 $0x0  }
0x16: {  	s3 =	sld [smem:$0x3FDB];
	s0 =	simm.s32 @p2 $0x1  }
0x17: {  	s4 =	simm.s32 $0x1BF5;
	[smem:$0x3FB5] =	sst s0  }
0x18: {  	s0 =	sld [smem:$0x3F98];
	_ =	swait.ge [sflag:s4], $0x0  }
0x19: {  	s7 =	sld [smem:$0x3F99]  }
0x1a: {  	s8 =	sadd.s32 $0xFFFFE003, lr  }
0x1b: {  	s9 =	sadd.s32 $0xFFFFFEF7, lr;
	s5 =	simm.s32 $0xFFFFFFFF;
	p2 =	slt.u32 s8, $0xFFFFF086  }
0x1c: {  	p1 =	slt.u32 s9, $0xF7A;
	s5 =	simm.s32 @!p2 $0x0  }
0x1d: {  	s5 =	simm.s32 @p1 $0x1;
	p0 =	seq.s32 s7, s2  }
0x1e: {  	s7 =	smul.u32 @!p0 $0xF7A, s2;
	p2 =	seq.s32 @!p0 s5, $0x0  }
0x1f: {  	s9 =	smul.u32 $0xF7A, s1;
	s8 =	simm.s32 @!p0 $0x1BF5;
	p2 =	por !p2, p0  }
0x20: {  	[sflag:s8] =	ssyncset.s32 @!p0 $0xFFFFF086;
	s6 =	sadd.s32 @!p0 s3, s7;
	s7 =	simm.s32 @!p0 $0x108  }
0x21: {  	s3 =	sadd.s32 s3, s9;
	s6 =	sadd.s32 @!p0 $0x88, s6;
	s7 =	simm.s32 @p2 $0x1082  }
0x22: {  	[simem:s7], [sflag:s8] =	dma.local @!p0 [hbm:s6], $0xF7A  }
0x23: {  	s9 =	sor.u32 $0xD0000000, s2;
	s6 =	simm.s32 $0x108;
	_ =	swait.ge @!p0 [sflag:s8], $0x0  }
0x24: {  	s3 =	sadd.s32 $0x88, s3;
	s6 =	simm.s32 @!p1 $0x1082;
	[sflag:s4] =	ssyncset.s32 $0xFFFFF086  }
0x25: {  	[simem:s6], [sflag:s4] =	dma.local [hbm:s3], $0xF7A  }
0x26: {  	[smem:$0x3F99] =	sst s1;
	(tag) =	ssettag s2;
	_ =	strace s9  }
0x27: {  	s1 =	sld [smem:$0x3FA9]  }
0x28: {  	s2 =	sld [smem:$0x3FAA]  }
0x29: {  	s4 =	sld [smem:$0x3FAC]  }
0x2a: {  	p0 =	seq.s32 s5, $0x0;
	s5 =	sld [smem:$0x3FAD]  }
0x2b: {  	s6 =	sld [smem:$0x3FAE]  }
0x2c: {  	s7 =	sld [smem:$0x3FAF]  }
0x2d: {  	s3 =	simm.s32 $0x108;
	s8 =	sld [smem:$0x3FB0]  }
0x2e: {  	s3 =	simm.s32 @!p0 $0x1082;
	s9 =	sld [smem:$0x3FB1]  }
0x2f: {  	lr =	sadd.s32 s0, s3;
	s0 =	sld [smem:$0x3FA8]  }
0x30: {  	s3 =	sld [smem:$0x3FAB]  }
0x31: {  	[smem:$0x3FB4] =	sst s10  }
0x32: {  	s10 =	sld [smem:$0x3FB2];
	_ =	sdelay $0x3  }
0x33: {  	p0 =	seq.s32 s10, $0x1;
	s10 =	sld [smem:$0x3FB4];
	_ =	sdelay $0x3  }
0x34: {  	[smem:$0x3FB4] =	sst s10  }
0x35: {  	s10 =	sld [smem:$0x3FB3];
	_ =	sdelay $0x3  }
0x36: {  	p1 =	seq.s32 s10, $0x1;
	s10 =	sld [smem:$0x3FB4];
	_ =	sdelay $0x3  }
0x37: {  	[smem:$0x3FB4] =	sst s10  }
0x38: {  	s10 =	sld [smem:$0x3FB5]  }
0x39: {  	_ = 	snop;
	(pc) =	sbr.ind lr, $3  }
0x3a: {  	_ = 	snop  }
0x3b: {  	_ = 	snop  }
0x3c: {  	p2 =	seq.s32 s10, $0x1;
	s10 =	sld [smem:$0x3FB4]  }
0x3d: {  	_ =	shalt  }
0x3e: {  	_ =	shalt  }
0x3f: {  	_ =	shalt  }
0x40: {  	_ =	shalt  }
0x41: {  	_ =	shalt  }
0x42: {  	_ =	shalt  }
0x43: {  	_ =	shalt  }
0x44: {  	_ =	shalt  }
0x45: {  	_ =	shalt  }
0x46: {  	_ =	shalt  }
0x47: {  	_ =	shalt  }
0x48: {  	_ =	shalt  }
0x49: {  	_ =	shalt  }
0x4a: {  	_ =	shalt  }
0x4b: {  	_ =	shalt  }
0x4c: {  	_ =	shalt  }
0x4d: {  	_ =	shalt  }
0x4e: {  	_ =	shalt  }
0x4f: {  	_ =	shalt  }
0x50: {  	_ =	shalt  }
0x51: {  	_ =	shalt  }
0x52: {  	_ =	shalt  }
0x53: {  	_ =	shalt  }
0x54: {  	_ =	shalt  }
0x55: {  	_ =	shalt  }
0x56: {  	_ =	shalt  }
0x57: {  	_ =	shalt  }
0x58: {  	_ =	shalt  }
0x59: {  	_ =	shalt  }
0x5a: {  	_ =	shalt  }
0x5b: {  	_ =	shalt  }
0x5c: {  	_ =	shalt  }
0x5d: {  	_ =	shalt  }
0x5e: {  	_ =	shalt  }
0x5f: {  	_ =	shalt  }
0x60: {  	_ =	shalt  }
0x61: {  	_ =	shalt  }
0x62: {  	_ =	shalt  }
0x63: {  	_ =	shalt  }
0x64: {  	_ =	shalt  }
0x65: {  	_ =	shalt  }
0x66: {  	_ =	shalt  }
0x67: {  	_ =	shalt  }
0x68: {  	_ =	shalt  }
0x69: {  	_ =	shalt  }
0x6a: {  	_ =	shalt  }
0x6b: {  	_ =	shalt  }
0x6c: {  	_ =	shalt  }
0x6d: {  	_ =	shalt  }
0x6e: {  	_ =	shalt  }
0x6f: {  	_ =	shalt  }
0x70: {  	_ =	shalt  }
0x71: {  	_ =	shalt  }
0x72: {  	_ =	shalt  }
0x73: {  	_ =	shalt  }
0x74: {  	_ =	shalt  }
0x75: {  	_ =	shalt  }
0x76: {  	_ =	shalt  }
0x77: {  	_ =	shalt  }
0x78: {  	_ =	shalt  }
0x79: {  	_ =	shalt  }
0x7a: {  	_ =	shalt  }
0x7b: {  	_ =	shalt  }
0x7c: {  	_ =	shalt  }
0x7d: {  	_ =	shalt  }
0x7e: {  	_ =	shalt  }
0x7f: {  	_ =	shalt  }
0x80: {  	_ =	shalt  }
0x81: {  	_ =	shalt  }
0x82: {  	_ =	shalt  }
0x83: {  	_ =	shalt  }
0x84: {  	_ =	shalt  }
0x85: {  	_ =	shalt  }
0x86: {  	_ =	shalt  }
0x87: {  	_ =	shalt  }
.Lfunc_end0:
.L_simem_size_0:
called_computation_lowered:
.L_overlay_start_0:
0x88: {  	s2 =	sld [smem:$0x3FD9]  }
0x89: {  	s3 =	sld [smem:$0x3FFE];
	_ =	sdelay $0x1  }
0x8a: {  	s1 =	srdreg.scid  }
0x8b: {  	s0 =	sand.u32 $0x1, s1  }
0x8c: {  	s16 =	sshll.u32 s0, $0xA;
	s2 =	sadd.s32 s3, s2  }
0x8d: {  	s2 =	sadd.s32 s2, s16  }
0x8e: {  	[smem:$0x3FC0] =	sst s2  }
0x8f: {  	_ = 	snop  }
0x90: {  	(tm) =	ssettm $0x1  }
0x91: {  	s17 =	sld [smem:$0x3FFB];
	_ =	sdelay $0x3  }
0x92: {  	_ =	strace s17  }
0x93: {  	s2 =	sld [smem:$0x3FFC];
	_ =	sdelay $0x3  }
0x94: {  	_ =	strace s2  }
0x95: {  	s2 =	sld [smem:$0x3FFD];
	_ =	sdelay $0x3  }
0x96: {  	_ =	strace s2  }
0x97: {  	_ =	strace $0x8FFFFFFF  }
0x98: {  	s18 =	sld [smem:$0x3FDB];
	_ =	sdelay $0x1  }
0x99: {  	s19 =	simm.s32 $_scs_section_size  }
0x9a: {  	s4 =	simm.s32 $_size__tile_overlayer_lowered;
	s5 =	simm.s32 $_tile_overlayer_lowered  }
0x9b: {  	s22 =	simm.s32 $0x1BFF;
	s21 =	sshll.u32 s5, $0x1;
	s2 =	sadd.s32 s19, s18  }
0x9c: {  	s6 =	simm.s32 $0x0;
	s20 =	sshll.u32 s4, $0x1;
	s4 =	sadd.s32 s21, s2  }
0x9d: {  	[timem:s6], [sflag:s22] =	dma.local [hbm:s4], s20  }
0x9e: {  	_ =	swait.ge [sflag:s22], s20  }
0x9f: {  	s3 =	ssub.s32 $0x0, s20;
	[sflag:s22] =	ssyncset.done $0x0  }
0xa0: {  	[sflag:s22] =	ssyncadd.s32 s3;
	_ =	sdelay $0x1  }
0xa1: {  	s23 =	simm.s32 $0x1B8B  }
0xa2: {  	_ =	swait.ge [sflag:s23], $0x1  }
0xa3: {  	[sflag:s23] =	ssyncset.done $0x0  }
0xa4: {  	s25 =	simm.s32 $0x1B8E;
	s24 =	sld [smem:$0x3FFE];
	[sflag:s23] =	ssyncadd.s32 $0xFFFFFFFF  }
0xa5: {  	s26 =	simm.s32 $execute0_lowered;
	[smem:$0x3FD2] =	sst s25  }
0xa6: {  	s4 =	sshll.u32 s26, $0x1;
	_ =	strace $0x80000046;
	[dreg:$0x1] =	wrdreg $0xFFFFFFFF  }
0xa7: {  	s28 =	simm.s32 $_size_execute0_lowered;
	s2 =	sadd.s32 s2, s4;
	[dreg:$0x0] =	wrdreg $0x0  }
0xa8: {  	s4 =	sshll.u32 s28, $0x1;
	[dreg:$0x2] =	wrdreg s2  }
0xa9: {  	[dreg:$0x3] =	wrdreg s4  }
0xaa: {  	[dreg:$0x4] =	wrdreg $0xC0  }
0xab: {  	_ =	task [dreg:s6], $0x5FFFF  }
0xac: {  	[dreg:$0x1] =	wrdreg $0xFFFFFFFF  }
0xad: {  	[dreg:$0x0] =	wrdreg $0x60  }
0xae: {  	[dreg:$0x2] =	wrdreg s24  }
0xaf: {  	[dreg:$0x3] =	wrdreg $0x68000  }
0xb0: {  	[dreg:$0x4] =	wrdreg $0x9  }
0xb1: {  	_ =	task.clear_ibuf [dreg:s6], $0x5FFFF;
	_ =	strace $0x90000046  }
0xb2: {  	s29 =	simm.s32 $0x9;
	_ =	strace $0x80000048  }
0xb3: {  	_ =	swait.ge [sflag:s29], $0x1  }
0xb4: {  	[sflag:s29] =	ssyncadd.s32 $0xFFFFFFFF  }
0xb5: {  	_ =	strace $0x90000048  }
0xb6: {  	_ =	sfence  }
0xb7: {  	s30 =	sld [smem:$0x0];
	_ =	sdelay $0x2  }
0xb8: {  	s31 =	sshll.u32 s1, $0xD;
	s1 =	sshrl.u32 s1, $0x2  }
0xb9: {  	s3 =	sand.u32 $0x4000, s31;
	s1 =	sadd.s32 s1, s30  }
0xba: {  	s0 =	sor.u32 s3, s0;
	s1 =	sshll.u32 s1, $0x11  }
0xbb: {  	s0 =	sor.u32 s1, s0  }
0xbc: {  	s0 =	sadd.s32 $0x8F2B, s0  }
0xbd: {  	[sflag:s0] =	ssyncadd.remote.s32 $0x1  }
0xbe: {  	_ =	sfence.sel $0xFFFF  }
0xbf: {  	[dreg:$0x0] =	wrdreg $0xFFFFFFFF;
	(pc) =	sbr.abs _section_cstart, $3  }
0xc0: {  	[dreg:$0x1] =	wrdreg $0xFFFFFFFF  }
0xc1: {  	_ =	task.clear_ibuf [dreg:s6], $0x2FFFF;
	_ =	strace $0x9FFFFFFF  }
0xc2: {  	(tm) =	ssettm $0x7FFFFFFF  }
0xc3: {  	_ =	shalt  }
tec
execute0_lowered:
.L_overlay_start_1:
0x0: {  	(tag) =	ssettag $0x1  }
0x1: {  	s1 =	srdreg.scid  }
0x2: {  	s0 =	stileid.u32;
	s7 =	rddreg [dreg:$0x0]  }
0x3: {  	s2 =	rddreg [dreg:$0x1];
	s3 =	simm.s32 $0x0;
	s13 =	simm.s32 $0x80  }
0x4: {  	s14 =	simm.s32 $0x0;
	s6 =	sand.u32 $0x1, s1;
	s8 =	smul.u32 $0x14000, s0  }
0x5: {  	s30 =	sshll.u32 s0, $0x1;
	[smem:$0x7FF] =	sst s3;
	s10 =	smul.u32 $0x50000, s0  }
0x6: {  	s11 =	sshll.u32 s0, $0x6;
	s1 =	sor.u32 s6, s30;
	s5 =	smul.u32 $0x140000, s6  }
0x7: {  	s6 =	ssub.s32 $0x2, s6;
	s11 =	sor.u32 $0x1C01, s11;
	s4 =	smul.u32 $0x500, s1  }
0x8: {  	s1 =	rddreg [dreg:$0x2];
	_ =	strace $0x80000047;
	s31 =	sshrl.u32 s6, $0x1  }
0x9: {  	s10 =	sshrl.u32 s10, $0x2;
	s8 =	sadd.s32 s8, s5;
	s5 =	sadd.s32 $0xD200, s7  }
0xa: {  	s12 =	sadd.s32 s10, s2;
	s10 =	simm.s32 $0x1;
	s9 =	sadd.s32 s4, s7  }
0xb: {  	s4 =	sadd.s32 $0xCA00, s7;
	s8 =	sshrl.u32 s8, $0x3;
	s12 =	sshrl.u32 s12, $0x3  }
0xc: {  	s7 =	sadd.s32 s8, s7;
	s8 =	ssub.s32 s6, s31;
	s6 =	sadd.s32 $0x2A00, s9  }
0xd: {  	s9 =	simm.s32 $0x2800;
	s7 =	sadd.s32 $0xFA00, s7;
	s8 =	smax.u32 s8, $0x1  }
.LBB2_1:
0xe: {  	[tilespmem:s9], [sflag:$0x1] =	stream.linear.gather [hbm4b:s4+s3], $0x4000, $0x38;
	[tilespmem:$0x1A800] =	vst v63  }
0xf: {  	_ =	swait.ge [sflag:s10], $0x4000  }
0x10: {  	[sflag:s10] =	ssyncset.done $0x0  }
0x11: {  	[sflag:s10] =	ssyncadd.s32 $0xFFFFC000  }
0x12: {  	[spmem:s12], [sflag:s11] =	dma.local [hbm:s5], $0x2800  }
0x13: {  	_ =	swait.ge [sflag:s10], $0x2800  }
0x14: {  	[sflag:s10] =	ssyncset.done $0x0  }
0x15: {  	[sflag:s10] =	ssyncadd.s32 $0xFFFFD800  }
0x16: {  	[tilespmem:s3], [sflag:$0x1] =	stream.linear.gather [hbm4b:s6+s3], $0x2800, $0x38;
	[tilespmem:$0x1A800] =	vst v63  }
0x17: {  	_ =	swait.ge [sflag:s10], $0x2800  }
0x18: {  	[sflag:s10] =	ssyncset.done $0x0  }
0x19: {  	[sflag:s10] =	ssyncadd.s32 $0xFFFFD800  }
0x1a: {  	s15 =	simm.s32 $0x0;
	[bflag:$0x0] =	sbarrier.arrive $0xFFFF  }
0x1b: {  	[spmem:s2] =	stream.indirect.scatter.add.f32 [tilespmem:s9], [sflag:$0x1], $0x80, s15, s13, $0xb8;
	[tilespmem:$0x1A800] =	vst v63  }
0x1c: {  	_ =	swait.ge [sflag:s10], $0x4000  }
0x1d: {  	s15 =	simm.s32 $0x200;
	[sflag:s10] =	ssyncset.done $0x0  }
.LBB2_2:
0x1e: {  	s16 =	sshra.s32 s15, $0x2;
	[sflag:s10] =	ssyncadd.s32 $0xFFFFC000;
	p0 =	sne.s32 s15, $0x9E00  }
0x1f: {  	[spmem:s2] =	stream.indirect.scatter.add.f32 [tilespmem:s9], [sflag:$0x1], $0x80, s16, s13, $0xb8;
	[tilespmem:$0x1A800] =	vst v63  }
.Ltmp0:
0x20: {  	_ = 	snop;
	(pc) =	sbr.rel @p0 .LBB2_2-.Ltmp0, $4  }
0x21: {  	_ = 	snop  }
0x22: {  	s15 =	sadd.s32 $0x200, s15  }
0x23: {  	_ =	swait.ge [sflag:s10], $0x4000  }
0x24: {  	[sflag:s10] =	ssyncset.done $0x0  }
0x25: {  	s14 =	sadd.s32 $0x1, s14  }
0x26: {  	[sflag:s10] =	ssyncadd.s32 $0xFFFFC000;
	p0 =	sne.s32 s14, s8  }
.Ltmp1:
0x27: {  	[bflag:$0x0] =	sbarrier.arrive $0xFFFF;
	(pc) =	sbr.rel @p0 .LBB2_1-.Ltmp1, $4  }
0x28: {  	[hbm:s7], [sflag:s11] =	dma.local [spmem:s12], $0x2800  }
0x29: {  	_ =	swait.ge [sflag:s10], $0x2800  }
0x2a: {  	[sflag:s10] =	ssyncset.done $0x0  }
0x2b: {  	[sflag:s10] =	ssyncadd.s32 $0xFFFFD800  }
0x2c: {  	_ =	sfence.sel $0x180000  }
0x2d: {  	[bflag:$0x0] =	sbarrier.arrive $0xFFFF  }
0x2e: {  	p0 =	sne.s32 s0, $0x0;
	_ =	strace $0x90000047  }
0x2f: {  	s0 =	sadd.s32 @!p0 $0x100000, s1;
	[bflag:$0x2] =	sbarrier.arrive $0xFFFF  }
0x30: {  	[sflag:s0] =	ssyncadd.tile.s32 @!p0 $0x1;
	_ =	shalt  }
.Lfunc_end2:
_tile_overlayer_lowered:
.L_overlay_start_2:
0x31: {  	(tag) =	ssettag $0x2  }
0x32: {  	s0 =	rddreg [dreg:$0x0];
	s2 =	stileid.u32  }
0x33: {  	s1 =	rddreg [dreg:$0x1];
	p0 =	sne.s32 s2, $0x0  }
0x34: {  	s3 =	rddreg [dreg:$0x2];
	[bflag:$0x3] =	sbarrier.arrive $0xFFFF;
	s2 =	simm.s32 @!p0 $0x1C01  }
0x35: {  	[timem:s3], [sflag:s2] =	dma.local @!p0 [hbm:s0], s1  }
0x36: {  	s0 =	simm.s32 @!p0 $0x1  }
0x37: {  	_ =	swait.ge @!p0 [sflag:s0], s1  }
0x38: {  	s1 =	ssub.s32 @!p0 $0x0, s1;
	[sflag:s0] =	ssyncset.done @!p0 $0x0  }
0x39: {  	[sflag:s0] =	ssyncadd.s32 @!p0 s1  }
0x3a: {  	[bflag:$0x3] =	sbarrier.arrive $0xFFFF  }
0x3b: {  	_ =	shalt  }

</sc_bundles>
